<compile_context>
chip_gen: v7x
topology: tpu7x:2x2x1
jax: 0.10.2.dev20260603
libtpu: 0.0.44.dev20260713+nightly
codegen_flags: <defaults>
</compile_context>

<pallas_src>
import dataclasses
import functools

import jax
import jax.numpy as jnp
from jax import lax
from jax.experimental import pallas as pl
from jax.experimental.pallas import tpu as pltpu
from jax.experimental.pallas import tpu_sc as plsc

N = 10000
E = 320000
D = 128

NC = 2
NS = 16
NW = NC * NS
EPW = E // NW
KA = 16
CA = EPW // KA
N_PAD = 10240
RSUB = N_PAD // NS
DEPTH = 5
HR = N_PAD // D

_MESH = plsc.VectorSubcoreMesh(core_axis_name="c", subcore_axis_name="s")

_CP = pltpu.CompilerParams()
if "needs_layout_passes" in pltpu.CompilerParams.__dataclass_fields__:
    _CP = dataclasses.replace(_CP, needs_layout_passes=False)



def _sc_degree(dst_r, zeros_hbm):

    @functools.partial(
        pl.kernel,
        out_type=jax.ShapeDtypeStruct((NC, NS, HR, D), jnp.float32),
        mesh=_MESH,
        compiler_params=_CP,
        scratch_types=[
            pltpu.VMEM((EPW,), jnp.int32),
            pltpu.VMEM((HR, D), jnp.float32),
        ],
    )
    def deg_kernel(dst_hbm, zeros_h, out_hbm, idx_v, hist_v):
        cid = lax.axis_index("c")
        sid = lax.axis_index("s")
        wid = sid * NC + cid

        pltpu.sync_copy(zeros_h.at[pl.ds(0, HR)], hist_v)
        pltpu.sync_copy(dst_hbm.at[wid], idx_v)

        @pl.loop(0, EPW // 16)
        def _(j):
            iv = idx_v[pl.ds(j * 16, 16)]
            counts, last = plsc.scan_count(iv)
            plsc.addupdate_scatter(
                hist_v,
                [lax.shift_right_logical(iv, 7), lax.bitwise_and(iv, 127)],
                counts.astype(jnp.float32),
                mask=last,
            )

        pltpu.sync_copy(hist_v, out_hbm.at[cid, sid])

    return deg_kernel(dst_r, zeros_hbm)


def _sc_aggregate(y, src_r, dst_r, zeros_hbm):

    @functools.partial(
        pl.kernel,
        out_type=jax.ShapeDtypeStruct((NC, N_PAD, D), jnp.float32),
        mesh=_MESH,
        scratch_types=[
            pltpu.VMEM((EPW,), jnp.int32),
            pltpu.VMEM((EPW,), jnp.int32),
        ] + [pltpu.VMEM((KA, D), jnp.float32)] * (2 * DEPTH)
          + [pltpu.VMEM_SHARED((N_PAD, D), jnp.float32)]
          + [pltpu.SemaphoreType.DMA] * (4 * DEPTH),
    )
    def agg_kernel(y_hbm, src_hbm, dst_hbm, zeros_h, out_hbm,
                   src_v, dst_v, *rest):
        bufA = rest[:DEPTH]
        bufB = rest[DEPTH:2 * DEPTH]
        acc = rest[2 * DEPTH]
        r = 2 * DEPTH + 1
        gsemA = rest[r:r + DEPTH]
        gsemB = rest[r + DEPTH:r + 2 * DEPTH]
        ssemA = rest[r + 2 * DEPTH:r + 3 * DEPTH]
        ssemB = rest[r + 3 * DEPTH:]
        cid = lax.axis_index("c")
        sid = lax.axis_index("s")
        wid = sid * NC + cid
        base = sid * RSUB

        pltpu.sync_copy(zeros_h, acc.at[pl.ds(base, RSUB)])
        pltpu.sync_copy(src_hbm.at[wid], src_v)
        pltpu.sync_copy(dst_hbm.at[wid], dst_v)
        plsc.subcore_barrier()

        def gather(b, k, bufs, sems):
            pltpu.async_copy(
                y_hbm.at[src_v[pl.ds((b * DEPTH + k) * KA, KA)]],
                bufs[k], sems[k])

        def scatter(b, k, bufs, sems):
            pltpu.async_copy(
                bufs[k], acc.at[dst_v[pl.ds((b * DEPTH + k) * KA, KA)]],
                sems[k], add=True)

        def wait_gather(k, bufs, sems):
            pltpu.make_async_copy(y_hbm.at[src_v[pl.ds(0, KA)]], bufs[k],
                                  sems[k]).wait()

        def wait_scatter(k, bufs, sems):
            pltpu.make_async_copy(bufs[k], acc.at[dst_v[pl.ds(0, KA)]],
                                  sems[k]).wait()

        NB = CA // DEPTH

        for k in range(DEPTH):
            gather(0, k, bufA, gsemA)
        for k in range(DEPTH):
            wait_gather(k, bufA, gsemA)
            scatter(0, k, bufA, ssemA)
        for k in range(DEPTH):
            gather(1, k, bufB, gsemB)
        for k in range(DEPTH):
            wait_gather(k, bufB, gsemB)
            scatter(1, k, bufB, ssemB)
        for k in range(DEPTH):
            wait_scatter(k, bufA, ssemA)
            gather(2, k, bufA, gsemA)

        @pl.loop(1, (NB - 1) // 2)
        def _(j):
            b0 = 2 * j
            for k in range(DEPTH):
                wait_gather(k, bufA, gsemA)
                scatter(b0, k, bufA, ssemA)
            for k in range(DEPTH):
                wait_scatter(k, bufB, ssemB)
                gather(b0 + 1, k, bufB, gsemB)
            for k in range(DEPTH):
                wait_gather(k, bufB, gsemB)
                scatter(b0 + 1, k, bufB, ssemB)
            for k in range(DEPTH):
                wait_scatter(k, bufA, ssemA)
                gather(b0 + 2, k, bufA, gsemA)

        for k in range(DEPTH):
            wait_gather(k, bufA, gsemA)
            scatter(NB - 1, k, bufA, ssemA)
        for k in range(DEPTH):
            wait_scatter(k, bufB, ssemB)
        for k in range(DEPTH):
            wait_scatter(k, bufA, ssemA)

        plsc.subcore_barrier()
        pltpu.sync_copy(acc.at[pl.ds(base, RSUB)],
                        out_hbm.at[cid, pl.ds(base, RSUB)])

    return agg_kernel(y, src_r, dst_r, zeros_hbm)



_BN = 1024
_GRID = (N_PAD // _BN,)


def _dot(a, b):
    return lax.dot_general(a, b, (((1,), (0,)), ((), ())),
                           precision=lax.Precision.HIGHEST,
                           preferred_element_type=jnp.float32)


def _tc_mm1(x, W1):
    def body(x_ref, w_ref, o_ref):
        o_ref[...] = _dot(x_ref[...], w_ref[...])

    return pl.pallas_call(
        body,
        grid=_GRID,
        in_specs=[pl.BlockSpec((_BN, D), lambda i: (i, 0)),
                  pl.BlockSpec((D, D), lambda i: (0, 0))],
        out_specs=pl.BlockSpec((_BN, D), lambda i: (i, 0)),
        out_shape=jax.ShapeDtypeStruct((N, D), jnp.float32),
    )(x, W1)


def _tc_prep(hists, xw1):
    def body(h_ref, xw_ref, n_ref, y_ref):
        deg = jnp.sum(h_ref[...], axis=(0, 1))
        norm = lax.rsqrt(jnp.maximum(deg, 1.0))
        ones = jnp.ones((1, D), jnp.float32)
        for a in range(8):
            n_ref[pl.ds(a * D, D), :] = lax.dot_general(
                norm[a:a + 1, :], ones, (((0,), (0,)), ((), ())),
                precision=lax.Precision.HIGHEST,
                preferred_element_type=jnp.float32)
        y_ref[...] = xw_ref[...] * n_ref[...]

    return pl.pallas_call(
        body,
        grid=(HR // 8,),
        in_specs=[pl.BlockSpec((NC, NS, 8, D), lambda r: (0, 0, r, 0)),
                  pl.BlockSpec((8 * D, D), lambda r: (r, 0))],
        out_specs=[pl.BlockSpec((8 * D, D), lambda r: (r, 0)),
                   pl.BlockSpec((8 * D, D), lambda r: (r, 0))],
        out_shape=[jax.ShapeDtypeStruct((N_PAD, D), jnp.float32),
                   jax.ShapeDtypeStruct((N, D), jnp.float32)],
    )(hists, xw1)


def _tc_mid(normb, sp, W2):
    def body(n_ref, p_ref, w_ref, o_ref):
        norm = n_ref[...]
        h = jnp.maximum((p_ref[0] + p_ref[1]) * norm, 0.0)
        o_ref[...] = _dot(h * norm, w_ref[...])

    return pl.pallas_call(
        body,
        grid=_GRID,
        in_specs=[pl.BlockSpec((_BN, D), lambda i: (i, 0)),
                  pl.BlockSpec((NC, _BN, D), lambda i: (0, i, 0)),
                  pl.BlockSpec((D, D), lambda i: (0, 0))],
        out_specs=pl.BlockSpec((_BN, D), lambda i: (i, 0)),
        out_shape=jax.ShapeDtypeStruct((N, D), jnp.float32),
    )(normb, sp, W2)


def _tc_final(normb, sp):
    def body(n_ref, p_ref, o_ref):
        o_ref[...] = (p_ref[0] + p_ref[1]) * n_ref[...]

    return pl.pallas_call(
        body,
        grid=_GRID,
        in_specs=[pl.BlockSpec((_BN, D), lambda i: (i, 0)),
                  pl.BlockSpec((NC, _BN, D), lambda i: (0, i, 0))],
        out_specs=pl.BlockSpec((_BN, D), lambda i: (i, 0)),
        out_shape=jax.ShapeDtypeStruct((N, D), jnp.float32),
    )(normb, sp)



def kernel(t, x, edge_index, W1, W2):
    src_r = edge_index[0].reshape(NW, EPW)
    dst_r = edge_index[1].reshape(NW, EPW)
    zerosD = jnp.zeros((RSUB, D), jnp.float32)

    hists = _sc_degree(dst_r, zerosD)
    xw1 = _tc_mm1(x, W1)
    normb, y1 = _tc_prep(hists, xw1)
    s1p = _sc_aggregate(y1, src_r, dst_r, zerosD)
    y2 = _tc_mid(normb, s1p, W2)
    s2p = _sc_aggregate(y2, src_r, dst_r, zerosD)
    return _tc_final(normb, s2p)

# --- scband reference (transcript-rebuilt; emitter-appended) ---
"""Pipeline reference for scband-gdefunc-49357764166058 (READ-ONLY COPY).

The authoritative reference and input builder live on the scoring server;
editing this copy changes nothing except your own understanding.
"""

import jax, jax.numpy as jnp
import numpy as np

N = 10000
E = 320000
D = 128


def setup_inputs(seed: int = 0) -> dict:
    key = jax.random.key(seed)
    k1, k2, k3, k4 = jax.random.split(key, 4)
    t = jnp.zeros((1,), dtype=jnp.float32)
    x = jax.random.normal(k1, (N, D), dtype=jnp.float32)
    edge_index = jax.random.randint(k2, (2, E), 0, N, dtype=jnp.int32)
    # Learned parameters of the inner GNN (two GCN layers)
    W1 = jax.random.normal(k3, (D, D), dtype=jnp.float32) * (1.0 / np.sqrt(D))
    W2 = jax.random.normal(k4, (D, D), dtype=jnp.float32) * (1.0 / np.sqrt(D))
    return {"t": t, "x": x, "edge_index": edge_index, "W1": W1, "W2": W2}


def _gcn_layer(x, src, dst, W):
    # symmetric-normalized GCN message passing: Ahat @ x @ W
    ones = jnp.ones((src.shape[0],), dtype=x.dtype)
    deg = jnp.zeros((N,), dtype=x.dtype).at[dst].add(ones)
    deg = jnp.maximum(deg, 1.0)
    norm = jax.lax.rsqrt(deg)
    coef = (norm[src] * norm[dst])[:, None]
    msg = jnp.take(x, src, axis=0) * coef          # gather (memory-bound)
    agg = jnp.zeros_like(x).at[dst].add(msg)       # scatter-add (memory-bound)
    return agg @ W


def reference(t, x, edge_index, W1, W2):
    # GDEFunc.forward(t, x): t is unused by the wrapped GNN; nfe counter is a
    # Python-side statistic with no effect on the math.
    src = edge_index[0]
    dst = edge_index[1]
    h = jax.nn.relu(_gcn_layer(x, src, dst, W1))
    out = _gcn_layer(h, src, dst, W2)
    return out

if __name__ == "__main__":
    import jax
    _d = setup_inputs()
    print(jax.jit(kernel)(*tuple(_d.values())))

</pallas_src>

<mosaic_0001>
#map = affine_map<(d0, d1) -> (0, 0)>
#map1 = affine_map<(d0, d1) -> (0, 0, 0)>
module attributes {stable_mosaic.version = 14 : i64} {
  func.func @agg_kernel(%arg0: i32, %arg1: i32, %arg2: memref<10000x128xf32, #tpu.memory_space<hbm>>, %arg3: memref<32x10000xi32, #tpu.memory_space<hbm>>, %arg4: memref<32x10000xi32, #tpu.memory_space<hbm>>, %arg5: memref<640x128xf32, #tpu.memory_space<hbm>>, %arg6: memref<2x10240x128xf32, #tpu.memory_space<hbm>>, %arg7: memref<10000xi32, #tpu.memory_space<vmem>>, %arg8: memref<10000xi32, #tpu.memory_space<vmem>>, %arg9: memref<16x128xf32, #tpu.memory_space<vmem>>, %arg10: memref<16x128xf32, #tpu.memory_space<vmem>>, %arg11: memref<16x128xf32, #tpu.memory_space<vmem>>, %arg12: memref<16x128xf32, #tpu.memory_space<vmem>>, %arg13: memref<16x128xf32, #tpu.memory_space<vmem>>, %arg14: memref<16x128xf32, #tpu.memory_space<vmem>>, %arg15: memref<16x128xf32, #tpu.memory_space<vmem>>, %arg16: memref<16x128xf32, #tpu.memory_space<vmem>>, %arg17: memref<16x128xf32, #tpu.memory_space<vmem>>, %arg18: memref<16x128xf32, #tpu.memory_space<vmem>>, %arg19: memref<10240x128xf32, #tpu.memory_space<vmem_shared>>, %arg20: memref<!tpu.dma_semaphore, #tpu.memory_space<semaphore_mem>>, %arg21: memref<!tpu.dma_semaphore, #tpu.memory_space<semaphore_mem>>, %arg22: memref<!tpu.dma_semaphore, #tpu.memory_space<semaphore_mem>>, %arg23: memref<!tpu.dma_semaphore, #tpu.memory_space<semaphore_mem>>, %arg24: memref<!tpu.dma_semaphore, #tpu.memory_space<semaphore_mem>>, %arg25: memref<!tpu.dma_semaphore, #tpu.memory_space<semaphore_mem>>, %arg26: memref<!tpu.dma_semaphore, #tpu.memory_space<semaphore_mem>>, %arg27: memref<!tpu.dma_semaphore, #tpu.memory_space<semaphore_mem>>, %arg28: memref<!tpu.dma_semaphore, #tpu.memory_space<semaphore_mem>>, %arg29: memref<!tpu.dma_semaphore, #tpu.memory_space<semaphore_mem>>, %arg30: memref<!tpu.dma_semaphore, #tpu.memory_space<semaphore_mem>>, %arg31: memref<!tpu.dma_semaphore, #tpu.memory_space<semaphore_mem>>, %arg32: memref<!tpu.dma_semaphore, #tpu.memory_space<semaphore_mem>>, %arg33: memref<!tpu.dma_semaphore, #tpu.memory_space<semaphore_mem>>, %arg34: memref<!tpu.dma_semaphore, #tpu.memory_space<semaphore_mem>>, %arg35: memref<!tpu.dma_semaphore, #tpu.memory_space<semaphore_mem>>, %arg36: memref<!tpu.dma_semaphore, #tpu.memory_space<semaphore_mem>>, %arg37: memref<!tpu.dma_semaphore, #tpu.memory_space<semaphore_mem>>, %arg38: memref<!tpu.dma_semaphore, #tpu.memory_space<semaphore_mem>>, %arg39: memref<!tpu.dma_semaphore, #tpu.memory_space<semaphore_mem>>) attributes {dimension_semantics = [#tpu.dimension_semantics<core_parallel>, #tpu.dimension_semantics<subcore_parallel>], iteration_bounds = array<i64: 2, 16>, scalar_prefetch = 0 : i64, scratch_operands = 33 : i64, tpu.core_type = #tpu.core_type<sc_vector_subcore>, window_params = [{transform_indices = #map}, {transform_indices = #map}, {transform_indices = #map}, {transform_indices = #map}, {transform_indices = #map1}]} {
    %mul3A = arith.constant 2 : i32
    %mul3A_0 = arith.muli %arg1, %mul3A : i32
    %add3A = arith.addi %mul3A_0, %arg0 : i32
    %mul3A_1 = arith.constant 640 : i32
    %mul3A_2 = arith.muli %arg1, %mul3A_1 : i32
    "tpu.region"() ({
      %run_scoped3A = tpu.sem_alloc : memref<!tpu.dma_semaphore, #tpu.memory_space<semaphore_mem>>
      %dma_start3A_365 = arith.constant 0 : i32
      %dma_start3A_366 = tpu.memref_slice %arg19[%mul3A_2, %dma_start3A_365] : memref<10240x128xf32, #tpu.memory_space<vmem_shared>> -> memref<640x128xf32, #tpu.memory_space<vmem_shared>>
      tpu.enqueue_dma source(%arg5 : memref<640x128xf32, #tpu.memory_space<hbm>>) target(%dma_start3A_366 : memref<640x128xf32, #tpu.memory_space<vmem_shared>>) target_semaphore(%run_scoped3A : memref<!tpu.dma_semaphore, #tpu.memory_space<semaphore_mem>>)
      %dma_wait3A_367 = arith.constant 0 : i32
      %dma_wait3A_368 = tpu.memref_slice %arg19[%mul3A_2, %dma_wait3A_367] : memref<10240x128xf32, #tpu.memory_space<vmem_shared>> -> memref<640x128xf32, #tpu.memory_space<vmem_shared>>
      tpu.wait_dma2 semaphore(%run_scoped3A : memref<!tpu.dma_semaphore, #tpu.memory_space<semaphore_mem>>) src(%arg5 : memref<640x128xf32, #tpu.memory_space<hbm>>) dst(%dma_wait3A_368 : memref<640x128xf32, #tpu.memory_space<vmem_shared>>)
      tpu.yield
    }) : () -> ()
    "tpu.region"() ({
      %run_scoped3A = tpu.sem_alloc : memref<!tpu.dma_semaphore, #tpu.memory_space<semaphore_mem>>
      %dma_start3A_365 = arith.constant 0 : i32
      %dma_start3A_366 = tpu.memref_slice %arg3[%add3A, %dma_start3A_365] : memref<32x10000xi32, #tpu.memory_space<hbm>> -> memref<1x10000xi32, #tpu.memory_space<hbm>>
      %dma_start3A_367 = tpu.memref_squeeze %dma_start3A_366 : memref<1x10000xi32, #tpu.memory_space<hbm>> -> memref<10000xi32, #tpu.memory_space<hbm>>
      %dma_start3A_368 = arith.constant 0 : i32
      %dma_start3A_369 = tpu.memref_slice %arg3[%add3A, %dma_start3A_368] : memref<32x10000xi32, #tpu.memory_space<hbm>> -> memref<1x10000xi32, #tpu.memory_space<hbm>>
      %dma_start3A_370 = tpu.memref_squeeze %dma_start3A_369 : memref<1x10000xi32, #tpu.memory_space<hbm>> -> memref<10000xi32, #tpu.memory_space<hbm>>
      tpu.enqueue_dma source(%dma_start3A_370 : memref<10000xi32, #tpu.memory_space<hbm>>) target(%arg7 : memref<10000xi32, #tpu.memory_space<vmem>>) target_semaphore(%run_scoped3A : memref<!tpu.dma_semaphore, #tpu.memory_space<semaphore_mem>>)
      %dma_wait3A_371 = arith.constant 0 : i32
      %dma_wait3A_372 = tpu.memref_slice %arg3[%add3A, %dma_wait3A_371] : memref<32x10000xi32, #tpu.memory_space<hbm>> -> memref<1x10000xi32, #tpu.memory_space<hbm>>
      %dma_wait3A_373 = tpu.memref_squeeze %dma_wait3A_372 : memref<1x10000xi32, #tpu.memory_space<hbm>> -> memref<10000xi32, #tpu.memory_space<hbm>>
      %dma_wait3A_374 = arith.constant 0 : i32
      %dma_wait3A_375 = tpu.memref_slice %arg3[%add3A, %dma_wait3A_374] : memref<32x10000xi32, #tpu.memory_space<hbm>> -> memref<1x10000xi32, #tpu.memory_space<hbm>>
      %dma_wait3A_376 = tpu.memref_squeeze %dma_wait3A_375 : memref<1x10000xi32, #tpu.memory_space<hbm>> -> memref<10000xi32, #tpu.memory_space<hbm>>
      tpu.wait_dma2 semaphore(%run_scoped3A : memref<!tpu.dma_semaphore, #tpu.memory_space<semaphore_mem>>) src(%dma_wait3A_376 : memref<10000xi32, #tpu.memory_space<hbm>>) dst(%arg7 : memref<10000xi32, #tpu.memory_space<vmem>>)
      tpu.yield
    }) : () -> ()
    "tpu.region"() ({
      %run_scoped3A = tpu.sem_alloc : memref<!tpu.dma_semaphore, #tpu.memory_space<semaphore_mem>>
      %dma_start3A_365 = arith.constant 0 : i32
      %dma_start3A_366 = tpu.memref_slice %arg4[%add3A, %dma_start3A_365] : memref<32x10000xi32, #tpu.memory_space<hbm>> -> memref<1x10000xi32, #tpu.memory_space<hbm>>
      %dma_start3A_367 = tpu.memref_squeeze %dma_start3A_366 : memref<1x10000xi32, #tpu.memory_space<hbm>> -> memref<10000xi32, #tpu.memory_space<hbm>>
      %dma_start3A_368 = arith.constant 0 : i32
      %dma_start3A_369 = tpu.memref_slice %arg4[%add3A, %dma_start3A_368] : memref<32x10000xi32, #tpu.memory_space<hbm>> -> memref<1x10000xi32, #tpu.memory_space<hbm>>
      %dma_start3A_370 = tpu.memref_squeeze %dma_start3A_369 : memref<1x10000xi32, #tpu.memory_space<hbm>> -> memref<10000xi32, #tpu.memory_space<hbm>>
      tpu.enqueue_dma source(%dma_start3A_370 : memref<10000xi32, #tpu.memory_space<hbm>>) target(%arg8 : memref<10000xi32, #tpu.memory_space<vmem>>) target_semaphore(%run_scoped3A : memref<!tpu.dma_semaphore, #tpu.memory_space<semaphore_mem>>)
      %dma_wait3A_371 = arith.constant 0 : i32
      %dma_wait3A_372 = tpu.memref_slice %arg4[%add3A, %dma_wait3A_371] : memref<32x10000xi32, #tpu.memory_space<hbm>> -> memref<1x10000xi32, #tpu.memory_space<hbm>>
      %dma_wait3A_373 = tpu.memref_squeeze %dma_wait3A_372 : memref<1x10000xi32, #tpu.memory_space<hbm>> -> memref<10000xi32, #tpu.memory_space<hbm>>
      %dma_wait3A_374 = arith.constant 0 : i32
      %dma_wait3A_375 = tpu.memref_slice %arg4[%add3A, %dma_wait3A_374] : memref<32x10000xi32, #tpu.memory_space<hbm>> -> memref<1x10000xi32, #tpu.memory_space<hbm>>
      %dma_wait3A_376 = tpu.memref_squeeze %dma_wait3A_375 : memref<1x10000xi32, #tpu.memory_space<hbm>> -> memref<10000xi32, #tpu.memory_space<hbm>>
      tpu.wait_dma2 semaphore(%run_scoped3A : memref<!tpu.dma_semaphore, #tpu.memory_space<semaphore_mem>>) src(%dma_wait3A_376 : memref<10000xi32, #tpu.memory_space<hbm>>) dst(%arg8 : memref<10000xi32, #tpu.memory_space<vmem>>)
      tpu.yield
    }) : () -> ()
    %barrier3A = arith.constant 0 : index
    tpu.barrier barrier_id(%barrier3A)
    %get3A = arith.constant 0 : index
    %get3A_3 = tpu.vector_load %arg7[%get3A] {strides = array<i32>} : memref<10000xi32, #tpu.memory_space<vmem>>, vector<16xi32>,
    %get3A_4 = vector.shape_cast %get3A_3 : vector<16xi32> to vector<16xi32>
    %dma_start3A = arith.constant 0 : i32
    %dma_start3A_5 = arith.constant 0 : i32
    %dma_start3A_6 = tpu.memref_slice %arg2[%dma_start3A, %dma_start3A_5] : memref<10000x128xf32, #tpu.memory_space<hbm>> -> memref<10000x128xf32, #tpu.memory_space<hbm>>
    tpu.enqueue_indirect_dma source(%dma_start3A_6 : memref<10000x128xf32, #tpu.memory_space<hbm>>) target(%arg9 : memref<16x128xf32, #tpu.memory_space<vmem>>) offsets(%get3A_4 : vector<16xi32>) semaphore(%arg20 : memref<!tpu.dma_semaphore, #tpu.memory_space<semaphore_mem>>)
    %get3A_7 = arith.constant 16 : index
    %get3A_8 = tpu.vector_load %arg7[%get3A_7] {strides = array<i32>} : memref<10000xi32, #tpu.memory_space<vmem>>, vector<16xi32>,
    %get3A_9 = vector.shape_cast %get3A_8 : vector<16xi32> to vector<16xi32>
    %dma_start3A_10 = arith.constant 0 : i32
    %dma_start3A_11 = arith.constant 0 : i32
    %dma_start3A_12 = tpu.memref_slice %arg2[%dma_start3A_10, %dma_start3A_11] : memref<10000x128xf32, #tpu.memory_space<hbm>> -> memref<10000x128xf32, #tpu.memory_space<hbm>>
    tpu.enqueue_indirect_dma source(%dma_start3A_12 : memref<10000x128xf32, #tpu.memory_space<hbm>>) target(%arg10 : memref<16x128xf32, #tpu.memory_space<vmem>>) offsets(%get3A_9 : vector<16xi32>) semaphore(%arg21 : memref<!tpu.dma_semaphore, #tpu.memory_space<semaphore_mem>>)
    %get3A_13 = arith.constant 32 : index
    %get3A_14 = tpu.vector_load %arg7[%get3A_13] {strides = array<i32>} : memref<10000xi32, #tpu.memory_space<vmem>>, vector<16xi32>,
    %get3A_15 = vector.shape_cast %get3A_14 : vector<16xi32> to vector<16xi32>
    %dma_start3A_16 = arith.constant 0 : i32
    %dma_start3A_17 = arith.constant 0 : i32
    %dma_start3A_18 = tpu.memref_slice %arg2[%dma_start3A_16, %dma_start3A_17] : memref<10000x128xf32, #tpu.memory_space<hbm>> -> memref<10000x128xf32, #tpu.memory_space<hbm>>
    tpu.enqueue_indirect_dma source(%dma_start3A_18 : memref<10000x128xf32, #tpu.memory_space<hbm>>) target(%arg11 : memref<16x128xf32, #tpu.memory_space<vmem>>) offsets(%get3A_15 : vector<16xi32>) semaphore(%arg22 : memref<!tpu.dma_semaphore, #tpu.memory_space<semaphore_mem>>)
    %get3A_19 = arith.constant 48 : index
    %get3A_20 = tpu.vector_load %arg7[%get3A_19] {strides = array<i32>} : memref<10000xi32, #tpu.memory_space<vmem>>, vector<16xi32>,
    %get3A_21 = vector.shape_cast %get3A_20 : vector<16xi32> to vector<16xi32>
    %dma_start3A_22 = arith.constant 0 : i32
    %dma_start3A_23 = arith.constant 0 : i32
    %dma_start3A_24 = tpu.memref_slice %arg2[%dma_start3A_22, %dma_start3A_23] : memref<10000x128xf32, #tpu.memory_space<hbm>> -> memref<10000x128xf32, #tpu.memory_space<hbm>>
    tpu.enqueue_indirect_dma source(%dma_start3A_24 : memref<10000x128xf32, #tpu.memory_space<hbm>>) target(%arg12 : memref<16x128xf32, #tpu.memory_space<vmem>>) offsets(%get3A_21 : vector<16xi32>) semaphore(%arg23 : memref<!tpu.dma_semaphore, #tpu.memory_space<semaphore_mem>>)
    %get3A_25 = arith.constant 64 : index
    %get3A_26 = tpu.vector_load %arg7[%get3A_25] {strides = array<i32>} : memref<10000xi32, #tpu.memory_space<vmem>>, vector<16xi32>,
    %get3A_27 = vector.shape_cast %get3A_26 : vector<16xi32> to vector<16xi32>
    %dma_start3A_28 = arith.constant 0 : i32
    %dma_start3A_29 = arith.constant 0 : i32
    %dma_start3A_30 = tpu.memref_slice %arg2[%dma_start3A_28, %dma_start3A_29] : memref<10000x128xf32, #tpu.memory_space<hbm>> -> memref<10000x128xf32, #tpu.memory_space<hbm>>
    tpu.enqueue_indirect_dma source(%dma_start3A_30 : memref<10000x128xf32, #tpu.memory_space<hbm>>) target(%arg13 : memref<16x128xf32, #tpu.memory_space<vmem>>) offsets(%get3A_27 : vector<16xi32>) semaphore(%arg24 : memref<!tpu.dma_semaphore, #tpu.memory_space<semaphore_mem>>)
    %get3A_31 = arith.constant 0 : index
    %get3A_32 = tpu.vector_load %arg7[%get3A_31] {strides = array<i32>} : memref<10000xi32, #tpu.memory_space<vmem>>, vector<16xi32>,
    %get3A_33 = vector.shape_cast %get3A_32 : vector<16xi32> to vector<16xi32>
    %dma_wait3A = arith.constant 0 : i32
    %dma_wait3A_34 = arith.constant 0 : i32
    %dma_wait3A_35 = tpu.memref_slice %arg2[%dma_wait3A, %dma_wait3A_34] : memref<10000x128xf32, #tpu.memory_space<hbm>> -> memref<10000x128xf32, #tpu.memory_space<hbm>>
    tpu.wait_indirect_dma semaphore(%arg20 : memref<!tpu.dma_semaphore, #tpu.memory_space<semaphore_mem>>) src(%dma_wait3A_35 : memref<10000x128xf32, #tpu.memory_space<hbm>>) dst(%arg9 : memref<16x128xf32, #tpu.memory_space<vmem>>)
    %get3A_36 = arith.constant 0 : index
    %get3A_37 = tpu.vector_load %arg8[%get3A_36] {strides = array<i32>} : memref<10000xi32, #tpu.memory_space<vmem>>, vector<16xi32>,
    %get3A_38 = vector.shape_cast %get3A_37 : vector<16xi32> to vector<16xi32>
    %dma_start3A_39 = arith.constant 0 : i32
    %dma_start3A_40 = arith.constant 0 : i32
    %dma_start3A_41 = tpu.memref_slice %arg19[%dma_start3A_39, %dma_start3A_40] : memref<10240x128xf32, #tpu.memory_space<vmem_shared>> -> memref<10240x128xf32, #tpu.memory_space<vmem_shared>>
    tpu.enqueue_indirect_dma source(%arg9 : memref<16x128xf32, #tpu.memory_space<vmem>>) target(%dma_start3A_41 : memref<10240x128xf32, #tpu.memory_space<vmem_shared>>) offsets(%get3A_38 : vector<16xi32>) semaphore(%arg30 : memref<!tpu.dma_semaphore, #tpu.memory_space<semaphore_mem>>) {add = true}
    %get3A_42 = arith.constant 0 : index
    %get3A_43 = tpu.vector_load %arg7[%get3A_42] {strides = array<i32>} : memref<10000xi32, #tpu.memory_space<vmem>>, vector<16xi32>,
    %get3A_44 = vector.shape_cast %get3A_43 : vector<16xi32> to vector<16xi32>
    %dma_wait3A_45 = arith.constant 0 : i32
    %dma_wait3A_46 = arith.constant 0 : i32
    %dma_wait3A_47 = tpu.memref_slice %arg2[%dma_wait3A_45, %dma_wait3A_46] : memref<10000x128xf32, #tpu.memory_space<hbm>> -> memref<10000x128xf32, #tpu.memory_space<hbm>>
    tpu.wait_indirect_dma semaphore(%arg21 : memref<!tpu.dma_semaphore, #tpu.memory_space<semaphore_mem>>) src(%dma_wait3A_47 : memref<10000x128xf32, #tpu.memory_space<hbm>>) dst(%arg10 : memref<16x128xf32, #tpu.memory_space<vmem>>)
    %get3A_48 = arith.constant 16 : index
    %get3A_49 = tpu.vector_load %arg8[%get3A_48] {strides = array<i32>} : memref<10000xi32, #tpu.memory_space<vmem>>, vector<16xi32>,
    %get3A_50 = vector.shape_cast %get3A_49 : vector<16xi32> to vector<16xi32>
    %dma_start3A_51 = arith.constant 0 : i32
    %dma_start3A_52 = arith.constant 0 : i32
    %dma_start3A_53 = tpu.memref_slice %arg19[%dma_start3A_51, %dma_start3A_52] : memref<10240x128xf32, #tpu.memory_space<vmem_shared>> -> memref<10240x128xf32, #tpu.memory_space<vmem_shared>>
    tpu.enqueue_indirect_dma source(%arg10 : memref<16x128xf32, #tpu.memory_space<vmem>>) target(%dma_start3A_53 : memref<10240x128xf32, #tpu.memory_space<vmem_shared>>) offsets(%get3A_50 : vector<16xi32>) semaphore(%arg31 : memref<!tpu.dma_semaphore, #tpu.memory_space<semaphore_mem>>) {add = true}
    %get3A_54 = arith.constant 0 : index
    %get3A_55 = tpu.vector_load %arg7[%get3A_54] {strides = array<i32>} : memref<10000xi32, #tpu.memory_space<vmem>>, vector<16xi32>,
    %get3A_56 = vector.shape_cast %get3A_55 : vector<16xi32> to vector<16xi32>
    %dma_wait3A_57 = arith.constant 0 : i32
    %dma_wait3A_58 = arith.constant 0 : i32
    %dma_wait3A_59 = tpu.memref_slice %arg2[%dma_wait3A_57, %dma_wait3A_58] : memref<10000x128xf32, #tpu.memory_space<hbm>> -> memref<10000x128xf32, #tpu.memory_space<hbm>>
    tpu.wait_indirect_dma semaphore(%arg22 : memref<!tpu.dma_semaphore, #tpu.memory_space<semaphore_mem>>) src(%dma_wait3A_59 : memref<10000x128xf32, #tpu.memory_space<hbm>>) dst(%arg11 : memref<16x128xf32, #tpu.memory_space<vmem>>)
    %get3A_60 = arith.constant 32 : index
    %get3A_61 = tpu.vector_load %arg8[%get3A_60] {strides = array<i32>} : memref<10000xi32, #tpu.memory_space<vmem>>, vector<16xi32>,
    %get3A_62 = vector.shape_cast %get3A_61 : vector<16xi32> to vector<16xi32>
    %dma_start3A_63 = arith.constant 0 : i32
    %dma_start3A_64 = arith.constant 0 : i32
    %dma_start3A_65 = tpu.memref_slice %arg19[%dma_start3A_63, %dma_start3A_64] : memref<10240x128xf32, #tpu.memory_space<vmem_shared>> -> memref<10240x128xf32, #tpu.memory_space<vmem_shared>>
    tpu.enqueue_indirect_dma source(%arg11 : memref<16x128xf32, #tpu.memory_space<vmem>>) target(%dma_start3A_65 : memref<10240x128xf32, #tpu.memory_space<vmem_shared>>) offsets(%get3A_62 : vector<16xi32>) semaphore(%arg32 : memref<!tpu.dma_semaphore, #tpu.memory_space<semaphore_mem>>) {add = true}
    %get3A_66 = arith.constant 0 : index
    %get3A_67 = tpu.vector_load %arg7[%get3A_66] {strides = array<i32>} : memref<10000xi32, #tpu.memory_space<vmem>>, vector<16xi32>,
    %get3A_68 = vector.shape_cast %get3A_67 : vector<16xi32> to vector<16xi32>
    %dma_wait3A_69 = arith.constant 0 : i32
    %dma_wait3A_70 = arith.constant 0 : i32
    %dma_wait3A_71 = tpu.memref_slice %arg2[%dma_wait3A_69, %dma_wait3A_70] : memref<10000x128xf32, #tpu.memory_space<hbm>> -> memref<10000x128xf32, #tpu.memory_space<hbm>>
    tpu.wait_indirect_dma semaphore(%arg23 : memref<!tpu.dma_semaphore, #tpu.memory_space<semaphore_mem>>) src(%dma_wait3A_71 : memref<10000x128xf32, #tpu.memory_space<hbm>>) dst(%arg12 : memref<16x128xf32, #tpu.memory_space<vmem>>)
    %get3A_72 = arith.constant 48 : index
    %get3A_73 = tpu.vector_load %arg8[%get3A_72] {strides = array<i32>} : memref<10000xi32, #tpu.memory_space<vmem>>, vector<16xi32>,
    %get3A_74 = vector.shape_cast %get3A_73 : vector<16xi32> to vector<16xi32>
    %dma_start3A_75 = arith.constant 0 : i32
    %dma_start3A_76 = arith.constant 0 : i32
    %dma_start3A_77 = tpu.memref_slice %arg19[%dma_start3A_75, %dma_start3A_76] : memref<10240x128xf32, #tpu.memory_space<vmem_shared>> -> memref<10240x128xf32, #tpu.memory_space<vmem_shared>>
    tpu.enqueue_indirect_dma source(%arg12 : memref<16x128xf32, #tpu.memory_space<vmem>>) target(%dma_start3A_77 : memref<10240x128xf32, #tpu.memory_space<vmem_shared>>) offsets(%get3A_74 : vector<16xi32>) semaphore(%arg33 : memref<!tpu.dma_semaphore, #tpu.memory_space<semaphore_mem>>) {add = true}
    %get3A_78 = arith.constant 0 : index
    %get3A_79 = tpu.vector_load %arg7[%get3A_78] {strides = array<i32>} : memref<10000xi32, #tpu.memory_space<vmem>>, vector<16xi32>,
    %get3A_80 = vector.shape_cast %get3A_79 : vector<16xi32> to vector<16xi32>
    %dma_wait3A_81 = arith.constant 0 : i32
    %dma_wait3A_82 = arith.constant 0 : i32
    %dma_wait3A_83 = tpu.memref_slice %arg2[%dma_wait3A_81, %dma_wait3A_82] : memref<10000x128xf32, #tpu.memory_space<hbm>> -> memref<10000x128xf32, #tpu.memory_space<hbm>>
    tpu.wait_indirect_dma semaphore(%arg24 : memref<!tpu.dma_semaphore, #tpu.memory_space<semaphore_mem>>) src(%dma_wait3A_83 : memref<10000x128xf32, #tpu.memory_space<hbm>>) dst(%arg13 : memref<16x128xf32, #tpu.memory_space<vmem>>)
    %get3A_84 = arith.constant 64 : index
    %get3A_85 = tpu.vector_load %arg8[%get3A_84] {strides = array<i32>} : memref<10000xi32, #tpu.memory_space<vmem>>, vector<16xi32>,
    %get3A_86 = vector.shape_cast %get3A_85 : vector<16xi32> to vector<16xi32>
    %dma_start3A_87 = arith.constant 0 : i32
    %dma_start3A_88 = arith.constant 0 : i32
    %dma_start3A_89 = tpu.memref_slice %arg19[%dma_start3A_87, %dma_start3A_88] : memref<10240x128xf32, #tpu.memory_space<vmem_shared>> -> memref<10240x128xf32, #tpu.memory_space<vmem_shared>>
    tpu.enqueue_indirect_dma source(%arg13 : memref<16x128xf32, #tpu.memory_space<vmem>>) target(%dma_start3A_89 : memref<10240x128xf32, #tpu.memory_space<vmem_shared>>) offsets(%get3A_86 : vector<16xi32>) semaphore(%arg34 : memref<!tpu.dma_semaphore, #tpu.memory_space<semaphore_mem>>) {add = true}
    %get3A_90 = arith.constant 80 : index
    %get3A_91 = tpu.vector_load %arg7[%get3A_90] {strides = array<i32>} : memref<10000xi32, #tpu.memory_space<vmem>>, vector<16xi32>,
    %get3A_92 = vector.shape_cast %get3A_91 : vector<16xi32> to vector<16xi32>
    %dma_start3A_93 = arith.constant 0 : i32
    %dma_start3A_94 = arith.constant 0 : i32
    %dma_start3A_95 = tpu.memref_slice %arg2[%dma_start3A_93, %dma_start3A_94] : memref<10000x128xf32, #tpu.memory_space<hbm>> -> memref<10000x128xf32, #tpu.memory_space<hbm>>
    tpu.enqueue_indirect_dma source(%dma_start3A_95 : memref<10000x128xf32, #tpu.memory_space<hbm>>) target(%arg14 : memref<16x128xf32, #tpu.memory_space<vmem>>) offsets(%get3A_92 : vector<16xi32>) semaphore(%arg25 : memref<!tpu.dma_semaphore, #tpu.memory_space<semaphore_mem>>)
    %get3A_96 = arith.constant 96 : index
    %get3A_97 = tpu.vector_load %arg7[%get3A_96] {strides = array<i32>} : memref<10000xi32, #tpu.memory_space<vmem>>, vector<16xi32>,
    %get3A_98 = vector.shape_cast %get3A_97 : vector<16xi32> to vector<16xi32>
    %dma_start3A_99 = arith.constant 0 : i32
    %dma_start3A_100 = arith.constant 0 : i32
    %dma_start3A_101 = tpu.memref_slice %arg2[%dma_start3A_99, %dma_start3A_100] : memref<10000x128xf32, #tpu.memory_space<hbm>> -> memref<10000x128xf32, #tpu.memory_space<hbm>>
    tpu.enqueue_indirect_dma source(%dma_start3A_101 : memref<10000x128xf32, #tpu.memory_space<hbm>>) target(%arg15 : memref<16x128xf32, #tpu.memory_space<vmem>>) offsets(%get3A_98 : vector<16xi32>) semaphore(%arg26 : memref<!tpu.dma_semaphore, #tpu.memory_space<semaphore_mem>>)
    %get3A_102 = arith.constant 112 : index
    %get3A_103 = tpu.vector_load %arg7[%get3A_102] {strides = array<i32>} : memref<10000xi32, #tpu.memory_space<vmem>>, vector<16xi32>,
    %get3A_104 = vector.shape_cast %get3A_103 : vector<16xi32> to vector<16xi32>
    %dma_start3A_105 = arith.constant 0 : i32
    %dma_start3A_106 = arith.constant 0 : i32
    %dma_start3A_107 = tpu.memref_slice %arg2[%dma_start3A_105, %dma_start3A_106] : memref<10000x128xf32, #tpu.memory_space<hbm>> -> memref<10000x128xf32, #tpu.memory_space<hbm>>
    tpu.enqueue_indirect_dma source(%dma_start3A_107 : memref<10000x128xf32, #tpu.memory_space<hbm>>) target(%arg16 : memref<16x128xf32, #tpu.memory_space<vmem>>) offsets(%get3A_104 : vector<16xi32>) semaphore(%arg27 : memref<!tpu.dma_semaphore, #tpu.memory_space<semaphore_mem>>)
    %get3A_108 = arith.constant 128 : index
    %get3A_109 = tpu.vector_load %arg7[%get3A_108] {strides = array<i32>} : memref<10000xi32, #tpu.memory_space<vmem>>, vector<16xi32>,
    %get3A_110 = vector.shape_cast %get3A_109 : vector<16xi32> to vector<16xi32>
    %dma_start3A_111 = arith.constant 0 : i32
    %dma_start3A_112 = arith.constant 0 : i32
    %dma_start3A_113 = tpu.memref_slice %arg2[%dma_start3A_111, %dma_start3A_112] : memref<10000x128xf32, #tpu.memory_space<hbm>> -> memref<10000x128xf32, #tpu.memory_space<hbm>>
    tpu.enqueue_indirect_dma source(%dma_start3A_113 : memref<10000x128xf32, #tpu.memory_space<hbm>>) target(%arg17 : memref<16x128xf32, #tpu.memory_space<vmem>>) offsets(%get3A_110 : vector<16xi32>) semaphore(%arg28 : memref<!tpu.dma_semaphore, #tpu.memory_space<semaphore_mem>>)
    %get3A_114 = arith.constant 144 : index
    %get3A_115 = tpu.vector_load %arg7[%get3A_114] {strides = array<i32>} : memref<10000xi32, #tpu.memory_space<vmem>>, vector<16xi32>,
    %get3A_116 = vector.shape_cast %get3A_115 : vector<16xi32> to vector<16xi32>
    %dma_start3A_117 = arith.constant 0 : i32
    %dma_start3A_118 = arith.constant 0 : i32
    %dma_start3A_119 = tpu.memref_slice %arg2[%dma_start3A_117, %dma_start3A_118] : memref<10000x128xf32, #tpu.memory_space<hbm>> -> memref<10000x128xf32, #tpu.memory_space<hbm>>
    tpu.enqueue_indirect_dma source(%dma_start3A_119 : memref<10000x128xf32, #tpu.memory_space<hbm>>) target(%arg18 : memref<16x128xf32, #tpu.memory_space<vmem>>) offsets(%get3A_116 : vector<16xi32>) semaphore(%arg29 : memref<!tpu.dma_semaphore, #tpu.memory_space<semaphore_mem>>)
    %get3A_120 = arith.constant 0 : index
    %get3A_121 = tpu.vector_load %arg7[%get3A_120] {strides = array<i32>} : memref<10000xi32, #tpu.memory_space<vmem>>, vector<16xi32>,
    %get3A_122 = vector.shape_cast %get3A_121 : vector<16xi32> to vector<16xi32>
    %dma_wait3A_123 = arith.constant 0 : i32
    %dma_wait3A_124 = arith.constant 0 : i32
    %dma_wait3A_125 = tpu.memref_slice %arg2[%dma_wait3A_123, %dma_wait3A_124] : memref<10000x128xf32, #tpu.memory_space<hbm>> -> memref<10000x128xf32, #tpu.memory_space<hbm>>
    tpu.wait_indirect_dma semaphore(%arg25 : memref<!tpu.dma_semaphore, #tpu.memory_space<semaphore_mem>>) src(%dma_wait3A_125 : memref<10000x128xf32, #tpu.memory_space<hbm>>) dst(%arg14 : memref<16x128xf32, #tpu.memory_space<vmem>>)
    %get3A_126 = arith.constant 80 : index
    %get3A_127 = tpu.vector_load %arg8[%get3A_126] {strides = array<i32>} : memref<10000xi32, #tpu.memory_space<vmem>>, vector<16xi32>,
    %get3A_128 = vector.shape_cast %get3A_127 : vector<16xi32> to vector<16xi32>
    %dma_start3A_129 = arith.constant 0 : i32
    %dma_start3A_130 = arith.constant 0 : i32
    %dma_start3A_131 = tpu.memref_slice %arg19[%dma_start3A_129, %dma_start3A_130] : memref<10240x128xf32, #tpu.memory_space<vmem_shared>> -> memref<10240x128xf32, #tpu.memory_space<vmem_shared>>
    tpu.enqueue_indirect_dma source(%arg14 : memref<16x128xf32, #tpu.memory_space<vmem>>) target(%dma_start3A_131 : memref<10240x128xf32, #tpu.memory_space<vmem_shared>>) offsets(%get3A_128 : vector<16xi32>) semaphore(%arg35 : memref<!tpu.dma_semaphore, #tpu.memory_space<semaphore_mem>>) {add = true}
    %get3A_132 = arith.constant 0 : index
    %get3A_133 = tpu.vector_load %arg7[%get3A_132] {strides = array<i32>} : memref<10000xi32, #tpu.memory_space<vmem>>, vector<16xi32>,
    %get3A_134 = vector.shape_cast %get3A_133 : vector<16xi32> to vector<16xi32>
    %dma_wait3A_135 = arith.constant 0 : i32
    %dma_wait3A_136 = arith.constant 0 : i32
    %dma_wait3A_137 = tpu.memref_slice %arg2[%dma_wait3A_135, %dma_wait3A_136] : memref<10000x128xf32, #tpu.memory_space<hbm>> -> memref<10000x128xf32, #tpu.memory_space<hbm>>
    tpu.wait_indirect_dma semaphore(%arg26 : memref<!tpu.dma_semaphore, #tpu.memory_space<semaphore_mem>>) src(%dma_wait3A_137 : memref<10000x128xf32, #tpu.memory_space<hbm>>) dst(%arg15 : memref<16x128xf32, #tpu.memory_space<vmem>>)
    %get3A_138 = arith.constant 96 : index
    %get3A_139 = tpu.vector_load %arg8[%get3A_138] {strides = array<i32>} : memref<10000xi32, #tpu.memory_space<vmem>>, vector<16xi32>,
    %get3A_140 = vector.shape_cast %get3A_139 : vector<16xi32> to vector<16xi32>
    %dma_start3A_141 = arith.constant 0 : i32
    %dma_start3A_142 = arith.constant 0 : i32
    %dma_start3A_143 = tpu.memref_slice %arg19[%dma_start3A_141, %dma_start3A_142] : memref<10240x128xf32, #tpu.memory_space<vmem_shared>> -> memref<10240x128xf32, #tpu.memory_space<vmem_shared>>
    tpu.enqueue_indirect_dma source(%arg15 : memref<16x128xf32, #tpu.memory_space<vmem>>) target(%dma_start3A_143 : memref<10240x128xf32, #tpu.memory_space<vmem_shared>>) offsets(%get3A_140 : vector<16xi32>) semaphore(%arg36 : memref<!tpu.dma_semaphore, #tpu.memory_space<semaphore_mem>>) {add = true}
    %get3A_144 = arith.constant 0 : index
    %get3A_145 = tpu.vector_load %arg7[%get3A_144] {strides = array<i32>} : memref<10000xi32, #tpu.memory_space<vmem>>, vector<16xi32>,
    %get3A_146 = vector.shape_cast %get3A_145 : vector<16xi32> to vector<16xi32>
    %dma_wait3A_147 = arith.constant 0 : i32
    %dma_wait3A_148 = arith.constant 0 : i32
    %dma_wait3A_149 = tpu.memref_slice %arg2[%dma_wait3A_147, %dma_wait3A_148] : memref<10000x128xf32, #tpu.memory_space<hbm>> -> memref<10000x128xf32, #tpu.memory_space<hbm>>
    tpu.wait_indirect_dma semaphore(%arg27 : memref<!tpu.dma_semaphore, #tpu.memory_space<semaphore_mem>>) src(%dma_wait3A_149 : memref<10000x128xf32, #tpu.memory_space<hbm>>) dst(%arg16 : memref<16x128xf32, #tpu.memory_space<vmem>>)
    %get3A_150 = arith.constant 112 : index
    %get3A_151 = tpu.vector_load %arg8[%get3A_150] {strides = array<i32>} : memref<10000xi32, #tpu.memory_space<vmem>>, vector<16xi32>,
    %get3A_152 = vector.shape_cast %get3A_151 : vector<16xi32> to vector<16xi32>
    %dma_start3A_153 = arith.constant 0 : i32
    %dma_start3A_154 = arith.constant 0 : i32
    %dma_start3A_155 = tpu.memref_slice %arg19[%dma_start3A_153, %dma_start3A_154] : memref<10240x128xf32, #tpu.memory_space<vmem_shared>> -> memref<10240x128xf32, #tpu.memory_space<vmem_shared>>
    tpu.enqueue_indirect_dma source(%arg16 : memref<16x128xf32, #tpu.memory_space<vmem>>) target(%dma_start3A_155 : memref<10240x128xf32, #tpu.memory_space<vmem_shared>>) offsets(%get3A_152 : vector<16xi32>) semaphore(%arg37 : memref<!tpu.dma_semaphore, #tpu.memory_space<semaphore_mem>>) {add = true}
    %get3A_156 = arith.constant 0 : index
    %get3A_157 = tpu.vector_load %arg7[%get3A_156] {strides = array<i32>} : memref<10000xi32, #tpu.memory_space<vmem>>, vector<16xi32>,
    %get3A_158 = vector.shape_cast %get3A_157 : vector<16xi32> to vector<16xi32>
    %dma_wait3A_159 = arith.constant 0 : i32
    %dma_wait3A_160 = arith.constant 0 : i32
    %dma_wait3A_161 = tpu.memref_slice %arg2[%dma_wait3A_159, %dma_wait3A_160] : memref<10000x128xf32, #tpu.memory_space<hbm>> -> memref<10000x128xf32, #tpu.memory_space<hbm>>
    tpu.wait_indirect_dma semaphore(%arg28 : memref<!tpu.dma_semaphore, #tpu.memory_space<semaphore_mem>>) src(%dma_wait3A_161 : memref<10000x128xf32, #tpu.memory_space<hbm>>) dst(%arg17 : memref<16x128xf32, #tpu.memory_space<vmem>>)
    %get3A_162 = arith.constant 128 : index
    %get3A_163 = tpu.vector_load %arg8[%get3A_162] {strides = array<i32>} : memref<10000xi32, #tpu.memory_space<vmem>>, vector<16xi32>,
    %get3A_164 = vector.shape_cast %get3A_163 : vector<16xi32> to vector<16xi32>
    %dma_start3A_165 = arith.constant 0 : i32
    %dma_start3A_166 = arith.constant 0 : i32
    %dma_start3A_167 = tpu.memref_slice %arg19[%dma_start3A_165, %dma_start3A_166] : memref<10240x128xf32, #tpu.memory_space<vmem_shared>> -> memref<10240x128xf32, #tpu.memory_space<vmem_shared>>
    tpu.enqueue_indirect_dma source(%arg17 : memref<16x128xf32, #tpu.memory_space<vmem>>) target(%dma_start3A_167 : memref<10240x128xf32, #tpu.memory_space<vmem_shared>>) offsets(%get3A_164 : vector<16xi32>) semaphore(%arg38 : memref<!tpu.dma_semaphore, #tpu.memory_space<semaphore_mem>>) {add = true}
    %get3A_168 = arith.constant 0 : index
    %get3A_169 = tpu.vector_load %arg7[%get3A_168] {strides = array<i32>} : memref<10000xi32, #tpu.memory_space<vmem>>, vector<16xi32>,
    %get3A_170 = vector.shape_cast %get3A_169 : vector<16xi32> to vector<16xi32>
    %dma_wait3A_171 = arith.constant 0 : i32
    %dma_wait3A_172 = arith.constant 0 : i32
    %dma_wait3A_173 = tpu.memref_slice %arg2[%dma_wait3A_171, %dma_wait3A_172] : memref<10000x128xf32, #tpu.memory_space<hbm>> -> memref<10000x128xf32, #tpu.memory_space<hbm>>
    tpu.wait_indirect_dma semaphore(%arg29 : memref<!tpu.dma_semaphore, #tpu.memory_space<semaphore_mem>>) src(%dma_wait3A_173 : memref<10000x128xf32, #tpu.memory_space<hbm>>) dst(%arg18 : memref<16x128xf32, #tpu.memory_space<vmem>>)
    %get3A_174 = arith.constant 144 : index
    %get3A_175 = tpu.vector_load %arg8[%get3A_174] {strides = array<i32>} : memref<10000xi32, #tpu.memory_space<vmem>>, vector<16xi32>,
    %get3A_176 = vector.shape_cast %get3A_175 : vector<16xi32> to vector<16xi32>
    %dma_start3A_177 = arith.constant 0 : i32
    %dma_start3A_178 = arith.constant 0 : i32
    %dma_start3A_179 = tpu.memref_slice %arg19[%dma_start3A_177, %dma_start3A_178] : memref<10240x128xf32, #tpu.memory_space<vmem_shared>> -> memref<10240x128xf32, #tpu.memory_space<vmem_shared>>
    tpu.enqueue_indirect_dma source(%arg18 : memref<16x128xf32, #tpu.memory_space<vmem>>) target(%dma_start3A_179 : memref<10240x128xf32, #tpu.memory_space<vmem_shared>>) offsets(%get3A_176 : vector<16xi32>) semaphore(%arg39 : memref<!tpu.dma_semaphore, #tpu.memory_space<semaphore_mem>>) {add = true}
    %get3A_180 = arith.constant 0 : index
    %get3A_181 = tpu.vector_load %arg8[%get3A_180] {strides = array<i32>} : memref<10000xi32, #tpu.memory_space<vmem>>, vector<16xi32>,
    %get3A_182 = vector.shape_cast %get3A_181 : vector<16xi32> to vector<16xi32>
    %dma_wait3A_183 = arith.constant 0 : i32
    %dma_wait3A_184 = arith.constant 0 : i32
    %dma_wait3A_185 = tpu.memref_slice %arg19[%dma_wait3A_183, %dma_wait3A_184] : memref<10240x128xf32, #tpu.memory_space<vmem_shared>> -> memref<10240x128xf32, #tpu.memory_space<vmem_shared>>
    tpu.wait_indirect_dma semaphore(%arg30 : memref<!tpu.dma_semaphore, #tpu.memory_space<semaphore_mem>>) src(%arg9 : memref<16x128xf32, #tpu.memory_space<vmem>>) dst(%dma_wait3A_185 : memref<10240x128xf32, #tpu.memory_space<vmem_shared>>)
    %get3A_186 = arith.constant 160 : index
    %get3A_187 = tpu.vector_load %arg7[%get3A_186] {strides = array<i32>} : memref<10000xi32, #tpu.memory_space<vmem>>, vector<16xi32>,
    %get3A_188 = vector.shape_cast %get3A_187 : vector<16xi32> to vector<16xi32>
    %dma_start3A_189 = arith.constant 0 : i32
    %dma_start3A_190 = arith.constant 0 : i32
    %dma_start3A_191 = tpu.memref_slice %arg2[%dma_start3A_189, %dma_start3A_190] : memref<10000x128xf32, #tpu.memory_space<hbm>> -> memref<10000x128xf32, #tpu.memory_space<hbm>>
    tpu.enqueue_indirect_dma source(%dma_start3A_191 : memref<10000x128xf32, #tpu.memory_space<hbm>>) target(%arg9 : memref<16x128xf32, #tpu.memory_space<vmem>>) offsets(%get3A_188 : vector<16xi32>) semaphore(%arg20 : memref<!tpu.dma_semaphore, #tpu.memory_space<semaphore_mem>>)
    %get3A_192 = arith.constant 0 : index
    %get3A_193 = tpu.vector_load %arg8[%get3A_192] {strides = array<i32>} : memref<10000xi32, #tpu.memory_space<vmem>>, vector<16xi32>,
    %get3A_194 = vector.shape_cast %get3A_193 : vector<16xi32> to vector<16xi32>
    %dma_wait3A_195 = arith.constant 0 : i32
    %dma_wait3A_196 = arith.constant 0 : i32
    %dma_wait3A_197 = tpu.memref_slice %arg19[%dma_wait3A_195, %dma_wait3A_196] : memref<10240x128xf32, #tpu.memory_space<vmem_shared>> -> memref<10240x128xf32, #tpu.memory_space<vmem_shared>>
    tpu.wait_indirect_dma semaphore(%arg31 : memref<!tpu.dma_semaphore, #tpu.memory_space<semaphore_mem>>) src(%arg10 : memref<16x128xf32, #tpu.memory_space<vmem>>) dst(%dma_wait3A_197 : memref<10240x128xf32, #tpu.memory_space<vmem_shared>>)
    %get3A_198 = arith.constant 176 : index
    %get3A_199 = tpu.vector_load %arg7[%get3A_198] {strides = array<i32>} : memref<10000xi32, #tpu.memory_space<vmem>>, vector<16xi32>,
    %get3A_200 = vector.shape_cast %get3A_199 : vector<16xi32> to vector<16xi32>
    %dma_start3A_201 = arith.constant 0 : i32
    %dma_start3A_202 = arith.constant 0 : i32
    %dma_start3A_203 = tpu.memref_slice %arg2[%dma_start3A_201, %dma_start3A_202] : memref<10000x128xf32, #tpu.memory_space<hbm>> -> memref<10000x128xf32, #tpu.memory_space<hbm>>
    tpu.enqueue_indirect_dma source(%dma_start3A_203 : memref<10000x128xf32, #tpu.memory_space<hbm>>) target(%arg10 : memref<16x128xf32, #tpu.memory_space<vmem>>) offsets(%get3A_200 : vector<16xi32>) semaphore(%arg21 : memref<!tpu.dma_semaphore, #tpu.memory_space<semaphore_mem>>)
    %get3A_204 = arith.constant 0 : index
    %get3A_205 = tpu.vector_load %arg8[%get3A_204] {strides = array<i32>} : memref<10000xi32, #tpu.memory_space<vmem>>, vector<16xi32>,
    %get3A_206 = vector.shape_cast %get3A_205 : vector<16xi32> to vector<16xi32>
    %dma_wait3A_207 = arith.constant 0 : i32
    %dma_wait3A_208 = arith.constant 0 : i32
    %dma_wait3A_209 = tpu.memref_slice %arg19[%dma_wait3A_207, %dma_wait3A_208] : memref<10240x128xf32, #tpu.memory_space<vmem_shared>> -> memref<10240x128xf32, #tpu.memory_space<vmem_shared>>
    tpu.wait_indirect_dma semaphore(%arg32 : memref<!tpu.dma_semaphore, #tpu.memory_space<semaphore_mem>>) src(%arg11 : memref<16x128xf32, #tpu.memory_space<vmem>>) dst(%dma_wait3A_209 : memref<10240x128xf32, #tpu.memory_space<vmem_shared>>)
    %get3A_210 = arith.constant 192 : index
    %get3A_211 = tpu.vector_load %arg7[%get3A_210] {strides = array<i32>} : memref<10000xi32, #tpu.memory_space<vmem>>, vector<16xi32>,
    %get3A_212 = vector.shape_cast %get3A_211 : vector<16xi32> to vector<16xi32>
    %dma_start3A_213 = arith.constant 0 : i32
    %dma_start3A_214 = arith.constant 0 : i32
    %dma_start3A_215 = tpu.memref_slice %arg2[%dma_start3A_213, %dma_start3A_214] : memref<10000x128xf32, #tpu.memory_space<hbm>> -> memref<10000x128xf32, #tpu.memory_space<hbm>>
    tpu.enqueue_indirect_dma source(%dma_start3A_215 : memref<10000x128xf32, #tpu.memory_space<hbm>>) target(%arg11 : memref<16x128xf32, #tpu.memory_space<vmem>>) offsets(%get3A_212 : vector<16xi32>) semaphore(%arg22 : memref<!tpu.dma_semaphore, #tpu.memory_space<semaphore_mem>>)
    %get3A_216 = arith.constant 0 : index
    %get3A_217 = tpu.vector_load %arg8[%get3A_216] {strides = array<i32>} : memref<10000xi32, #tpu.memory_space<vmem>>, vector<16xi32>,
    %get3A_218 = vector.shape_cast %get3A_217 : vector<16xi32> to vector<16xi32>
    %dma_wait3A_219 = arith.constant 0 : i32
    %dma_wait3A_220 = arith.constant 0 : i32
    %dma_wait3A_221 = tpu.memref_slice %arg19[%dma_wait3A_219, %dma_wait3A_220] : memref<10240x128xf32, #tpu.memory_space<vmem_shared>> -> memref<10240x128xf32, #tpu.memory_space<vmem_shared>>
    tpu.wait_indirect_dma semaphore(%arg33 : memref<!tpu.dma_semaphore, #tpu.memory_space<semaphore_mem>>) src(%arg12 : memref<16x128xf32, #tpu.memory_space<vmem>>) dst(%dma_wait3A_221 : memref<10240x128xf32, #tpu.memory_space<vmem_shared>>)
    %get3A_222 = arith.constant 208 : index
    %get3A_223 = tpu.vector_load %arg7[%get3A_222] {strides = array<i32>} : memref<10000xi32, #tpu.memory_space<vmem>>, vector<16xi32>,
    %get3A_224 = vector.shape_cast %get3A_223 : vector<16xi32> to vector<16xi32>
    %dma_start3A_225 = arith.constant 0 : i32
    %dma_start3A_226 = arith.constant 0 : i32
    %dma_start3A_227 = tpu.memref_slice %arg2[%dma_start3A_225, %dma_start3A_226] : memref<10000x128xf32, #tpu.memory_space<hbm>> -> memref<10000x128xf32, #tpu.memory_space<hbm>>
    tpu.enqueue_indirect_dma source(%dma_start3A_227 : memref<10000x128xf32, #tpu.memory_space<hbm>>) target(%arg12 : memref<16x128xf32, #tpu.memory_space<vmem>>) offsets(%get3A_224 : vector<16xi32>) semaphore(%arg23 : memref<!tpu.dma_semaphore, #tpu.memory_space<semaphore_mem>>)
    %get3A_228 = arith.constant 0 : index
    %get3A_229 = tpu.vector_load %arg8[%get3A_228] {strides = array<i32>} : memref<10000xi32, #tpu.memory_space<vmem>>, vector<16xi32>,
    %get3A_230 = vector.shape_cast %get3A_229 : vector<16xi32> to vector<16xi32>
    %dma_wait3A_231 = arith.constant 0 : i32
    %dma_wait3A_232 = arith.constant 0 : i32
    %dma_wait3A_233 = tpu.memref_slice %arg19[%dma_wait3A_231, %dma_wait3A_232] : memref<10240x128xf32, #tpu.memory_space<vmem_shared>> -> memref<10240x128xf32, #tpu.memory_space<vmem_shared>>
    tpu.wait_indirect_dma semaphore(%arg34 : memref<!tpu.dma_semaphore, #tpu.memory_space<semaphore_mem>>) src(%arg13 : memref<16x128xf32, #tpu.memory_space<vmem>>) dst(%dma_wait3A_233 : memref<10240x128xf32, #tpu.memory_space<vmem_shared>>)
    %get3A_234 = arith.constant 224 : index
    %get3A_235 = tpu.vector_load %arg7[%get3A_234] {strides = array<i32>} : memref<10000xi32, #tpu.memory_space<vmem>>, vector<16xi32>,
    %get3A_236 = vector.shape_cast %get3A_235 : vector<16xi32> to vector<16xi32>
    %dma_start3A_237 = arith.constant 0 : i32
    %dma_start3A_238 = arith.constant 0 : i32
    %dma_start3A_239 = tpu.memref_slice %arg2[%dma_start3A_237, %dma_start3A_238] : memref<10000x128xf32, #tpu.memory_space<hbm>> -> memref<10000x128xf32, #tpu.memory_space<hbm>>
    tpu.enqueue_indirect_dma source(%dma_start3A_239 : memref<10000x128xf32, #tpu.memory_space<hbm>>) target(%arg13 : memref<16x128xf32, #tpu.memory_space<vmem>>) offsets(%get3A_236 : vector<16xi32>) semaphore(%arg24 : memref<!tpu.dma_semaphore, #tpu.memory_space<semaphore_mem>>)
    %scan3A = arith.constant 0 : i32
    %scan3A_240 = arith.constant 61 : i32
    %scan3A_241 = arith.addi %scan3A, %scan3A_240 : i32
    %scan3A_242 = arith.constant 1 : i32
    scf.for %scan3A_365 = %scan3A to %scan3A_241 step %scan3A_242  : i32 {
      %mul3A_366 = arith.constant 1 : i32
      %mul3A_367 = arith.muli %scan3A_365, %mul3A_366 : i32
      %add3A_368 = arith.constant 1 : i32
      %add3A_369 = arith.addi %add3A_368, %mul3A_367 : i32
      %mul3A_370 = arith.constant 2 : i32
      %mul3A_371 = arith.muli %mul3A_370, %add3A_369 : i32
      %get3A_372 = arith.constant 0 : index
      %get3A_373 = tpu.vector_load %arg7[%get3A_372] {strides = array<i32>} : memref<10000xi32, #tpu.memory_space<vmem>>, vector<16xi32>,
      %get3A_374 = vector.shape_cast %get3A_373 : vector<16xi32> to vector<16xi32>
      %dma_wait3A_375 = arith.constant 0 : i32
      %dma_wait3A_376 = arith.constant 0 : i32
      %dma_wait3A_377 = tpu.memref_slice %arg2[%dma_wait3A_375, %dma_wait3A_376] : memref<10000x128xf32, #tpu.memory_space<hbm>> -> memref<10000x128xf32, #tpu.memory_space<hbm>>
      tpu.wait_indirect_dma semaphore(%arg20 : memref<!tpu.dma_semaphore, #tpu.memory_space<semaphore_mem>>) src(%dma_wait3A_377 : memref<10000x128xf32, #tpu.memory_space<hbm>>) dst(%arg9 : memref<16x128xf32, #tpu.memory_space<vmem>>)
      %mul3A_378 = arith.constant 5 : i32
      %mul3A_379 = arith.muli %mul3A_371, %mul3A_378 : i32
      %add3A_380 = arith.constant 0 : i32
      %add3A_381 = arith.addi %mul3A_379, %add3A_380 : i32
      %mul3A_382 = arith.constant 16 : i32
      %mul3A_383 = arith.muli %add3A_381, %mul3A_382 : i32
      %get3A_384 = arith.index_cast %mul3A_383 : i32 to index
      %get3A_385 = tpu.vector_load %arg8[%get3A_384] {strides = array<i32>} : memref<10000xi32, #tpu.memory_space<vmem>>, vector<16xi32>,
      %dma_start3A_386 = arith.constant 0 : i32
      %dma_start3A_387 = arith.constant 0 : i32
      %dma_start3A_388 = tpu.memref_slice %arg19[%dma_start3A_386, %dma_start3A_387] : memref<10240x128xf32, #tpu.memory_space<vmem_shared>> -> memref<10240x128xf32, #tpu.memory_space<vmem_shared>>
      tpu.enqueue_indirect_dma source(%arg9 : memref<16x128xf32, #tpu.memory_space<vmem>>) target(%dma_start3A_388 : memref<10240x128xf32, #tpu.memory_space<vmem_shared>>) offsets(%get3A_385 : vector<16xi32>) semaphore(%arg30 : memref<!tpu.dma_semaphore, #tpu.memory_space<semaphore_mem>>) {add = true}
      %get3A_389 = arith.constant 0 : index
      %get3A_390 = tpu.vector_load %arg7[%get3A_389] {strides = array<i32>} : memref<10000xi32, #tpu.memory_space<vmem>>, vector<16xi32>,
      %get3A_391 = vector.shape_cast %get3A_390 : vector<16xi32> to vector<16xi32>
      %dma_wait3A_392 = arith.constant 0 : i32
      %dma_wait3A_393 = arith.constant 0 : i32
      %dma_wait3A_394 = tpu.memref_slice %arg2[%dma_wait3A_392, %dma_wait3A_393] : memref<10000x128xf32, #tpu.memory_space<hbm>> -> memref<10000x128xf32, #tpu.memory_space<hbm>>
      tpu.wait_indirect_dma semaphore(%arg21 : memref<!tpu.dma_semaphore, #tpu.memory_space<semaphore_mem>>) src(%dma_wait3A_394 : memref<10000x128xf32, #tpu.memory_space<hbm>>) dst(%arg10 : memref<16x128xf32, #tpu.memory_space<vmem>>)
      %mul3A_395 = arith.constant 5 : i32
      %mul3A_396 = arith.muli %mul3A_371, %mul3A_395 : i32
      %add3A_397 = arith.constant 1 : i32
      %add3A_398 = arith.addi %mul3A_396, %add3A_397 : i32
      %mul3A_399 = arith.constant 16 : i32
      %mul3A_400 = arith.muli %add3A_398, %mul3A_399 : i32
      %get3A_401 = arith.index_cast %mul3A_400 : i32 to index
      %get3A_402 = tpu.vector_load %arg8[%get3A_401] {strides = array<i32>} : memref<10000xi32, #tpu.memory_space<vmem>>, vector<16xi32>,
      %dma_start3A_403 = arith.constant 0 : i32
      %dma_start3A_404 = arith.constant 0 : i32
      %dma_start3A_405 = tpu.memref_slice %arg19[%dma_start3A_403, %dma_start3A_404] : memref<10240x128xf32, #tpu.memory_space<vmem_shared>> -> memref<10240x128xf32, #tpu.memory_space<vmem_shared>>
      tpu.enqueue_indirect_dma source(%arg10 : memref<16x128xf32, #tpu.memory_space<vmem>>) target(%dma_start3A_405 : memref<10240x128xf32, #tpu.memory_space<vmem_shared>>) offsets(%get3A_402 : vector<16xi32>) semaphore(%arg31 : memref<!tpu.dma_semaphore, #tpu.memory_space<semaphore_mem>>) {add = true}
      %get3A_406 = arith.constant 0 : index
      %get3A_407 = tpu.vector_load %arg7[%get3A_406] {strides = array<i32>} : memref<10000xi32, #tpu.memory_space<vmem>>, vector<16xi32>,
      %get3A_408 = vector.shape_cast %get3A_407 : vector<16xi32> to vector<16xi32>
      %dma_wait3A_409 = arith.constant 0 : i32
      %dma_wait3A_410 = arith.constant 0 : i32
      %dma_wait3A_411 = tpu.memref_slice %arg2[%dma_wait3A_409, %dma_wait3A_410] : memref<10000x128xf32, #tpu.memory_space<hbm>> -> memref<10000x128xf32, #tpu.memory_space<hbm>>
      tpu.wait_indirect_dma semaphore(%arg22 : memref<!tpu.dma_semaphore, #tpu.memory_space<semaphore_mem>>) src(%dma_wait3A_411 : memref<10000x128xf32, #tpu.memory_space<hbm>>) dst(%arg11 : memref<16x128xf32, #tpu.memory_space<vmem>>)
      %mul3A_412 = arith.constant 5 : i32
      %mul3A_413 = arith.muli %mul3A_371, %mul3A_412 : i32
      %add3A_414 = arith.constant 2 : i32
      %add3A_415 = arith.addi %mul3A_413, %add3A_414 : i32
      %mul3A_416 = arith.constant 16 : i32
      %mul3A_417 = arith.muli %add3A_415, %mul3A_416 : i32
      %get3A_418 = arith.index_cast %mul3A_417 : i32 to index
      %get3A_419 = tpu.vector_load %arg8[%get3A_418] {strides = array<i32>} : memref<10000xi32, #tpu.memory_space<vmem>>, vector<16xi32>,
      %dma_start3A_420 = arith.constant 0 : i32
      %dma_start3A_421 = arith.constant 0 : i32
      %dma_start3A_422 = tpu.memref_slice %arg19[%dma_start3A_420, %dma_start3A_421] : memref<10240x128xf32, #tpu.memory_space<vmem_shared>> -> memref<10240x128xf32, #tpu.memory_space<vmem_shared>>
      tpu.enqueue_indirect_dma source(%arg11 : memref<16x128xf32, #tpu.memory_space<vmem>>) target(%dma_start3A_422 : memref<10240x128xf32, #tpu.memory_space<vmem_shared>>) offsets(%get3A_419 : vector<16xi32>) semaphore(%arg32 : memref<!tpu.dma_semaphore, #tpu.memory_space<semaphore_mem>>) {add = true}
      %get3A_423 = arith.constant 0 : index
      %get3A_424 = tpu.vector_load %arg7[%get3A_423] {strides = array<i32>} : memref<10000xi32, #tpu.memory_space<vmem>>, vector<16xi32>,
      %get3A_425 = vector.shape_cast %get3A_424 : vector<16xi32> to vector<16xi32>
      %dma_wait3A_426 = arith.constant 0 : i32
      %dma_wait3A_427 = arith.constant 0 : i32
      %dma_wait3A_428 = tpu.memref_slice %arg2[%dma_wait3A_426, %dma_wait3A_427] : memref<10000x128xf32, #tpu.memory_space<hbm>> -> memref<10000x128xf32, #tpu.memory_space<hbm>>
      tpu.wait_indirect_dma semaphore(%arg23 : memref<!tpu.dma_semaphore, #tpu.memory_space<semaphore_mem>>) src(%dma_wait3A_428 : memref<10000x128xf32, #tpu.memory_space<hbm>>) dst(%arg12 : memref<16x128xf32, #tpu.memory_space<vmem>>)
      %mul3A_429 = arith.constant 5 : i32
      %mul3A_430 = arith.muli %mul3A_371, %mul3A_429 : i32
      %add3A_431 = arith.constant 3 : i32
      %add3A_432 = arith.addi %mul3A_430, %add3A_431 : i32
      %mul3A_433 = arith.constant 16 : i32
      %mul3A_434 = arith.muli %add3A_432, %mul3A_433 : i32
      %get3A_435 = arith.index_cast %mul3A_434 : i32 to index
      %get3A_436 = tpu.vector_load %arg8[%get3A_435] {strides = array<i32>} : memref<10000xi32, #tpu.memory_space<vmem>>, vector<16xi32>,
      %dma_start3A_437 = arith.constant 0 : i32
      %dma_start3A_438 = arith.constant 0 : i32
      %dma_start3A_439 = tpu.memref_slice %arg19[%dma_start3A_437, %dma_start3A_438] : memref<10240x128xf32, #tpu.memory_space<vmem_shared>> -> memref<10240x128xf32, #tpu.memory_space<vmem_shared>>
      tpu.enqueue_indirect_dma source(%arg12 : memref<16x128xf32, #tpu.memory_space<vmem>>) target(%dma_start3A_439 : memref<10240x128xf32, #tpu.memory_space<vmem_shared>>) offsets(%get3A_436 : vector<16xi32>) semaphore(%arg33 : memref<!tpu.dma_semaphore, #tpu.memory_space<semaphore_mem>>) {add = true}
      %get3A_440 = arith.constant 0 : index
      %get3A_441 = tpu.vector_load %arg7[%get3A_440] {strides = array<i32>} : memref<10000xi32, #tpu.memory_space<vmem>>, vector<16xi32>,
      %get3A_442 = vector.shape_cast %get3A_441 : vector<16xi32> to vector<16xi32>
      %dma_wait3A_443 = arith.constant 0 : i32
      %dma_wait3A_444 = arith.constant 0 : i32
      %dma_wait3A_445 = tpu.memref_slice %arg2[%dma_wait3A_443, %dma_wait3A_444] : memref<10000x128xf32, #tpu.memory_space<hbm>> -> memref<10000x128xf32, #tpu.memory_space<hbm>>
      tpu.wait_indirect_dma semaphore(%arg24 : memref<!tpu.dma_semaphore, #tpu.memory_space<semaphore_mem>>) src(%dma_wait3A_445 : memref<10000x128xf32, #tpu.memory_space<hbm>>) dst(%arg13 : memref<16x128xf32, #tpu.memory_space<vmem>>)
      %mul3A_446 = arith.constant 5 : i32
      %mul3A_447 = arith.muli %mul3A_371, %mul3A_446 : i32
      %add3A_448 = arith.constant 4 : i32
      %add3A_449 = arith.addi %mul3A_447, %add3A_448 : i32
      %mul3A_450 = arith.constant 16 : i32
      %mul3A_451 = arith.muli %add3A_449, %mul3A_450 : i32
      %get3A_452 = arith.index_cast %mul3A_451 : i32 to index
      %get3A_453 = tpu.vector_load %arg8[%get3A_452] {strides = array<i32>} : memref<10000xi32, #tpu.memory_space<vmem>>, vector<16xi32>,
      %dma_start3A_454 = arith.constant 0 : i32
      %dma_start3A_455 = arith.constant 0 : i32
      %dma_start3A_456 = tpu.memref_slice %arg19[%dma_start3A_454, %dma_start3A_455] : memref<10240x128xf32, #tpu.memory_space<vmem_shared>> -> memref<10240x128xf32, #tpu.memory_space<vmem_shared>>
      tpu.enqueue_indirect_dma source(%arg13 : memref<16x128xf32, #tpu.memory_space<vmem>>) target(%dma_start3A_456 : memref<10240x128xf32, #tpu.memory_space<vmem_shared>>) offsets(%get3A_453 : vector<16xi32>) semaphore(%arg34 : memref<!tpu.dma_semaphore, #tpu.memory_space<semaphore_mem>>) {add = true}
      %get3A_457 = arith.constant 0 : index
      %get3A_458 = tpu.vector_load %arg8[%get3A_457] {strides = array<i32>} : memref<10000xi32, #tpu.memory_space<vmem>>, vector<16xi32>,
      %get3A_459 = vector.shape_cast %get3A_458 : vector<16xi32> to vector<16xi32>
      %dma_wait3A_460 = arith.constant 0 : i32
      %dma_wait3A_461 = arith.constant 0 : i32
      %dma_wait3A_462 = tpu.memref_slice %arg19[%dma_wait3A_460, %dma_wait3A_461] : memref<10240x128xf32, #tpu.memory_space<vmem_shared>> -> memref<10240x128xf32, #tpu.memory_space<vmem_shared>>
      tpu.wait_indirect_dma semaphore(%arg35 : memref<!tpu.dma_semaphore, #tpu.memory_space<semaphore_mem>>) src(%arg14 : memref<16x128xf32, #tpu.memory_space<vmem>>) dst(%dma_wait3A_462 : memref<10240x128xf32, #tpu.memory_space<vmem_shared>>)
      %add3A_463 = arith.constant 1 : i32
      %add3A_464 = arith.addi %mul3A_371, %add3A_463 : i32
      %mul3A_465 = arith.constant 5 : i32
      %mul3A_466 = arith.muli %add3A_464, %mul3A_465 : i32
      %add3A_467 = arith.constant 0 : i32
      %add3A_468 = arith.addi %mul3A_466, %add3A_467 : i32
      %mul3A_469 = arith.constant 16 : i32
      %mul3A_470 = arith.muli %add3A_468, %mul3A_469 : i32
      %get3A_471 = arith.index_cast %mul3A_470 : i32 to index
      %get3A_472 = tpu.vector_load %arg7[%get3A_471] {strides = array<i32>} : memref<10000xi32, #tpu.memory_space<vmem>>, vector<16xi32>,
      %dma_start3A_473 = arith.constant 0 : i32
      %dma_start3A_474 = arith.constant 0 : i32
      %dma_start3A_475 = tpu.memref_slice %arg2[%dma_start3A_473, %dma_start3A_474] : memref<10000x128xf32, #tpu.memory_space<hbm>> -> memref<10000x128xf32, #tpu.memory_space<hbm>>
      tpu.enqueue_indirect_dma source(%dma_start3A_475 : memref<10000x128xf32, #tpu.memory_space<hbm>>) target(%arg14 : memref<16x128xf32, #tpu.memory_space<vmem>>) offsets(%get3A_472 : vector<16xi32>) semaphore(%arg25 : memref<!tpu.dma_semaphore, #tpu.memory_space<semaphore_mem>>)
      %get3A_476 = arith.constant 0 : index
      %get3A_477 = tpu.vector_load %arg8[%get3A_476] {strides = array<i32>} : memref<10000xi32, #tpu.memory_space<vmem>>, vector<16xi32>,
      %get3A_478 = vector.shape_cast %get3A_477 : vector<16xi32> to vector<16xi32>
      %dma_wait3A_479 = arith.constant 0 : i32
      %dma_wait3A_480 = arith.constant 0 : i32
      %dma_wait3A_481 = tpu.memref_slice %arg19[%dma_wait3A_479, %dma_wait3A_480] : memref<10240x128xf32, #tpu.memory_space<vmem_shared>> -> memref<10240x128xf32, #tpu.memory_space<vmem_shared>>
      tpu.wait_indirect_dma semaphore(%arg36 : memref<!tpu.dma_semaphore, #tpu.memory_space<semaphore_mem>>) src(%arg15 : memref<16x128xf32, #tpu.memory_space<vmem>>) dst(%dma_wait3A_481 : memref<10240x128xf32, #tpu.memory_space<vmem_shared>>)
      %add3A_482 = arith.constant 1 : i32
      %add3A_483 = arith.addi %mul3A_371, %add3A_482 : i32
      %mul3A_484 = arith.constant 5 : i32
      %mul3A_485 = arith.muli %add3A_483, %mul3A_484 : i32
      %add3A_486 = arith.constant 1 : i32
      %add3A_487 = arith.addi %mul3A_485, %add3A_486 : i32
      %mul3A_488 = arith.constant 16 : i32
      %mul3A_489 = arith.muli %add3A_487, %mul3A_488 : i32
      %get3A_490 = arith.index_cast %mul3A_489 : i32 to index
      %get3A_491 = tpu.vector_load %arg7[%get3A_490] {strides = array<i32>} : memref<10000xi32, #tpu.memory_space<vmem>>, vector<16xi32>,
      %dma_start3A_492 = arith.constant 0 : i32
      %dma_start3A_493 = arith.constant 0 : i32
      %dma_start3A_494 = tpu.memref_slice %arg2[%dma_start3A_492, %dma_start3A_493] : memref<10000x128xf32, #tpu.memory_space<hbm>> -> memref<10000x128xf32, #tpu.memory_space<hbm>>
      tpu.enqueue_indirect_dma source(%dma_start3A_494 : memref<10000x128xf32, #tpu.memory_space<hbm>>) target(%arg15 : memref<16x128xf32, #tpu.memory_space<vmem>>) offsets(%get3A_491 : vector<16xi32>) semaphore(%arg26 : memref<!tpu.dma_semaphore, #tpu.memory_space<semaphore_mem>>)
      %get3A_495 = arith.constant 0 : index
      %get3A_496 = tpu.vector_load %arg8[%get3A_495] {strides = array<i32>} : memref<10000xi32, #tpu.memory_space<vmem>>, vector<16xi32>,
      %get3A_497 = vector.shape_cast %get3A_496 : vector<16xi32> to vector<16xi32>
      %dma_wait3A_498 = arith.constant 0 : i32
      %dma_wait3A_499 = arith.constant 0 : i32
      %dma_wait3A_500 = tpu.memref_slice %arg19[%dma_wait3A_498, %dma_wait3A_499] : memref<10240x128xf32, #tpu.memory_space<vmem_shared>> -> memref<10240x128xf32, #tpu.memory_space<vmem_shared>>
      tpu.wait_indirect_dma semaphore(%arg37 : memref<!tpu.dma_semaphore, #tpu.memory_space<semaphore_mem>>) src(%arg16 : memref<16x128xf32, #tpu.memory_space<vmem>>) dst(%dma_wait3A_500 : memref<10240x128xf32, #tpu.memory_space<vmem_shared>>)
      %add3A_501 = arith.constant 1 : i32
      %add3A_502 = arith.addi %mul3A_371, %add3A_501 : i32
      %mul3A_503 = arith.constant 5 : i32
      %mul3A_504 = arith.muli %add3A_502, %mul3A_503 : i32
      %add3A_505 = arith.constant 2 : i32
      %add3A_506 = arith.addi %mul3A_504, %add3A_505 : i32
      %mul3A_507 = arith.constant 16 : i32
      %mul3A_508 = arith.muli %add3A_506, %mul3A_507 : i32
      %get3A_509 = arith.index_cast %mul3A_508 : i32 to index
      %get3A_510 = tpu.vector_load %arg7[%get3A_509] {strides = array<i32>} : memref<10000xi32, #tpu.memory_space<vmem>>, vector<16xi32>,
      %dma_start3A_511 = arith.constant 0 : i32
      %dma_start3A_512 = arith.constant 0 : i32
      %dma_start3A_513 = tpu.memref_slice %arg2[%dma_start3A_511, %dma_start3A_512] : memref<10000x128xf32, #tpu.memory_space<hbm>> -> memref<10000x128xf32, #tpu.memory_space<hbm>>
      tpu.enqueue_indirect_dma source(%dma_start3A_513 : memref<10000x128xf32, #tpu.memory_space<hbm>>) target(%arg16 : memref<16x128xf32, #tpu.memory_space<vmem>>) offsets(%get3A_510 : vector<16xi32>) semaphore(%arg27 : memref<!tpu.dma_semaphore, #tpu.memory_space<semaphore_mem>>)
      %get3A_514 = arith.constant 0 : index
      %get3A_515 = tpu.vector_load %arg8[%get3A_514] {strides = array<i32>} : memref<10000xi32, #tpu.memory_space<vmem>>, vector<16xi32>,
      %get3A_516 = vector.shape_cast %get3A_515 : vector<16xi32> to vector<16xi32>
      %dma_wait3A_517 = arith.constant 0 : i32
      %dma_wait3A_518 = arith.constant 0 : i32
      %dma_wait3A_519 = tpu.memref_slice %arg19[%dma_wait3A_517, %dma_wait3A_518] : memref<10240x128xf32, #tpu.memory_space<vmem_shared>> -> memref<10240x128xf32, #tpu.memory_space<vmem_shared>>
      tpu.wait_indirect_dma semaphore(%arg38 : memref<!tpu.dma_semaphore, #tpu.memory_space<semaphore_mem>>) src(%arg17 : memref<16x128xf32, #tpu.memory_space<vmem>>) dst(%dma_wait3A_519 : memref<10240x128xf32, #tpu.memory_space<vmem_shared>>)
      %add3A_520 = arith.constant 1 : i32
      %add3A_521 = arith.addi %mul3A_371, %add3A_520 : i32
      %mul3A_522 = arith.constant 5 : i32
      %mul3A_523 = arith.muli %add3A_521, %mul3A_522 : i32
      %add3A_524 = arith.constant 3 : i32
      %add3A_525 = arith.addi %mul3A_523, %add3A_524 : i32
      %mul3A_526 = arith.constant 16 : i32
      %mul3A_527 = arith.muli %add3A_525, %mul3A_526 : i32
      %get3A_528 = arith.index_cast %mul3A_527 : i32 to index
      %get3A_529 = tpu.vector_load %arg7[%get3A_528] {strides = array<i32>} : memref<10000xi32, #tpu.memory_space<vmem>>, vector<16xi32>,
      %dma_start3A_530 = arith.constant 0 : i32
      %dma_start3A_531 = arith.constant 0 : i32
      %dma_start3A_532 = tpu.memref_slice %arg2[%dma_start3A_530, %dma_start3A_531] : memref<10000x128xf32, #tpu.memory_space<hbm>> -> memref<10000x128xf32, #tpu.memory_space<hbm>>
      tpu.enqueue_indirect_dma source(%dma_start3A_532 : memref<10000x128xf32, #tpu.memory_space<hbm>>) target(%arg17 : memref<16x128xf32, #tpu.memory_space<vmem>>) offsets(%get3A_529 : vector<16xi32>) semaphore(%arg28 : memref<!tpu.dma_semaphore, #tpu.memory_space<semaphore_mem>>)
      %get3A_533 = arith.constant 0 : index
      %get3A_534 = tpu.vector_load %arg8[%get3A_533] {strides = array<i32>} : memref<10000xi32, #tpu.memory_space<vmem>>, vector<16xi32>,
      %get3A_535 = vector.shape_cast %get3A_534 : vector<16xi32> to vector<16xi32>
      %dma_wait3A_536 = arith.constant 0 : i32
      %dma_wait3A_537 = arith.constant 0 : i32
      %dma_wait3A_538 = tpu.memref_slice %arg19[%dma_wait3A_536, %dma_wait3A_537] : memref<10240x128xf32, #tpu.memory_space<vmem_shared>> -> memref<10240x128xf32, #tpu.memory_space<vmem_shared>>
      tpu.wait_indirect_dma semaphore(%arg39 : memref<!tpu.dma_semaphore, #tpu.memory_space<semaphore_mem>>) src(%arg18 : memref<16x128xf32, #tpu.memory_space<vmem>>) dst(%dma_wait3A_538 : memref<10240x128xf32, #tpu.memory_space<vmem_shared>>)
      %add3A_539 = arith.constant 1 : i32
      %add3A_540 = arith.addi %mul3A_371, %add3A_539 : i32
      %mul3A_541 = arith.constant 5 : i32
      %mul3A_542 = arith.muli %add3A_540, %mul3A_541 : i32
      %add3A_543 = arith.constant 4 : i32
      %add3A_544 = arith.addi %mul3A_542, %add3A_543 : i32
      %mul3A_545 = arith.constant 16 : i32
      %mul3A_546 = arith.muli %add3A_544, %mul3A_545 : i32
      %get3A_547 = arith.index_cast %mul3A_546 : i32 to index
      %get3A_548 = tpu.vector_load %arg7[%get3A_547] {strides = array<i32>} : memref<10000xi32, #tpu.memory_space<vmem>>, vector<16xi32>,
      %dma_start3A_549 = arith.constant 0 : i32
      %dma_start3A_550 = arith.constant 0 : i32
      %dma_start3A_551 = tpu.memref_slice %arg2[%dma_start3A_549, %dma_start3A_550] : memref<10000x128xf32, #tpu.memory_space<hbm>> -> memref<10000x128xf32, #tpu.memory_space<hbm>>
      tpu.enqueue_indirect_dma source(%dma_start3A_551 : memref<10000x128xf32, #tpu.memory_space<hbm>>) target(%arg18 : memref<16x128xf32, #tpu.memory_space<vmem>>) offsets(%get3A_548 : vector<16xi32>) semaphore(%arg29 : memref<!tpu.dma_semaphore, #tpu.memory_space<semaphore_mem>>)
      %get3A_552 = arith.constant 0 : index
      %get3A_553 = tpu.vector_load %arg7[%get3A_552] {strides = array<i32>} : memref<10000xi32, #tpu.memory_space<vmem>>, vector<16xi32>,
      %get3A_554 = vector.shape_cast %get3A_553 : vector<16xi32> to vector<16xi32>
      %dma_wait3A_555 = arith.constant 0 : i32
      %dma_wait3A_556 = arith.constant 0 : i32
      %dma_wait3A_557 = tpu.memref_slice %arg2[%dma_wait3A_555, %dma_wait3A_556] : memref<10000x128xf32, #tpu.memory_space<hbm>> -> memref<10000x128xf32, #tpu.memory_space<hbm>>
      tpu.wait_indirect_dma semaphore(%arg25 : memref<!tpu.dma_semaphore, #tpu.memory_space<semaphore_mem>>) src(%dma_wait3A_557 : memref<10000x128xf32, #tpu.memory_space<hbm>>) dst(%arg14 : memref<16x128xf32, #tpu.memory_space<vmem>>)
      %add3A_558 = arith.constant 1 : i32
      %add3A_559 = arith.addi %mul3A_371, %add3A_558 : i32
      %mul3A_560 = arith.constant 5 : i32
      %mul3A_561 = arith.muli %add3A_559, %mul3A_560 : i32
      %add3A_562 = arith.constant 0 : i32
      %add3A_563 = arith.addi %mul3A_561, %add3A_562 : i32
      %mul3A_564 = arith.constant 16 : i32
      %mul3A_565 = arith.muli %add3A_563, %mul3A_564 : i32
      %get3A_566 = arith.index_cast %mul3A_565 : i32 to index
      %get3A_567 = tpu.vector_load %arg8[%get3A_566] {strides = array<i32>} : memref<10000xi32, #tpu.memory_space<vmem>>, vector<16xi32>,
      %dma_start3A_568 = arith.constant 0 : i32
      %dma_start3A_569 = arith.constant 0 : i32
      %dma_start3A_570 = tpu.memref_slice %arg19[%dma_start3A_568, %dma_start3A_569] : memref<10240x128xf32, #tpu.memory_space<vmem_shared>> -> memref<10240x128xf32, #tpu.memory_space<vmem_shared>>
      tpu.enqueue_indirect_dma source(%arg14 : memref<16x128xf32, #tpu.memory_space<vmem>>) target(%dma_start3A_570 : memref<10240x128xf32, #tpu.memory_space<vmem_shared>>) offsets(%get3A_567 : vector<16xi32>) semaphore(%arg35 : memref<!tpu.dma_semaphore, #tpu.memory_space<semaphore_mem>>) {add = true}
      %get3A_571 = arith.constant 0 : index
      %get3A_572 = tpu.vector_load %arg7[%get3A_571] {strides = array<i32>} : memref<10000xi32, #tpu.memory_space<vmem>>, vector<16xi32>,
      %get3A_573 = vector.shape_cast %get3A_572 : vector<16xi32> to vector<16xi32>
      %dma_wait3A_574 = arith.constant 0 : i32
      %dma_wait3A_575 = arith.constant 0 : i32
      %dma_wait3A_576 = tpu.memref_slice %arg2[%dma_wait3A_574, %dma_wait3A_575] : memref<10000x128xf32, #tpu.memory_space<hbm>> -> memref<10000x128xf32, #tpu.memory_space<hbm>>
      tpu.wait_indirect_dma semaphore(%arg26 : memref<!tpu.dma_semaphore, #tpu.memory_space<semaphore_mem>>) src(%dma_wait3A_576 : memref<10000x128xf32, #tpu.memory_space<hbm>>) dst(%arg15 : memref<16x128xf32, #tpu.memory_space<vmem>>)
      %add3A_577 = arith.constant 1 : i32
      %add3A_578 = arith.addi %mul3A_371, %add3A_577 : i32
      %mul3A_579 = arith.constant 5 : i32
      %mul3A_580 = arith.muli %add3A_578, %mul3A_579 : i32
      %add3A_581 = arith.constant 1 : i32
      %add3A_582 = arith.addi %mul3A_580, %add3A_581 : i32
      %mul3A_583 = arith.constant 16 : i32
      %mul3A_584 = arith.muli %add3A_582, %mul3A_583 : i32
      %get3A_585 = arith.index_cast %mul3A_584 : i32 to index
      %get3A_586 = tpu.vector_load %arg8[%get3A_585] {strides = array<i32>} : memref<10000xi32, #tpu.memory_space<vmem>>, vector<16xi32>,
      %dma_start3A_587 = arith.constant 0 : i32
      %dma_start3A_588 = arith.constant 0 : i32
      %dma_start3A_589 = tpu.memref_slice %arg19[%dma_start3A_587, %dma_start3A_588] : memref<10240x128xf32, #tpu.memory_space<vmem_shared>> -> memref<10240x128xf32, #tpu.memory_space<vmem_shared>>
      tpu.enqueue_indirect_dma source(%arg15 : memref<16x128xf32, #tpu.memory_space<vmem>>) target(%dma_start3A_589 : memref<10240x128xf32, #tpu.memory_space<vmem_shared>>) offsets(%get3A_586 : vector<16xi32>) semaphore(%arg36 : memref<!tpu.dma_semaphore, #tpu.memory_space<semaphore_mem>>) {add = true}
      %get3A_590 = arith.constant 0 : index
      %get3A_591 = tpu.vector_load %arg7[%get3A_590] {strides = array<i32>} : memref<10000xi32, #tpu.memory_space<vmem>>, vector<16xi32>,
      %get3A_592 = vector.shape_cast %get3A_591 : vector<16xi32> to vector<16xi32>
      %dma_wait3A_593 = arith.constant 0 : i32
      %dma_wait3A_594 = arith.constant 0 : i32
      %dma_wait3A_595 = tpu.memref_slice %arg2[%dma_wait3A_593, %dma_wait3A_594] : memref<10000x128xf32, #tpu.memory_space<hbm>> -> memref<10000x128xf32, #tpu.memory_space<hbm>>
      tpu.wait_indirect_dma semaphore(%arg27 : memref<!tpu.dma_semaphore, #tpu.memory_space<semaphore_mem>>) src(%dma_wait3A_595 : memref<10000x128xf32, #tpu.memory_space<hbm>>) dst(%arg16 : memref<16x128xf32, #tpu.memory_space<vmem>>)
      %add3A_596 = arith.constant 1 : i32
      %add3A_597 = arith.addi %mul3A_371, %add3A_596 : i32
      %mul3A_598 = arith.constant 5 : i32
      %mul3A_599 = arith.muli %add3A_597, %mul3A_598 : i32
      %add3A_600 = arith.constant 2 : i32
      %add3A_601 = arith.addi %mul3A_599, %add3A_600 : i32
      %mul3A_602 = arith.constant 16 : i32
      %mul3A_603 = arith.muli %add3A_601, %mul3A_602 : i32
      %get3A_604 = arith.index_cast %mul3A_603 : i32 to index
      %get3A_605 = tpu.vector_load %arg8[%get3A_604] {strides = array<i32>} : memref<10000xi32, #tpu.memory_space<vmem>>, vector<16xi32>,
      %dma_start3A_606 = arith.constant 0 : i32
      %dma_start3A_607 = arith.constant 0 : i32
      %dma_start3A_608 = tpu.memref_slice %arg19[%dma_start3A_606, %dma_start3A_607] : memref<10240x128xf32, #tpu.memory_space<vmem_shared>> -> memref<10240x128xf32, #tpu.memory_space<vmem_shared>>
      tpu.enqueue_indirect_dma source(%arg16 : memref<16x128xf32, #tpu.memory_space<vmem>>) target(%dma_start3A_608 : memref<10240x128xf32, #tpu.memory_space<vmem_shared>>) offsets(%get3A_605 : vector<16xi32>) semaphore(%arg37 : memref<!tpu.dma_semaphore, #tpu.memory_space<semaphore_mem>>) {add = true}
      %get3A_609 = arith.constant 0 : index
      %get3A_610 = tpu.vector_load %arg7[%get3A_609] {strides = array<i32>} : memref<10000xi32, #tpu.memory_space<vmem>>, vector<16xi32>,
      %get3A_611 = vector.shape_cast %get3A_610 : vector<16xi32> to vector<16xi32>
      %dma_wait3A_612 = arith.constant 0 : i32
      %dma_wait3A_613 = arith.constant 0 : i32
      %dma_wait3A_614 = tpu.memref_slice %arg2[%dma_wait3A_612, %dma_wait3A_613] : memref<10000x128xf32, #tpu.memory_space<hbm>> -> memref<10000x128xf32, #tpu.memory_space<hbm>>
      tpu.wait_indirect_dma semaphore(%arg28 : memref<!tpu.dma_semaphore, #tpu.memory_space<semaphore_mem>>) src(%dma_wait3A_614 : memref<10000x128xf32, #tpu.memory_space<hbm>>) dst(%arg17 : memref<16x128xf32, #tpu.memory_space<vmem>>)
      %add3A_615 = arith.constant 1 : i32
      %add3A_616 = arith.addi %mul3A_371, %add3A_615 : i32
      %mul3A_617 = arith.constant 5 : i32
      %mul3A_618 = arith.muli %add3A_616, %mul3A_617 : i32
      %add3A_619 = arith.constant 3 : i32
      %add3A_620 = arith.addi %mul3A_618, %add3A_619 : i32
      %mul3A_621 = arith.constant 16 : i32
      %mul3A_622 = arith.muli %add3A_620, %mul3A_621 : i32
      %get3A_623 = arith.index_cast %mul3A_622 : i32 to index
      %get3A_624 = tpu.vector_load %arg8[%get3A_623] {strides = array<i32>} : memref<10000xi32, #tpu.memory_space<vmem>>, vector<16xi32>,
      %dma_start3A_625 = arith.constant 0 : i32
      %dma_start3A_626 = arith.constant 0 : i32
      %dma_start3A_627 = tpu.memref_slice %arg19[%dma_start3A_625, %dma_start3A_626] : memref<10240x128xf32, #tpu.memory_space<vmem_shared>> -> memref<10240x128xf32, #tpu.memory_space<vmem_shared>>
      tpu.enqueue_indirect_dma source(%arg17 : memref<16x128xf32, #tpu.memory_space<vmem>>) target(%dma_start3A_627 : memref<10240x128xf32, #tpu.memory_space<vmem_shared>>) offsets(%get3A_624 : vector<16xi32>) semaphore(%arg38 : memref<!tpu.dma_semaphore, #tpu.memory_space<semaphore_mem>>) {add = true}
      %get3A_628 = arith.constant 0 : index
      %get3A_629 = tpu.vector_load %arg7[%get3A_628] {strides = array<i32>} : memref<10000xi32, #tpu.memory_space<vmem>>, vector<16xi32>,
      %get3A_630 = vector.shape_cast %get3A_629 : vector<16xi32> to vector<16xi32>
      %dma_wait3A_631 = arith.constant 0 : i32
      %dma_wait3A_632 = arith.constant 0 : i32
      %dma_wait3A_633 = tpu.memref_slice %arg2[%dma_wait3A_631, %dma_wait3A_632] : memref<10000x128xf32, #tpu.memory_space<hbm>> -> memref<10000x128xf32, #tpu.memory_space<hbm>>
      tpu.wait_indirect_dma semaphore(%arg29 : memref<!tpu.dma_semaphore, #tpu.memory_space<semaphore_mem>>) src(%dma_wait3A_633 : memref<10000x128xf32, #tpu.memory_space<hbm>>) dst(%arg18 : memref<16x128xf32, #tpu.memory_space<vmem>>)
      %add3A_634 = arith.constant 1 : i32
      %add3A_635 = arith.addi %mul3A_371, %add3A_634 : i32
      %mul3A_636 = arith.constant 5 : i32
      %mul3A_637 = arith.muli %add3A_635, %mul3A_636 : i32
      %add3A_638 = arith.constant 4 : i32
      %add3A_639 = arith.addi %mul3A_637, %add3A_638 : i32
      %mul3A_640 = arith.constant 16 : i32
      %mul3A_641 = arith.muli %add3A_639, %mul3A_640 : i32
      %get3A_642 = arith.index_cast %mul3A_641 : i32 to index
      %get3A_643 = tpu.vector_load %arg8[%get3A_642] {strides = array<i32>} : memref<10000xi32, #tpu.memory_space<vmem>>, vector<16xi32>,
      %dma_start3A_644 = arith.constant 0 : i32
      %dma_start3A_645 = arith.constant 0 : i32
      %dma_start3A_646 = tpu.memref_slice %arg19[%dma_start3A_644, %dma_start3A_645] : memref<10240x128xf32, #tpu.memory_space<vmem_shared>> -> memref<10240x128xf32, #tpu.memory_space<vmem_shared>>
      tpu.enqueue_indirect_dma source(%arg18 : memref<16x128xf32, #tpu.memory_space<vmem>>) target(%dma_start3A_646 : memref<10240x128xf32, #tpu.memory_space<vmem_shared>>) offsets(%get3A_643 : vector<16xi32>) semaphore(%arg39 : memref<!tpu.dma_semaphore, #tpu.memory_space<semaphore_mem>>) {add = true}
      %get3A_647 = arith.constant 0 : index
      %get3A_648 = tpu.vector_load %arg8[%get3A_647] {strides = array<i32>} : memref<10000xi32, #tpu.memory_space<vmem>>, vector<16xi32>,
      %get3A_649 = vector.shape_cast %get3A_648 : vector<16xi32> to vector<16xi32>
      %dma_wait3A_650 = arith.constant 0 : i32
      %dma_wait3A_651 = arith.constant 0 : i32
      %dma_wait3A_652 = tpu.memref_slice %arg19[%dma_wait3A_650, %dma_wait3A_651] : memref<10240x128xf32, #tpu.memory_space<vmem_shared>> -> memref<10240x128xf32, #tpu.memory_space<vmem_shared>>
      tpu.wait_indirect_dma semaphore(%arg30 : memref<!tpu.dma_semaphore, #tpu.memory_space<semaphore_mem>>) src(%arg9 : memref<16x128xf32, #tpu.memory_space<vmem>>) dst(%dma_wait3A_652 : memref<10240x128xf32, #tpu.memory_space<vmem_shared>>)
      %add3A_653 = arith.constant 2 : i32
      %add3A_654 = arith.addi %mul3A_371, %add3A_653 : i32
      %mul3A_655 = arith.constant 5 : i32
      %mul3A_656 = arith.muli %add3A_654, %mul3A_655 : i32
      %add3A_657 = arith.constant 0 : i32
      %add3A_658 = arith.addi %mul3A_656, %add3A_657 : i32
      %mul3A_659 = arith.constant 16 : i32
      %mul3A_660 = arith.muli %add3A_658, %mul3A_659 : i32
      %get3A_661 = arith.index_cast %mul3A_660 : i32 to index
      %get3A_662 = tpu.vector_load %arg7[%get3A_661] {strides = array<i32>} : memref<10000xi32, #tpu.memory_space<vmem>>, vector<16xi32>,
      %dma_start3A_663 = arith.constant 0 : i32
      %dma_start3A_664 = arith.constant 0 : i32
      %dma_start3A_665 = tpu.memref_slice %arg2[%dma_start3A_663, %dma_start3A_664] : memref<10000x128xf32, #tpu.memory_space<hbm>> -> memref<10000x128xf32, #tpu.memory_space<hbm>>
      tpu.enqueue_indirect_dma source(%dma_start3A_665 : memref<10000x128xf32, #tpu.memory_space<hbm>>) target(%arg9 : memref<16x128xf32, #tpu.memory_space<vmem>>) offsets(%get3A_662 : vector<16xi32>) semaphore(%arg20 : memref<!tpu.dma_semaphore, #tpu.memory_space<semaphore_mem>>)
      %get3A_666 = arith.constant 0 : index
      %get3A_667 = tpu.vector_load %arg8[%get3A_666] {strides = array<i32>} : memref<10000xi32, #tpu.memory_space<vmem>>, vector<16xi32>,
      %get3A_668 = vector.shape_cast %get3A_667 : vector<16xi32> to vector<16xi32>
      %dma_wait3A_669 = arith.constant 0 : i32
      %dma_wait3A_670 = arith.constant 0 : i32
      %dma_wait3A_671 = tpu.memref_slice %arg19[%dma_wait3A_669, %dma_wait3A_670] : memref<10240x128xf32, #tpu.memory_space<vmem_shared>> -> memref<10240x128xf32, #tpu.memory_space<vmem_shared>>
      tpu.wait_indirect_dma semaphore(%arg31 : memref<!tpu.dma_semaphore, #tpu.memory_space<semaphore_mem>>) src(%arg10 : memref<16x128xf32, #tpu.memory_space<vmem>>) dst(%dma_wait3A_671 : memref<10240x128xf32, #tpu.memory_space<vmem_shared>>)
      %add3A_672 = arith.constant 2 : i32
      %add3A_673 = arith.addi %mul3A_371, %add3A_672 : i32
      %mul3A_674 = arith.constant 5 : i32
      %mul3A_675 = arith.muli %add3A_673, %mul3A_674 : i32
      %add3A_676 = arith.constant 1 : i32
      %add3A_677 = arith.addi %mul3A_675, %add3A_676 : i32
      %mul3A_678 = arith.constant 16 : i32
      %mul3A_679 = arith.muli %add3A_677, %mul3A_678 : i32
      %get3A_680 = arith.index_cast %mul3A_679 : i32 to index
      %get3A_681 = tpu.vector_load %arg7[%get3A_680] {strides = array<i32>} : memref<10000xi32, #tpu.memory_space<vmem>>, vector<16xi32>,
      %dma_start3A_682 = arith.constant 0 : i32
      %dma_start3A_683 = arith.constant 0 : i32
      %dma_start3A_684 = tpu.memref_slice %arg2[%dma_start3A_682, %dma_start3A_683] : memref<10000x128xf32, #tpu.memory_space<hbm>> -> memref<10000x128xf32, #tpu.memory_space<hbm>>
      tpu.enqueue_indirect_dma source(%dma_start3A_684 : memref<10000x128xf32, #tpu.memory_space<hbm>>) target(%arg10 : memref<16x128xf32, #tpu.memory_space<vmem>>) offsets(%get3A_681 : vector<16xi32>) semaphore(%arg21 : memref<!tpu.dma_semaphore, #tpu.memory_space<semaphore_mem>>)
      %get3A_685 = arith.constant 0 : index
      %get3A_686 = tpu.vector_load %arg8[%get3A_685] {strides = array<i32>} : memref<10000xi32, #tpu.memory_space<vmem>>, vector<16xi32>,
      %get3A_687 = vector.shape_cast %get3A_686 : vector<16xi32> to vector<16xi32>
      %dma_wait3A_688 = arith.constant 0 : i32
      %dma_wait3A_689 = arith.constant 0 : i32
      %dma_wait3A_690 = tpu.memref_slice %arg19[%dma_wait3A_688, %dma_wait3A_689] : memref<10240x128xf32, #tpu.memory_space<vmem_shared>> -> memref<10240x128xf32, #tpu.memory_space<vmem_shared>>
      tpu.wait_indirect_dma semaphore(%arg32 : memref<!tpu.dma_semaphore, #tpu.memory_space<semaphore_mem>>) src(%arg11 : memref<16x128xf32, #tpu.memory_space<vmem>>) dst(%dma_wait3A_690 : memref<10240x128xf32, #tpu.memory_space<vmem_shared>>)
      %add3A_691 = arith.constant 2 : i32
      %add3A_692 = arith.addi %mul3A_371, %add3A_691 : i32
      %mul3A_693 = arith.constant 5 : i32
      %mul3A_694 = arith.muli %add3A_692, %mul3A_693 : i32
      %add3A_695 = arith.constant 2 : i32
      %add3A_696 = arith.addi %mul3A_694, %add3A_695 : i32
      %mul3A_697 = arith.constant 16 : i32
      %mul3A_698 = arith.muli %add3A_696, %mul3A_697 : i32
      %get3A_699 = arith.index_cast %mul3A_698 : i32 to index
      %get3A_700 = tpu.vector_load %arg7[%get3A_699] {strides = array<i32>} : memref<10000xi32, #tpu.memory_space<vmem>>, vector<16xi32>,
      %dma_start3A_701 = arith.constant 0 : i32
      %dma_start3A_702 = arith.constant 0 : i32
      %dma_start3A_703 = tpu.memref_slice %arg2[%dma_start3A_701, %dma_start3A_702] : memref<10000x128xf32, #tpu.memory_space<hbm>> -> memref<10000x128xf32, #tpu.memory_space<hbm>>
      tpu.enqueue_indirect_dma source(%dma_start3A_703 : memref<10000x128xf32, #tpu.memory_space<hbm>>) target(%arg11 : memref<16x128xf32, #tpu.memory_space<vmem>>) offsets(%get3A_700 : vector<16xi32>) semaphore(%arg22 : memref<!tpu.dma_semaphore, #tpu.memory_space<semaphore_mem>>)
      %get3A_704 = arith.constant 0 : index
      %get3A_705 = tpu.vector_load %arg8[%get3A_704] {strides = array<i32>} : memref<10000xi32, #tpu.memory_space<vmem>>, vector<16xi32>,
      %get3A_706 = vector.shape_cast %get3A_705 : vector<16xi32> to vector<16xi32>
      %dma_wait3A_707 = arith.constant 0 : i32
      %dma_wait3A_708 = arith.constant 0 : i32
      %dma_wait3A_709 = tpu.memref_slice %arg19[%dma_wait3A_707, %dma_wait3A_708] : memref<10240x128xf32, #tpu.memory_space<vmem_shared>> -> memref<10240x128xf32, #tpu.memory_space<vmem_shared>>
      tpu.wait_indirect_dma semaphore(%arg33 : memref<!tpu.dma_semaphore, #tpu.memory_space<semaphore_mem>>) src(%arg12 : memref<16x128xf32, #tpu.memory_space<vmem>>) dst(%dma_wait3A_709 : memref<10240x128xf32, #tpu.memory_space<vmem_shared>>)
      %add3A_710 = arith.constant 2 : i32
      %add3A_711 = arith.addi %mul3A_371, %add3A_710 : i32
      %mul3A_712 = arith.constant 5 : i32
      %mul3A_713 = arith.muli %add3A_711, %mul3A_712 : i32
      %add3A_714 = arith.constant 3 : i32
      %add3A_715 = arith.addi %mul3A_713, %add3A_714 : i32
      %mul3A_716 = arith.constant 16 : i32
      %mul3A_717 = arith.muli %add3A_715, %mul3A_716 : i32
      %get3A_718 = arith.index_cast %mul3A_717 : i32 to index
      %get3A_719 = tpu.vector_load %arg7[%get3A_718] {strides = array<i32>} : memref<10000xi32, #tpu.memory_space<vmem>>, vector<16xi32>,
      %dma_start3A_720 = arith.constant 0 : i32
      %dma_start3A_721 = arith.constant 0 : i32
      %dma_start3A_722 = tpu.memref_slice %arg2[%dma_start3A_720, %dma_start3A_721] : memref<10000x128xf32, #tpu.memory_space<hbm>> -> memref<10000x128xf32, #tpu.memory_space<hbm>>
      tpu.enqueue_indirect_dma source(%dma_start3A_722 : memref<10000x128xf32, #tpu.memory_space<hbm>>) target(%arg12 : memref<16x128xf32, #tpu.memory_space<vmem>>) offsets(%get3A_719 : vector<16xi32>) semaphore(%arg23 : memref<!tpu.dma_semaphore, #tpu.memory_space<semaphore_mem>>)
      %get3A_723 = arith.constant 0 : index
      %get3A_724 = tpu.vector_load %arg8[%get3A_723] {strides = array<i32>} : memref<10000xi32, #tpu.memory_space<vmem>>, vector<16xi32>,
      %get3A_725 = vector.shape_cast %get3A_724 : vector<16xi32> to vector<16xi32>
      %dma_wait3A_726 = arith.constant 0 : i32
      %dma_wait3A_727 = arith.constant 0 : i32
      %dma_wait3A_728 = tpu.memref_slice %arg19[%dma_wait3A_726, %dma_wait3A_727] : memref<10240x128xf32, #tpu.memory_space<vmem_shared>> -> memref<10240x128xf32, #tpu.memory_space<vmem_shared>>
      tpu.wait_indirect_dma semaphore(%arg34 : memref<!tpu.dma_semaphore, #tpu.memory_space<semaphore_mem>>) src(%arg13 : memref<16x128xf32, #tpu.memory_space<vmem>>) dst(%dma_wait3A_728 : memref<10240x128xf32, #tpu.memory_space<vmem_shared>>)
      %add3A_729 = arith.constant 2 : i32
      %add3A_730 = arith.addi %mul3A_371, %add3A_729 : i32
      %mul3A_731 = arith.constant 5 : i32
      %mul3A_732 = arith.muli %add3A_730, %mul3A_731 : i32
      %add3A_733 = arith.constant 4 : i32
      %add3A_734 = arith.addi %mul3A_732, %add3A_733 : i32
      %mul3A_735 = arith.constant 16 : i32
      %mul3A_736 = arith.muli %add3A_734, %mul3A_735 : i32
      %get3A_737 = arith.index_cast %mul3A_736 : i32 to index
      %get3A_738 = tpu.vector_load %arg7[%get3A_737] {strides = array<i32>} : memref<10000xi32, #tpu.memory_space<vmem>>, vector<16xi32>,
      %dma_start3A_739 = arith.constant 0 : i32
      %dma_start3A_740 = arith.constant 0 : i32
      %dma_start3A_741 = tpu.memref_slice %arg2[%dma_start3A_739, %dma_start3A_740] : memref<10000x128xf32, #tpu.memory_space<hbm>> -> memref<10000x128xf32, #tpu.memory_space<hbm>>
      tpu.enqueue_indirect_dma source(%dma_start3A_741 : memref<10000x128xf32, #tpu.memory_space<hbm>>) target(%arg13 : memref<16x128xf32, #tpu.memory_space<vmem>>) offsets(%get3A_738 : vector<16xi32>) semaphore(%arg24 : memref<!tpu.dma_semaphore, #tpu.memory_space<semaphore_mem>>)
    }
    %scan3A_243 = arith.constant 61 : i32
    %get3A_244 = arith.constant 0 : index
    %get3A_245 = tpu.vector_load %arg7[%get3A_244] {strides = array<i32>} : memref<10000xi32, #tpu.memory_space<vmem>>, vector<16xi32>,
    %get3A_246 = vector.shape_cast %get3A_245 : vector<16xi32> to vector<16xi32>
    %dma_wait3A_247 = arith.constant 0 : i32
    %dma_wait3A_248 = arith.constant 0 : i32
    %dma_wait3A_249 = tpu.memref_slice %arg2[%dma_wait3A_247, %dma_wait3A_248] : memref<10000x128xf32, #tpu.memory_space<hbm>> -> memref<10000x128xf32, #tpu.memory_space<hbm>>
    tpu.wait_indirect_dma semaphore(%arg20 : memref<!tpu.dma_semaphore, #tpu.memory_space<semaphore_mem>>) src(%dma_wait3A_249 : memref<10000x128xf32, #tpu.memory_space<hbm>>) dst(%arg9 : memref<16x128xf32, #tpu.memory_space<vmem>>)
    %get3A_250 = arith.constant 9920 : index
    %get3A_251 = tpu.vector_load %arg8[%get3A_250] {strides = array<i32>} : memref<10000xi32, #tpu.memory_space<vmem>>, vector<16xi32>,
    %get3A_252 = vector.shape_cast %get3A_251 : vector<16xi32> to vector<16xi32>
    %dma_start3A_253 = arith.constant 0 : i32
    %dma_start3A_254 = arith.constant 0 : i32
    %dma_start3A_255 = tpu.memref_slice %arg19[%dma_start3A_253, %dma_start3A_254] : memref<10240x128xf32, #tpu.memory_space<vmem_shared>> -> memref<10240x128xf32, #tpu.memory_space<vmem_shared>>
    tpu.enqueue_indirect_dma source(%arg9 : memref<16x128xf32, #tpu.memory_space<vmem>>) target(%dma_start3A_255 : memref<10240x128xf32, #tpu.memory_space<vmem_shared>>) offsets(%get3A_252 : vector<16xi32>) semaphore(%arg30 : memref<!tpu.dma_semaphore, #tpu.memory_space<semaphore_mem>>) {add = true}
    %get3A_256 = arith.constant 0 : index
    %get3A_257 = tpu.vector_load %arg7[%get3A_256] {strides = array<i32>} : memref<10000xi32, #tpu.memory_space<vmem>>, vector<16xi32>,
    %get3A_258 = vector.shape_cast %get3A_257 : vector<16xi32> to vector<16xi32>
    %dma_wait3A_259 = arith.constant 0 : i32
    %dma_wait3A_260 = arith.constant 0 : i32
    %dma_wait3A_261 = tpu.memref_slice %arg2[%dma_wait3A_259, %dma_wait3A_260] : memref<10000x128xf32, #tpu.memory_space<hbm>> -> memref<10000x128xf32, #tpu.memory_space<hbm>>
    tpu.wait_indirect_dma semaphore(%arg21 : memref<!tpu.dma_semaphore, #tpu.memory_space<semaphore_mem>>) src(%dma_wait3A_261 : memref<10000x128xf32, #tpu.memory_space<hbm>>) dst(%arg10 : memref<16x128xf32, #tpu.memory_space<vmem>>)
    %get3A_262 = arith.constant 9936 : index
    %get3A_263 = tpu.vector_load %arg8[%get3A_262] {strides = array<i32>} : memref<10000xi32, #tpu.memory_space<vmem>>, vector<16xi32>,
    %get3A_264 = vector.shape_cast %get3A_263 : vector<16xi32> to vector<16xi32>
    %dma_start3A_265 = arith.constant 0 : i32
    %dma_start3A_266 = arith.constant 0 : i32
    %dma_start3A_267 = tpu.memref_slice %arg19[%dma_start3A_265, %dma_start3A_266] : memref<10240x128xf32, #tpu.memory_space<vmem_shared>> -> memref<10240x128xf32, #tpu.memory_space<vmem_shared>>
    tpu.enqueue_indirect_dma source(%arg10 : memref<16x128xf32, #tpu.memory_space<vmem>>) target(%dma_start3A_267 : memref<10240x128xf32, #tpu.memory_space<vmem_shared>>) offsets(%get3A_264 : vector<16xi32>) semaphore(%arg31 : memref<!tpu.dma_semaphore, #tpu.memory_space<semaphore_mem>>) {add = true}
    %get3A_268 = arith.constant 0 : index
    %get3A_269 = tpu.vector_load %arg7[%get3A_268] {strides = array<i32>} : memref<10000xi32, #tpu.memory_space<vmem>>, vector<16xi32>,
    %get3A_270 = vector.shape_cast %get3A_269 : vector<16xi32> to vector<16xi32>
    %dma_wait3A_271 = arith.constant 0 : i32
    %dma_wait3A_272 = arith.constant 0 : i32
    %dma_wait3A_273 = tpu.memref_slice %arg2[%dma_wait3A_271, %dma_wait3A_272] : memref<10000x128xf32, #tpu.memory_space<hbm>> -> memref<10000x128xf32, #tpu.memory_space<hbm>>
    tpu.wait_indirect_dma semaphore(%arg22 : memref<!tpu.dma_semaphore, #tpu.memory_space<semaphore_mem>>) src(%dma_wait3A_273 : memref<10000x128xf32, #tpu.memory_space<hbm>>) dst(%arg11 : memref<16x128xf32, #tpu.memory_space<vmem>>)
    %get3A_274 = arith.constant 9952 : index
    %get3A_275 = tpu.vector_load %arg8[%get3A_274] {strides = array<i32>} : memref<10000xi32, #tpu.memory_space<vmem>>, vector<16xi32>,
    %get3A_276 = vector.shape_cast %get3A_275 : vector<16xi32> to vector<16xi32>
    %dma_start3A_277 = arith.constant 0 : i32
    %dma_start3A_278 = arith.constant 0 : i32
    %dma_start3A_279 = tpu.memref_slice %arg19[%dma_start3A_277, %dma_start3A_278] : memref<10240x128xf32, #tpu.memory_space<vmem_shared>> -> memref<10240x128xf32, #tpu.memory_space<vmem_shared>>
    tpu.enqueue_indirect_dma source(%arg11 : memref<16x128xf32, #tpu.memory_space<vmem>>) target(%dma_start3A_279 : memref<10240x128xf32, #tpu.memory_space<vmem_shared>>) offsets(%get3A_276 : vector<16xi32>) semaphore(%arg32 : memref<!tpu.dma_semaphore, #tpu.memory_space<semaphore_mem>>) {add = true}
    %get3A_280 = arith.constant 0 : index
    %get3A_281 = tpu.vector_load %arg7[%get3A_280] {strides = array<i32>} : memref<10000xi32, #tpu.memory_space<vmem>>, vector<16xi32>,
    %get3A_282 = vector.shape_cast %get3A_281 : vector<16xi32> to vector<16xi32>
    %dma_wait3A_283 = arith.constant 0 : i32
    %dma_wait3A_284 = arith.constant 0 : i32
    %dma_wait3A_285 = tpu.memref_slice %arg2[%dma_wait3A_283, %dma_wait3A_284] : memref<10000x128xf32, #tpu.memory_space<hbm>> -> memref<10000x128xf32, #tpu.memory_space<hbm>>
    tpu.wait_indirect_dma semaphore(%arg23 : memref<!tpu.dma_semaphore, #tpu.memory_space<semaphore_mem>>) src(%dma_wait3A_285 : memref<10000x128xf32, #tpu.memory_space<hbm>>) dst(%arg12 : memref<16x128xf32, #tpu.memory_space<vmem>>)
    %get3A_286 = arith.constant 9968 : index
    %get3A_287 = tpu.vector_load %arg8[%get3A_286] {strides = array<i32>} : memref<10000xi32, #tpu.memory_space<vmem>>, vector<16xi32>,
    %get3A_288 = vector.shape_cast %get3A_287 : vector<16xi32> to vector<16xi32>
    %dma_start3A_289 = arith.constant 0 : i32
    %dma_start3A_290 = arith.constant 0 : i32
    %dma_start3A_291 = tpu.memref_slice %arg19[%dma_start3A_289, %dma_start3A_290] : memref<10240x128xf32, #tpu.memory_space<vmem_shared>> -> memref<10240x128xf32, #tpu.memory_space<vmem_shared>>
    tpu.enqueue_indirect_dma source(%arg12 : memref<16x128xf32, #tpu.memory_space<vmem>>) target(%dma_start3A_291 : memref<10240x128xf32, #tpu.memory_space<vmem_shared>>) offsets(%get3A_288 : vector<16xi32>) semaphore(%arg33 : memref<!tpu.dma_semaphore, #tpu.memory_space<semaphore_mem>>) {add = true}
    %get3A_292 = arith.constant 0 : index
    %get3A_293 = tpu.vector_load %arg7[%get3A_292] {strides = array<i32>} : memref<10000xi32, #tpu.memory_space<vmem>>, vector<16xi32>,
    %get3A_294 = vector.shape_cast %get3A_293 : vector<16xi32> to vector<16xi32>
    %dma_wait3A_295 = arith.constant 0 : i32
    %dma_wait3A_296 = arith.constant 0 : i32
    %dma_wait3A_297 = tpu.memref_slice %arg2[%dma_wait3A_295, %dma_wait3A_296] : memref<10000x128xf32, #tpu.memory_space<hbm>> -> memref<10000x128xf32, #tpu.memory_space<hbm>>
    tpu.wait_indirect_dma semaphore(%arg24 : memref<!tpu.dma_semaphore, #tpu.memory_space<semaphore_mem>>) src(%dma_wait3A_297 : memref<10000x128xf32, #tpu.memory_space<hbm>>) dst(%arg13 : memref<16x128xf32, #tpu.memory_space<vmem>>)
    %get3A_298 = arith.constant 9984 : index
    %get3A_299 = tpu.vector_load %arg8[%get3A_298] {strides = array<i32>} : memref<10000xi32, #tpu.memory_space<vmem>>, vector<16xi32>,
    %get3A_300 = vector.shape_cast %get3A_299 : vector<16xi32> to vector<16xi32>
    %dma_start3A_301 = arith.constant 0 : i32
    %dma_start3A_302 = arith.constant 0 : i32
    %dma_start3A_303 = tpu.memref_slice %arg19[%dma_start3A_301, %dma_start3A_302] : memref<10240x128xf32, #tpu.memory_space<vmem_shared>> -> memref<10240x128xf32, #tpu.memory_space<vmem_shared>>
    tpu.enqueue_indirect_dma source(%arg13 : memref<16x128xf32, #tpu.memory_space<vmem>>) target(%dma_start3A_303 : memref<10240x128xf32, #tpu.memory_space<vmem_shared>>) offsets(%get3A_300 : vector<16xi32>) semaphore(%arg34 : memref<!tpu.dma_semaphore, #tpu.memory_space<semaphore_mem>>) {add = true}
    %get3A_304 = arith.constant 0 : index
    %get3A_305 = tpu.vector_load %arg8[%get3A_304] {strides = array<i32>} : memref<10000xi32, #tpu.memory_space<vmem>>, vector<16xi32>,
    %get3A_306 = vector.shape_cast %get3A_305 : vector<16xi32> to vector<16xi32>
    %dma_wait3A_307 = arith.constant 0 : i32
    %dma_wait3A_308 = arith.constant 0 : i32
    %dma_wait3A_309 = tpu.memref_slice %arg19[%dma_wait3A_307, %dma_wait3A_308] : memref<10240x128xf32, #tpu.memory_space<vmem_shared>> -> memref<10240x128xf32, #tpu.memory_space<vmem_shared>>
    tpu.wait_indirect_dma semaphore(%arg35 : memref<!tpu.dma_semaphore, #tpu.memory_space<semaphore_mem>>) src(%arg14 : memref<16x128xf32, #tpu.memory_space<vmem>>) dst(%dma_wait3A_309 : memref<10240x128xf32, #tpu.memory_space<vmem_shared>>)
    %get3A_310 = arith.constant 0 : index
    %get3A_311 = tpu.vector_load %arg8[%get3A_310] {strides = array<i32>} : memref<10000xi32, #tpu.memory_space<vmem>>, vector<16xi32>,
    %get3A_312 = vector.shape_cast %get3A_311 : vector<16xi32> to vector<16xi32>
    %dma_wait3A_313 = arith.constant 0 : i32
    %dma_wait3A_314 = arith.constant 0 : i32
    %dma_wait3A_315 = tpu.memref_slice %arg19[%dma_wait3A_313, %dma_wait3A_314] : memref<10240x128xf32, #tpu.memory_space<vmem_shared>> -> memref<10240x128xf32, #tpu.memory_space<vmem_shared>>
    tpu.wait_indirect_dma semaphore(%arg36 : memref<!tpu.dma_semaphore, #tpu.memory_space<semaphore_mem>>) src(%arg15 : memref<16x128xf32, #tpu.memory_space<vmem>>) dst(%dma_wait3A_315 : memref<10240x128xf32, #tpu.memory_space<vmem_shared>>)
    %get3A_316 = arith.constant 0 : index
    %get3A_317 = tpu.vector_load %arg8[%get3A_316] {strides = array<i32>} : memref<10000xi32, #tpu.memory_space<vmem>>, vector<16xi32>,
    %get3A_318 = vector.shape_cast %get3A_317 : vector<16xi32> to vector<16xi32>
    %dma_wait3A_319 = arith.constant 0 : i32
    %dma_wait3A_320 = arith.constant 0 : i32
    %dma_wait3A_321 = tpu.memref_slice %arg19[%dma_wait3A_319, %dma_wait3A_320] : memref<10240x128xf32, #tpu.memory_space<vmem_shared>> -> memref<10240x128xf32, #tpu.memory_space<vmem_shared>>
    tpu.wait_indirect_dma semaphore(%arg37 : memref<!tpu.dma_semaphore, #tpu.memory_space<semaphore_mem>>) src(%arg16 : memref<16x128xf32, #tpu.memory_space<vmem>>) dst(%dma_wait3A_321 : memref<10240x128xf32, #tpu.memory_space<vmem_shared>>)
    %get3A_322 = arith.constant 0 : index
    %get3A_323 = tpu.vector_load %arg8[%get3A_322] {strides = array<i32>} : memref<10000xi32, #tpu.memory_space<vmem>>, vector<16xi32>,
    %get3A_324 = vector.shape_cast %get3A_323 : vector<16xi32> to vector<16xi32>
    %dma_wait3A_325 = arith.constant 0 : i32
    %dma_wait3A_326 = arith.constant 0 : i32
    %dma_wait3A_327 = tpu.memref_slice %arg19[%dma_wait3A_325, %dma_wait3A_326] : memref<10240x128xf32, #tpu.memory_space<vmem_shared>> -> memref<10240x128xf32, #tpu.memory_space<vmem_shared>>
    tpu.wait_indirect_dma semaphore(%arg38 : memref<!tpu.dma_semaphore, #tpu.memory_space<semaphore_mem>>) src(%arg17 : memref<16x128xf32, #tpu.memory_space<vmem>>) dst(%dma_wait3A_327 : memref<10240x128xf32, #tpu.memory_space<vmem_shared>>)
    %get3A_328 = arith.constant 0 : index
    %get3A_329 = tpu.vector_load %arg8[%get3A_328] {strides = array<i32>} : memref<10000xi32, #tpu.memory_space<vmem>>, vector<16xi32>,
    %get3A_330 = vector.shape_cast %get3A_329 : vector<16xi32> to vector<16xi32>
    %dma_wait3A_331 = arith.constant 0 : i32
    %dma_wait3A_332 = arith.constant 0 : i32
    %dma_wait3A_333 = tpu.memref_slice %arg19[%dma_wait3A_331, %dma_wait3A_332] : memref<10240x128xf32, #tpu.memory_space<vmem_shared>> -> memref<10240x128xf32, #tpu.memory_space<vmem_shared>>
    tpu.wait_indirect_dma semaphore(%arg39 : memref<!tpu.dma_semaphore, #tpu.memory_space<semaphore_mem>>) src(%arg18 : memref<16x128xf32, #tpu.memory_space<vmem>>) dst(%dma_wait3A_333 : memref<10240x128xf32, #tpu.memory_space<vmem_shared>>)
    %get3A_334 = arith.constant 0 : index
    %get3A_335 = tpu.vector_load %arg8[%get3A_334] {strides = array<i32>} : memref<10000xi32, #tpu.memory_space<vmem>>, vector<16xi32>,
    %get3A_336 = vector.shape_cast %get3A_335 : vector<16xi32> to vector<16xi32>
    %dma_wait3A_337 = arith.constant 0 : i32
    %dma_wait3A_338 = arith.constant 0 : i32
    %dma_wait3A_339 = tpu.memref_slice %arg19[%dma_wait3A_337, %dma_wait3A_338] : memref<10240x128xf32, #tpu.memory_space<vmem_shared>> -> memref<10240x128xf32, #tpu.memory_space<vmem_shared>>
    tpu.wait_indirect_dma semaphore(%arg30 : memref<!tpu.dma_semaphore, #tpu.memory_space<semaphore_mem>>) src(%arg9 : memref<16x128xf32, #tpu.memory_space<vmem>>) dst(%dma_wait3A_339 : memref<10240x128xf32, #tpu.memory_space<vmem_shared>>)
    %get3A_340 = arith.constant 0 : index
    %get3A_341 = tpu.vector_load %arg8[%get3A_340] {strides = array<i32>} : memref<10000xi32, #tpu.memory_space<vmem>>, vector<16xi32>,
    %get3A_342 = vector.shape_cast %get3A_341 : vector<16xi32> to vector<16xi32>
    %dma_wait3A_343 = arith.constant 0 : i32
    %dma_wait3A_344 = arith.constant 0 : i32
    %dma_wait3A_345 = tpu.memref_slice %arg19[%dma_wait3A_343, %dma_wait3A_344] : memref<10240x128xf32, #tpu.memory_space<vmem_shared>> -> memref<10240x128xf32, #tpu.memory_space<vmem_shared>>
    tpu.wait_indirect_dma semaphore(%arg31 : memref<!tpu.dma_semaphore, #tpu.memory_space<semaphore_mem>>) src(%arg10 : memref<16x128xf32, #tpu.memory_space<vmem>>) dst(%dma_wait3A_345 : memref<10240x128xf32, #tpu.memory_space<vmem_shared>>)
    %get3A_346 = arith.constant 0 : index
    %get3A_347 = tpu.vector_load %arg8[%get3A_346] {strides = array<i32>} : memref<10000xi32, #tpu.memory_space<vmem>>, vector<16xi32>,
    %get3A_348 = vector.shape_cast %get3A_347 : vector<16xi32> to vector<16xi32>
    %dma_wait3A_349 = arith.constant 0 : i32
    %dma_wait3A_350 = arith.constant 0 : i32
    %dma_wait3A_351 = tpu.memref_slice %arg19[%dma_wait3A_349, %dma_wait3A_350] : memref<10240x128xf32, #tpu.memory_space<vmem_shared>> -> memref<10240x128xf32, #tpu.memory_space<vmem_shared>>
    tpu.wait_indirect_dma semaphore(%arg32 : memref<!tpu.dma_semaphore, #tpu.memory_space<semaphore_mem>>) src(%arg11 : memref<16x128xf32, #tpu.memory_space<vmem>>) dst(%dma_wait3A_351 : memref<10240x128xf32, #tpu.memory_space<vmem_shared>>)
    %get3A_352 = arith.constant 0 : index
    %get3A_353 = tpu.vector_load %arg8[%get3A_352] {strides = array<i32>} : memref<10000xi32, #tpu.memory_space<vmem>>, vector<16xi32>,
    %get3A_354 = vector.shape_cast %get3A_353 : vector<16xi32> to vector<16xi32>
    %dma_wait3A_355 = arith.constant 0 : i32
    %dma_wait3A_356 = arith.constant 0 : i32
    %dma_wait3A_357 = tpu.memref_slice %arg19[%dma_wait3A_355, %dma_wait3A_356] : memref<10240x128xf32, #tpu.memory_space<vmem_shared>> -> memref<10240x128xf32, #tpu.memory_space<vmem_shared>>
    tpu.wait_indirect_dma semaphore(%arg33 : memref<!tpu.dma_semaphore, #tpu.memory_space<semaphore_mem>>) src(%arg12 : memref<16x128xf32, #tpu.memory_space<vmem>>) dst(%dma_wait3A_357 : memref<10240x128xf32, #tpu.memory_space<vmem_shared>>)
    %get3A_358 = arith.constant 0 : index
    %get3A_359 = tpu.vector_load %arg8[%get3A_358] {strides = array<i32>} : memref<10000xi32, #tpu.memory_space<vmem>>, vector<16xi32>,
    %get3A_360 = vector.shape_cast %get3A_359 : vector<16xi32> to vector<16xi32>
    %dma_wait3A_361 = arith.constant 0 : i32
    %dma_wait3A_362 = arith.constant 0 : i32
    %dma_wait3A_363 = tpu.memref_slice %arg19[%dma_wait3A_361, %dma_wait3A_362] : memref<10240x128xf32, #tpu.memory_space<vmem_shared>> -> memref<10240x128xf32, #tpu.memory_space<vmem_shared>>
    tpu.wait_indirect_dma semaphore(%arg34 : memref<!tpu.dma_semaphore, #tpu.memory_space<semaphore_mem>>) src(%arg13 : memref<16x128xf32, #tpu.memory_space<vmem>>) dst(%dma_wait3A_363 : memref<10240x128xf32, #tpu.memory_space<vmem_shared>>)
    %barrier3A_364 = arith.constant 0 : index
    tpu.barrier barrier_id(%barrier3A_364)
    "tpu.region"() ({
      %run_scoped3A = tpu.sem_alloc : memref<!tpu.dma_semaphore, #tpu.memory_space<semaphore_mem>>
      %dma_start3A_365 = arith.constant 0 : i32
      %dma_start3A_366 = tpu.memref_slice %arg6[%arg0, %mul3A_2, %dma_start3A_365] : memref<2x10240x128xf32, #tpu.memory_space<hbm>> -> memref<1x640x128xf32, #tpu.memory_space<hbm>>
      %dma_start3A_367 = tpu.memref_squeeze %dma_start3A_366 : memref<1x640x128xf32, #tpu.memory_space<hbm>> -> memref<640x128xf32, #tpu.memory_space<hbm>>
      %dma_start3A_368 = arith.constant 0 : i32
      %dma_start3A_369 = tpu.memref_slice %arg19[%mul3A_2, %dma_start3A_368] : memref<10240x128xf32, #tpu.memory_space<vmem_shared>> -> memref<640x128xf32, #tpu.memory_space<vmem_shared>>
      tpu.enqueue_dma source(%dma_start3A_369 : memref<640x128xf32, #tpu.memory_space<vmem_shared>>) target(%dma_start3A_367 : memref<640x128xf32, #tpu.memory_space<hbm>>) target_semaphore(%run_scoped3A : memref<!tpu.dma_semaphore, #tpu.memory_space<semaphore_mem>>)
      %dma_wait3A_370 = arith.constant 0 : i32
      %dma_wait3A_371 = tpu.memref_slice %arg6[%arg0, %mul3A_2, %dma_wait3A_370] : memref<2x10240x128xf32, #tpu.memory_space<hbm>> -> memref<1x640x128xf32, #tpu.memory_space<hbm>>
      %dma_wait3A_372 = tpu.memref_squeeze %dma_wait3A_371 : memref<1x640x128xf32, #tpu.memory_space<hbm>> -> memref<640x128xf32, #tpu.memory_space<hbm>>
      %dma_wait3A_373 = arith.constant 0 : i32
      %dma_wait3A_374 = tpu.memref_slice %arg19[%mul3A_2, %dma_wait3A_373] : memref<10240x128xf32, #tpu.memory_space<vmem_shared>> -> memref<640x128xf32, #tpu.memory_space<vmem_shared>>
      tpu.wait_dma2 semaphore(%run_scoped3A : memref<!tpu.dma_semaphore, #tpu.memory_space<semaphore_mem>>) src(%dma_wait3A_374 : memref<640x128xf32, #tpu.memory_space<vmem_shared>>) dst(%dma_wait3A_372 : memref<640x128xf32, #tpu.memory_space<hbm>>)
      tpu.yield
    }) : () -> ()
    return
  }
}

#map = affine_map<(d0, d1) -> (0, 0)>
#map1 = affine_map<(d0, d1) -> (0, 0, 0)>
module attributes {stable_mosaic.version = 14 : i64} {
  func.func @agg_kernel(%arg0: i32, %arg1: i32, %arg2: memref<10000x128xf32, #tpu.memory_space<hbm>>, %arg3: memref<32x10000xi32, #tpu.memory_space<hbm>>, %arg4: memref<32x10000xi32, #tpu.memory_space<hbm>>, %arg5: memref<640x128xf32, #tpu.memory_space<hbm>>, %arg6: memref<2x10240x128xf32, #tpu.memory_space<hbm>>, %arg7: memref<10000xi32, #tpu.memory_space<vmem>>, %arg8: memref<10000xi32, #tpu.memory_space<vmem>>, %arg9: memref<16x128xf32, #tpu.memory_space<vmem>>, %arg10: memref<16x128xf32, #tpu.memory_space<vmem>>, %arg11: memref<16x128xf32, #tpu.memory_space<vmem>>, %arg12: memref<16x128xf32, #tpu.memory_space<vmem>>, %arg13: memref<16x128xf32, #tpu.memory_space<vmem>>, %arg14: memref<16x128xf32, #tpu.memory_space<vmem>>, %arg15: memref<16x128xf32, #tpu.memory_space<vmem>>, %arg16: memref<16x128xf32, #tpu.memory_space<vmem>>, %arg17: memref<16x128xf32, #tpu.memory_space<vmem>>, %arg18: memref<16x128xf32, #tpu.memory_space<vmem>>, %arg19: memref<10240x128xf32, #tpu.memory_space<vmem_shared>>, %arg20: memref<!tpu.dma_semaphore, #tpu.memory_space<semaphore_mem>>, %arg21: memref<!tpu.dma_semaphore, #tpu.memory_space<semaphore_mem>>, %arg22: memref<!tpu.dma_semaphore, #tpu.memory_space<semaphore_mem>>, %arg23: memref<!tpu.dma_semaphore, #tpu.memory_space<semaphore_mem>>, %arg24: memref<!tpu.dma_semaphore, #tpu.memory_space<semaphore_mem>>, %arg25: memref<!tpu.dma_semaphore, #tpu.memory_space<semaphore_mem>>, %arg26: memref<!tpu.dma_semaphore, #tpu.memory_space<semaphore_mem>>, %arg27: memref<!tpu.dma_semaphore, #tpu.memory_space<semaphore_mem>>, %arg28: memref<!tpu.dma_semaphore, #tpu.memory_space<semaphore_mem>>, %arg29: memref<!tpu.dma_semaphore, #tpu.memory_space<semaphore_mem>>, %arg30: memref<!tpu.dma_semaphore, #tpu.memory_space<semaphore_mem>>, %arg31: memref<!tpu.dma_semaphore, #tpu.memory_space<semaphore_mem>>, %arg32: memref<!tpu.dma_semaphore, #tpu.memory_space<semaphore_mem>>, %arg33: memref<!tpu.dma_semaphore, #tpu.memory_space<semaphore_mem>>, %arg34: memref<!tpu.dma_semaphore, #tpu.memory_space<semaphore_mem>>, %arg35: memref<!tpu.dma_semaphore, #tpu.memory_space<semaphore_mem>>, %arg36: memref<!tpu.dma_semaphore, #tpu.memory_space<semaphore_mem>>, %arg37: memref<!tpu.dma_semaphore, #tpu.memory_space<semaphore_mem>>, %arg38: memref<!tpu.dma_semaphore, #tpu.memory_space<semaphore_mem>>, %arg39: memref<!tpu.dma_semaphore, #tpu.memory_space<semaphore_mem>>) attributes {dimension_semantics = [#tpu.dimension_semantics<core_parallel>, #tpu.dimension_semantics<subcore_parallel>], iteration_bounds = array<i64: 2, 16>, scalar_prefetch = 0 : i64, scratch_operands = 33 : i64, tpu.core_type = #tpu.core_type<sc_vector_subcore>, window_params = [{transform_indices = #map}, {transform_indices = #map}, {transform_indices = #map}, {transform_indices = #map}, {transform_indices = #map1}]} {
    %mul3A = arith.constant 2 : i32
    %mul3A_0 = arith.muli %arg1, %mul3A : i32
    %add3A = arith.addi %mul3A_0, %arg0 : i32
    %mul3A_1 = arith.constant 640 : i32
    %mul3A_2 = arith.muli %arg1, %mul3A_1 : i32
    "tpu.region"() ({
      %run_scoped3A = tpu.sem_alloc : memref<!tpu.dma_semaphore, #tpu.memory_space<semaphore_mem>>
      %dma_start3A_365 = arith.constant 0 : i32
      %dma_start3A_366 = tpu.memref_slice %arg19[%mul3A_2, %dma_start3A_365] : memref<10240x128xf32, #tpu.memory_space<vmem_shared>> -> memref<640x128xf32, #tpu.memory_space<vmem_shared>>
      tpu.enqueue_dma source(%arg5 : memref<640x128xf32, #tpu.memory_space<hbm>>) target(%dma_start3A_366 : memref<640x128xf32, #tpu.memory_space<vmem_shared>>) target_semaphore(%run_scoped3A : memref<!tpu.dma_semaphore, #tpu.memory_space<semaphore_mem>>)
      %dma_wait3A_367 = arith.constant 0 : i32
      %dma_wait3A_368 = tpu.memref_slice %arg19[%mul3A_2, %dma_wait3A_367] : memref<10240x128xf32, #tpu.memory_space<vmem_shared>> -> memref<640x128xf32, #tpu.memory_space<vmem_shared>>
      tpu.wait_dma2 semaphore(%run_scoped3A : memref<!tpu.dma_semaphore, #tpu.memory_space<semaphore_mem>>) src(%arg5 : memref<640x128xf32, #tpu.memory_space<hbm>>) dst(%dma_wait3A_368 : memref<640x128xf32, #tpu.memory_space<vmem_shared>>)
      tpu.yield
    }) : () -> ()
    "tpu.region"() ({
      %run_scoped3A = tpu.sem_alloc : memref<!tpu.dma_semaphore, #tpu.memory_space<semaphore_mem>>
      %dma_start3A_365 = arith.constant 0 : i32
      %dma_start3A_366 = tpu.memref_slice %arg3[%add3A, %dma_start3A_365] : memref<32x10000xi32, #tpu.memory_space<hbm>> -> memref<1x10000xi32, #tpu.memory_space<hbm>>
      %dma_start3A_367 = tpu.memref_squeeze %dma_start3A_366 : memref<1x10000xi32, #tpu.memory_space<hbm>> -> memref<10000xi32, #tpu.memory_space<hbm>>
      %dma_start3A_368 = arith.constant 0 : i32
      %dma_start3A_369 = tpu.memref_slice %arg3[%add3A, %dma_start3A_368] : memref<32x10000xi32, #tpu.memory_space<hbm>> -> memref<1x10000xi32, #tpu.memory_space<hbm>>
      %dma_start3A_370 = tpu.memref_squeeze %dma_start3A_369 : memref<1x10000xi32, #tpu.memory_space<hbm>> -> memref<10000xi32, #tpu.memory_space<hbm>>
      tpu.enqueue_dma source(%dma_start3A_370 : memref<10000xi32, #tpu.memory_space<hbm>>) target(%arg7 : memref<10000xi32, #tpu.memory_space<vmem>>) target_semaphore(%run_scoped3A : memref<!tpu.dma_semaphore, #tpu.memory_space<semaphore_mem>>)
      %dma_wait3A_371 = arith.constant 0 : i32
      %dma_wait3A_372 = tpu.memref_slice %arg3[%add3A, %dma_wait3A_371] : memref<32x10000xi32, #tpu.memory_space<hbm>> -> memref<1x10000xi32, #tpu.memory_space<hbm>>
      %dma_wait3A_373 = tpu.memref_squeeze %dma_wait3A_372 : memref<1x10000xi32, #tpu.memory_space<hbm>> -> memref<10000xi32, #tpu.memory_space<hbm>>
      %dma_wait3A_374 = arith.constant 0 : i32
      %dma_wait3A_375 = tpu.memref_slice %arg3[%add3A, %dma_wait3A_374] : memref<32x10000xi32, #tpu.memory_space<hbm>> -> memref<1x10000xi32, #tpu.memory_space<hbm>>
      %dma_wait3A_376 = tpu.memref_squeeze %dma_wait3A_375 : memref<1x10000xi32, #tpu.memory_space<hbm>> -> memref<10000xi32, #tpu.memory_space<hbm>>
      tpu.wait_dma2 semaphore(%run_scoped3A : memref<!tpu.dma_semaphore, #tpu.memory_space<semaphore_mem>>) src(%dma_wait3A_376 : memref<10000xi32, #tpu.memory_space<hbm>>) dst(%arg7 : memref<10000xi32, #tpu.memory_space<vmem>>)
      tpu.yield
    }) : () -> ()
    "tpu.region"() ({
      %run_scoped3A = tpu.sem_alloc : memref<!tpu.dma_semaphore, #tpu.memory_space<semaphore_mem>>
      %dma_start3A_365 = arith.constant 0 : i32
      %dma_start3A_366 = tpu.memref_slice %arg4[%add3A, %dma_start3A_365] : memref<32x10000xi32, #tpu.memory_space<hbm>> -> memref<1x10000xi32, #tpu.memory_space<hbm>>
      %dma_start3A_367 = tpu.memref_squeeze %dma_start3A_366 : memref<1x10000xi32, #tpu.memory_space<hbm>> -> memref<10000xi32, #tpu.memory_space<hbm>>
      %dma_start3A_368 = arith.constant 0 : i32
      %dma_start3A_369 = tpu.memref_slice %arg4[%add3A, %dma_start3A_368] : memref<32x10000xi32, #tpu.memory_space<hbm>> -> memref<1x10000xi32, #tpu.memory_space<hbm>>
      %dma_start3A_370 = tpu.memref_squeeze %dma_start3A_369 : memref<1x10000xi32, #tpu.memory_space<hbm>> -> memref<10000xi32, #tpu.memory_space<hbm>>
      tpu.enqueue_dma source(%dma_start3A_370 : memref<10000xi32, #tpu.memory_space<hbm>>) target(%arg8 : memref<10000xi32, #tpu.memory_space<vmem>>) target_semaphore(%run_scoped3A : memref<!tpu.dma_semaphore, #tpu.memory_space<semaphore_mem>>)
      %dma_wait3A_371 = arith.constant 0 : i32
      %dma_wait3A_372 = tpu.memref_slice %arg4[%add3A, %dma_wait3A_371] : memref<32x10000xi32, #tpu.memory_space<hbm>> -> memref<1x10000xi32, #tpu.memory_space<hbm>>
      %dma_wait3A_373 = tpu.memref_squeeze %dma_wait3A_372 : memref<1x10000xi32, #tpu.memory_space<hbm>> -> memref<10000xi32, #tpu.memory_space<hbm>>
      %dma_wait3A_374 = arith.constant 0 : i32
      %dma_wait3A_375 = tpu.memref_slice %arg4[%add3A, %dma_wait3A_374] : memref<32x10000xi32, #tpu.memory_space<hbm>> -> memref<1x10000xi32, #tpu.memory_space<hbm>>
      %dma_wait3A_376 = tpu.memref_squeeze %dma_wait3A_375 : memref<1x10000xi32, #tpu.memory_space<hbm>> -> memref<10000xi32, #tpu.memory_space<hbm>>
      tpu.wait_dma2 semaphore(%run_scoped3A : memref<!tpu.dma_semaphore, #tpu.memory_space<semaphore_mem>>) src(%dma_wait3A_376 : memref<10000xi32, #tpu.memory_space<hbm>>) dst(%arg8 : memref<10000xi32, #tpu.memory_space<vmem>>)
      tpu.yield
    }) : () -> ()
    %barrier3A = arith.constant 0 : index
    tpu.barrier barrier_id(%barrier3A)
    %get3A = arith.constant 0 : index
    %get3A_3 = tpu.vector_load %arg7[%get3A] {strides = array<i32>} : memref<10000xi32, #tpu.memory_space<vmem>>, vector<16xi32>,
    %get3A_4 = vector.shape_cast %get3A_3 : vector<16xi32> to vector<16xi32>
    %dma_start3A = arith.constant 0 : i32
    %dma_start3A_5 = arith.constant 0 : i32
    %dma_start3A_6 = tpu.memref_slice %arg2[%dma_start3A, %dma_start3A_5] : memref<10000x128xf32, #tpu.memory_space<hbm>> -> memref<10000x128xf32, #tpu.memory_space<hbm>>
    tpu.enqueue_indirect_dma source(%dma_start3A_6 : memref<10000x128xf32, #tpu.memory_space<hbm>>) target(%arg9 : memref<16x128xf32, #tpu.memory_space<vmem>>) offsets(%get3A_4 : vector<16xi32>) semaphore(%arg20 : memref<!tpu.dma_semaphore, #tpu.memory_space<semaphore_mem>>)
    %get3A_7 = arith.constant 16 : index
    %get3A_8 = tpu.vector_load %arg7[%get3A_7] {strides = array<i32>} : memref<10000xi32, #tpu.memory_space<vmem>>, vector<16xi32>,
    %get3A_9 = vector.shape_cast %get3A_8 : vector<16xi32> to vector<16xi32>
    %dma_start3A_10 = arith.constant 0 : i32
    %dma_start3A_11 = arith.constant 0 : i32
    %dma_start3A_12 = tpu.memref_slice %arg2[%dma_start3A_10, %dma_start3A_11] : memref<10000x128xf32, #tpu.memory_space<hbm>> -> memref<10000x128xf32, #tpu.memory_space<hbm>>
    tpu.enqueue_indirect_dma source(%dma_start3A_12 : memref<10000x128xf32, #tpu.memory_space<hbm>>) target(%arg10 : memref<16x128xf32, #tpu.memory_space<vmem>>) offsets(%get3A_9 : vector<16xi32>) semaphore(%arg21 : memref<!tpu.dma_semaphore, #tpu.memory_space<semaphore_mem>>)
    %get3A_13 = arith.constant 32 : index
    %get3A_14 = tpu.vector_load %arg7[%get3A_13] {strides = array<i32>} : memref<10000xi32, #tpu.memory_space<vmem>>, vector<16xi32>,
    %get3A_15 = vector.shape_cast %get3A_14 : vector<16xi32> to vector<16xi32>
    %dma_start3A_16 = arith.constant 0 : i32
    %dma_start3A_17 = arith.constant 0 : i32
    %dma_start3A_18 = tpu.memref_slice %arg2[%dma_start3A_16, %dma_start3A_17] : memref<10000x128xf32, #tpu.memory_space<hbm>> -> memref<10000x128xf32, #tpu.memory_space<hbm>>
    tpu.enqueue_indirect_dma source(%dma_start3A_18 : memref<10000x128xf32, #tpu.memory_space<hbm>>) target(%arg11 : memref<16x128xf32, #tpu.memory_space<vmem>>) offsets(%get3A_15 : vector<16xi32>) semaphore(%arg22 : memref<!tpu.dma_semaphore, #tpu.memory_space<semaphore_mem>>)
    %get3A_19 = arith.constant 48 : index
    %get3A_20 = tpu.vector_load %arg7[%get3A_19] {strides = array<i32>} : memref<10000xi32, #tpu.memory_space<vmem>>, vector<16xi32>,
    %get3A_21 = vector.shape_cast %get3A_20 : vector<16xi32> to vector<16xi32>
    %dma_start3A_22 = arith.constant 0 : i32
    %dma_start3A_23 = arith.constant 0 : i32
    %dma_start3A_24 = tpu.memref_slice %arg2[%dma_start3A_22, %dma_start3A_23] : memref<10000x128xf32, #tpu.memory_space<hbm>> -> memref<10000x128xf32, #tpu.memory_space<hbm>>
    tpu.enqueue_indirect_dma source(%dma_start3A_24 : memref<10000x128xf32, #tpu.memory_space<hbm>>) target(%arg12 : memref<16x128xf32, #tpu.memory_space<vmem>>) offsets(%get3A_21 : vector<16xi32>) semaphore(%arg23 : memref<!tpu.dma_semaphore, #tpu.memory_space<semaphore_mem>>)
    %get3A_25 = arith.constant 64 : index
    %get3A_26 = tpu.vector_load %arg7[%get3A_25] {strides = array<i32>} : memref<10000xi32, #tpu.memory_space<vmem>>, vector<16xi32>,
    %get3A_27 = vector.shape_cast %get3A_26 : vector<16xi32> to vector<16xi32>
    %dma_start3A_28 = arith.constant 0 : i32
    %dma_start3A_29 = arith.constant 0 : i32
    %dma_start3A_30 = tpu.memref_slice %arg2[%dma_start3A_28, %dma_start3A_29] : memref<10000x128xf32, #tpu.memory_space<hbm>> -> memref<10000x128xf32, #tpu.memory_space<hbm>>
    tpu.enqueue_indirect_dma source(%dma_start3A_30 : memref<10000x128xf32, #tpu.memory_space<hbm>>) target(%arg13 : memref<16x128xf32, #tpu.memory_space<vmem>>) offsets(%get3A_27 : vector<16xi32>) semaphore(%arg24 : memref<!tpu.dma_semaphore, #tpu.memory_space<semaphore_mem>>)
    %get3A_31 = arith.constant 0 : index
    %get3A_32 = tpu.vector_load %arg7[%get3A_31] {strides = array<i32>} : memref<10000xi32, #tpu.memory_space<vmem>>, vector<16xi32>,
    %get3A_33 = vector.shape_cast %get3A_32 : vector<16xi32> to vector<16xi32>
    %dma_wait3A = arith.constant 0 : i32
    %dma_wait3A_34 = arith.constant 0 : i32
    %dma_wait3A_35 = tpu.memref_slice %arg2[%dma_wait3A, %dma_wait3A_34] : memref<10000x128xf32, #tpu.memory_space<hbm>> -> memref<10000x128xf32, #tpu.memory_space<hbm>>
    tpu.wait_indirect_dma semaphore(%arg20 : memref<!tpu.dma_semaphore, #tpu.memory_space<semaphore_mem>>) src(%dma_wait3A_35 : memref<10000x128xf32, #tpu.memory_space<hbm>>) dst(%arg9 : memref<16x128xf32, #tpu.memory_space<vmem>>)
    %get3A_36 = arith.constant 0 : index
    %get3A_37 = tpu.vector_load %arg8[%get3A_36] {strides = array<i32>} : memref<10000xi32, #tpu.memory_space<vmem>>, vector<16xi32>,
    %get3A_38 = vector.shape_cast %get3A_37 : vector<16xi32> to vector<16xi32>
    %dma_start3A_39 = arith.constant 0 : i32
    %dma_start3A_40 = arith.constant 0 : i32
    %dma_start3A_41 = tpu.memref_slice %arg19[%dma_start3A_39, %dma_start3A_40] : memref<10240x128xf32, #tpu.memory_space<vmem_shared>> -> memref<10240x128xf32, #tpu.memory_space<vmem_shared>>
    tpu.enqueue_indirect_dma source(%arg9 : memref<16x128xf32, #tpu.memory_space<vmem>>) target(%dma_start3A_41 : memref<10240x128xf32, #tpu.memory_space<vmem_shared>>) offsets(%get3A_38 : vector<16xi32>) semaphore(%arg30 : memref<!tpu.dma_semaphore, #tpu.memory_space<semaphore_mem>>) {add = true}
    %get3A_42 = arith.constant 0 : index
    %get3A_43 = tpu.vector_load %arg7[%get3A_42] {strides = array<i32>} : memref<10000xi32, #tpu.memory_space<vmem>>, vector<16xi32>,
    %get3A_44 = vector.shape_cast %get3A_43 : vector<16xi32> to vector<16xi32>
    %dma_wait3A_45 = arith.constant 0 : i32
    %dma_wait3A_46 = arith.constant 0 : i32
    %dma_wait3A_47 = tpu.memref_slice %arg2[%dma_wait3A_45, %dma_wait3A_46] : memref<10000x128xf32, #tpu.memory_space<hbm>> -> memref<10000x128xf32, #tpu.memory_space<hbm>>
    tpu.wait_indirect_dma semaphore(%arg21 : memref<!tpu.dma_semaphore, #tpu.memory_space<semaphore_mem>>) src(%dma_wait3A_47 : memref<10000x128xf32, #tpu.memory_space<hbm>>) dst(%arg10 : memref<16x128xf32, #tpu.memory_space<vmem>>)
    %get3A_48 = arith.constant 16 : index
    %get3A_49 = tpu.vector_load %arg8[%get3A_48] {strides = array<i32>} : memref<10000xi32, #tpu.memory_space<vmem>>, vector<16xi32>,
    %get3A_50 = vector.shape_cast %get3A_49 : vector<16xi32> to vector<16xi32>
    %dma_start3A_51 = arith.constant 0 : i32
    %dma_start3A_52 = arith.constant 0 : i32
    %dma_start3A_53 = tpu.memref_slice %arg19[%dma_start3A_51, %dma_start3A_52] : memref<10240x128xf32, #tpu.memory_space<vmem_shared>> -> memref<10240x128xf32, #tpu.memory_space<vmem_shared>>
    tpu.enqueue_indirect_dma source(%arg10 : memref<16x128xf32, #tpu.memory_space<vmem>>) target(%dma_start3A_53 : memref<10240x128xf32, #tpu.memory_space<vmem_shared>>) offsets(%get3A_50 : vector<16xi32>) semaphore(%arg31 : memref<!tpu.dma_semaphore, #tpu.memory_space<semaphore_mem>>) {add = true}
    %get3A_54 = arith.constant 0 : index
    %get3A_55 = tpu.vector_load %arg7[%get3A_54] {strides = array<i32>} : memref<10000xi32, #tpu.memory_space<vmem>>, vector<16xi32>,
    %get3A_56 = vector.shape_cast %get3A_55 : vector<16xi32> to vector<16xi32>
    %dma_wait3A_57 = arith.constant 0 : i32
    %dma_wait3A_58 = arith.constant 0 : i32
    %dma_wait3A_59 = tpu.memref_slice %arg2[%dma_wait3A_57, %dma_wait3A_58] : memref<10000x128xf32, #tpu.memory_space<hbm>> -> memref<10000x128xf32, #tpu.memory_space<hbm>>
    tpu.wait_indirect_dma semaphore(%arg22 : memref<!tpu.dma_semaphore, #tpu.memory_space<semaphore_mem>>) src(%dma_wait3A_59 : memref<10000x128xf32, #tpu.memory_space<hbm>>) dst(%arg11 : memref<16x128xf32, #tpu.memory_space<vmem>>)
    %get3A_60 = arith.constant 32 : index
    %get3A_61 = tpu.vector_load %arg8[%get3A_60] {strides = array<i32>} : memref<10000xi32, #tpu.memory_space<vmem>>, vector<16xi32>,
    %get3A_62 = vector.shape_cast %get3A_61 : vector<16xi32> to vector<16xi32>
    %dma_start3A_63 = arith.constant 0 : i32
    %dma_start3A_64 = arith.constant 0 : i32
    %dma_start3A_65 = tpu.memref_slice %arg19[%dma_start3A_63, %dma_start3A_64] : memref<10240x128xf32, #tpu.memory_space<vmem_shared>> -> memref<10240x128xf32, #tpu.memory_space<vmem_shared>>
    tpu.enqueue_indirect_dma source(%arg11 : memref<16x128xf32, #tpu.memory_space<vmem>>) target(%dma_start3A_65 : memref<10240x128xf32, #tpu.memory_space<vmem_shared>>) offsets(%get3A_62 : vector<16xi32>) semaphore(%arg32 : memref<!tpu.dma_semaphore, #tpu.memory_space<semaphore_mem>>) {add = true}
    %get3A_66 = arith.constant 0 : index
    %get3A_67 = tpu.vector_load %arg7[%get3A_66] {strides = array<i32>} : memref<10000xi32, #tpu.memory_space<vmem>>, vector<16xi32>,
    %get3A_68 = vector.shape_cast %get3A_67 : vector<16xi32> to vector<16xi32>
    %dma_wait3A_69 = arith.constant 0 : i32
    %dma_wait3A_70 = arith.constant 0 : i32
    %dma_wait3A_71 = tpu.memref_slice %arg2[%dma_wait3A_69, %dma_wait3A_70] : memref<10000x128xf32, #tpu.memory_space<hbm>> -> memref<10000x128xf32, #tpu.memory_space<hbm>>
    tpu.wait_indirect_dma semaphore(%arg23 : memref<!tpu.dma_semaphore, #tpu.memory_space<semaphore_mem>>) src(%dma_wait3A_71 : memref<10000x128xf32, #tpu.memory_space<hbm>>) dst(%arg12 : memref<16x128xf32, #tpu.memory_space<vmem>>)
    %get3A_72 = arith.constant 48 : index
    %get3A_73 = tpu.vector_load %arg8[%get3A_72] {strides = array<i32>} : memref<10000xi32, #tpu.memory_space<vmem>>, vector<16xi32>,
    %get3A_74 = vector.shape_cast %get3A_73 : vector<16xi32> to vector<16xi32>
    %dma_start3A_75 = arith.constant 0 : i32
    %dma_start3A_76 = arith.constant 0 : i32
    %dma_start3A_77 = tpu.memref_slice %arg19[%dma_start3A_75, %dma_start3A_76] : memref<10240x128xf32, #tpu.memory_space<vmem_shared>> -> memref<10240x128xf32, #tpu.memory_space<vmem_shared>>
    tpu.enqueue_indirect_dma source(%arg12 : memref<16x128xf32, #tpu.memory_space<vmem>>) target(%dma_start3A_77 : memref<10240x128xf32, #tpu.memory_space<vmem_shared>>) offsets(%get3A_74 : vector<16xi32>) semaphore(%arg33 : memref<!tpu.dma_semaphore, #tpu.memory_space<semaphore_mem>>) {add = true}
    %get3A_78 = arith.constant 0 : index
    %get3A_79 = tpu.vector_load %arg7[%get3A_78] {strides = array<i32>} : memref<10000xi32, #tpu.memory_space<vmem>>, vector<16xi32>,
    %get3A_80 = vector.shape_cast %get3A_79 : vector<16xi32> to vector<16xi32>
    %dma_wait3A_81 = arith.constant 0 : i32
    %dma_wait3A_82 = arith.constant 0 : i32
    %dma_wait3A_83 = tpu.memref_slice %arg2[%dma_wait3A_81, %dma_wait3A_82] : memref<10000x128xf32, #tpu.memory_space<hbm>> -> memref<10000x128xf32, #tpu.memory_space<hbm>>
    tpu.wait_indirect_dma semaphore(%arg24 : memref<!tpu.dma_semaphore, #tpu.memory_space<semaphore_mem>>) src(%dma_wait3A_83 : memref<10000x128xf32, #tpu.memory_space<hbm>>) dst(%arg13 : memref<16x128xf32, #tpu.memory_space<vmem>>)
    %get3A_84 = arith.constant 64 : index
    %get3A_85 = tpu.vector_load %arg8[%get3A_84] {strides = array<i32>} : memref<10000xi32, #tpu.memory_space<vmem>>, vector<16xi32>,
    %get3A_86 = vector.shape_cast %get3A_85 : vector<16xi32> to vector<16xi32>
    %dma_start3A_87 = arith.constant 0 : i32
    %dma_start3A_88 = arith.constant 0 : i32
    %dma_start3A_89 = tpu.memref_slice %arg19[%dma_start3A_87, %dma_start3A_88] : memref<10240x128xf32, #tpu.memory_space<vmem_shared>> -> memref<10240x128xf32, #tpu.memory_space<vmem_shared>>
    tpu.enqueue_indirect_dma source(%arg13 : memref<16x128xf32, #tpu.memory_space<vmem>>) target(%dma_start3A_89 : memref<10240x128xf32, #tpu.memory_space<vmem_shared>>) offsets(%get3A_86 : vector<16xi32>) semaphore(%arg34 : memref<!tpu.dma_semaphore, #tpu.memory_space<semaphore_mem>>) {add = true}
    %get3A_90 = arith.constant 80 : index
    %get3A_91 = tpu.vector_load %arg7[%get3A_90] {strides = array<i32>} : memref<10000xi32, #tpu.memory_space<vmem>>, vector<16xi32>,
    %get3A_92 = vector.shape_cast %get3A_91 : vector<16xi32> to vector<16xi32>
    %dma_start3A_93 = arith.constant 0 : i32
    %dma_start3A_94 = arith.constant 0 : i32
    %dma_start3A_95 = tpu.memref_slice %arg2[%dma_start3A_93, %dma_start3A_94] : memref<10000x128xf32, #tpu.memory_space<hbm>> -> memref<10000x128xf32, #tpu.memory_space<hbm>>
    tpu.enqueue_indirect_dma source(%dma_start3A_95 : memref<10000x128xf32, #tpu.memory_space<hbm>>) target(%arg14 : memref<16x128xf32, #tpu.memory_space<vmem>>) offsets(%get3A_92 : vector<16xi32>) semaphore(%arg25 : memref<!tpu.dma_semaphore, #tpu.memory_space<semaphore_mem>>)
    %get3A_96 = arith.constant 96 : index
    %get3A_97 = tpu.vector_load %arg7[%get3A_96] {strides = array<i32>} : memref<10000xi32, #tpu.memory_space<vmem>>, vector<16xi32>,
    %get3A_98 = vector.shape_cast %get3A_97 : vector<16xi32> to vector<16xi32>
    %dma_start3A_99 = arith.constant 0 : i32
    %dma_start3A_100 = arith.constant 0 : i32
    %dma_start3A_101 = tpu.memref_slice %arg2[%dma_start3A_99, %dma_start3A_100] : memref<10000x128xf32, #tpu.memory_space<hbm>> -> memref<10000x128xf32, #tpu.memory_space<hbm>>
    tpu.enqueue_indirect_dma source(%dma_start3A_101 : memref<10000x128xf32, #tpu.memory_space<hbm>>) target(%arg15 : memref<16x128xf32, #tpu.memory_space<vmem>>) offsets(%get3A_98 : vector<16xi32>) semaphore(%arg26 : memref<!tpu.dma_semaphore, #tpu.memory_space<semaphore_mem>>)
    %get3A_102 = arith.constant 112 : index
    %get3A_103 = tpu.vector_load %arg7[%get3A_102] {strides = array<i32>} : memref<10000xi32, #tpu.memory_space<vmem>>, vector<16xi32>,
    %get3A_104 = vector.shape_cast %get3A_103 : vector<16xi32> to vector<16xi32>
    %dma_start3A_105 = arith.constant 0 : i32
    %dma_start3A_106 = arith.constant 0 : i32
    %dma_start3A_107 = tpu.memref_slice %arg2[%dma_start3A_105, %dma_start3A_106] : memref<10000x128xf32, #tpu.memory_space<hbm>> -> memref<10000x128xf32, #tpu.memory_space<hbm>>
    tpu.enqueue_indirect_dma source(%dma_start3A_107 : memref<10000x128xf32, #tpu.memory_space<hbm>>) target(%arg16 : memref<16x128xf32, #tpu.memory_space<vmem>>) offsets(%get3A_104 : vector<16xi32>) semaphore(%arg27 : memref<!tpu.dma_semaphore, #tpu.memory_space<semaphore_mem>>)
    %get3A_108 = arith.constant 128 : index
    %get3A_109 = tpu.vector_load %arg7[%get3A_108] {strides = array<i32>} : memref<10000xi32, #tpu.memory_space<vmem>>, vector<16xi32>,
    %get3A_110 = vector.shape_cast %get3A_109 : vector<16xi32> to vector<16xi32>
    %dma_start3A_111 = arith.constant 0 : i32
    %dma_start3A_112 = arith.constant 0 : i32
    %dma_start3A_113 = tpu.memref_slice %arg2[%dma_start3A_111, %dma_start3A_112] : memref<10000x128xf32, #tpu.memory_space<hbm>> -> memref<10000x128xf32, #tpu.memory_space<hbm>>
    tpu.enqueue_indirect_dma source(%dma_start3A_113 : memref<10000x128xf32, #tpu.memory_space<hbm>>) target(%arg17 : memref<16x128xf32, #tpu.memory_space<vmem>>) offsets(%get3A_110 : vector<16xi32>) semaphore(%arg28 : memref<!tpu.dma_semaphore, #tpu.memory_space<semaphore_mem>>)
    %get3A_114 = arith.constant 144 : index
    %get3A_115 = tpu.vector_load %arg7[%get3A_114] {strides = array<i32>} : memref<10000xi32, #tpu.memory_space<vmem>>, vector<16xi32>,
    %get3A_116 = vector.shape_cast %get3A_115 : vector<16xi32> to vector<16xi32>
    %dma_start3A_117 = arith.constant 0 : i32
    %dma_start3A_118 = arith.constant 0 : i32
    %dma_start3A_119 = tpu.memref_slice %arg2[%dma_start3A_117, %dma_start3A_118] : memref<10000x128xf32, #tpu.memory_space<hbm>> -> memref<10000x128xf32, #tpu.memory_space<hbm>>
    tpu.enqueue_indirect_dma source(%dma_start3A_119 : memref<10000x128xf32, #tpu.memory_space<hbm>>) target(%arg18 : memref<16x128xf32, #tpu.memory_space<vmem>>) offsets(%get3A_116 : vector<16xi32>) semaphore(%arg29 : memref<!tpu.dma_semaphore, #tpu.memory_space<semaphore_mem>>)
    %get3A_120 = arith.constant 0 : index
    %get3A_121 = tpu.vector_load %arg7[%get3A_120] {strides = array<i32>} : memref<10000xi32, #tpu.memory_space<vmem>>, vector<16xi32>,
    %get3A_122 = vector.shape_cast %get3A_121 : vector<16xi32> to vector<16xi32>
    %dma_wait3A_123 = arith.constant 0 : i32
    %dma_wait3A_124 = arith.constant 0 : i32
    %dma_wait3A_125 = tpu.memref_slice %arg2[%dma_wait3A_123, %dma_wait3A_124] : memref<10000x128xf32, #tpu.memory_space<hbm>> -> memref<10000x128xf32, #tpu.memory_space<hbm>>
    tpu.wait_indirect_dma semaphore(%arg25 : memref<!tpu.dma_semaphore, #tpu.memory_space<semaphore_mem>>) src(%dma_wait3A_125 : memref<10000x128xf32, #tpu.memory_space<hbm>>) dst(%arg14 : memref<16x128xf32, #tpu.memory_space<vmem>>)
    %get3A_126 = arith.constant 80 : index
    %get3A_127 = tpu.vector_load %arg8[%get3A_126] {strides = array<i32>} : memref<10000xi32, #tpu.memory_space<vmem>>, vector<16xi32>,
    %get3A_128 = vector.shape_cast %get3A_127 : vector<16xi32> to vector<16xi32>
    %dma_start3A_129 = arith.constant 0 : i32
    %dma_start3A_130 = arith.constant 0 : i32
    %dma_start3A_131 = tpu.memref_slice %arg19[%dma_start3A_129, %dma_start3A_130] : memref<10240x128xf32, #tpu.memory_space<vmem_shared>> -> memref<10240x128xf32, #tpu.memory_space<vmem_shared>>
    tpu.enqueue_indirect_dma source(%arg14 : memref<16x128xf32, #tpu.memory_space<vmem>>) target(%dma_start3A_131 : memref<10240x128xf32, #tpu.memory_space<vmem_shared>>) offsets(%get3A_128 : vector<16xi32>) semaphore(%arg35 : memref<!tpu.dma_semaphore, #tpu.memory_space<semaphore_mem>>) {add = true}
    %get3A_132 = arith.constant 0 : index
    %get3A_133 = tpu.vector_load %arg7[%get3A_132] {strides = array<i32>} : memref<10000xi32, #tpu.memory_space<vmem>>, vector<16xi32>,
    %get3A_134 = vector.shape_cast %get3A_133 : vector<16xi32> to vector<16xi32>
    %dma_wait3A_135 = arith.constant 0 : i32
    %dma_wait3A_136 = arith.constant 0 : i32
    %dma_wait3A_137 = tpu.memref_slice %arg2[%dma_wait3A_135, %dma_wait3A_136] : memref<10000x128xf32, #tpu.memory_space<hbm>> -> memref<10000x128xf32, #tpu.memory_space<hbm>>
    tpu.wait_indirect_dma semaphore(%arg26 : memref<!tpu.dma_semaphore, #tpu.memory_space<semaphore_mem>>) src(%dma_wait3A_137 : memref<10000x128xf32, #tpu.memory_space<hbm>>) dst(%arg15 : memref<16x128xf32, #tpu.memory_space<vmem>>)
    %get3A_138 = arith.constant 96 : index
    %get3A_139 = tpu.vector_load %arg8[%get3A_138] {strides = array<i32>} : memref<10000xi32, #tpu.memory_space<vmem>>, vector<16xi32>,
    %get3A_140 = vector.shape_cast %get3A_139 : vector<16xi32> to vector<16xi32>
    %dma_start3A_141 = arith.constant 0 : i32
    %dma_start3A_142 = arith.constant 0 : i32
    %dma_start3A_143 = tpu.memref_slice %arg19[%dma_start3A_141, %dma_start3A_142] : memref<10240x128xf32, #tpu.memory_space<vmem_shared>> -> memref<10240x128xf32, #tpu.memory_space<vmem_shared>>
    tpu.enqueue_indirect_dma source(%arg15 : memref<16x128xf32, #tpu.memory_space<vmem>>) target(%dma_start3A_143 : memref<10240x128xf32, #tpu.memory_space<vmem_shared>>) offsets(%get3A_140 : vector<16xi32>) semaphore(%arg36 : memref<!tpu.dma_semaphore, #tpu.memory_space<semaphore_mem>>) {add = true}
    %get3A_144 = arith.constant 0 : index
    %get3A_145 = tpu.vector_load %arg7[%get3A_144] {strides = array<i32>} : memref<10000xi32, #tpu.memory_space<vmem>>, vector<16xi32>,
    %get3A_146 = vector.shape_cast %get3A_145 : vector<16xi32> to vector<16xi32>
    %dma_wait3A_147 = arith.constant 0 : i32
    %dma_wait3A_148 = arith.constant 0 : i32
    %dma_wait3A_149 = tpu.memref_slice %arg2[%dma_wait3A_147, %dma_wait3A_148] : memref<10000x128xf32, #tpu.memory_space<hbm>> -> memref<10000x128xf32, #tpu.memory_space<hbm>>
    tpu.wait_indirect_dma semaphore(%arg27 : memref<!tpu.dma_semaphore, #tpu.memory_space<semaphore_mem>>) src(%dma_wait3A_149 : memref<10000x128xf32, #tpu.memory_space<hbm>>) dst(%arg16 : memref<16x128xf32, #tpu.memory_space<vmem>>)
    %get3A_150 = arith.constant 112 : index
    %get3A_151 = tpu.vector_load %arg8[%get3A_150] {strides = array<i32>} : memref<10000xi32, #tpu.memory_space<vmem>>, vector<16xi32>,
    %get3A_152 = vector.shape_cast %get3A_151 : vector<16xi32> to vector<16xi32>
    %dma_start3A_153 = arith.constant 0 : i32
    %dma_start3A_154 = arith.constant 0 : i32
    %dma_start3A_155 = tpu.memref_slice %arg19[%dma_start3A_153, %dma_start3A_154] : memref<10240x128xf32, #tpu.memory_space<vmem_shared>> -> memref<10240x128xf32, #tpu.memory_space<vmem_shared>>
    tpu.enqueue_indirect_dma source(%arg16 : memref<16x128xf32, #tpu.memory_space<vmem>>) target(%dma_start3A_155 : memref<10240x128xf32, #tpu.memory_space<vmem_shared>>) offsets(%get3A_152 : vector<16xi32>) semaphore(%arg37 : memref<!tpu.dma_semaphore, #tpu.memory_space<semaphore_mem>>) {add = true}
    %get3A_156 = arith.constant 0 : index
    %get3A_157 = tpu.vector_load %arg7[%get3A_156] {strides = array<i32>} : memref<10000xi32, #tpu.memory_space<vmem>>, vector<16xi32>,
    %get3A_158 = vector.shape_cast %get3A_157 : vector<16xi32> to vector<16xi32>
    %dma_wait3A_159 = arith.constant 0 : i32
    %dma_wait3A_160 = arith.constant 0 : i32
    %dma_wait3A_161 = tpu.memref_slice %arg2[%dma_wait3A_159, %dma_wait3A_160] : memref<10000x128xf32, #tpu.memory_space<hbm>> -> memref<10000x128xf32, #tpu.memory_space<hbm>>
    tpu.wait_indirect_dma semaphore(%arg28 : memref<!tpu.dma_semaphore, #tpu.memory_space<semaphore_mem>>) src(%dma_wait3A_161 : memref<10000x128xf32, #tpu.memory_space<hbm>>) dst(%arg17 : memref<16x128xf32, #tpu.memory_space<vmem>>)
    %get3A_162 = arith.constant 128 : index
    %get3A_163 = tpu.vector_load %arg8[%get3A_162] {strides = array<i32>} : memref<10000xi32, #tpu.memory_space<vmem>>, vector<16xi32>,
    %get3A_164 = vector.shape_cast %get3A_163 : vector<16xi32> to vector<16xi32>
    %dma_start3A_165 = arith.constant 0 : i32
    %dma_start3A_166 = arith.constant 0 : i32
    %dma_start3A_167 = tpu.memref_slice %arg19[%dma_start3A_165, %dma_start3A_166] : memref<10240x128xf32, #tpu.memory_space<vmem_shared>> -> memref<10240x128xf32, #tpu.memory_space<vmem_shared>>
    tpu.enqueue_indirect_dma source(%arg17 : memref<16x128xf32, #tpu.memory_space<vmem>>) target(%dma_start3A_167 : memref<10240x128xf32, #tpu.memory_space<vmem_shared>>) offsets(%get3A_164 : vector<16xi32>) semaphore(%arg38 : memref<!tpu.dma_semaphore, #tpu.memory_space<semaphore_mem>>) {add = true}
    %get3A_168 = arith.constant 0 : index
    %get3A_169 = tpu.vector_load %arg7[%get3A_168] {strides = array<i32>} : memref<10000xi32, #tpu.memory_space<vmem>>, vector<16xi32>,
    %get3A_170 = vector.shape_cast %get3A_169 : vector<16xi32> to vector<16xi32>
    %dma_wait3A_171 = arith.constant 0 : i32
    %dma_wait3A_172 = arith.constant 0 : i32
    %dma_wait3A_173 = tpu.memref_slice %arg2[%dma_wait3A_171, %dma_wait3A_172] : memref<10000x128xf32, #tpu.memory_space<hbm>> -> memref<10000x128xf32, #tpu.memory_space<hbm>>
    tpu.wait_indirect_dma semaphore(%arg29 : memref<!tpu.dma_semaphore, #tpu.memory_space<semaphore_mem>>) src(%dma_wait3A_173 : memref<10000x128xf32, #tpu.memory_space<hbm>>) dst(%arg18 : memref<16x128xf32, #tpu.memory_space<vmem>>)
    %get3A_174 = arith.constant 144 : index
    %get3A_175 = tpu.vector_load %arg8[%get3A_174] {strides = array<i32>} : memref<10000xi32, #tpu.memory_space<vmem>>, vector<16xi32>,
    %get3A_176 = vector.shape_cast %get3A_175 : vector<16xi32> to vector<16xi32>
    %dma_start3A_177 = arith.constant 0 : i32
    %dma_start3A_178 = arith.constant 0 : i32
    %dma_start3A_179 = tpu.memref_slice %arg19[%dma_start3A_177, %dma_start3A_178] : memref<10240x128xf32, #tpu.memory_space<vmem_shared>> -> memref<10240x128xf32, #tpu.memory_space<vmem_shared>>
    tpu.enqueue_indirect_dma source(%arg18 : memref<16x128xf32, #tpu.memory_space<vmem>>) target(%dma_start3A_179 : memref<10240x128xf32, #tpu.memory_space<vmem_shared>>) offsets(%get3A_176 : vector<16xi32>) semaphore(%arg39 : memref<!tpu.dma_semaphore, #tpu.memory_space<semaphore_mem>>) {add = true}
    %get3A_180 = arith.constant 0 : index
    %get3A_181 = tpu.vector_load %arg8[%get3A_180] {strides = array<i32>} : memref<10000xi32, #tpu.memory_space<vmem>>, vector<16xi32>,
    %get3A_182 = vector.shape_cast %get3A_181 : vector<16xi32> to vector<16xi32>
    %dma_wait3A_183 = arith.constant 0 : i32
    %dma_wait3A_184 = arith.constant 0 : i32
    %dma_wait3A_185 = tpu.memref_slice %arg19[%dma_wait3A_183, %dma_wait3A_184] : memref<10240x128xf32, #tpu.memory_space<vmem_shared>> -> memref<10240x128xf32, #tpu.memory_space<vmem_shared>>
    tpu.wait_indirect_dma semaphore(%arg30 : memref<!tpu.dma_semaphore, #tpu.memory_space<semaphore_mem>>) src(%arg9 : memref<16x128xf32, #tpu.memory_space<vmem>>) dst(%dma_wait3A_185 : memref<10240x128xf32, #tpu.memory_space<vmem_shared>>)
    %get3A_186 = arith.constant 160 : index
    %get3A_187 = tpu.vector_load %arg7[%get3A_186] {strides = array<i32>} : memref<10000xi32, #tpu.memory_space<vmem>>, vector<16xi32>,
    %get3A_188 = vector.shape_cast %get3A_187 : vector<16xi32> to vector<16xi32>
    %dma_start3A_189 = arith.constant 0 : i32
    %dma_start3A_190 = arith.constant 0 : i32
    %dma_start3A_191 = tpu.memref_slice %arg2[%dma_start3A_189, %dma_start3A_190] : memref<10000x128xf32, #tpu.memory_space<hbm>> -> memref<10000x128xf32, #tpu.memory_space<hbm>>
    tpu.enqueue_indirect_dma source(%dma_start3A_191 : memref<10000x128xf32, #tpu.memory_space<hbm>>) target(%arg9 : memref<16x128xf32, #tpu.memory_space<vmem>>) offsets(%get3A_188 : vector<16xi32>) semaphore(%arg20 : memref<!tpu.dma_semaphore, #tpu.memory_space<semaphore_mem>>)
    %get3A_192 = arith.constant 0 : index
    %get3A_193 = tpu.vector_load %arg8[%get3A_192] {strides = array<i32>} : memref<10000xi32, #tpu.memory_space<vmem>>, vector<16xi32>,
    %get3A_194 = vector.shape_cast %get3A_193 : vector<16xi32> to vector<16xi32>
    %dma_wait3A_195 = arith.constant 0 : i32
    %dma_wait3A_196 = arith.constant 0 : i32
    %dma_wait3A_197 = tpu.memref_slice %arg19[%dma_wait3A_195, %dma_wait3A_196] : memref<10240x128xf32, #tpu.memory_space<vmem_shared>> -> memref<10240x128xf32, #tpu.memory_space<vmem_shared>>
    tpu.wait_indirect_dma semaphore(%arg31 : memref<!tpu.dma_semaphore, #tpu.memory_space<semaphore_mem>>) src(%arg10 : memref<16x128xf32, #tpu.memory_space<vmem>>) dst(%dma_wait3A_197 : memref<10240x128xf32, #tpu.memory_space<vmem_shared>>)
    %get3A_198 = arith.constant 176 : index
    %get3A_199 = tpu.vector_load %arg7[%get3A_198] {strides = array<i32>} : memref<10000xi32, #tpu.memory_space<vmem>>, vector<16xi32>,
    %get3A_200 = vector.shape_cast %get3A_199 : vector<16xi32> to vector<16xi32>
    %dma_start3A_201 = arith.constant 0 : i32
    %dma_start3A_202 = arith.constant 0 : i32
    %dma_start3A_203 = tpu.memref_slice %arg2[%dma_start3A_201, %dma_start3A_202] : memref<10000x128xf32, #tpu.memory_space<hbm>> -> memref<10000x128xf32, #tpu.memory_space<hbm>>
    tpu.enqueue_indirect_dma source(%dma_start3A_203 : memref<10000x128xf32, #tpu.memory_space<hbm>>) target(%arg10 : memref<16x128xf32, #tpu.memory_space<vmem>>) offsets(%get3A_200 : vector<16xi32>) semaphore(%arg21 : memref<!tpu.dma_semaphore, #tpu.memory_space<semaphore_mem>>)
    %get3A_204 = arith.constant 0 : index
    %get3A_205 = tpu.vector_load %arg8[%get3A_204] {strides = array<i32>} : memref<10000xi32, #tpu.memory_space<vmem>>, vector<16xi32>,
    %get3A_206 = vector.shape_cast %get3A_205 : vector<16xi32> to vector<16xi32>
    %dma_wait3A_207 = arith.constant 0 : i32
    %dma_wait3A_208 = arith.constant 0 : i32
    %dma_wait3A_209 = tpu.memref_slice %arg19[%dma_wait3A_207, %dma_wait3A_208] : memref<10240x128xf32, #tpu.memory_space<vmem_shared>> -> memref<10240x128xf32, #tpu.memory_space<vmem_shared>>
    tpu.wait_indirect_dma semaphore(%arg32 : memref<!tpu.dma_semaphore, #tpu.memory_space<semaphore_mem>>) src(%arg11 : memref<16x128xf32, #tpu.memory_space<vmem>>) dst(%dma_wait3A_209 : memref<10240x128xf32, #tpu.memory_space<vmem_shared>>)
    %get3A_210 = arith.constant 192 : index
    %get3A_211 = tpu.vector_load %arg7[%get3A_210] {strides = array<i32>} : memref<10000xi32, #tpu.memory_space<vmem>>, vector<16xi32>,
    %get3A_212 = vector.shape_cast %get3A_211 : vector<16xi32> to vector<16xi32>
    %dma_start3A_213 = arith.constant 0 : i32
    %dma_start3A_214 = arith.constant 0 : i32
    %dma_start3A_215 = tpu.memref_slice %arg2[%dma_start3A_213, %dma_start3A_214] : memref<10000x128xf32, #tpu.memory_space<hbm>> -> memref<10000x128xf32, #tpu.memory_space<hbm>>
    tpu.enqueue_indirect_dma source(%dma_start3A_215 : memref<10000x128xf32, #tpu.memory_space<hbm>>) target(%arg11 : memref<16x128xf32, #tpu.memory_space<vmem>>) offsets(%get3A_212 : vector<16xi32>) semaphore(%arg22 : memref<!tpu.dma_semaphore, #tpu.memory_space<semaphore_mem>>)
    %get3A_216 = arith.constant 0 : index
    %get3A_217 = tpu.vector_load %arg8[%get3A_216] {strides = array<i32>} : memref<10000xi32, #tpu.memory_space<vmem>>, vector<16xi32>,
    %get3A_218 = vector.shape_cast %get3A_217 : vector<16xi32> to vector<16xi32>
    %dma_wait3A_219 = arith.constant 0 : i32
    %dma_wait3A_220 = arith.constant 0 : i32
    %dma_wait3A_221 = tpu.memref_slice %arg19[%dma_wait3A_219, %dma_wait3A_220] : memref<10240x128xf32, #tpu.memory_space<vmem_shared>> -> memref<10240x128xf32, #tpu.memory_space<vmem_shared>>
    tpu.wait_indirect_dma semaphore(%arg33 : memref<!tpu.dma_semaphore, #tpu.memory_space<semaphore_mem>>) src(%arg12 : memref<16x128xf32, #tpu.memory_space<vmem>>) dst(%dma_wait3A_221 : memref<10240x128xf32, #tpu.memory_space<vmem_shared>>)
    %get3A_222 = arith.constant 208 : index
    %get3A_223 = tpu.vector_load %arg7[%get3A_222] {strides = array<i32>} : memref<10000xi32, #tpu.memory_space<vmem>>, vector<16xi32>,
    %get3A_224 = vector.shape_cast %get3A_223 : vector<16xi32> to vector<16xi32>
    %dma_start3A_225 = arith.constant 0 : i32
    %dma_start3A_226 = arith.constant 0 : i32
    %dma_start3A_227 = tpu.memref_slice %arg2[%dma_start3A_225, %dma_start3A_226] : memref<10000x128xf32, #tpu.memory_space<hbm>> -> memref<10000x128xf32, #tpu.memory_space<hbm>>
    tpu.enqueue_indirect_dma source(%dma_start3A_227 : memref<10000x128xf32, #tpu.memory_space<hbm>>) target(%arg12 : memref<16x128xf32, #tpu.memory_space<vmem>>) offsets(%get3A_224 : vector<16xi32>) semaphore(%arg23 : memref<!tpu.dma_semaphore, #tpu.memory_space<semaphore_mem>>)
    %get3A_228 = arith.constant 0 : index
    %get3A_229 = tpu.vector_load %arg8[%get3A_228] {strides = array<i32>} : memref<10000xi32, #tpu.memory_space<vmem>>, vector<16xi32>,
    %get3A_230 = vector.shape_cast %get3A_229 : vector<16xi32> to vector<16xi32>
    %dma_wait3A_231 = arith.constant 0 : i32
    %dma_wait3A_232 = arith.constant 0 : i32
    %dma_wait3A_233 = tpu.memref_slice %arg19[%dma_wait3A_231, %dma_wait3A_232] : memref<10240x128xf32, #tpu.memory_space<vmem_shared>> -> memref<10240x128xf32, #tpu.memory_space<vmem_shared>>
    tpu.wait_indirect_dma semaphore(%arg34 : memref<!tpu.dma_semaphore, #tpu.memory_space<semaphore_mem>>) src(%arg13 : memref<16x128xf32, #tpu.memory_space<vmem>>) dst(%dma_wait3A_233 : memref<10240x128xf32, #tpu.memory_space<vmem_shared>>)
    %get3A_234 = arith.constant 224 : index
    %get3A_235 = tpu.vector_load %arg7[%get3A_234] {strides = array<i32>} : memref<10000xi32, #tpu.memory_space<vmem>>, vector<16xi32>,
    %get3A_236 = vector.shape_cast %get3A_235 : vector<16xi32> to vector<16xi32>
    %dma_start3A_237 = arith.constant 0 : i32
    %dma_start3A_238 = arith.constant 0 : i32
    %dma_start3A_239 = tpu.memref_slice %arg2[%dma_start3A_237, %dma_start3A_238] : memref<10000x128xf32, #tpu.memory_space<hbm>> -> memref<10000x128xf32, #tpu.memory_space<hbm>>
    tpu.enqueue_indirect_dma source(%dma_start3A_239 : memref<10000x128xf32, #tpu.memory_space<hbm>>) target(%arg13 : memref<16x128xf32, #tpu.memory_space<vmem>>) offsets(%get3A_236 : vector<16xi32>) semaphore(%arg24 : memref<!tpu.dma_semaphore, #tpu.memory_space<semaphore_mem>>)
    %scan3A = arith.constant 0 : i32
    %scan3A_240 = arith.constant 61 : i32
    %scan3A_241 = arith.addi %scan3A, %scan3A_240 : i32
    %scan3A_242 = arith.constant 1 : i32
    scf.for %scan3A_365 = %scan3A to %scan3A_241 step %scan3A_242  : i32 {
      %mul3A_366 = arith.constant 1 : i32
      %mul3A_367 = arith.muli %scan3A_365, %mul3A_366 : i32
      %add3A_368 = arith.constant 1 : i32
      %add3A_369 = arith.addi %add3A_368, %mul3A_367 : i32
      %mul3A_370 = arith.constant 2 : i32
      %mul3A_371 = arith.muli %mul3A_370, %add3A_369 : i32
      %get3A_372 = arith.constant 0 : index
      %get3A_373 = tpu.vector_load %arg7[%get3A_372] {strides = array<i32>} : memref<10000xi32, #tpu.memory_space<vmem>>, vector<16xi32>,
      %get3A_374 = vector.shape_cast %get3A_373 : vector<16xi32> to vector<16xi32>
      %dma_wait3A_375 = arith.constant 0 : i32
      %dma_wait3A_376 = arith.constant 0 : i32
      %dma_wait3A_377 = tpu.memref_slice %arg2[%dma_wait3A_375, %dma_wait3A_376] : memref<10000x128xf32, #tpu.memory_space<hbm>> -> memref<10000x128xf32, #tpu.memory_space<hbm>>
      tpu.wait_indirect_dma semaphore(%arg20 : memref<!tpu.dma_semaphore, #tpu.memory_space<semaphore_mem>>) src(%dma_wait3A_377 : memref<10000x128xf32, #tpu.memory_space<hbm>>) dst(%arg9 : memref<16x128xf32, #tpu.memory_space<vmem>>)
      %mul3A_378 = arith.constant 5 : i32
      %mul3A_379 = arith.muli %mul3A_371, %mul3A_378 : i32
      %add3A_380 = arith.constant 0 : i32
      %add3A_381 = arith.addi %mul3A_379, %add3A_380 : i32
      %mul3A_382 = arith.constant 16 : i32
      %mul3A_383 = arith.muli %add3A_381, %mul3A_382 : i32
      %get3A_384 = arith.index_cast %mul3A_383 : i32 to index
      %get3A_385 = tpu.vector_load %arg8[%get3A_384] {strides = array<i32>} : memref<10000xi32, #tpu.memory_space<vmem>>, vector<16xi32>,
      %dma_start3A_386 = arith.constant 0 : i32
      %dma_start3A_387 = arith.constant 0 : i32
      %dma_start3A_388 = tpu.memref_slice %arg19[%dma_start3A_386, %dma_start3A_387] : memref<10240x128xf32, #tpu.memory_space<vmem_shared>> -> memref<10240x128xf32, #tpu.memory_space<vmem_shared>>
      tpu.enqueue_indirect_dma source(%arg9 : memref<16x128xf32, #tpu.memory_space<vmem>>) target(%dma_start3A_388 : memref<10240x128xf32, #tpu.memory_space<vmem_shared>>) offsets(%get3A_385 : vector<16xi32>) semaphore(%arg30 : memref<!tpu.dma_semaphore, #tpu.memory_space<semaphore_mem>>) {add = true}
      %get3A_389 = arith.constant 0 : index
      %get3A_390 = tpu.vector_load %arg7[%get3A_389] {strides = array<i32>} : memref<10000xi32, #tpu.memory_space<vmem>>, vector<16xi32>,
      %get3A_391 = vector.shape_cast %get3A_390 : vector<16xi32> to vector<16xi32>
      %dma_wait3A_392 = arith.constant 0 : i32
      %dma_wait3A_393 = arith.constant 0 : i32
      %dma_wait3A_394 = tpu.memref_slice %arg2[%dma_wait3A_392, %dma_wait3A_393] : memref<10000x128xf32, #tpu.memory_space<hbm>> -> memref<10000x128xf32, #tpu.memory_space<hbm>>
      tpu.wait_indirect_dma semaphore(%arg21 : memref<!tpu.dma_semaphore, #tpu.memory_space<semaphore_mem>>) src(%dma_wait3A_394 : memref<10000x128xf32, #tpu.memory_space<hbm>>) dst(%arg10 : memref<16x128xf32, #tpu.memory_space<vmem>>)
      %mul3A_395 = arith.constant 5 : i32
      %mul3A_396 = arith.muli %mul3A_371, %mul3A_395 : i32
      %add3A_397 = arith.constant 1 : i32
      %add3A_398 = arith.addi %mul3A_396, %add3A_397 : i32
      %mul3A_399 = arith.constant 16 : i32
      %mul3A_400 = arith.muli %add3A_398, %mul3A_399 : i32
      %get3A_401 = arith.index_cast %mul3A_400 : i32 to index
      %get3A_402 = tpu.vector_load %arg8[%get3A_401] {strides = array<i32>} : memref<10000xi32, #tpu.memory_space<vmem>>, vector<16xi32>,
      %dma_start3A_403 = arith.constant 0 : i32
      %dma_start3A_404 = arith.constant 0 : i32
      %dma_start3A_405 = tpu.memref_slice %arg19[%dma_start3A_403, %dma_start3A_404] : memref<10240x128xf32, #tpu.memory_space<vmem_shared>> -> memref<10240x128xf32, #tpu.memory_space<vmem_shared>>
      tpu.enqueue_indirect_dma source(%arg10 : memref<16x128xf32, #tpu.memory_space<vmem>>) target(%dma_start3A_405 : memref<10240x128xf32, #tpu.memory_space<vmem_shared>>) offsets(%get3A_402 : vector<16xi32>) semaphore(%arg31 : memref<!tpu.dma_semaphore, #tpu.memory_space<semaphore_mem>>) {add = true}
      %get3A_406 = arith.constant 0 : index
      %get3A_407 = tpu.vector_load %arg7[%get3A_406] {strides = array<i32>} : memref<10000xi32, #tpu.memory_space<vmem>>, vector<16xi32>,
      %get3A_408 = vector.shape_cast %get3A_407 : vector<16xi32> to vector<16xi32>
      %dma_wait3A_409 = arith.constant 0 : i32
      %dma_wait3A_410 = arith.constant 0 : i32
      %dma_wait3A_411 = tpu.memref_slice %arg2[%dma_wait3A_409, %dma_wait3A_410] : memref<10000x128xf32, #tpu.memory_space<hbm>> -> memref<10000x128xf32, #tpu.memory_space<hbm>>
      tpu.wait_indirect_dma semaphore(%arg22 : memref<!tpu.dma_semaphore, #tpu.memory_space<semaphore_mem>>) src(%dma_wait3A_411 : memref<10000x128xf32, #tpu.memory_space<hbm>>) dst(%arg11 : memref<16x128xf32, #tpu.memory_space<vmem>>)
      %mul3A_412 = arith.constant 5 : i32
      %mul3A_413 = arith.muli %mul3A_371, %mul3A_412 : i32
      %add3A_414 = arith.constant 2 : i32
      %add3A_415 = arith.addi %mul3A_413, %add3A_414 : i32
      %mul3A_416 = arith.constant 16 : i32
      %mul3A_417 = arith.muli %add3A_415, %mul3A_416 : i32
      %get3A_418 = arith.index_cast %mul3A_417 : i32 to index
      %get3A_419 = tpu.vector_load %arg8[%get3A_418] {strides = array<i32>} : memref<10000xi32, #tpu.memory_space<vmem>>, vector<16xi32>,
      %dma_start3A_420 = arith.constant 0 : i32
      %dma_start3A_421 = arith.constant 0 : i32
      %dma_start3A_422 = tpu.memref_slice %arg19[%dma_start3A_420, %dma_start3A_421] : memref<10240x128xf32, #tpu.memory_space<vmem_shared>> -> memref<10240x128xf32, #tpu.memory_space<vmem_shared>>
      tpu.enqueue_indirect_dma source(%arg11 : memref<16x128xf32, #tpu.memory_space<vmem>>) target(%dma_start3A_422 : memref<10240x128xf32, #tpu.memory_space<vmem_shared>>) offsets(%get3A_419 : vector<16xi32>) semaphore(%arg32 : memref<!tpu.dma_semaphore, #tpu.memory_space<semaphore_mem>>) {add = true}
      %get3A_423 = arith.constant 0 : index
      %get3A_424 = tpu.vector_load %arg7[%get3A_423] {strides = array<i32>} : memref<10000xi32, #tpu.memory_space<vmem>>, vector<16xi32>,
      %get3A_425 = vector.shape_cast %get3A_424 : vector<16xi32> to vector<16xi32>
      %dma_wait3A_426 = arith.constant 0 : i32
      %dma_wait3A_427 = arith.constant 0 : i32
      %dma_wait3A_428 = tpu.memref_slice %arg2[%dma_wait3A_426, %dma_wait3A_427] : memref<10000x128xf32, #tpu.memory_space<hbm>> -> memref<10000x128xf32, #tpu.memory_space<hbm>>
      tpu.wait_indirect_dma semaphore(%arg23 : memref<!tpu.dma_semaphore, #tpu.memory_space<semaphore_mem>>) src(%dma_wait3A_428 : memref<10000x128xf32, #tpu.memory_space<hbm>>) dst(%arg12 : memref<16x128xf32, #tpu.memory_space<vmem>>)
      %mul3A_429 = arith.constant 5 : i32
      %mul3A_430 = arith.muli %mul3A_371, %mul3A_429 : i32
      %add3A_431 = arith.constant 3 : i32
      %add3A_432 = arith.addi %mul3A_430, %add3A_431 : i32
      %mul3A_433 = arith.constant 16 : i32
      %mul3A_434 = arith.muli %add3A_432, %mul3A_433 : i32
      %get3A_435 = arith.index_cast %mul3A_434 : i32 to index
      %get3A_436 = tpu.vector_load %arg8[%get3A_435] {strides = array<i32>} : memref<10000xi32, #tpu.memory_space<vmem>>, vector<16xi32>,
      %dma_start3A_437 = arith.constant 0 : i32
      %dma_start3A_438 = arith.constant 0 : i32
      %dma_start3A_439 = tpu.memref_slice %arg19[%dma_start3A_437, %dma_start3A_438] : memref<10240x128xf32, #tpu.memory_space<vmem_shared>> -> memref<10240x128xf32, #tpu.memory_space<vmem_shared>>
      tpu.enqueue_indirect_dma source(%arg12 : memref<16x128xf32, #tpu.memory_space<vmem>>) target(%dma_start3A_439 : memref<10240x128xf32, #tpu.memory_space<vmem_shared>>) offsets(%get3A_436 : vector<16xi32>) semaphore(%arg33 : memref<!tpu.dma_semaphore, #tpu.memory_space<semaphore_mem>>) {add = true}
      %get3A_440 = arith.constant 0 : index
      %get3A_441 = tpu.vector_load %arg7[%get3A_440] {strides = array<i32>} : memref<10000xi32, #tpu.memory_space<vmem>>, vector<16xi32>,
      %get3A_442 = vector.shape_cast %get3A_441 : vector<16xi32> to vector<16xi32>
      %dma_wait3A_443 = arith.constant 0 : i32
      %dma_wait3A_444 = arith.constant 0 : i32
      %dma_wait3A_445 = tpu.memref_slice %arg2[%dma_wait3A_443, %dma_wait3A_444] : memref<10000x128xf32, #tpu.memory_space<hbm>> -> memref<10000x128xf32, #tpu.memory_space<hbm>>
      tpu.wait_indirect_dma semaphore(%arg24 : memref<!tpu.dma_semaphore, #tpu.memory_space<semaphore_mem>>) src(%dma_wait3A_445 : memref<10000x128xf32, #tpu.memory_space<hbm>>) dst(%arg13 : memref<16x128xf32, #tpu.memory_space<vmem>>)
      %mul3A_446 = arith.constant 5 : i32
      %mul3A_447 = arith.muli %mul3A_371, %mul3A_446 : i32
      %add3A_448 = arith.constant 4 : i32
      %add3A_449 = arith.addi %mul3A_447, %add3A_448 : i32
      %mul3A_450 = arith.constant 16 : i32
      %mul3A_451 = arith.muli %add3A_449, %mul3A_450 : i32
      %get3A_452 = arith.index_cast %mul3A_451 : i32 to index
      %get3A_453 = tpu.vector_load %arg8[%get3A_452] {strides = array<i32>} : memref<10000xi32, #tpu.memory_space<vmem>>, vector<16xi32>,
      %dma_start3A_454 = arith.constant 0 : i32
      %dma_start3A_455 = arith.constant 0 : i32
      %dma_start3A_456 = tpu.memref_slice %arg19[%dma_start3A_454, %dma_start3A_455] : memref<10240x128xf32, #tpu.memory_space<vmem_shared>> -> memref<10240x128xf32, #tpu.memory_space<vmem_shared>>
      tpu.enqueue_indirect_dma source(%arg13 : memref<16x128xf32, #tpu.memory_space<vmem>>) target(%dma_start3A_456 : memref<10240x128xf32, #tpu.memory_space<vmem_shared>>) offsets(%get3A_453 : vector<16xi32>) semaphore(%arg34 : memref<!tpu.dma_semaphore, #tpu.memory_space<semaphore_mem>>) {add = true}
      %get3A_457 = arith.constant 0 : index
      %get3A_458 = tpu.vector_load %arg8[%get3A_457] {strides = array<i32>} : memref<10000xi32, #tpu.memory_space<vmem>>, vector<16xi32>,
      %get3A_459 = vector.shape_cast %get3A_458 : vector<16xi32> to vector<16xi32>
      %dma_wait3A_460 = arith.constant 0 : i32
      %dma_wait3A_461 = arith.constant 0 : i32
      %dma_wait3A_462 = tpu.memref_slice %arg19[%dma_wait3A_460, %dma_wait3A_461] : memref<10240x128xf32, #tpu.memory_space<vmem_shared>> -> memref<10240x128xf32, #tpu.memory_space<vmem_shared>>
      tpu.wait_indirect_dma semaphore(%arg35 : memref<!tpu.dma_semaphore, #tpu.memory_space<semaphore_mem>>) src(%arg14 : memref<16x128xf32, #tpu.memory_space<vmem>>) dst(%dma_wait3A_462 : memref<10240x128xf32, #tpu.memory_space<vmem_shared>>)
      %add3A_463 = arith.constant 1 : i32
      %add3A_464 = arith.addi %mul3A_371, %add3A_463 : i32
      %mul3A_465 = arith.constant 5 : i32
      %mul3A_466 = arith.muli %add3A_464, %mul3A_465 : i32
      %add3A_467 = arith.constant 0 : i32
      %add3A_468 = arith.addi %mul3A_466, %add3A_467 : i32
      %mul3A_469 = arith.constant 16 : i32
      %mul3A_470 = arith.muli %add3A_468, %mul3A_469 : i32
      %get3A_471 = arith.index_cast %mul3A_470 : i32 to index
      %get3A_472 = tpu.vector_load %arg7[%get3A_471] {strides = array<i32>} : memref<10000xi32, #tpu.memory_space<vmem>>, vector<16xi32>,
      %dma_start3A_473 = arith.constant 0 : i32
      %dma_start3A_474 = arith.constant 0 : i32
      %dma_start3A_475 = tpu.memref_slice %arg2[%dma_start3A_473, %dma_start3A_474] : memref<10000x128xf32, #tpu.memory_space<hbm>> -> memref<10000x128xf32, #tpu.memory_space<hbm>>
      tpu.enqueue_indirect_dma source(%dma_start3A_475 : memref<10000x128xf32, #tpu.memory_space<hbm>>) target(%arg14 : memref<16x128xf32, #tpu.memory_space<vmem>>) offsets(%get3A_472 : vector<16xi32>) semaphore(%arg25 : memref<!tpu.dma_semaphore, #tpu.memory_space<semaphore_mem>>)
      %get3A_476 = arith.constant 0 : index
      %get3A_477 = tpu.vector_load %arg8[%get3A_476] {strides = array<i32>} : memref<10000xi32, #tpu.memory_space<vmem>>, vector<16xi32>,
      %get3A_478 = vector.shape_cast %get3A_477 : vector<16xi32> to vector<16xi32>
      %dma_wait3A_479 = arith.constant 0 : i32
      %dma_wait3A_480 = arith.constant 0 : i32
      %dma_wait3A_481 = tpu.memref_slice %arg19[%dma_wait3A_479, %dma_wait3A_480] : memref<10240x128xf32, #tpu.memory_space<vmem_shared>> -> memref<10240x128xf32, #tpu.memory_space<vmem_shared>>
      tpu.wait_indirect_dma semaphore(%arg36 : memref<!tpu.dma_semaphore, #tpu.memory_space<semaphore_mem>>) src(%arg15 : memref<16x128xf32, #tpu.memory_space<vmem>>) dst(%dma_wait3A_481 : memref<10240x128xf32, #tpu.memory_space<vmem_shared>>)
      %add3A_482 = arith.constant 1 : i32
      %add3A_483 = arith.addi %mul3A_371, %add3A_482 : i32
      %mul3A_484 = arith.constant 5 : i32
      %mul3A_485 = arith.muli %add3A_483, %mul3A_484 : i32
      %add3A_486 = arith.constant 1 : i32
      %add3A_487 = arith.addi %mul3A_485, %add3A_486 : i32
      %mul3A_488 = arith.constant 16 : i32
      %mul3A_489 = arith.muli %add3A_487, %mul3A_488 : i32
      %get3A_490 = arith.index_cast %mul3A_489 : i32 to index
      %get3A_491 = tpu.vector_load %arg7[%get3A_490] {strides = array<i32>} : memref<10000xi32, #tpu.memory_space<vmem>>, vector<16xi32>,
      %dma_start3A_492 = arith.constant 0 : i32
      %dma_start3A_493 = arith.constant 0 : i32
      %dma_start3A_494 = tpu.memref_slice %arg2[%dma_start3A_492, %dma_start3A_493] : memref<10000x128xf32, #tpu.memory_space<hbm>> -> memref<10000x128xf32, #tpu.memory_space<hbm>>
      tpu.enqueue_indirect_dma source(%dma_start3A_494 : memref<10000x128xf32, #tpu.memory_space<hbm>>) target(%arg15 : memref<16x128xf32, #tpu.memory_space<vmem>>) offsets(%get3A_491 : vector<16xi32>) semaphore(%arg26 : memref<!tpu.dma_semaphore, #tpu.memory_space<semaphore_mem>>)
      %get3A_495 = arith.constant 0 : index
      %get3A_496 = tpu.vector_load %arg8[%get3A_495] {strides = array<i32>} : memref<10000xi32, #tpu.memory_space<vmem>>, vector<16xi32>,
      %get3A_497 = vector.shape_cast %get3A_496 : vector<16xi32> to vector<16xi32>
      %dma_wait3A_498 = arith.constant 0 : i32
      %dma_wait3A_499 = arith.constant 0 : i32
      %dma_wait3A_500 = tpu.memref_slice %arg19[%dma_wait3A_498, %dma_wait3A_499] : memref<10240x128xf32, #tpu.memory_space<vmem_shared>> -> memref<10240x128xf32, #tpu.memory_space<vmem_shared>>
      tpu.wait_indirect_dma semaphore(%arg37 : memref<!tpu.dma_semaphore, #tpu.memory_space<semaphore_mem>>) src(%arg16 : memref<16x128xf32, #tpu.memory_space<vmem>>) dst(%dma_wait3A_500 : memref<10240x128xf32, #tpu.memory_space<vmem_shared>>)
      %add3A_501 = arith.constant 1 : i32
      %add3A_502 = arith.addi %mul3A_371, %add3A_501 : i32
      %mul3A_503 = arith.constant 5 : i32
      %mul3A_504 = arith.muli %add3A_502, %mul3A_503 : i32
      %add3A_505 = arith.constant 2 : i32
      %add3A_506 = arith.addi %mul3A_504, %add3A_505 : i32
      %mul3A_507 = arith.constant 16 : i32
      %mul3A_508 = arith.muli %add3A_506, %mul3A_507 : i32
      %get3A_509 = arith.index_cast %mul3A_508 : i32 to index
      %get3A_510 = tpu.vector_load %arg7[%get3A_509] {strides = array<i32>} : memref<10000xi32, #tpu.memory_space<vmem>>, vector<16xi32>,
      %dma_start3A_511 = arith.constant 0 : i32
      %dma_start3A_512 = arith.constant 0 : i32
      %dma_start3A_513 = tpu.memref_slice %arg2[%dma_start3A_511, %dma_start3A_512] : memref<10000x128xf32, #tpu.memory_space<hbm>> -> memref<10000x128xf32, #tpu.memory_space<hbm>>
      tpu.enqueue_indirect_dma source(%dma_start3A_513 : memref<10000x128xf32, #tpu.memory_space<hbm>>) target(%arg16 : memref<16x128xf32, #tpu.memory_space<vmem>>) offsets(%get3A_510 : vector<16xi32>) semaphore(%arg27 : memref<!tpu.dma_semaphore, #tpu.memory_space<semaphore_mem>>)
      %get3A_514 = arith.constant 0 : index
      %get3A_515 = tpu.vector_load %arg8[%get3A_514] {strides = array<i32>} : memref<10000xi32, #tpu.memory_space<vmem>>, vector<16xi32>,
      %get3A_516 = vector.shape_cast %get3A_515 : vector<16xi32> to vector<16xi32>
      %dma_wait3A_517 = arith.constant 0 : i32
      %dma_wait3A_518 = arith.constant 0 : i32
      %dma_wait3A_519 = tpu.memref_slice %arg19[%dma_wait3A_517, %dma_wait3A_518] : memref<10240x128xf32, #tpu.memory_space<vmem_shared>> -> memref<10240x128xf32, #tpu.memory_space<vmem_shared>>
      tpu.wait_indirect_dma semaphore(%arg38 : memref<!tpu.dma_semaphore, #tpu.memory_space<semaphore_mem>>) src(%arg17 : memref<16x128xf32, #tpu.memory_space<vmem>>) dst(%dma_wait3A_519 : memref<10240x128xf32, #tpu.memory_space<vmem_shared>>)
      %add3A_520 = arith.constant 1 : i32
      %add3A_521 = arith.addi %mul3A_371, %add3A_520 : i32
      %mul3A_522 = arith.constant 5 : i32
      %mul3A_523 = arith.muli %add3A_521, %mul3A_522 : i32
      %add3A_524 = arith.constant 3 : i32
      %add3A_525 = arith.addi %mul3A_523, %add3A_524 : i32
      %mul3A_526 = arith.constant 16 : i32
      %mul3A_527 = arith.muli %add3A_525, %mul3A_526 : i32
      %get3A_528 = arith.index_cast %mul3A_527 : i32 to index
      %get3A_529 = tpu.vector_load %arg7[%get3A_528] {strides = array<i32>} : memref<10000xi32, #tpu.memory_space<vmem>>, vector<16xi32>,
      %dma_start3A_530 = arith.constant 0 : i32
      %dma_start3A_531 = arith.constant 0 : i32
      %dma_start3A_532 = tpu.memref_slice %arg2[%dma_start3A_530, %dma_start3A_531] : memref<10000x128xf32, #tpu.memory_space<hbm>> -> memref<10000x128xf32, #tpu.memory_space<hbm>>
      tpu.enqueue_indirect_dma source(%dma_start3A_532 : memref<10000x128xf32, #tpu.memory_space<hbm>>) target(%arg17 : memref<16x128xf32, #tpu.memory_space<vmem>>) offsets(%get3A_529 : vector<16xi32>) semaphore(%arg28 : memref<!tpu.dma_semaphore, #tpu.memory_space<semaphore_mem>>)
      %get3A_533 = arith.constant 0 : index
      %get3A_534 = tpu.vector_load %arg8[%get3A_533] {strides = array<i32>} : memref<10000xi32, #tpu.memory_space<vmem>>, vector<16xi32>,
      %get3A_535 = vector.shape_cast %get3A_534 : vector<16xi32> to vector<16xi32>
      %dma_wait3A_536 = arith.constant 0 : i32
      %dma_wait3A_537 = arith.constant 0 : i32
      %dma_wait3A_538 = tpu.memref_slice %arg19[%dma_wait3A_536, %dma_wait3A_537] : memref<10240x128xf32, #tpu.memory_space<vmem_shared>> -> memref<10240x128xf32, #tpu.memory_space<vmem_shared>>
      tpu.wait_indirect_dma semaphore(%arg39 : memref<!tpu.dma_semaphore, #tpu.memory_space<semaphore_mem>>) src(%arg18 : memref<16x128xf32, #tpu.memory_space<vmem>>) dst(%dma_wait3A_538 : memref<10240x128xf32, #tpu.memory_space<vmem_shared>>)
      %add3A_539 = arith.constant 1 : i32
      %add3A_540 = arith.addi %mul3A_371, %add3A_539 : i32
      %mul3A_541 = arith.constant 5 : i32
      %mul3A_542 = arith.muli %add3A_540, %mul3A_541 : i32
      %add3A_543 = arith.constant 4 : i32
      %add3A_544 = arith.addi %mul3A_542, %add3A_543 : i32
      %mul3A_545 = arith.constant 16 : i32
      %mul3A_546 = arith.muli %add3A_544, %mul3A_545 : i32
      %get3A_547 = arith.index_cast %mul3A_546 : i32 to index
      %get3A_548 = tpu.vector_load %arg7[%get3A_547] {strides = array<i32>} : memref<10000xi32, #tpu.memory_space<vmem>>, vector<16xi32>,
      %dma_start3A_549 = arith.constant 0 : i32
      %dma_start3A_550 = arith.constant 0 : i32
      %dma_start3A_551 = tpu.memref_slice %arg2[%dma_start3A_549, %dma_start3A_550] : memref<10000x128xf32, #tpu.memory_space<hbm>> -> memref<10000x128xf32, #tpu.memory_space<hbm>>
      tpu.enqueue_indirect_dma source(%dma_start3A_551 : memref<10000x128xf32, #tpu.memory_space<hbm>>) target(%arg18 : memref<16x128xf32, #tpu.memory_space<vmem>>) offsets(%get3A_548 : vector<16xi32>) semaphore(%arg29 : memref<!tpu.dma_semaphore, #tpu.memory_space<semaphore_mem>>)
      %get3A_552 = arith.constant 0 : index
      %get3A_553 = tpu.vector_load %arg7[%get3A_552] {strides = array<i32>} : memref<10000xi32, #tpu.memory_space<vmem>>, vector<16xi32>,
      %get3A_554 = vector.shape_cast %get3A_553 : vector<16xi32> to vector<16xi32>
      %dma_wait3A_555 = arith.constant 0 : i32
      %dma_wait3A_556 = arith.constant 0 : i32
      %dma_wait3A_557 = tpu.memref_slice %arg2[%dma_wait3A_555, %dma_wait3A_556] : memref<10000x128xf32, #tpu.memory_space<hbm>> -> memref<10000x128xf32, #tpu.memory_space<hbm>>
      tpu.wait_indirect_dma semaphore(%arg25 : memref<!tpu.dma_semaphore, #tpu.memory_space<semaphore_mem>>) src(%dma_wait3A_557 : memref<10000x128xf32, #tpu.memory_space<hbm>>) dst(%arg14 : memref<16x128xf32, #tpu.memory_space<vmem>>)
      %add3A_558 = arith.constant 1 : i32
      %add3A_559 = arith.addi %mul3A_371, %add3A_558 : i32
      %mul3A_560 = arith.constant 5 : i32
      %mul3A_561 = arith.muli %add3A_559, %mul3A_560 : i32
      %add3A_562 = arith.constant 0 : i32
      %add3A_563 = arith.addi %mul3A_561, %add3A_562 : i32
      %mul3A_564 = arith.constant 16 : i32
      %mul3A_565 = arith.muli %add3A_563, %mul3A_564 : i32
      %get3A_566 = arith.index_cast %mul3A_565 : i32 to index
      %get3A_567 = tpu.vector_load %arg8[%get3A_566] {strides = array<i32>} : memref<10000xi32, #tpu.memory_space<vmem>>, vector<16xi32>,
      %dma_start3A_568 = arith.constant 0 : i32
      %dma_start3A_569 = arith.constant 0 : i32
      %dma_start3A_570 = tpu.memref_slice %arg19[%dma_start3A_568, %dma_start3A_569] : memref<10240x128xf32, #tpu.memory_space<vmem_shared>> -> memref<10240x128xf32, #tpu.memory_space<vmem_shared>>
      tpu.enqueue_indirect_dma source(%arg14 : memref<16x128xf32, #tpu.memory_space<vmem>>) target(%dma_start3A_570 : memref<10240x128xf32, #tpu.memory_space<vmem_shared>>) offsets(%get3A_567 : vector<16xi32>) semaphore(%arg35 : memref<!tpu.dma_semaphore, #tpu.memory_space<semaphore_mem>>) {add = true}
      %get3A_571 = arith.constant 0 : index
      %get3A_572 = tpu.vector_load %arg7[%get3A_571] {strides = array<i32>} : memref<10000xi32, #tpu.memory_space<vmem>>, vector<16xi32>,
      %get3A_573 = vector.shape_cast %get3A_572 : vector<16xi32> to vector<16xi32>
      %dma_wait3A_574 = arith.constant 0 : i32
      %dma_wait3A_575 = arith.constant 0 : i32
      %dma_wait3A_576 = tpu.memref_slice %arg2[%dma_wait3A_574, %dma_wait3A_575] : memref<10000x128xf32, #tpu.memory_space<hbm>> -> memref<10000x128xf32, #tpu.memory_space<hbm>>
      tpu.wait_indirect_dma semaphore(%arg26 : memref<!tpu.dma_semaphore, #tpu.memory_space<semaphore_mem>>) src(%dma_wait3A_576 : memref<10000x128xf32, #tpu.memory_space<hbm>>) dst(%arg15 : memref<16x128xf32, #tpu.memory_space<vmem>>)
      %add3A_577 = arith.constant 1 : i32
      %add3A_578 = arith.addi %mul3A_371, %add3A_577 : i32
      %mul3A_579 = arith.constant 5 : i32
      %mul3A_580 = arith.muli %add3A_578, %mul3A_579 : i32
      %add3A_581 = arith.constant 1 : i32
      %add3A_582 = arith.addi %mul3A_580, %add3A_581 : i32
      %mul3A_583 = arith.constant 16 : i32
      %mul3A_584 = arith.muli %add3A_582, %mul3A_583 : i32
      %get3A_585 = arith.index_cast %mul3A_584 : i32 to index
      %get3A_586 = tpu.vector_load %arg8[%get3A_585] {strides = array<i32>} : memref<10000xi32, #tpu.memory_space<vmem>>, vector<16xi32>,
      %dma_start3A_587 = arith.constant 0 : i32
      %dma_start3A_588 = arith.constant 0 : i32
      %dma_start3A_589 = tpu.memref_slice %arg19[%dma_start3A_587, %dma_start3A_588] : memref<10240x128xf32, #tpu.memory_space<vmem_shared>> -> memref<10240x128xf32, #tpu.memory_space<vmem_shared>>
      tpu.enqueue_indirect_dma source(%arg15 : memref<16x128xf32, #tpu.memory_space<vmem>>) target(%dma_start3A_589 : memref<10240x128xf32, #tpu.memory_space<vmem_shared>>) offsets(%get3A_586 : vector<16xi32>) semaphore(%arg36 : memref<!tpu.dma_semaphore, #tpu.memory_space<semaphore_mem>>) {add = true}
      %get3A_590 = arith.constant 0 : index
      %get3A_591 = tpu.vector_load %arg7[%get3A_590] {strides = array<i32>} : memref<10000xi32, #tpu.memory_space<vmem>>, vector<16xi32>,
      %get3A_592 = vector.shape_cast %get3A_591 : vector<16xi32> to vector<16xi32>
      %dma_wait3A_593 = arith.constant 0 : i32
      %dma_wait3A_594 = arith.constant 0 : i32
      %dma_wait3A_595 = tpu.memref_slice %arg2[%dma_wait3A_593, %dma_wait3A_594] : memref<10000x128xf32, #tpu.memory_space<hbm>> -> memref<10000x128xf32, #tpu.memory_space<hbm>>
      tpu.wait_indirect_dma semaphore(%arg27 : memref<!tpu.dma_semaphore, #tpu.memory_space<semaphore_mem>>) src(%dma_wait3A_595 : memref<10000x128xf32, #tpu.memory_space<hbm>>) dst(%arg16 : memref<16x128xf32, #tpu.memory_space<vmem>>)
      %add3A_596 = arith.constant 1 : i32
      %add3A_597 = arith.addi %mul3A_371, %add3A_596 : i32
      %mul3A_598 = arith.constant 5 : i32
      %mul3A_599 = arith.muli %add3A_597, %mul3A_598 : i32
      %add3A_600 = arith.constant 2 : i32
      %add3A_601 = arith.addi %mul3A_599, %add3A_600 : i32
      %mul3A_602 = arith.constant 16 : i32
      %mul3A_603 = arith.muli %add3A_601, %mul3A_602 : i32
      %get3A_604 = arith.index_cast %mul3A_603 : i32 to index
      %get3A_605 = tpu.vector_load %arg8[%get3A_604] {strides = array<i32>} : memref<10000xi32, #tpu.memory_space<vmem>>, vector<16xi32>,
      %dma_start3A_606 = arith.constant 0 : i32
      %dma_start3A_607 = arith.constant 0 : i32
      %dma_start3A_608 = tpu.memref_slice %arg19[%dma_start3A_606, %dma_start3A_607] : memref<10240x128xf32, #tpu.memory_space<vmem_shared>> -> memref<10240x128xf32, #tpu.memory_space<vmem_shared>>
      tpu.enqueue_indirect_dma source(%arg16 : memref<16x128xf32, #tpu.memory_space<vmem>>) target(%dma_start3A_608 : memref<10240x128xf32, #tpu.memory_space<vmem_shared>>) offsets(%get3A_605 : vector<16xi32>) semaphore(%arg37 : memref<!tpu.dma_semaphore, #tpu.memory_space<semaphore_mem>>) {add = true}
      %get3A_609 = arith.constant 0 : index
      %get3A_610 = tpu.vector_load %arg7[%get3A_609] {strides = array<i32>} : memref<10000xi32, #tpu.memory_space<vmem>>, vector<16xi32>,
      %get3A_611 = vector.shape_cast %get3A_610 : vector<16xi32> to vector<16xi32>
      %dma_wait3A_612 = arith.constant 0 : i32
      %dma_wait3A_613 = arith.constant 0 : i32
      %dma_wait3A_614 = tpu.memref_slice %arg2[%dma_wait3A_612, %dma_wait3A_613] : memref<10000x128xf32, #tpu.memory_space<hbm>> -> memref<10000x128xf32, #tpu.memory_space<hbm>>
      tpu.wait_indirect_dma semaphore(%arg28 : memref<!tpu.dma_semaphore, #tpu.memory_space<semaphore_mem>>) src(%dma_wait3A_614 : memref<10000x128xf32, #tpu.memory_space<hbm>>) dst(%arg17 : memref<16x128xf32, #tpu.memory_space<vmem>>)
      %add3A_615 = arith.constant 1 : i32
      %add3A_616 = arith.addi %mul3A_371, %add3A_615 : i32
      %mul3A_617 = arith.constant 5 : i32
      %mul3A_618 = arith.muli %add3A_616, %mul3A_617 : i32
      %add3A_619 = arith.constant 3 : i32
      %add3A_620 = arith.addi %mul3A_618, %add3A_619 : i32
      %mul3A_621 = arith.constant 16 : i32
      %mul3A_622 = arith.muli %add3A_620, %mul3A_621 : i32
      %get3A_623 = arith.index_cast %mul3A_622 : i32 to index
      %get3A_624 = tpu.vector_load %arg8[%get3A_623] {strides = array<i32>} : memref<10000xi32, #tpu.memory_space<vmem>>, vector<16xi32>,
      %dma_start3A_625 = arith.constant 0 : i32
      %dma_start3A_626 = arith.constant 0 : i32
      %dma_start3A_627 = tpu.memref_slice %arg19[%dma_start3A_625, %dma_start3A_626] : memref<10240x128xf32, #tpu.memory_space<vmem_shared>> -> memref<10240x128xf32, #tpu.memory_space<vmem_shared>>
      tpu.enqueue_indirect_dma source(%arg17 : memref<16x128xf32, #tpu.memory_space<vmem>>) target(%dma_start3A_627 : memref<10240x128xf32, #tpu.memory_space<vmem_shared>>) offsets(%get3A_624 : vector<16xi32>) semaphore(%arg38 : memref<!tpu.dma_semaphore, #tpu.memory_space<semaphore_mem>>) {add = true}
      %get3A_628 = arith.constant 0 : index
      %get3A_629 = tpu.vector_load %arg7[%get3A_628] {strides = array<i32>} : memref<10000xi32, #tpu.memory_space<vmem>>, vector<16xi32>,
      %get3A_630 = vector.shape_cast %get3A_629 : vector<16xi32> to vector<16xi32>
      %dma_wait3A_631 = arith.constant 0 : i32
      %dma_wait3A_632 = arith.constant 0 : i32
      %dma_wait3A_633 = tpu.memref_slice %arg2[%dma_wait3A_631, %dma_wait3A_632] : memref<10000x128xf32, #tpu.memory_space<hbm>> -> memref<10000x128xf32, #tpu.memory_space<hbm>>
      tpu.wait_indirect_dma semaphore(%arg29 : memref<!tpu.dma_semaphore, #tpu.memory_space<semaphore_mem>>) src(%dma_wait3A_633 : memref<10000x128xf32, #tpu.memory_space<hbm>>) dst(%arg18 : memref<16x128xf32, #tpu.memory_space<vmem>>)
      %add3A_634 = arith.constant 1 : i32
      %add3A_635 = arith.addi %mul3A_371, %add3A_634 : i32
      %mul3A_636 = arith.constant 5 : i32
      %mul3A_637 = arith.muli %add3A_635, %mul3A_636 : i32
      %add3A_638 = arith.constant 4 : i32
      %add3A_639 = arith.addi %mul3A_637, %add3A_638 : i32
      %mul3A_640 = arith.constant 16 : i32
      %mul3A_641 = arith.muli %add3A_639, %mul3A_640 : i32
      %get3A_642 = arith.index_cast %mul3A_641 : i32 to index
      %get3A_643 = tpu.vector_load %arg8[%get3A_642] {strides = array<i32>} : memref<10000xi32, #tpu.memory_space<vmem>>, vector<16xi32>,
      %dma_start3A_644 = arith.constant 0 : i32
      %dma_start3A_645 = arith.constant 0 : i32
      %dma_start3A_646 = tpu.memref_slice %arg19[%dma_start3A_644, %dma_start3A_645] : memref<10240x128xf32, #tpu.memory_space<vmem_shared>> -> memref<10240x128xf32, #tpu.memory_space<vmem_shared>>
      tpu.enqueue_indirect_dma source(%arg18 : memref<16x128xf32, #tpu.memory_space<vmem>>) target(%dma_start3A_646 : memref<10240x128xf32, #tpu.memory_space<vmem_shared>>) offsets(%get3A_643 : vector<16xi32>) semaphore(%arg39 : memref<!tpu.dma_semaphore, #tpu.memory_space<semaphore_mem>>) {add = true}
      %get3A_647 = arith.constant 0 : index
      %get3A_648 = tpu.vector_load %arg8[%get3A_647] {strides = array<i32>} : memref<10000xi32, #tpu.memory_space<vmem>>, vector<16xi32>,
      %get3A_649 = vector.shape_cast %get3A_648 : vector<16xi32> to vector<16xi32>
      %dma_wait3A_650 = arith.constant 0 : i32
      %dma_wait3A_651 = arith.constant 0 : i32
      %dma_wait3A_652 = tpu.memref_slice %arg19[%dma_wait3A_650, %dma_wait3A_651] : memref<10240x128xf32, #tpu.memory_space<vmem_shared>> -> memref<10240x128xf32, #tpu.memory_space<vmem_shared>>
      tpu.wait_indirect_dma semaphore(%arg30 : memref<!tpu.dma_semaphore, #tpu.memory_space<semaphore_mem>>) src(%arg9 : memref<16x128xf32, #tpu.memory_space<vmem>>) dst(%dma_wait3A_652 : memref<10240x128xf32, #tpu.memory_space<vmem_shared>>)
      %add3A_653 = arith.constant 2 : i32
      %add3A_654 = arith.addi %mul3A_371, %add3A_653 : i32
      %mul3A_655 = arith.constant 5 : i32
      %mul3A_656 = arith.muli %add3A_654, %mul3A_655 : i32
      %add3A_657 = arith.constant 0 : i32
      %add3A_658 = arith.addi %mul3A_656, %add3A_657 : i32
      %mul3A_659 = arith.constant 16 : i32
      %mul3A_660 = arith.muli %add3A_658, %mul3A_659 : i32
      %get3A_661 = arith.index_cast %mul3A_660 : i32 to index
      %get3A_662 = tpu.vector_load %arg7[%get3A_661] {strides = array<i32>} : memref<10000xi32, #tpu.memory_space<vmem>>, vector<16xi32>,
      %dma_start3A_663 = arith.constant 0 : i32
      %dma_start3A_664 = arith.constant 0 : i32
      %dma_start3A_665 = tpu.memref_slice %arg2[%dma_start3A_663, %dma_start3A_664] : memref<10000x128xf32, #tpu.memory_space<hbm>> -> memref<10000x128xf32, #tpu.memory_space<hbm>>
      tpu.enqueue_indirect_dma source(%dma_start3A_665 : memref<10000x128xf32, #tpu.memory_space<hbm>>) target(%arg9 : memref<16x128xf32, #tpu.memory_space<vmem>>) offsets(%get3A_662 : vector<16xi32>) semaphore(%arg20 : memref<!tpu.dma_semaphore, #tpu.memory_space<semaphore_mem>>)
      %get3A_666 = arith.constant 0 : index
      %get3A_667 = tpu.vector_load %arg8[%get3A_666] {strides = array<i32>} : memref<10000xi32, #tpu.memory_space<vmem>>, vector<16xi32>,
      %get3A_668 = vector.shape_cast %get3A_667 : vector<16xi32> to vector<16xi32>
      %dma_wait3A_669 = arith.constant 0 : i32
      %dma_wait3A_670 = arith.constant 0 : i32
      %dma_wait3A_671 = tpu.memref_slice %arg19[%dma_wait3A_669, %dma_wait3A_670] : memref<10240x128xf32, #tpu.memory_space<vmem_shared>> -> memref<10240x128xf32, #tpu.memory_space<vmem_shared>>
      tpu.wait_indirect_dma semaphore(%arg31 : memref<!tpu.dma_semaphore, #tpu.memory_space<semaphore_mem>>) src(%arg10 : memref<16x128xf32, #tpu.memory_space<vmem>>) dst(%dma_wait3A_671 : memref<10240x128xf32, #tpu.memory_space<vmem_shared>>)
      %add3A_672 = arith.constant 2 : i32
      %add3A_673 = arith.addi %mul3A_371, %add3A_672 : i32
      %mul3A_674 = arith.constant 5 : i32
      %mul3A_675 = arith.muli %add3A_673, %mul3A_674 : i32
      %add3A_676 = arith.constant 1 : i32
      %add3A_677 = arith.addi %mul3A_675, %add3A_676 : i32
      %mul3A_678 = arith.constant 16 : i32
      %mul3A_679 = arith.muli %add3A_677, %mul3A_678 : i32
      %get3A_680 = arith.index_cast %mul3A_679 : i32 to index
      %get3A_681 = tpu.vector_load %arg7[%get3A_680] {strides = array<i32>} : memref<10000xi32, #tpu.memory_space<vmem>>, vector<16xi32>,
      %dma_start3A_682 = arith.constant 0 : i32
      %dma_start3A_683 = arith.constant 0 : i32
      %dma_start3A_684 = tpu.memref_slice %arg2[%dma_start3A_682, %dma_start3A_683] : memref<10000x128xf32, #tpu.memory_space<hbm>> -> memref<10000x128xf32, #tpu.memory_space<hbm>>
      tpu.enqueue_indirect_dma source(%dma_start3A_684 : memref<10000x128xf32, #tpu.memory_space<hbm>>) target(%arg10 : memref<16x128xf32, #tpu.memory_space<vmem>>) offsets(%get3A_681 : vector<16xi32>) semaphore(%arg21 : memref<!tpu.dma_semaphore, #tpu.memory_space<semaphore_mem>>)
      %get3A_685 = arith.constant 0 : index
      %get3A_686 = tpu.vector_load %arg8[%get3A_685] {strides = array<i32>} : memref<10000xi32, #tpu.memory_space<vmem>>, vector<16xi32>,
      %get3A_687 = vector.shape_cast %get3A_686 : vector<16xi32> to vector<16xi32>
      %dma_wait3A_688 = arith.constant 0 : i32
      %dma_wait3A_689 = arith.constant 0 : i32
      %dma_wait3A_690 = tpu.memref_slice %arg19[%dma_wait3A_688, %dma_wait3A_689] : memref<10240x128xf32, #tpu.memory_space<vmem_shared>> -> memref<10240x128xf32, #tpu.memory_space<vmem_shared>>
      tpu.wait_indirect_dma semaphore(%arg32 : memref<!tpu.dma_semaphore, #tpu.memory_space<semaphore_mem>>) src(%arg11 : memref<16x128xf32, #tpu.memory_space<vmem>>) dst(%dma_wait3A_690 : memref<10240x128xf32, #tpu.memory_space<vmem_shared>>)
      %add3A_691 = arith.constant 2 : i32
      %add3A_692 = arith.addi %mul3A_371, %add3A_691 : i32
      %mul3A_693 = arith.constant 5 : i32
      %mul3A_694 = arith.muli %add3A_692, %mul3A_693 : i32
      %add3A_695 = arith.constant 2 : i32
      %add3A_696 = arith.addi %mul3A_694, %add3A_695 : i32
      %mul3A_697 = arith.constant 16 : i32
      %mul3A_698 = arith.muli %add3A_696, %mul3A_697 : i32
      %get3A_699 = arith.index_cast %mul3A_698 : i32 to index
      %get3A_700 = tpu.vector_load %arg7[%get3A_699] {strides = array<i32>} : memref<10000xi32, #tpu.memory_space<vmem>>, vector<16xi32>,
      %dma_start3A_701 = arith.constant 0 : i32
      %dma_start3A_702 = arith.constant 0 : i32
      %dma_start3A_703 = tpu.memref_slice %arg2[%dma_start3A_701, %dma_start3A_702] : memref<10000x128xf32, #tpu.memory_space<hbm>> -> memref<10000x128xf32, #tpu.memory_space<hbm>>
      tpu.enqueue_indirect_dma source(%dma_start3A_703 : memref<10000x128xf32, #tpu.memory_space<hbm>>) target(%arg11 : memref<16x128xf32, #tpu.memory_space<vmem>>) offsets(%get3A_700 : vector<16xi32>) semaphore(%arg22 : memref<!tpu.dma_semaphore, #tpu.memory_space<semaphore_mem>>)
      %get3A_704 = arith.constant 0 : index
      %get3A_705 = tpu.vector_load %arg8[%get3A_704] {strides = array<i32>} : memref<10000xi32, #tpu.memory_space<vmem>>, vector<16xi32>,
      %get3A_706 = vector.shape_cast %get3A_705 : vector<16xi32> to vector<16xi32>
      %dma_wait3A_707 = arith.constant 0 : i32
      %dma_wait3A_708 = arith.constant 0 : i32
      %dma_wait3A_709 = tpu.memref_slice %arg19[%dma_wait3A_707, %dma_wait3A_708] : memref<10240x128xf32, #tpu.memory_space<vmem_shared>> -> memref<10240x128xf32, #tpu.memory_space<vmem_shared>>
      tpu.wait_indirect_dma semaphore(%arg33 : memref<!tpu.dma_semaphore, #tpu.memory_space<semaphore_mem>>) src(%arg12 : memref<16x128xf32, #tpu.memory_space<vmem>>) dst(%dma_wait3A_709 : memref<10240x128xf32, #tpu.memory_space<vmem_shared>>)
      %add3A_710 = arith.constant 2 : i32
      %add3A_711 = arith.addi %mul3A_371, %add3A_710 : i32
      %mul3A_712 = arith.constant 5 : i32
      %mul3A_713 = arith.muli %add3A_711, %mul3A_712 : i32
      %add3A_714 = arith.constant 3 : i32
      %add3A_715 = arith.addi %mul3A_713, %add3A_714 : i32
      %mul3A_716 = arith.constant 16 : i32
      %mul3A_717 = arith.muli %add3A_715, %mul3A_716 : i32
      %get3A_718 = arith.index_cast %mul3A_717 : i32 to index
      %get3A_719 = tpu.vector_load %arg7[%get3A_718] {strides = array<i32>} : memref<10000xi32, #tpu.memory_space<vmem>>, vector<16xi32>,
      %dma_start3A_720 = arith.constant 0 : i32
      %dma_start3A_721 = arith.constant 0 : i32
      %dma_start3A_722 = tpu.memref_slice %arg2[%dma_start3A_720, %dma_start3A_721] : memref<10000x128xf32, #tpu.memory_space<hbm>> -> memref<10000x128xf32, #tpu.memory_space<hbm>>
      tpu.enqueue_indirect_dma source(%dma_start3A_722 : memref<10000x128xf32, #tpu.memory_space<hbm>>) target(%arg12 : memref<16x128xf32, #tpu.memory_space<vmem>>) offsets(%get3A_719 : vector<16xi32>) semaphore(%arg23 : memref<!tpu.dma_semaphore, #tpu.memory_space<semaphore_mem>>)
      %get3A_723 = arith.constant 0 : index
      %get3A_724 = tpu.vector_load %arg8[%get3A_723] {strides = array<i32>} : memref<10000xi32, #tpu.memory_space<vmem>>, vector<16xi32>,
      %get3A_725 = vector.shape_cast %get3A_724 : vector<16xi32> to vector<16xi32>
      %dma_wait3A_726 = arith.constant 0 : i32
      %dma_wait3A_727 = arith.constant 0 : i32
      %dma_wait3A_728 = tpu.memref_slice %arg19[%dma_wait3A_726, %dma_wait3A_727] : memref<10240x128xf32, #tpu.memory_space<vmem_shared>> -> memref<10240x128xf32, #tpu.memory_space<vmem_shared>>
      tpu.wait_indirect_dma semaphore(%arg34 : memref<!tpu.dma_semaphore, #tpu.memory_space<semaphore_mem>>) src(%arg13 : memref<16x128xf32, #tpu.memory_space<vmem>>) dst(%dma_wait3A_728 : memref<10240x128xf32, #tpu.memory_space<vmem_shared>>)
      %add3A_729 = arith.constant 2 : i32
      %add3A_730 = arith.addi %mul3A_371, %add3A_729 : i32
      %mul3A_731 = arith.constant 5 : i32
      %mul3A_732 = arith.muli %add3A_730, %mul3A_731 : i32
      %add3A_733 = arith.constant 4 : i32
      %add3A_734 = arith.addi %mul3A_732, %add3A_733 : i32
      %mul3A_735 = arith.constant 16 : i32
      %mul3A_736 = arith.muli %add3A_734, %mul3A_735 : i32
      %get3A_737 = arith.index_cast %mul3A_736 : i32 to index
      %get3A_738 = tpu.vector_load %arg7[%get3A_737] {strides = array<i32>} : memref<10000xi32, #tpu.memory_space<vmem>>, vector<16xi32>,
      %dma_start3A_739 = arith.constant 0 : i32
      %dma_start3A_740 = arith.constant 0 : i32
      %dma_start3A_741 = tpu.memref_slice %arg2[%dma_start3A_739, %dma_start3A_740] : memref<10000x128xf32, #tpu.memory_space<hbm>> -> memref<10000x128xf32, #tpu.memory_space<hbm>>
      tpu.enqueue_indirect_dma source(%dma_start3A_741 : memref<10000x128xf32, #tpu.memory_space<hbm>>) target(%arg13 : memref<16x128xf32, #tpu.memory_space<vmem>>) offsets(%get3A_738 : vector<16xi32>) semaphore(%arg24 : memref<!tpu.dma_semaphore, #tpu.memory_space<semaphore_mem>>)
    }
    %scan3A_243 = arith.constant 61 : i32
    %get3A_244 = arith.constant 0 : index
    %get3A_245 = tpu.vector_load %arg7[%get3A_244] {strides = array<i32>} : memref<10000xi32, #tpu.memory_space<vmem>>, vector<16xi32>,
    %get3A_246 = vector.shape_cast %get3A_245 : vector<16xi32> to vector<16xi32>
    %dma_wait3A_247 = arith.constant 0 : i32
    %dma_wait3A_248 = arith.constant 0 : i32
    %dma_wait3A_249 = tpu.memref_slice %arg2[%dma_wait3A_247, %dma_wait3A_248] : memref<10000x128xf32, #tpu.memory_space<hbm>> -> memref<10000x128xf32, #tpu.memory_space<hbm>>
    tpu.wait_indirect_dma semaphore(%arg20 : memref<!tpu.dma_semaphore, #tpu.memory_space<semaphore_mem>>) src(%dma_wait3A_249 : memref<10000x128xf32, #tpu.memory_space<hbm>>) dst(%arg9 : memref<16x128xf32, #tpu.memory_space<vmem>>)
    %get3A_250 = arith.constant 9920 : index
    %get3A_251 = tpu.vector_load %arg8[%get3A_250] {strides = array<i32>} : memref<10000xi32, #tpu.memory_space<vmem>>, vector<16xi32>,
    %get3A_252 = vector.shape_cast %get3A_251 : vector<16xi32> to vector<16xi32>
    %dma_start3A_253 = arith.constant 0 : i32
    %dma_start3A_254 = arith.constant 0 : i32
    %dma_start3A_255 = tpu.memref_slice %arg19[%dma_start3A_253, %dma_start3A_254] : memref<10240x128xf32, #tpu.memory_space<vmem_shared>> -> memref<10240x128xf32, #tpu.memory_space<vmem_shared>>
    tpu.enqueue_indirect_dma source(%arg9 : memref<16x128xf32, #tpu.memory_space<vmem>>) target(%dma_start3A_255 : memref<10240x128xf32, #tpu.memory_space<vmem_shared>>) offsets(%get3A_252 : vector<16xi32>) semaphore(%arg30 : memref<!tpu.dma_semaphore, #tpu.memory_space<semaphore_mem>>) {add = true}
    %get3A_256 = arith.constant 0 : index
    %get3A_257 = tpu.vector_load %arg7[%get3A_256] {strides = array<i32>} : memref<10000xi32, #tpu.memory_space<vmem>>, vector<16xi32>,
    %get3A_258 = vector.shape_cast %get3A_257 : vector<16xi32> to vector<16xi32>
    %dma_wait3A_259 = arith.constant 0 : i32
    %dma_wait3A_260 = arith.constant 0 : i32
    %dma_wait3A_261 = tpu.memref_slice %arg2[%dma_wait3A_259, %dma_wait3A_260] : memref<10000x128xf32, #tpu.memory_space<hbm>> -> memref<10000x128xf32, #tpu.memory_space<hbm>>
    tpu.wait_indirect_dma semaphore(%arg21 : memref<!tpu.dma_semaphore, #tpu.memory_space<semaphore_mem>>) src(%dma_wait3A_261 : memref<10000x128xf32, #tpu.memory_space<hbm>>) dst(%arg10 : memref<16x128xf32, #tpu.memory_space<vmem>>)
    %get3A_262 = arith.constant 9936 : index
    %get3A_263 = tpu.vector_load %arg8[%get3A_262] {strides = array<i32>} : memref<10000xi32, #tpu.memory_space<vmem>>, vector<16xi32>,
    %get3A_264 = vector.shape_cast %get3A_263 : vector<16xi32> to vector<16xi32>
    %dma_start3A_265 = arith.constant 0 : i32
    %dma_start3A_266 = arith.constant 0 : i32
    %dma_start3A_267 = tpu.memref_slice %arg19[%dma_start3A_265, %dma_start3A_266] : memref<10240x128xf32, #tpu.memory_space<vmem_shared>> -> memref<10240x128xf32, #tpu.memory_space<vmem_shared>>
    tpu.enqueue_indirect_dma source(%arg10 : memref<16x128xf32, #tpu.memory_space<vmem>>) target(%dma_start3A_267 : memref<10240x128xf32, #tpu.memory_space<vmem_shared>>) offsets(%get3A_264 : vector<16xi32>) semaphore(%arg31 : memref<!tpu.dma_semaphore, #tpu.memory_space<semaphore_mem>>) {add = true}
    %get3A_268 = arith.constant 0 : index
    %get3A_269 = tpu.vector_load %arg7[%get3A_268] {strides = array<i32>} : memref<10000xi32, #tpu.memory_space<vmem>>, vector<16xi32>,
    %get3A_270 = vector.shape_cast %get3A_269 : vector<16xi32> to vector<16xi32>
    %dma_wait3A_271 = arith.constant 0 : i32
    %dma_wait3A_272 = arith.constant 0 : i32
    %dma_wait3A_273 = tpu.memref_slice %arg2[%dma_wait3A_271, %dma_wait3A_272] : memref<10000x128xf32, #tpu.memory_space<hbm>> -> memref<10000x128xf32, #tpu.memory_space<hbm>>
    tpu.wait_indirect_dma semaphore(%arg22 : memref<!tpu.dma_semaphore, #tpu.memory_space<semaphore_mem>>) src(%dma_wait3A_273 : memref<10000x128xf32, #tpu.memory_space<hbm>>) dst(%arg11 : memref<16x128xf32, #tpu.memory_space<vmem>>)
    %get3A_274 = arith.constant 9952 : index
    %get3A_275 = tpu.vector_load %arg8[%get3A_274] {strides = array<i32>} : memref<10000xi32, #tpu.memory_space<vmem>>, vector<16xi32>,
    %get3A_276 = vector.shape_cast %get3A_275 : vector<16xi32> to vector<16xi32>
    %dma_start3A_277 = arith.constant 0 : i32
    %dma_start3A_278 = arith.constant 0 : i32
    %dma_start3A_279 = tpu.memref_slice %arg19[%dma_start3A_277, %dma_start3A_278] : memref<10240x128xf32, #tpu.memory_space<vmem_shared>> -> memref<10240x128xf32, #tpu.memory_space<vmem_shared>>
    tpu.enqueue_indirect_dma source(%arg11 : memref<16x128xf32, #tpu.memory_space<vmem>>) target(%dma_start3A_279 : memref<10240x128xf32, #tpu.memory_space<vmem_shared>>) offsets(%get3A_276 : vector<16xi32>) semaphore(%arg32 : memref<!tpu.dma_semaphore, #tpu.memory_space<semaphore_mem>>) {add = true}
    %get3A_280 = arith.constant 0 : index
    %get3A_281 = tpu.vector_load %arg7[%get3A_280] {strides = array<i32>} : memref<10000xi32, #tpu.memory_space<vmem>>, vector<16xi32>,
    %get3A_282 = vector.shape_cast %get3A_281 : vector<16xi32> to vector<16xi32>
    %dma_wait3A_283 = arith.constant 0 : i32
    %dma_wait3A_284 = arith.constant 0 : i32
    %dma_wait3A_285 = tpu.memref_slice %arg2[%dma_wait3A_283, %dma_wait3A_284] : memref<10000x128xf32, #tpu.memory_space<hbm>> -> memref<10000x128xf32, #tpu.memory_space<hbm>>
    tpu.wait_indirect_dma semaphore(%arg23 : memref<!tpu.dma_semaphore, #tpu.memory_space<semaphore_mem>>) src(%dma_wait3A_285 : memref<10000x128xf32, #tpu.memory_space<hbm>>) dst(%arg12 : memref<16x128xf32, #tpu.memory_space<vmem>>)
    %get3A_286 = arith.constant 9968 : index
    %get3A_287 = tpu.vector_load %arg8[%get3A_286] {strides = array<i32>} : memref<10000xi32, #tpu.memory_space<vmem>>, vector<16xi32>,
    %get3A_288 = vector.shape_cast %get3A_287 : vector<16xi32> to vector<16xi32>
    %dma_start3A_289 = arith.constant 0 : i32
    %dma_start3A_290 = arith.constant 0 : i32
    %dma_start3A_291 = tpu.memref_slice %arg19[%dma_start3A_289, %dma_start3A_290] : memref<10240x128xf32, #tpu.memory_space<vmem_shared>> -> memref<10240x128xf32, #tpu.memory_space<vmem_shared>>
    tpu.enqueue_indirect_dma source(%arg12 : memref<16x128xf32, #tpu.memory_space<vmem>>) target(%dma_start3A_291 : memref<10240x128xf32, #tpu.memory_space<vmem_shared>>) offsets(%get3A_288 : vector<16xi32>) semaphore(%arg33 : memref<!tpu.dma_semaphore, #tpu.memory_space<semaphore_mem>>) {add = true}
    %get3A_292 = arith.constant 0 : index
    %get3A_293 = tpu.vector_load %arg7[%get3A_292] {strides = array<i32>} : memref<10000xi32, #tpu.memory_space<vmem>>, vector<16xi32>,
    %get3A_294 = vector.shape_cast %get3A_293 : vector<16xi32> to vector<16xi32>
    %dma_wait3A_295 = arith.constant 0 : i32
    %dma_wait3A_296 = arith.constant 0 : i32
    %dma_wait3A_297 = tpu.memref_slice %arg2[%dma_wait3A_295, %dma_wait3A_296] : memref<10000x128xf32, #tpu.memory_space<hbm>> -> memref<10000x128xf32, #tpu.memory_space<hbm>>
    tpu.wait_indirect_dma semaphore(%arg24 : memref<!tpu.dma_semaphore, #tpu.memory_space<semaphore_mem>>) src(%dma_wait3A_297 : memref<10000x128xf32, #tpu.memory_space<hbm>>) dst(%arg13 : memref<16x128xf32, #tpu.memory_space<vmem>>)
    %get3A_298 = arith.constant 9984 : index
    %get3A_299 = tpu.vector_load %arg8[%get3A_298] {strides = array<i32>} : memref<10000xi32, #tpu.memory_space<vmem>>, vector<16xi32>,
    %get3A_300 = vector.shape_cast %get3A_299 : vector<16xi32> to vector<16xi32>
    %dma_start3A_301 = arith.constant 0 : i32
    %dma_start3A_302 = arith.constant 0 : i32
    %dma_start3A_303 = tpu.memref_slice %arg19[%dma_start3A_301, %dma_start3A_302] : memref<10240x128xf32, #tpu.memory_space<vmem_shared>> -> memref<10240x128xf32, #tpu.memory_space<vmem_shared>>
    tpu.enqueue_indirect_dma source(%arg13 : memref<16x128xf32, #tpu.memory_space<vmem>>) target(%dma_start3A_303 : memref<10240x128xf32, #tpu.memory_space<vmem_shared>>) offsets(%get3A_300 : vector<16xi32>) semaphore(%arg34 : memref<!tpu.dma_semaphore, #tpu.memory_space<semaphore_mem>>) {add = true}
    %get3A_304 = arith.constant 0 : index
    %get3A_305 = tpu.vector_load %arg8[%get3A_304] {strides = array<i32>} : memref<10000xi32, #tpu.memory_space<vmem>>, vector<16xi32>,
    %get3A_306 = vector.shape_cast %get3A_305 : vector<16xi32> to vector<16xi32>
    %dma_wait3A_307 = arith.constant 0 : i32
    %dma_wait3A_308 = arith.constant 0 : i32
    %dma_wait3A_309 = tpu.memref_slice %arg19[%dma_wait3A_307, %dma_wait3A_308] : memref<10240x128xf32, #tpu.memory_space<vmem_shared>> -> memref<10240x128xf32, #tpu.memory_space<vmem_shared>>
    tpu.wait_indirect_dma semaphore(%arg35 : memref<!tpu.dma_semaphore, #tpu.memory_space<semaphore_mem>>) src(%arg14 : memref<16x128xf32, #tpu.memory_space<vmem>>) dst(%dma_wait3A_309 : memref<10240x128xf32, #tpu.memory_space<vmem_shared>>)
    %get3A_310 = arith.constant 0 : index
    %get3A_311 = tpu.vector_load %arg8[%get3A_310] {strides = array<i32>} : memref<10000xi32, #tpu.memory_space<vmem>>, vector<16xi32>,
    %get3A_312 = vector.shape_cast %get3A_311 : vector<16xi32> to vector<16xi32>
    %dma_wait3A_313 = arith.constant 0 : i32
    %dma_wait3A_314 = arith.constant 0 : i32
    %dma_wait3A_315 = tpu.memref_slice %arg19[%dma_wait3A_313, %dma_wait3A_314] : memref<10240x128xf32, #tpu.memory_space<vmem_shared>> -> memref<10240x128xf32, #tpu.memory_space<vmem_shared>>
    tpu.wait_indirect_dma semaphore(%arg36 : memref<!tpu.dma_semaphore, #tpu.memory_space<semaphore_mem>>) src(%arg15 : memref<16x128xf32, #tpu.memory_space<vmem>>) dst(%dma_wait3A_315 : memref<10240x128xf32, #tpu.memory_space<vmem_shared>>)
    %get3A_316 = arith.constant 0 : index
    %get3A_317 = tpu.vector_load %arg8[%get3A_316] {strides = array<i32>} : memref<10000xi32, #tpu.memory_space<vmem>>, vector<16xi32>,
    %get3A_318 = vector.shape_cast %get3A_317 : vector<16xi32> to vector<16xi32>
    %dma_wait3A_319 = arith.constant 0 : i32
    %dma_wait3A_320 = arith.constant 0 : i32
    %dma_wait3A_321 = tpu.memref_slice %arg19[%dma_wait3A_319, %dma_wait3A_320] : memref<10240x128xf32, #tpu.memory_space<vmem_shared>> -> memref<10240x128xf32, #tpu.memory_space<vmem_shared>>
    tpu.wait_indirect_dma semaphore(%arg37 : memref<!tpu.dma_semaphore, #tpu.memory_space<semaphore_mem>>) src(%arg16 : memref<16x128xf32, #tpu.memory_space<vmem>>) dst(%dma_wait3A_321 : memref<10240x128xf32, #tpu.memory_space<vmem_shared>>)
    %get3A_322 = arith.constant 0 : index
    %get3A_323 = tpu.vector_load %arg8[%get3A_322] {strides = array<i32>} : memref<10000xi32, #tpu.memory_space<vmem>>, vector<16xi32>,
    %get3A_324 = vector.shape_cast %get3A_323 : vector<16xi32> to vector<16xi32>
    %dma_wait3A_325 = arith.constant 0 : i32
    %dma_wait3A_326 = arith.constant 0 : i32
    %dma_wait3A_327 = tpu.memref_slice %arg19[%dma_wait3A_325, %dma_wait3A_326] : memref<10240x128xf32, #tpu.memory_space<vmem_shared>> -> memref<10240x128xf32, #tpu.memory_space<vmem_shared>>
    tpu.wait_indirect_dma semaphore(%arg38 : memref<!tpu.dma_semaphore, #tpu.memory_space<semaphore_mem>>) src(%arg17 : memref<16x128xf32, #tpu.memory_space<vmem>>) dst(%dma_wait3A_327 : memref<10240x128xf32, #tpu.memory_space<vmem_shared>>)
    %get3A_328 = arith.constant 0 : index
    %get3A_329 = tpu.vector_load %arg8[%get3A_328] {strides = array<i32>} : memref<10000xi32, #tpu.memory_space<vmem>>, vector<16xi32>,
    %get3A_330 = vector.shape_cast %get3A_329 : vector<16xi32> to vector<16xi32>
    %dma_wait3A_331 = arith.constant 0 : i32
    %dma_wait3A_332 = arith.constant 0 : i32
    %dma_wait3A_333 = tpu.memref_slice %arg19[%dma_wait3A_331, %dma_wait3A_332] : memref<10240x128xf32, #tpu.memory_space<vmem_shared>> -> memref<10240x128xf32, #tpu.memory_space<vmem_shared>>
    tpu.wait_indirect_dma semaphore(%arg39 : memref<!tpu.dma_semaphore, #tpu.memory_space<semaphore_mem>>) src(%arg18 : memref<16x128xf32, #tpu.memory_space<vmem>>) dst(%dma_wait3A_333 : memref<10240x128xf32, #tpu.memory_space<vmem_shared>>)
    %get3A_334 = arith.constant 0 : index
    %get3A_335 = tpu.vector_load %arg8[%get3A_334] {strides = array<i32>} : memref<10000xi32, #tpu.memory_space<vmem>>, vector<16xi32>,
    %get3A_336 = vector.shape_cast %get3A_335 : vector<16xi32> to vector<16xi32>
    %dma_wait3A_337 = arith.constant 0 : i32
    %dma_wait3A_338 = arith.constant 0 : i32
    %dma_wait3A_339 = tpu.memref_slice %arg19[%dma_wait3A_337, %dma_wait3A_338] : memref<10240x128xf32, #tpu.memory_space<vmem_shared>> -> memref<10240x128xf32, #tpu.memory_space<vmem_shared>>
    tpu.wait_indirect_dma semaphore(%arg30 : memref<!tpu.dma_semaphore, #tpu.memory_space<semaphore_mem>>) src(%arg9 : memref<16x128xf32, #tpu.memory_space<vmem>>) dst(%dma_wait3A_339 : memref<10240x128xf32, #tpu.memory_space<vmem_shared>>)
    %get3A_340 = arith.constant 0 : index
    %get3A_341 = tpu.vector_load %arg8[%get3A_340] {strides = array<i32>} : memref<10000xi32, #tpu.memory_space<vmem>>, vector<16xi32>,
    %get3A_342 = vector.shape_cast %get3A_341 : vector<16xi32> to vector<16xi32>
    %dma_wait3A_343 = arith.constant 0 : i32
    %dma_wait3A_344 = arith.constant 0 : i32
    %dma_wait3A_345 = tpu.memref_slice %arg19[%dma_wait3A_343, %dma_wait3A_344] : memref<10240x128xf32, #tpu.memory_space<vmem_shared>> -> memref<10240x128xf32, #tpu.memory_space<vmem_shared>>
    tpu.wait_indirect_dma semaphore(%arg31 : memref<!tpu.dma_semaphore, #tpu.memory_space<semaphore_mem>>) src(%arg10 : memref<16x128xf32, #tpu.memory_space<vmem>>) dst(%dma_wait3A_345 : memref<10240x128xf32, #tpu.memory_space<vmem_shared>>)
    %get3A_346 = arith.constant 0 : index
    %get3A_347 = tpu.vector_load %arg8[%get3A_346] {strides = array<i32>} : memref<10000xi32, #tpu.memory_space<vmem>>, vector<16xi32>,
    %get3A_348 = vector.shape_cast %get3A_347 : vector<16xi32> to vector<16xi32>
    %dma_wait3A_349 = arith.constant 0 : i32
    %dma_wait3A_350 = arith.constant 0 : i32
    %dma_wait3A_351 = tpu.memref_slice %arg19[%dma_wait3A_349, %dma_wait3A_350] : memref<10240x128xf32, #tpu.memory_space<vmem_shared>> -> memref<10240x128xf32, #tpu.memory_space<vmem_shared>>
    tpu.wait_indirect_dma semaphore(%arg32 : memref<!tpu.dma_semaphore, #tpu.memory_space<semaphore_mem>>) src(%arg11 : memref<16x128xf32, #tpu.memory_space<vmem>>) dst(%dma_wait3A_351 : memref<10240x128xf32, #tpu.memory_space<vmem_shared>>)
    %get3A_352 = arith.constant 0 : index
    %get3A_353 = tpu.vector_load %arg8[%get3A_352] {strides = array<i32>} : memref<10000xi32, #tpu.memory_space<vmem>>, vector<16xi32>,
    %get3A_354 = vector.shape_cast %get3A_353 : vector<16xi32> to vector<16xi32>
    %dma_wait3A_355 = arith.constant 0 : i32
    %dma_wait3A_356 = arith.constant 0 : i32
    %dma_wait3A_357 = tpu.memref_slice %arg19[%dma_wait3A_355, %dma_wait3A_356] : memref<10240x128xf32, #tpu.memory_space<vmem_shared>> -> memref<10240x128xf32, #tpu.memory_space<vmem_shared>>
    tpu.wait_indirect_dma semaphore(%arg33 : memref<!tpu.dma_semaphore, #tpu.memory_space<semaphore_mem>>) src(%arg12 : memref<16x128xf32, #tpu.memory_space<vmem>>) dst(%dma_wait3A_357 : memref<10240x128xf32, #tpu.memory_space<vmem_shared>>)
    %get3A_358 = arith.constant 0 : index
    %get3A_359 = tpu.vector_load %arg8[%get3A_358] {strides = array<i32>} : memref<10000xi32, #tpu.memory_space<vmem>>, vector<16xi32>,
    %get3A_360 = vector.shape_cast %get3A_359 : vector<16xi32> to vector<16xi32>
    %dma_wait3A_361 = arith.constant 0 : i32
    %dma_wait3A_362 = arith.constant 0 : i32
    %dma_wait3A_363 = tpu.memref_slice %arg19[%dma_wait3A_361, %dma_wait3A_362] : memref<10240x128xf32, #tpu.memory_space<vmem_shared>> -> memref<10240x128xf32, #tpu.memory_space<vmem_shared>>
    tpu.wait_indirect_dma semaphore(%arg34 : memref<!tpu.dma_semaphore, #tpu.memory_space<semaphore_mem>>) src(%arg13 : memref<16x128xf32, #tpu.memory_space<vmem>>) dst(%dma_wait3A_363 : memref<10240x128xf32, #tpu.memory_space<vmem_shared>>)
    %barrier3A_364 = arith.constant 0 : index
    tpu.barrier barrier_id(%barrier3A_364)
    "tpu.region"() ({
      %run_scoped3A = tpu.sem_alloc : memref<!tpu.dma_semaphore, #tpu.memory_space<semaphore_mem>>
      %dma_start3A_365 = arith.constant 0 : i32
      %dma_start3A_366 = tpu.memref_slice %arg6[%arg0, %mul3A_2, %dma_start3A_365] : memref<2x10240x128xf32, #tpu.memory_space<hbm>> -> memref<1x640x128xf32, #tpu.memory_space<hbm>>
      %dma_start3A_367 = tpu.memref_squeeze %dma_start3A_366 : memref<1x640x128xf32, #tpu.memory_space<hbm>> -> memref<640x128xf32, #tpu.memory_space<hbm>>
      %dma_start3A_368 = arith.constant 0 : i32
      %dma_start3A_369 = tpu.memref_slice %arg19[%mul3A_2, %dma_start3A_368] : memref<10240x128xf32, #tpu.memory_space<vmem_shared>> -> memref<640x128xf32, #tpu.memory_space<vmem_shared>>
      tpu.enqueue_dma source(%dma_start3A_369 : memref<640x128xf32, #tpu.memory_space<vmem_shared>>) target(%dma_start3A_367 : memref<640x128xf32, #tpu.memory_space<hbm>>) target_semaphore(%run_scoped3A : memref<!tpu.dma_semaphore, #tpu.memory_space<semaphore_mem>>)
      %dma_wait3A_370 = arith.constant 0 : i32
      %dma_wait3A_371 = tpu.memref_slice %arg6[%arg0, %mul3A_2, %dma_wait3A_370] : memref<2x10240x128xf32, #tpu.memory_space<hbm>> -> memref<1x640x128xf32, #tpu.memory_space<hbm>>
      %dma_wait3A_372 = tpu.memref_squeeze %dma_wait3A_371 : memref<1x640x128xf32, #tpu.memory_space<hbm>> -> memref<640x128xf32, #tpu.memory_space<hbm>>
      %dma_wait3A_373 = arith.constant 0 : i32
      %dma_wait3A_374 = tpu.memref_slice %arg19[%mul3A_2, %dma_wait3A_373] : memref<10240x128xf32, #tpu.memory_space<vmem_shared>> -> memref<640x128xf32, #tpu.memory_space<vmem_shared>>
      tpu.wait_dma2 semaphore(%run_scoped3A : memref<!tpu.dma_semaphore, #tpu.memory_space<semaphore_mem>>) src(%dma_wait3A_374 : memref<640x128xf32, #tpu.memory_space<vmem_shared>>) dst(%dma_wait3A_372 : memref<640x128xf32, #tpu.memory_space<hbm>>)
      tpu.yield
    }) : () -> ()
    return
  }
}

#map = affine_map<(d0, d1) -> (0, 0)>
#map1 = affine_map<(d0, d1) -> (0, 0, 0, 0)>
module attributes {stable_mosaic.version = 14 : i64} {
  func.func @deg_kernel(%arg0: i32, %arg1: i32, %arg2: memref<32x10000xi32, #tpu.memory_space<hbm>>, %arg3: memref<640x128xf32, #tpu.memory_space<hbm>>, %arg4: memref<2x16x80x128xf32, #tpu.memory_space<hbm>>, %arg5: memref<10000xi32, #tpu.memory_space<vmem>>, %arg6: memref<80x128xf32, #tpu.memory_space<vmem>>) attributes {dimension_semantics = [#tpu.dimension_semantics<core_parallel>, #tpu.dimension_semantics<subcore_parallel>], iteration_bounds = array<i64: 2, 16>, scalar_prefetch = 0 : i64, scratch_operands = 2 : i64, tpu.core_type = #tpu.core_type<sc_vector_subcore>, window_params = [{transform_indices = #map}, {transform_indices = #map}, {transform_indices = #map1}]} {
    %mul3A = arith.constant 2 : i32
    %mul3A_0 = arith.muli %arg1, %mul3A : i32
    %add3A = arith.addi %mul3A_0, %arg0 : i32
    "tpu.region"() ({
      %run_scoped3A = tpu.sem_alloc : memref<!tpu.dma_semaphore, #tpu.memory_space<semaphore_mem>>
      %dma_start3A = arith.constant 0 : i32
      %dma_start3A_5 = arith.constant 0 : i32
      %dma_start3A_6 = tpu.memref_slice %arg3[%dma_start3A, %dma_start3A_5] : memref<640x128xf32, #tpu.memory_space<hbm>> -> memref<80x128xf32, #tpu.memory_space<hbm>>
      %dma_start3A_7 = arith.constant 0 : i32
      %dma_start3A_8 = arith.constant 0 : i32
      %dma_start3A_9 = tpu.memref_slice %arg3[%dma_start3A_7, %dma_start3A_8] : memref<640x128xf32, #tpu.memory_space<hbm>> -> memref<80x128xf32, #tpu.memory_space<hbm>>
      tpu.enqueue_dma source(%dma_start3A_9 : memref<80x128xf32, #tpu.memory_space<hbm>>) target(%arg6 : memref<80x128xf32, #tpu.memory_space<vmem>>) target_semaphore(%run_scoped3A : memref<!tpu.dma_semaphore, #tpu.memory_space<semaphore_mem>>)
      %dma_wait3A = arith.constant 0 : i32
      %dma_wait3A_10 = arith.constant 0 : i32
      %dma_wait3A_11 = tpu.memref_slice %arg3[%dma_wait3A, %dma_wait3A_10] : memref<640x128xf32, #tpu.memory_space<hbm>> -> memref<80x128xf32, #tpu.memory_space<hbm>>
      %dma_wait3A_12 = arith.constant 0 : i32
      %dma_wait3A_13 = arith.constant 0 : i32
      %dma_wait3A_14 = tpu.memref_slice %arg3[%dma_wait3A_12, %dma_wait3A_13] : memref<640x128xf32, #tpu.memory_space<hbm>> -> memref<80x128xf32, #tpu.memory_space<hbm>>
      tpu.wait_dma2 semaphore(%run_scoped3A : memref<!tpu.dma_semaphore, #tpu.memory_space<semaphore_mem>>) src(%dma_wait3A_14 : memref<80x128xf32, #tpu.memory_space<hbm>>) dst(%arg6 : memref<80x128xf32, #tpu.memory_space<vmem>>)
      tpu.yield
    }) : () -> ()
    "tpu.region"() ({
      %run_scoped3A = tpu.sem_alloc : memref<!tpu.dma_semaphore, #tpu.memory_space<semaphore_mem>>
      %dma_start3A = arith.constant 0 : i32
      %dma_start3A_5 = tpu.memref_slice %arg2[%add3A, %dma_start3A] : memref<32x10000xi32, #tpu.memory_space<hbm>> -> memref<1x10000xi32, #tpu.memory_space<hbm>>
      %dma_start3A_6 = tpu.memref_squeeze %dma_start3A_5 : memref<1x10000xi32, #tpu.memory_space<hbm>> -> memref<10000xi32, #tpu.memory_space<hbm>>
      %dma_start3A_7 = arith.constant 0 : i32
      %dma_start3A_8 = tpu.memref_slice %arg2[%add3A, %dma_start3A_7] : memref<32x10000xi32, #tpu.memory_space<hbm>> -> memref<1x10000xi32, #tpu.memory_space<hbm>>
      %dma_start3A_9 = tpu.memref_squeeze %dma_start3A_8 : memref<1x10000xi32, #tpu.memory_space<hbm>> -> memref<10000xi32, #tpu.memory_space<hbm>>
      tpu.enqueue_dma source(%dma_start3A_9 : memref<10000xi32, #tpu.memory_space<hbm>>) target(%arg5 : memref<10000xi32, #tpu.memory_space<vmem>>) target_semaphore(%run_scoped3A : memref<!tpu.dma_semaphore, #tpu.memory_space<semaphore_mem>>)
      %dma_wait3A = arith.constant 0 : i32
      %dma_wait3A_10 = tpu.memref_slice %arg2[%add3A, %dma_wait3A] : memref<32x10000xi32, #tpu.memory_space<hbm>> -> memref<1x10000xi32, #tpu.memory_space<hbm>>
      %dma_wait3A_11 = tpu.memref_squeeze %dma_wait3A_10 : memref<1x10000xi32, #tpu.memory_space<hbm>> -> memref<10000xi32, #tpu.memory_space<hbm>>
      %dma_wait3A_12 = arith.constant 0 : i32
      %dma_wait3A_13 = tpu.memref_slice %arg2[%add3A, %dma_wait3A_12] : memref<32x10000xi32, #tpu.memory_space<hbm>> -> memref<1x10000xi32, #tpu.memory_space<hbm>>
      %dma_wait3A_14 = tpu.memref_squeeze %dma_wait3A_13 : memref<1x10000xi32, #tpu.memory_space<hbm>> -> memref<10000xi32, #tpu.memory_space<hbm>>
      tpu.wait_dma2 semaphore(%run_scoped3A : memref<!tpu.dma_semaphore, #tpu.memory_space<semaphore_mem>>) src(%dma_wait3A_14 : memref<10000xi32, #tpu.memory_space<hbm>>) dst(%arg5 : memref<10000xi32, #tpu.memory_space<vmem>>)
      tpu.yield
    }) : () -> ()
    %scan3A = arith.constant 0 : i32
    %scan3A_1 = arith.constant 625 : i32
    %scan3A_2 = arith.addi %scan3A, %scan3A_1 : i32
    %scan3A_3 = arith.constant 1 : i32
    scf.for %scan3A_5 = %scan3A to %scan3A_2 step %scan3A_3  : i32 {
      %mul3A_6 = arith.constant 1 : i32
      %mul3A_7 = arith.muli %scan3A_5, %mul3A_6 : i32
      %add3A_8 = arith.constant 0 : i32
      %add3A_9 = arith.addi %add3A_8, %mul3A_7 : i32
      %mul3A_10 = arith.constant 16 : i32
      %mul3A_11 = arith.muli %add3A_9, %mul3A_10 : i32
      %get3A = arith.index_cast %mul3A_11 : i32 to index
      %get3A_12 = tpu.vector_load %arg5[%get3A] {strides = array<i32>} : memref<10000xi32, #tpu.memory_space<vmem>>, vector<16xi32>,
      %broadcast_in_dim3A = arith.constant true
      %broadcast_in_dim3A_13 = vector.broadcast %broadcast_in_dim3A : i1 to vector<16xi1>
      %unique3A, %unique3A_14 = tpu.scan_count mask(%broadcast_in_dim3A_13 : vector<16xi1>) value(%get3A_12 : vector<16xi32>) : vector<16xi1>, vector<16xi32>
      %shift_right_logical3A = arith.constant 7 : i32
      %shift_right_logical3A_15 = vector.broadcast %shift_right_logical3A : i32 to vector<16xi32>
      %shift_right_logical3A_16 = arith.shrui %get3A_12, %shift_right_logical3A_15 : vector<16xi32>
      %and3A = arith.constant 127 : i32
      %and3A_17 = vector.broadcast %and3A : i32 to vector<16xi32>
      %and3A_18 = arith.andi %get3A_12, %and3A_17 : vector<16xi32>
      %convert_element_type3A = arith.sitofp %unique3A_14 : vector<16xi32> to vector<16xf32>
      tpu.vector_store_idx %arg6[%shift_right_logical3A_16, %and3A_18], %convert_element_type3A masked %unique3A {add = true} : memref<80x128xf32, #tpu.memory_space<vmem>>[vector<16xi32>, vector<16xi32>], vector<16xf32>, vector<16xi1>
    }
    %scan3A_4 = arith.constant 625 : i32
    "tpu.region"() ({
      %run_scoped3A = tpu.sem_alloc : memref<!tpu.dma_semaphore, #tpu.memory_space<semaphore_mem>>
      %dma_start3A = arith.constant 0 : i32
      %dma_start3A_5 = arith.constant 0 : i32
      %dma_start3A_6 = tpu.memref_slice %arg4[%arg0, %arg1, %dma_start3A, %dma_start3A_5] : memref<2x16x80x128xf32, #tpu.memory_space<hbm>> -> memref<1x1x80x128xf32, #tpu.memory_space<hbm>>
      %dma_start3A_7 = tpu.memref_squeeze %dma_start3A_6 : memref<1x1x80x128xf32, #tpu.memory_space<hbm>> -> memref<80x128xf32, #tpu.memory_space<hbm>>
      %dma_start3A_8 = arith.constant 0 : i32
      %dma_start3A_9 = arith.constant 0 : i32
      %dma_start3A_10 = tpu.memref_slice %arg4[%arg0, %arg1, %dma_start3A_8, %dma_start3A_9] : memref<2x16x80x128xf32, #tpu.memory_space<hbm>> -> memref<1x1x80x128xf32, #tpu.memory_space<hbm>>
      %dma_start3A_11 = tpu.memref_squeeze %dma_start3A_10 : memref<1x1x80x128xf32, #tpu.memory_space<hbm>> -> memref<80x128xf32, #tpu.memory_space<hbm>>
      tpu.enqueue_dma source(%arg6 : memref<80x128xf32, #tpu.memory_space<vmem>>) target(%dma_start3A_11 : memref<80x128xf32, #tpu.memory_space<hbm>>) target_semaphore(%run_scoped3A : memref<!tpu.dma_semaphore, #tpu.memory_space<semaphore_mem>>)
      %dma_wait3A = arith.constant 0 : i32
      %dma_wait3A_12 = arith.constant 0 : i32
      %dma_wait3A_13 = tpu.memref_slice %arg4[%arg0, %arg1, %dma_wait3A, %dma_wait3A_12] : memref<2x16x80x128xf32, #tpu.memory_space<hbm>> -> memref<1x1x80x128xf32, #tpu.memory_space<hbm>>
      %dma_wait3A_14 = tpu.memref_squeeze %dma_wait3A_13 : memref<1x1x80x128xf32, #tpu.memory_space<hbm>> -> memref<80x128xf32, #tpu.memory_space<hbm>>
      %dma_wait3A_15 = arith.constant 0 : i32
      %dma_wait3A_16 = arith.constant 0 : i32
      %dma_wait3A_17 = tpu.memref_slice %arg4[%arg0, %arg1, %dma_wait3A_15, %dma_wait3A_16] : memref<2x16x80x128xf32, #tpu.memory_space<hbm>> -> memref<1x1x80x128xf32, #tpu.memory_space<hbm>>
      %dma_wait3A_18 = tpu.memref_squeeze %dma_wait3A_17 : memref<1x1x80x128xf32, #tpu.memory_space<hbm>> -> memref<80x128xf32, #tpu.memory_space<hbm>>
      tpu.wait_dma2 semaphore(%run_scoped3A : memref<!tpu.dma_semaphore, #tpu.memory_space<semaphore_mem>>) src(%arg6 : memref<80x128xf32, #tpu.memory_space<vmem>>) dst(%dma_wait3A_18 : memref<80x128xf32, #tpu.memory_space<hbm>>)
      tpu.yield
    }) : () -> ()
    return
  }
}

module attributes {stable_mosaic.version = 14 : i64} {
  func.func @body(%arg0: i32, %arg1: memref<1024x128xf32, #tpu.memory_space<vmem>>, %arg2: memref<128x128xf32, #tpu.memory_space<vmem>>, %arg3: memref<1024x128xf32, #tpu.memory_space<vmem>>) attributes {dimension_semantics = [#tpu.dimension_semantics<arbitrary>], iteration_bounds = array<i64: 10>, scalar_prefetch = 0 : i64, scratch_operands = 0 : i64, tpu.core_type = #tpu.core_type<tc>, window_params = [{transform_indices = @transform_0, window_bounds = array<i64: 1024, 128>}, {pipeline_mode = #tpu.pipeline_mode<synchronous>, transform_indices = @transform_1, window_bounds = array<i64: 128, 128>}, {transform_indices = @transform_2, window_bounds = array<i64: 1024, 128>}]} {
    %get3A = arith.constant 0 : index
    %get3A_0 = arith.constant 0 : index
    %get3A_1 = vector.load %arg1[%get3A, %get3A_0] : memref<1024x128xf32, #tpu.memory_space<vmem>>, vector<1024x128xf32>
    %get3A_2 = arith.constant 0 : index
    %get3A_3 = arith.constant 0 : index
    %get3A_4 = vector.load %arg2[%get3A_2, %get3A_3] : memref<128x128xf32, #tpu.memory_space<vmem>>, vector<128x128xf32>
    %dot_general3A = arith.constant dense<0.000000e+00> : vector<1024x128xf32>
    %dot_general3A_5 = tpu.matmul %get3A_1, %get3A_4, %dot_general3A {dimension_numbers = #tpu.dot_dimension_numbers<[1], [0], [0], [1], [0, 0, 1, 1], [], []>, precision = #tpu.contract_precision<fp32>, transpose_lhs_hint = false} : vector<1024x128xf32>, vector<128x128xf32>, vector<1024x128xf32> -> vector<1024x128xf32>
    %swap3A = arith.constant 0 : index
    %swap3A_6 = arith.constant 0 : index
    %swap3A_7 = vector.load %arg3[%swap3A, %swap3A_6] : memref<1024x128xf32, #tpu.memory_space<vmem>>, vector<1024x128xf32>
    tpu.vector_store %arg3[%swap3A, %swap3A_6], %dot_general3A_5 {strides = array<i32>} : memref<1024x128xf32, #tpu.memory_space<vmem>>, vector<1024x128xf32>,
    return
  }
  func.func @transform_0(%arg0: i32) -> (i32, i32) {
    %c0_i32 = arith.constant 0 : i32
    %c0_i32_0 = arith.constant 0 : i32
    return %arg0, %c0_i32 : i32, i32
  }
  func.func @transform_1(%arg0: i32) -> (i32, i32) {
    %c0_i32 = arith.constant 0 : i32
    %c0_i32_0 = arith.constant 0 : i32
    %c0_i32_1 = arith.constant 0 : i32
    return %c0_i32, %c0_i32_0 : i32, i32
  }
  func.func @transform_2(%arg0: i32) -> (i32, i32) {
    %c0_i32 = arith.constant 0 : i32
    %c0_i32_0 = arith.constant 0 : i32
    return %arg0, %c0_i32 : i32, i32
  }
}

module attributes {stable_mosaic.version = 14 : i64} {
  func.func @body(%arg0: i32, %arg1: memref<2x16x8x128xf32, #tpu.memory_space<vmem>>, %arg2: memref<1024x128xf32, #tpu.memory_space<vmem>>, %arg3: memref<1024x128xf32, #tpu.memory_space<vmem>>, %arg4: memref<1024x128xf32, #tpu.memory_space<vmem>>) attributes {dimension_semantics = [#tpu.dimension_semantics<arbitrary>], iteration_bounds = array<i64: 10>, scalar_prefetch = 0 : i64, scratch_operands = 0 : i64, tpu.core_type = #tpu.core_type<tc>, window_params = [{transform_indices = @transform_0, window_bounds = array<i64: 2, 16, 8, 128>}, {transform_indices = @transform_1, window_bounds = array<i64: 1024, 128>}, {transform_indices = @transform_2, window_bounds = array<i64: 1024, 128>}, {transform_indices = @transform_3, window_bounds = array<i64: 1024, 128>}]} {
    %get3A = arith.constant 0 : index
    %get3A_0 = arith.constant 0 : index
    %get3A_1 = arith.constant 0 : index
    %get3A_2 = arith.constant 0 : index
    %get3A_3 = vector.load %arg1[%get3A, %get3A_0, %get3A_1, %get3A_2] : memref<2x16x8x128xf32, #tpu.memory_space<vmem>>, vector<2x16x8x128xf32>
    %reduce_sum3A = arith.constant dense<0.000000e+00> : vector<8x128xf32>
    %reduce_sum3A_4 = vector.multi_reduction <add>, %get3A_3, %reduce_sum3A [0, 1] : vector<2x16x8x128xf32> to vector<8x128xf32>
    %max3A = arith.constant 1.000000e+00 : f32
    %max3A_5 = vector.broadcast %max3A : f32 to vector<8x128xf32>
    %max3A_6 = arith.maximumf %reduce_sum3A_4, %max3A_5 : vector<8x128xf32>
    %rsqrt3A = math.rsqrt %max3A_6 : vector<8x128xf32>
    %broadcast_in_dim3A = arith.constant 1.000000e+00 : f32
    %broadcast_in_dim3A_7 = vector.broadcast %broadcast_in_dim3A : f32 to vector<1x128xf32>
    %slice3A = vector.extract_strided_slice %rsqrt3A {offsets = [0, 0], sizes = [1, 128], strides = [1, 1]} : vector<8x128xf32> to vector<1x128xf32>
    %dot_general3A = arith.constant dense<0.000000e+00> : vector<128x128xf32>
    %dot_general3A_8 = tpu.matmul %slice3A, %broadcast_in_dim3A_7, %dot_general3A {dimension_numbers = #tpu.dot_dimension_numbers<[0], [0], [1], [1], [0, 1, 1, 1], [], []>, precision = #tpu.contract_precision<fp32>, transpose_lhs_hint = false} : vector<1x128xf32>, vector<1x128xf32>, vector<128x128xf32> -> vector<128x128xf32>
    %swap3A = arith.constant 0 : index
    %swap3A_9 = arith.constant 0 : index
    %swap3A_10 = vector.load %arg3[%swap3A, %swap3A_9] : memref<1024x128xf32, #tpu.memory_space<vmem>>, vector<128x128xf32>
    tpu.vector_store %arg3[%swap3A, %swap3A_9], %dot_general3A_8 {strides = array<i32>} : memref<1024x128xf32, #tpu.memory_space<vmem>>, vector<128x128xf32>,
    %slice3A_11 = vector.extract_strided_slice %rsqrt3A {offsets = [1, 0], sizes = [1, 128], strides = [1, 1]} : vector<8x128xf32> to vector<1x128xf32>
    %dot_general3A_12 = arith.constant dense<0.000000e+00> : vector<128x128xf32>
    %dot_general3A_13 = tpu.matmul %slice3A_11, %broadcast_in_dim3A_7, %dot_general3A_12 {dimension_numbers = #tpu.dot_dimension_numbers<[0], [0], [1], [1], [0, 1, 1, 1], [], []>, precision = #tpu.contract_precision<fp32>, transpose_lhs_hint = false} : vector<1x128xf32>, vector<1x128xf32>, vector<128x128xf32> -> vector<128x128xf32>
    %swap3A_14 = arith.constant 128 : index
    %swap3A_15 = arith.constant 0 : index
    %swap3A_16 = vector.load %arg3[%swap3A_14, %swap3A_15] : memref<1024x128xf32, #tpu.memory_space<vmem>>, vector<128x128xf32>
    tpu.vector_store %arg3[%swap3A_14, %swap3A_15], %dot_general3A_13 {strides = array<i32>} : memref<1024x128xf32, #tpu.memory_space<vmem>>, vector<128x128xf32>,
    %slice3A_17 = vector.extract_strided_slice %rsqrt3A {offsets = [2, 0], sizes = [1, 128], strides = [1, 1]} : vector<8x128xf32> to vector<1x128xf32>
    %dot_general3A_18 = arith.constant dense<0.000000e+00> : vector<128x128xf32>
    %dot_general3A_19 = tpu.matmul %slice3A_17, %broadcast_in_dim3A_7, %dot_general3A_18 {dimension_numbers = #tpu.dot_dimension_numbers<[0], [0], [1], [1], [0, 1, 1, 1], [], []>, precision = #tpu.contract_precision<fp32>, transpose_lhs_hint = false} : vector<1x128xf32>, vector<1x128xf32>, vector<128x128xf32> -> vector<128x128xf32>
    %swap3A_20 = arith.constant 256 : index
    %swap3A_21 = arith.constant 0 : index
    %swap3A_22 = vector.load %arg3[%swap3A_20, %swap3A_21] : memref<1024x128xf32, #tpu.memory_space<vmem>>, vector<128x128xf32>
    tpu.vector_store %arg3[%swap3A_20, %swap3A_21], %dot_general3A_19 {strides = array<i32>} : memref<1024x128xf32, #tpu.memory_space<vmem>>, vector<128x128xf32>,
    %slice3A_23 = vector.extract_strided_slice %rsqrt3A {offsets = [3, 0], sizes = [1, 128], strides = [1, 1]} : vector<8x128xf32> to vector<1x128xf32>
    %dot_general3A_24 = arith.constant dense<0.000000e+00> : vector<128x128xf32>
    %dot_general3A_25 = tpu.matmul %slice3A_23, %broadcast_in_dim3A_7, %dot_general3A_24 {dimension_numbers = #tpu.dot_dimension_numbers<[0], [0], [1], [1], [0, 1, 1, 1], [], []>, precision = #tpu.contract_precision<fp32>, transpose_lhs_hint = false} : vector<1x128xf32>, vector<1x128xf32>, vector<128x128xf32> -> vector<128x128xf32>
    %swap3A_26 = arith.constant 384 : index
    %swap3A_27 = arith.constant 0 : index
    %swap3A_28 = vector.load %arg3[%swap3A_26, %swap3A_27] : memref<1024x128xf32, #tpu.memory_space<vmem>>, vector<128x128xf32>
    tpu.vector_store %arg3[%swap3A_26, %swap3A_27], %dot_general3A_25 {strides = array<i32>} : memref<1024x128xf32, #tpu.memory_space<vmem>>, vector<128x128xf32>,
    %slice3A_29 = vector.extract_strided_slice %rsqrt3A {offsets = [4, 0], sizes = [1, 128], strides = [1, 1]} : vector<8x128xf32> to vector<1x128xf32>
    %dot_general3A_30 = arith.constant dense<0.000000e+00> : vector<128x128xf32>
    %dot_general3A_31 = tpu.matmul %slice3A_29, %broadcast_in_dim3A_7, %dot_general3A_30 {dimension_numbers = #tpu.dot_dimension_numbers<[0], [0], [1], [1], [0, 1, 1, 1], [], []>, precision = #tpu.contract_precision<fp32>, transpose_lhs_hint = false} : vector<1x128xf32>, vector<1x128xf32>, vector<128x128xf32> -> vector<128x128xf32>
    %swap3A_32 = arith.constant 512 : index
    %swap3A_33 = arith.constant 0 : index
    %swap3A_34 = vector.load %arg3[%swap3A_32, %swap3A_33] : memref<1024x128xf32, #tpu.memory_space<vmem>>, vector<128x128xf32>
    tpu.vector_store %arg3[%swap3A_32, %swap3A_33], %dot_general3A_31 {strides = array<i32>} : memref<1024x128xf32, #tpu.memory_space<vmem>>, vector<128x128xf32>,
    %slice3A_35 = vector.extract_strided_slice %rsqrt3A {offsets = [5, 0], sizes = [1, 128], strides = [1, 1]} : vector<8x128xf32> to vector<1x128xf32>
    %dot_general3A_36 = arith.constant dense<0.000000e+00> : vector<128x128xf32>
    %dot_general3A_37 = tpu.matmul %slice3A_35, %broadcast_in_dim3A_7, %dot_general3A_36 {dimension_numbers = #tpu.dot_dimension_numbers<[0], [0], [1], [1], [0, 1, 1, 1], [], []>, precision = #tpu.contract_precision<fp32>, transpose_lhs_hint = false} : vector<1x128xf32>, vector<1x128xf32>, vector<128x128xf32> -> vector<128x128xf32>
    %swap3A_38 = arith.constant 640 : index
    %swap3A_39 = arith.constant 0 : index
    %swap3A_40 = vector.load %arg3[%swap3A_38, %swap3A_39] : memref<1024x128xf32, #tpu.memory_space<vmem>>, vector<128x128xf32>
    tpu.vector_store %arg3[%swap3A_38, %swap3A_39], %dot_general3A_37 {strides = array<i32>} : memref<1024x128xf32, #tpu.memory_space<vmem>>, vector<128x128xf32>,
    %slice3A_41 = vector.extract_strided_slice %rsqrt3A {offsets = [6, 0], sizes = [1, 128], strides = [1, 1]} : vector<8x128xf32> to vector<1x128xf32>
    %dot_general3A_42 = arith.constant dense<0.000000e+00> : vector<128x128xf32>
    %dot_general3A_43 = tpu.matmul %slice3A_41, %broadcast_in_dim3A_7, %dot_general3A_42 {dimension_numbers = #tpu.dot_dimension_numbers<[0], [0], [1], [1], [0, 1, 1, 1], [], []>, precision = #tpu.contract_precision<fp32>, transpose_lhs_hint = false} : vector<1x128xf32>, vector<1x128xf32>, vector<128x128xf32> -> vector<128x128xf32>
    %swap3A_44 = arith.constant 768 : index
    %swap3A_45 = arith.constant 0 : index
    %swap3A_46 = vector.load %arg3[%swap3A_44, %swap3A_45] : memref<1024x128xf32, #tpu.memory_space<vmem>>, vector<128x128xf32>
    tpu.vector_store %arg3[%swap3A_44, %swap3A_45], %dot_general3A_43 {strides = array<i32>} : memref<1024x128xf32, #tpu.memory_space<vmem>>, vector<128x128xf32>,
    %slice3A_47 = vector.extract_strided_slice %rsqrt3A {offsets = [7, 0], sizes = [1, 128], strides = [1, 1]} : vector<8x128xf32> to vector<1x128xf32>
    %dot_general3A_48 = arith.constant dense<0.000000e+00> : vector<128x128xf32>
    %dot_general3A_49 = tpu.matmul %slice3A_47, %broadcast_in_dim3A_7, %dot_general3A_48 {dimension_numbers = #tpu.dot_dimension_numbers<[0], [0], [1], [1], [0, 1, 1, 1], [], []>, precision = #tpu.contract_precision<fp32>, transpose_lhs_hint = false} : vector<1x128xf32>, vector<1x128xf32>, vector<128x128xf32> -> vector<128x128xf32>
    %swap3A_50 = arith.constant 896 : index
    %swap3A_51 = arith.constant 0 : index
    %swap3A_52 = vector.load %arg3[%swap3A_50, %swap3A_51] : memref<1024x128xf32, #tpu.memory_space<vmem>>, vector<128x128xf32>
    tpu.vector_store %arg3[%swap3A_50, %swap3A_51], %dot_general3A_49 {strides = array<i32>} : memref<1024x128xf32, #tpu.memory_space<vmem>>, vector<128x128xf32>,
    %get3A_53 = arith.constant 0 : index
    %get3A_54 = arith.constant 0 : index
    %get3A_55 = vector.load %arg2[%get3A_53, %get3A_54] : memref<1024x128xf32, #tpu.memory_space<vmem>>, vector<1024x128xf32>
    %get3A_56 = arith.constant 0 : index
    %get3A_57 = arith.constant 0 : index
    %get3A_58 = vector.load %arg3[%get3A_56, %get3A_57] : memref<1024x128xf32, #tpu.memory_space<vmem>>, vector<1024x128xf32>
    %mul3A = arith.mulf %get3A_55, %get3A_58 : vector<1024x128xf32>
    %swap3A_59 = arith.constant 0 : index
    %swap3A_60 = arith.constant 0 : index
    %swap3A_61 = vector.load %arg4[%swap3A_59, %swap3A_60] : memref<1024x128xf32, #tpu.memory_space<vmem>>, vector<1024x128xf32>
    tpu.vector_store %arg4[%swap3A_59, %swap3A_60], %mul3A {strides = array<i32>} : memref<1024x128xf32, #tpu.memory_space<vmem>>, vector<1024x128xf32>,
    return
  }
  func.func @transform_0(%arg0: i32) -> (i32, i32, i32, i32) {
    %c0_i32 = arith.constant 0 : i32
    %c0_i32_0 = arith.constant 0 : i32
    %c0_i32_1 = arith.constant 0 : i32
    %c0_i32_2 = arith.constant 0 : i32
    return %c0_i32, %c0_i32_0, %arg0, %c0_i32_1 : i32, i32, i32, i32
  }
  func.func @transform_1(%arg0: i32) -> (i32, i32) {
    %c0_i32 = arith.constant 0 : i32
    %c0_i32_0 = arith.constant 0 : i32
    return %arg0, %c0_i32 : i32, i32
  }
  func.func @transform_2(%arg0: i32) -> (i32, i32) {
    %c0_i32 = arith.constant 0 : i32
    %c0_i32_0 = arith.constant 0 : i32
    return %arg0, %c0_i32 : i32, i32
  }
  func.func @transform_3(%arg0: i32) -> (i32, i32) {
    %c0_i32 = arith.constant 0 : i32
    %c0_i32_0 = arith.constant 0 : i32
    return %arg0, %c0_i32 : i32, i32
  }
}

module attributes {stable_mosaic.version = 14 : i64} {
  func.func @body(%arg0: i32, %arg1: memref<1024x128xf32, #tpu.memory_space<vmem>>, %arg2: memref<2x1024x128xf32, #tpu.memory_space<vmem>>, %arg3: memref<128x128xf32, #tpu.memory_space<vmem>>, %arg4: memref<1024x128xf32, #tpu.memory_space<vmem>>) attributes {dimension_semantics = [#tpu.dimension_semantics<arbitrary>], iteration_bounds = array<i64: 10>, scalar_prefetch = 0 : i64, scratch_operands = 0 : i64, tpu.core_type = #tpu.core_type<tc>, window_params = [{transform_indices = @transform_0, window_bounds = array<i64: 1024, 128>}, {transform_indices = @transform_1, window_bounds = array<i64: 2, 1024, 128>}, {pipeline_mode = #tpu.pipeline_mode<synchronous>, transform_indices = @transform_2, window_bounds = array<i64: 128, 128>}, {transform_indices = @transform_3, window_bounds = array<i64: 1024, 128>}]} {
    %get3A = arith.constant 0 : index
    %get3A_0 = arith.constant 0 : index
    %get3A_1 = vector.load %arg1[%get3A, %get3A_0] : memref<1024x128xf32, #tpu.memory_space<vmem>>, vector<1024x128xf32>
    %get3A_2 = arith.constant 0 : index
    %get3A_3 = arith.constant 0 : index
    %get3A_4 = arith.constant 0 : index
    %get3A_5 = vector.load %arg2[%get3A_2, %get3A_3, %get3A_4] : memref<2x1024x128xf32, #tpu.memory_space<vmem>>, vector<1x1024x128xf32>
    %get3A_6 = vector.shape_cast %get3A_5 : vector<1x1024x128xf32> to vector<1024x128xf32>
    %get3A_7 = arith.constant 1 : index
    %get3A_8 = arith.constant 0 : index
    %get3A_9 = arith.constant 0 : index
    %get3A_10 = vector.load %arg2[%get3A_7, %get3A_8, %get3A_9] : memref<2x1024x128xf32, #tpu.memory_space<vmem>>, vector<1x1024x128xf32>
    %get3A_11 = vector.shape_cast %get3A_10 : vector<1x1024x128xf32> to vector<1024x128xf32>
    %add3A = arith.addf %get3A_6, %get3A_11 : vector<1024x128xf32>
    %mul3A = arith.mulf %add3A, %get3A_1 : vector<1024x128xf32>
    %max3A = arith.constant 0.000000e+00 : f32
    %max3A_12 = vector.broadcast %max3A : f32 to vector<1024x128xf32>
    %max3A_13 = arith.maximumf %mul3A, %max3A_12 : vector<1024x128xf32>
    %mul3A_14 = arith.mulf %max3A_13, %get3A_1 : vector<1024x128xf32>
    %get3A_15 = arith.constant 0 : index
    %get3A_16 = arith.constant 0 : index
    %get3A_17 = vector.load %arg3[%get3A_15, %get3A_16] : memref<128x128xf32, #tpu.memory_space<vmem>>, vector<128x128xf32>
    %dot_general3A = arith.constant dense<0.000000e+00> : vector<1024x128xf32>
    %dot_general3A_18 = tpu.matmul %mul3A_14, %get3A_17, %dot_general3A {dimension_numbers = #tpu.dot_dimension_numbers<[1], [0], [0], [1], [0, 0, 1, 1], [], []>, precision = #tpu.contract_precision<fp32>, transpose_lhs_hint = false} : vector<1024x128xf32>, vector<128x128xf32>, vector<1024x128xf32> -> vector<1024x128xf32>
    %swap3A = arith.constant 0 : index
    %swap3A_19 = arith.constant 0 : index
    %swap3A_20 = vector.load %arg4[%swap3A, %swap3A_19] : memref<1024x128xf32, #tpu.memory_space<vmem>>, vector<1024x128xf32>
    tpu.vector_store %arg4[%swap3A, %swap3A_19], %dot_general3A_18 {strides = array<i32>} : memref<1024x128xf32, #tpu.memory_space<vmem>>, vector<1024x128xf32>,
    return
  }
  func.func @transform_0(%arg0: i32) -> (i32, i32) {
    %c0_i32 = arith.constant 0 : i32
    %c0_i32_0 = arith.constant 0 : i32
    return %arg0, %c0_i32 : i32, i32
  }
  func.func @transform_1(%arg0: i32) -> (i32, i32, i32) {
    %c0_i32 = arith.constant 0 : i32
    %c0_i32_0 = arith.constant 0 : i32
    %c0_i32_1 = arith.constant 0 : i32
    return %c0_i32, %arg0, %c0_i32_0 : i32, i32, i32
  }
  func.func @transform_2(%arg0: i32) -> (i32, i32) {
    %c0_i32 = arith.constant 0 : i32
    %c0_i32_0 = arith.constant 0 : i32
    %c0_i32_1 = arith.constant 0 : i32
    return %c0_i32, %c0_i32_0 : i32, i32
  }
  func.func @transform_3(%arg0: i32) -> (i32, i32) {
    %c0_i32 = arith.constant 0 : i32
    %c0_i32_0 = arith.constant 0 : i32
    return %arg0, %c0_i32 : i32, i32
  }
}

module attributes {stable_mosaic.version = 14 : i64} {
  func.func @body(%arg0: i32, %arg1: memref<1024x128xf32, #tpu.memory_space<vmem>>, %arg2: memref<2x1024x128xf32, #tpu.memory_space<vmem>>, %arg3: memref<1024x128xf32, #tpu.memory_space<vmem>>) attributes {dimension_semantics = [#tpu.dimension_semantics<arbitrary>], iteration_bounds = array<i64: 10>, scalar_prefetch = 0 : i64, scratch_operands = 0 : i64, tpu.core_type = #tpu.core_type<tc>, window_params = [{transform_indices = @transform_0, window_bounds = array<i64: 1024, 128>}, {transform_indices = @transform_1, window_bounds = array<i64: 2, 1024, 128>}, {transform_indices = @transform_2, window_bounds = array<i64: 1024, 128>}]} {
    %get3A = arith.constant 0 : index
    %get3A_0 = arith.constant 0 : index
    %get3A_1 = arith.constant 0 : index
    %get3A_2 = vector.load %arg2[%get3A, %get3A_0, %get3A_1] : memref<2x1024x128xf32, #tpu.memory_space<vmem>>, vector<1x1024x128xf32>
    %get3A_3 = vector.shape_cast %get3A_2 : vector<1x1024x128xf32> to vector<1024x128xf32>
    %get3A_4 = arith.constant 1 : index
    %get3A_5 = arith.constant 0 : index
    %get3A_6 = arith.constant 0 : index
    %get3A_7 = vector.load %arg2[%get3A_4, %get3A_5, %get3A_6] : memref<2x1024x128xf32, #tpu.memory_space<vmem>>, vector<1x1024x128xf32>
    %get3A_8 = vector.shape_cast %get3A_7 : vector<1x1024x128xf32> to vector<1024x128xf32>
    %add3A = arith.addf %get3A_3, %get3A_8 : vector<1024x128xf32>
    %get3A_9 = arith.constant 0 : index
    %get3A_10 = arith.constant 0 : index
    %get3A_11 = vector.load %arg1[%get3A_9, %get3A_10] : memref<1024x128xf32, #tpu.memory_space<vmem>>, vector<1024x128xf32>
    %mul3A = arith.mulf %add3A, %get3A_11 : vector<1024x128xf32>
    %swap3A = arith.constant 0 : index
    %swap3A_12 = arith.constant 0 : index
    %swap3A_13 = vector.load %arg3[%swap3A, %swap3A_12] : memref<1024x128xf32, #tpu.memory_space<vmem>>, vector<1024x128xf32>
    tpu.vector_store %arg3[%swap3A, %swap3A_12], %mul3A {strides = array<i32>} : memref<1024x128xf32, #tpu.memory_space<vmem>>, vector<1024x128xf32>,
    return
  }
  func.func @transform_0(%arg0: i32) -> (i32, i32) {
    %c0_i32 = arith.constant 0 : i32
    %c0_i32_0 = arith.constant 0 : i32
    return %arg0, %c0_i32 : i32, i32
  }
  func.func @transform_1(%arg0: i32) -> (i32, i32, i32) {
    %c0_i32 = arith.constant 0 : i32
    %c0_i32_0 = arith.constant 0 : i32
    %c0_i32_1 = arith.constant 0 : i32
    return %c0_i32, %arg0, %c0_i32_0 : i32, i32, i32
  }
  func.func @transform_2(%arg0: i32) -> (i32, i32) {
    %c0_i32 = arith.constant 0 : i32
    %c0_i32_0 = arith.constant 0 : i32
    return %arg0, %c0_i32 : i32, i32
  }
}

</mosaic_0001>

<sc_bundles>
// kernel: kernel.12.cloned.1.call-start
scs
__scs_entry_jumppad:
0x0: {  	(pc) =	sbr.rel $0x88, $3  }
0x1: {  	(tag) =	ssettag $0x0;
	lr =	simm.s32 $0x1  }
0x2: {  	[smem:$0x3F9D] =	sst lr;
	_ =	strace $0xD0000000  }
0x3: {  	_ = 	snop  }
0x4: {  	_ = 	snop  }
0x5: {  	_ = 	snop  }
0x6: {  	_ = 	snop  }
0x7: {  	_ = 	snop  }
__scs_overlays_trampoline_lowered:
0x8: {  	[smem:$0x3FAC] =	sst s0  }
0x9: {  	[smem:$0x3FAD] =	sst s1  }
0xa: {  	[smem:$0x3FAE] =	sst s2  }
0xb: {  	[smem:$0x3FAF] =	sst s3  }
0xc: {  	[smem:$0x3FB0] =	sst s4  }
0xd: {  	[smem:$0x3FB1] =	sst s5  }
0xe: {  	[smem:$0x3FB2] =	sst s6  }
0xf: {  	[smem:$0x3FB3] =	sst s7  }
0x10: {  	[smem:$0x3FB4] =	sst s8  }
0x11: {  	[smem:$0x3FB5] =	sst s9;
	s0 =	simm.s32 @!p0 $0x0  }
0x12: {  	s1 =	sld [smem:$0x3F9B];
	s0 =	simm.s32 @p0 $0x1  }
0x13: {  	[smem:$0x3FB6] =	sst s0;
	s0 =	simm.s32 @!p1 $0x0  }
0x14: {  	s2 =	sld [smem:$0x3F9A];
	s0 =	simm.s32 @p1 $0x1  }
0x15: {  	[smem:$0x3FB7] =	sst s0;
	s0 =	simm.s32 @!p2 $0x0  }
0x16: {  	s3 =	sld [smem:$0x3FDB];
	s0 =	simm.s32 @p2 $0x1  }
0x17: {  	s4 =	simm.s32 $0x1BF5;
	[smem:$0x3FB9] =	sst s0  }
0x18: {  	s0 =	sld [smem:$0x3F9C];
	_ =	swait.ge [sflag:s4], $0x0  }
0x19: {  	s7 =	sld [smem:$0x3F9D]  }
0x1a: {  	s8 =	sadd.s32 $0xFFFFE003, lr  }
0x1b: {  	s9 =	sadd.s32 $0xFFFFFEF7, lr;
	s5 =	simm.s32 $0xFFFFFFFF;
	p2 =	slt.u32 s8, $0xFFFFF086  }
0x1c: {  	p1 =	slt.u32 s9, $0xF7A;
	s5 =	simm.s32 @!p2 $0x0  }
0x1d: {  	s5 =	simm.s32 @p1 $0x1;
	p0 =	seq.s32 s7, s2  }
0x1e: {  	s7 =	smul.u32 @!p0 $0xF7A, s2;
	p2 =	seq.s32 @!p0 s5, $0x0  }
0x1f: {  	s9 =	smul.u32 $0xF7A, s1;
	s8 =	simm.s32 @!p0 $0x1BF5;
	p2 =	por !p2, p0  }
0x20: {  	[sflag:s8] =	ssyncset.s32 @!p0 $0xFFFFF086;
	s6 =	sadd.s32 @!p0 s3, s7;
	s7 =	simm.s32 @!p0 $0x108  }
0x21: {  	s3 =	sadd.s32 s3, s9;
	s6 =	sadd.s32 @!p0 $0x88, s6;
	s7 =	simm.s32 @p2 $0x1082  }
0x22: {  	[simem:s7], [sflag:s8] =	dma.local @!p0 [hbm:s6], $0xF7A  }
0x23: {  	s9 =	sor.u32 $0xD0000000, s2;
	s6 =	simm.s32 $0x108;
	_ =	swait.ge @!p0 [sflag:s8], $0x0  }
0x24: {  	s3 =	sadd.s32 $0x88, s3;
	s6 =	simm.s32 @!p1 $0x1082;
	[sflag:s4] =	ssyncset.s32 $0xFFFFF086  }
0x25: {  	[simem:s6], [sflag:s4] =	dma.local [hbm:s3], $0xF7A  }
0x26: {  	[smem:$0x3F9D] =	sst s1;
	(tag) =	ssettag s2;
	_ =	strace s9  }
0x27: {  	s1 =	sld [smem:$0x3FAD]  }
0x28: {  	s2 =	sld [smem:$0x3FAE]  }
0x29: {  	s4 =	sld [smem:$0x3FB0]  }
0x2a: {  	p0 =	seq.s32 s5, $0x0;
	s5 =	sld [smem:$0x3FB1]  }
0x2b: {  	s6 =	sld [smem:$0x3FB2]  }
0x2c: {  	s7 =	sld [smem:$0x3FB3]  }
0x2d: {  	s3 =	simm.s32 $0x108;
	s8 =	sld [smem:$0x3FB4]  }
0x2e: {  	s3 =	simm.s32 @!p0 $0x1082;
	s9 =	sld [smem:$0x3FB5]  }
0x2f: {  	lr =	sadd.s32 s0, s3;
	s0 =	sld [smem:$0x3FAC]  }
0x30: {  	s3 =	sld [smem:$0x3FAF]  }
0x31: {  	[smem:$0x3FB8] =	sst s10  }
0x32: {  	s10 =	sld [smem:$0x3FB6];
	_ =	sdelay $0x3  }
0x33: {  	p0 =	seq.s32 s10, $0x1;
	s10 =	sld [smem:$0x3FB8];
	_ =	sdelay $0x3  }
0x34: {  	[smem:$0x3FB8] =	sst s10  }
0x35: {  	s10 =	sld [smem:$0x3FB7];
	_ =	sdelay $0x3  }
0x36: {  	p1 =	seq.s32 s10, $0x1;
	s10 =	sld [smem:$0x3FB8];
	_ =	sdelay $0x3  }
0x37: {  	[smem:$0x3FB8] =	sst s10  }
0x38: {  	s10 =	sld [smem:$0x3FB9]  }
0x39: {  	_ = 	snop;
	(pc) =	sbr.ind lr, $3  }
0x3a: {  	_ = 	snop  }
0x3b: {  	_ = 	snop  }
0x3c: {  	p2 =	seq.s32 s10, $0x1;
	s10 =	sld [smem:$0x3FB8]  }
0x3d: {  	_ =	shalt  }
0x3e: {  	_ =	shalt  }
0x3f: {  	_ =	shalt  }
0x40: {  	_ =	shalt  }
0x41: {  	_ =	shalt  }
0x42: {  	_ =	shalt  }
0x43: {  	_ =	shalt  }
0x44: {  	_ =	shalt  }
0x45: {  	_ =	shalt  }
0x46: {  	_ =	shalt  }
0x47: {  	_ =	shalt  }
0x48: {  	_ =	shalt  }
0x49: {  	_ =	shalt  }
0x4a: {  	_ =	shalt  }
0x4b: {  	_ =	shalt  }
0x4c: {  	_ =	shalt  }
0x4d: {  	_ =	shalt  }
0x4e: {  	_ =	shalt  }
0x4f: {  	_ =	shalt  }
0x50: {  	_ =	shalt  }
0x51: {  	_ =	shalt  }
0x52: {  	_ =	shalt  }
0x53: {  	_ =	shalt  }
0x54: {  	_ =	shalt  }
0x55: {  	_ =	shalt  }
0x56: {  	_ =	shalt  }
0x57: {  	_ =	shalt  }
0x58: {  	_ =	shalt  }
0x59: {  	_ =	shalt  }
0x5a: {  	_ =	shalt  }
0x5b: {  	_ =	shalt  }
0x5c: {  	_ =	shalt  }
0x5d: {  	_ =	shalt  }
0x5e: {  	_ =	shalt  }
0x5f: {  	_ =	shalt  }
0x60: {  	_ =	shalt  }
0x61: {  	_ =	shalt  }
0x62: {  	_ =	shalt  }
0x63: {  	_ =	shalt  }
0x64: {  	_ =	shalt  }
0x65: {  	_ =	shalt  }
0x66: {  	_ =	shalt  }
0x67: {  	_ =	shalt  }
0x68: {  	_ =	shalt  }
0x69: {  	_ =	shalt  }
0x6a: {  	_ =	shalt  }
0x6b: {  	_ =	shalt  }
0x6c: {  	_ =	shalt  }
0x6d: {  	_ =	shalt  }
0x6e: {  	_ =	shalt  }
0x6f: {  	_ =	shalt  }
0x70: {  	_ =	shalt  }
0x71: {  	_ =	shalt  }
0x72: {  	_ =	shalt  }
0x73: {  	_ =	shalt  }
0x74: {  	_ =	shalt  }
0x75: {  	_ =	shalt  }
0x76: {  	_ =	shalt  }
0x77: {  	_ =	shalt  }
0x78: {  	_ =	shalt  }
0x79: {  	_ =	shalt  }
0x7a: {  	_ =	shalt  }
0x7b: {  	_ =	shalt  }
0x7c: {  	_ =	shalt  }
0x7d: {  	_ =	shalt  }
0x7e: {  	_ =	shalt  }
0x7f: {  	_ =	shalt  }
0x80: {  	_ =	shalt  }
0x81: {  	_ =	shalt  }
0x82: {  	_ =	shalt  }
0x83: {  	_ =	shalt  }
0x84: {  	_ =	shalt  }
0x85: {  	_ =	shalt  }
0x86: {  	_ =	shalt  }
0x87: {  	_ =	shalt  }
.Lfunc_end0:
.L_simem_size_0:
called_computation.1_lowered:
.L_overlay_start_0:
0x88: {  	s2 =	sld [smem:$0x3FD9]  }
0x89: {  	s3 =	sld [smem:$0x3FFE];
	_ =	sdelay $0x1  }
0x8a: {  	s1 =	srdreg.scid  }
0x8b: {  	s0 =	sand.u32 $0x1, s1  }
0x8c: {  	s17 =	sshll.u32 s0, $0xA;
	s2 =	sadd.s32 s3, s2  }
0x8d: {  	s2 =	sadd.s32 s2, s17  }
0x8e: {  	[smem:$0x3FC4] =	sst s2  }
0x8f: {  	_ = 	snop  }
0x90: {  	s2 =	sld [smem:$0x3FD0];
	(tm) =	ssettm $0x1  }
0x91: {  	s18 =	sld [smem:$0x3FFB];
	_ =	sdelay $0x3  }
0x92: {  	_ =	strace s18  }
0x93: {  	s3 =	sld [smem:$0x3FFC];
	_ =	sdelay $0x3  }
0x94: {  	_ =	strace s3  }
0x95: {  	s3 =	sld [smem:$0x3FFD];
	_ =	sdelay $0x3  }
0x96: {  	_ =	strace s3  }
0x97: {  	_ =	strace $0x8FFFFFFF  }
0x98: {  	s19 =	sld [smem:$0x3FDB];
	_ =	sdelay $0x1  }
0x99: {  	s4 =	simm.s32 $_scs_section_size  }
0x9a: {  	s5 =	simm.s32 $_size__tile_overlayer_lowered;
	s6 =	simm.s32 $_tile_overlayer_lowered  }
0x9b: {  	s22 =	simm.s32 $0x1BFF;
	s21 =	sshll.u32 s6, $0x1;
	s3 =	sadd.s32 s4, s19  }
0x9c: {  	s7 =	simm.s32 $0x0;
	s20 =	sshll.u32 s5, $0x1;
	s5 =	sadd.s32 s21, s3  }
0x9d: {  	[timem:s7], [sflag:s22] =	dma.local [hbm:s5], s20  }
0x9e: {  	_ =	swait.ge [sflag:s22], s20  }
0x9f: {  	s4 =	ssub.s32 $0x0, s20;
	[sflag:s22] =	ssyncset.done $0x0  }
0xa0: {  	[sflag:s22] =	ssyncadd.s32 s4;
	_ =	sdelay $0x1  }
0xa1: {  	s23 =	simm.s32 $0x1B8B  }
0xa2: {  	_ =	swait.ge [sflag:s23], $0x1  }
0xa3: {  	[sflag:s23] =	ssyncset.done $0x0  }
0xa4: {  	s25 =	simm.s32 $0x1B8E;
	s24 =	sld [smem:$0x3FFE];
	[sflag:s23] =	ssyncadd.s32 $0xFFFFFFFF  }
0xa5: {  	s26 =	simm.s32 $execute0_lowered;
	[smem:$0x3FD2] =	sst s25  }
0xa6: {  	s5 =	sshll.u32 s26, $0x1;
	_ =	strace $0x80000049;
	[dreg:$0x1] =	wrdreg $0xFFFFFFFF  }
0xa7: {  	s28 =	simm.s32 $_size_execute0_lowered;
	s3 =	sadd.s32 s3, s5;
	[dreg:$0x0] =	wrdreg $0x0  }
0xa8: {  	s5 =	sshll.u32 s28, $0x1;
	[dreg:$0x2] =	wrdreg s3  }
0xa9: {  	[dreg:$0x3] =	wrdreg s5  }
0xaa: {  	[dreg:$0x4] =	wrdreg $0xC0  }
0xab: {  	_ =	task [dreg:s7], $0x5FFFF  }
0xac: {  	[dreg:$0x1] =	wrdreg $0xFFFFFFFF  }
0xad: {  	[dreg:$0x0] =	wrdreg $0x60  }
0xae: {  	[dreg:$0x2] =	wrdreg s2  }
0xaf: {  	[dreg:$0x3] =	wrdreg s24  }
0xb0: {  	[dreg:$0x4] =	wrdreg $0x9F000  }
0xb1: {  	[dreg:$0x5] =	wrdreg $0x9  }
0xb2: {  	_ =	task.clear_ibuf [dreg:s7], $0x6FFFF;
	_ =	strace $0x90000049  }
0xb3: {  	s29 =	simm.s32 $0x9;
	_ =	strace $0x8000004B  }
0xb4: {  	_ =	swait.ge [sflag:s29], $0x1  }
0xb5: {  	[sflag:s29] =	ssyncadd.s32 $0xFFFFFFFF  }
0xb6: {  	_ =	strace $0x9000004B  }
0xb7: {  	_ =	sfence  }
0xb8: {  	s30 =	sld [smem:$0x0];
	_ =	sdelay $0x2  }
0xb9: {  	s31 =	sshll.u32 s1, $0xD;
	s1 =	sshrl.u32 s1, $0x2  }
0xba: {  	s3 =	sand.u32 $0x4000, s31;
	s1 =	sadd.s32 s1, s30  }
0xbb: {  	s0 =	sor.u32 s3, s0;
	s1 =	sshll.u32 s1, $0x11  }
0xbc: {  	s0 =	sor.u32 s1, s0  }
0xbd: {  	s0 =	sadd.s32 $0x8F2B, s0  }
0xbe: {  	[sflag:s0] =	ssyncadd.remote.s32 $0x1  }
0xbf: {  	_ =	sfence.sel $0xFFFF  }
0xc0: {  	[dreg:$0x0] =	wrdreg $0xFFFFFFFF;
	(pc) =	sbr.abs _section_cstart, $3  }
0xc1: {  	[dreg:$0x1] =	wrdreg $0xFFFFFFFF  }
0xc2: {  	_ =	task.clear_ibuf [dreg:s7], $0x2FFFF;
	_ =	strace $0x9FFFFFFF  }
0xc3: {  	(tm) =	ssettm $0x7FFFFFFF  }
tec
execute0_lowered:
.L_overlay_start_1:
0x0: {  	(tag) =	ssettag $0x1  }
0x1: {  	s1 =	rddreg [dreg:$0x0]  }
0x2: {  	s0 =	rddreg [dreg:$0x1]  }
0x3: {  	s2 =	rddreg [dreg:$0x2]  }
0x4: {  	s3 =	srdreg.scid;
	s8 =	stileid.u32  }
0x5: {  	s29 =	simm.s32 $0x7700;
	s15 =	simm.s32 $0x7;
	s14 =	simm.s32 $0xD  }
0x6: {  	s10 =	simm.s32 $0xF;
	s18 =	simm.s32 $0x0;
	s12 =	simm.s32 $0x11  }
0x7: {  	s16 =	simm.s32 $0x12;
	s13 =	simm.s32 $0x13;
	s31 =	simm.s32 $0x6F00  }
0x8: {  	s3 =	sand.u32 $0x1, s3;
	s4 =	sshrl.u32 s8, $0x2;
	s22 =	smul.u32 $0x14000, s8  }
0x9: {  	s5 =	sshll.u32 s8, $0x8;
	s23 =	smul.u32 $0x50000, s8;
	s9 =	sadd.s32 $0xBA00, s0  }
0xa: {  	s26 =	sshll.u32 s8, $0x6;
	s8 =	simm.s32 $0xC;
	s6 =	smul.u32 $0x13C00, s4  }
0xb: {  	s21 =	sshll.u32 s3, $0x7;
	s5 =	sand.u32 $0x300, s5;
	s7 =	smul.u32 $0x140000, s3  }
0xc: {  	s4 =	simm.s32 $0x0;
	s3 =	ssub.s32 $0x2, s3;
	s11 =	sor.u32 $0x1C15, s26  }
0xd: {  	s26 =	simm.s32 $0x14;
	s5 =	sor.u32 s21, s5;
	[smem:$0x7FF] =	sst s4  }
0xe: {  	s24 =	sshrl.u32 s3, $0x1;
	s25 =	sshrl.u32 s23, $0x2;
	s21 =	simm.s32 $0x7F00  }
0xf: {  	s23 =	simm.s32 $0x6;
	s5 =	sor.u32 s6, s5;
	_ =	strace $0x8000004A  }
0x10: {  	s6 =	sadd.s32 s22, s7;
	[dreg:$0x4] =	wrdreg s9;
	s3 =	ssub.s32 s3, s24  }
0x11: {  	s22 =	simm.s32 $0x8F00;
	s24 =	simm.s32 $0x8;
	s7 =	simm.s32 $0x9  }
0x12: {  	s9 =	simm.s32 $0xE;
	[dreg:$0x5] =	wrdreg s11;
	s5 =	sshrl.u32 s5, $0x3  }
0x13: {  	s6 =	sshrl.u32 s6, $0x3;
	s30 =	smax.u32 s3, $0x1;
	s5 =	sadd.s32 s5, s0  }
0x14: {  	s3 =	simm.s32 $0x8700;
	[dreg:$0x9] =	wrdreg s30;
	s28 =	sadd.s32 $0xE200, s5  }
0x15: {  	s0 =	sadd.s32 s6, s0;
	s5 =	sadd.s32 $0x1C00, s5;
	[dreg:$0x6] =	wrdreg s28  }
0x16: {  	s6 =	sadd.s32 s25, s2;
	s0 =	sadd.s32 $0x18000, s0;
	[dreg:$0x7] =	wrdreg s5  }
0x17: {  	s25 =	simm.s32 $0x4F00;
	[dreg:$0x8] =	wrdreg s0;
	s5 =	sshrl.u32 s6, $0x3  }
0x18: {  	vm0 =	vmmov $0xffff;
	s0 =	simm.s32 $0x9700;
	s6 =	simm.s32 $0xA;
	[dreg:$0xa] =	wrdreg s5  }
.LBB2_1:
0x19: {  	[dreg:$0xb] =	wrdreg s18  }
0x1a: {  	s28 =	simm.s32 $0x15;
	s17 =	rddreg [dreg:$0x4]  }
0x1b: {  	[spmem:s5], [sflag:s11] =	dma.local [hbm:s17], $0x2800  }
0x1c: {  	_ =	swait.ge [sflag:s28], $0x2800  }
0x1d: {  	s18 =	simm.s32 $0x80;
	[sflag:s28] =	ssyncset.done $0x0  }
0x1e: {  	s19 =	simm.s32 $0x400;
	s11 =	rddreg [dreg:$0x6];
	[sflag:s28] =	ssyncadd.s32 $0xFFFFD800  }
0x1f: {  	[tilespmem:s4], [sflag:$0x15] =	stream.strided.gather [hbm4b:s11+s18], $0x2780, s19, s18, $0x38;
	[tilespmem:$0x1DF00] =	vst v63  }
0x20: {  	_ =	swait.ge [sflag:s28], $0x2780  }
0x21: {  	[sflag:s28] =	ssyncset.done $0x0  }
0x22: {  	s30 =	simm.s32 $0x2780;
	s20 =	rddreg [dreg:$0x7];
	[sflag:s28] =	ssyncadd.s32 $0xFFFFD880  }
0x23: {  	[tilespmem:s30], [sflag:$0x15] =	stream.strided.gather [hbm4b:s20+s18], $0x2780, s19, s18, $0x38;
	[tilespmem:$0x1DF00] =	vst v63  }
0x24: {  	_ =	swait.ge [sflag:s28], $0x2780  }
0x25: {  	[sflag:s28] =	ssyncset.done $0x0  }
0x26: {  	[sflag:s28] =	ssyncadd.s32 $0xFFFFD880  }
0x27: {  	[bflag:$0x0] =	sbarrier.arrive $0xFFFF  }
0x28: {  	v0 =	vld [tilespmem:$0x0];
	_ =	sdelay $0x6  }
0x29: {  	s30 =	simm.s32 $0x4F00  }
0x2a: {  	[tilespmem:s30], [sflag:$0x1] =	stream.indirect_vreg.gather [hbm4b:s1+s4], $0x80, v0, vm0, $0xb8;
	[tilespmem:$0x1DF00] =	vst v63  }
0x2b: {  	v0 =	vld [tilespmem:$0x10];
	_ =	sdelay $0x6  }
0x2c: {  	s17 =	simm.s32 $0x5700  }
0x2d: {  	[tilespmem:s17], [sflag:$0x2] =	stream.indirect_vreg.gather [hbm4b:s1+s4], $0x80, v0, vm0, $0xb8;
	[tilespmem:$0x1DF00] =	vst v63  }
0x2e: {  	v0 =	vld [tilespmem:$0x20];
	_ =	sdelay $0x6  }
0x2f: {  	s19 =	simm.s32 $0x5F00  }
0x30: {  	[tilespmem:s19], [sflag:$0x3] =	stream.indirect_vreg.gather [hbm4b:s1+s4], $0x80, v0, vm0, $0xb8;
	[tilespmem:$0x1DF00] =	vst v63  }
0x31: {  	v0 =	vld [tilespmem:$0x30];
	_ =	sdelay $0x6  }
0x32: {  	s28 =	simm.s32 $0x6700  }
0x33: {  	[tilespmem:s28], [sflag:$0x4] =	stream.indirect_vreg.gather [hbm4b:s1+s4], $0x80, v0, vm0, $0xb8;
	[tilespmem:$0x1DF00] =	vst v63  }
0x34: {  	v0 =	vld [tilespmem:$0x40];
	_ =	sdelay $0x6  }
0x35: {  	s5 =	simm.s32 $0x1;
	s20 =	simm.s32 $0x6F00  }
0x36: {  	[tilespmem:s20], [sflag:$0x5] =	stream.indirect_vreg.gather [hbm4b:s1+s4], $0x80, v0, vm0, $0xb8;
	[tilespmem:$0x1DF00] =	vst v63  }
0x37: {  	_ =	swait.ge [sflag:s5], $0x800  }
0x38: {  	[sflag:s5] =	ssyncset.done $0x0  }
0x39: {  	[sflag:s5] =	ssyncadd.s32 $0xFFFFF800  }
0x3a: {  	v49 =	vld [tilespmem:$0x2780];
	_ =	sdelay $0x6  }
0x3b: {  	s11 =	simm.s32 $0x2  }
0x3c: {  	[spmem:s2] =	stream.indirect_vreg.scatter.add.f32 [tilespmem:s30], [sflag:$0xB], $0x80, v49, vm0, $0xb8;
	[tilespmem:$0x1DF00] =	vst v63  }
0x3d: {  	_ =	swait.ge [sflag:s11], $0x800  }
0x3e: {  	[sflag:s11] =	ssyncset.done $0x0  }
0x3f: {  	[sflag:s11] =	ssyncadd.s32 $0xFFFFF800  }
0x40: {  	v50 =	vld [tilespmem:$0x2790];
	_ =	sdelay $0x6  }
0x41: {  	s5 =	simm.s32 $0x3  }
0x42: {  	[spmem:s2] =	stream.indirect_vreg.scatter.add.f32 [tilespmem:s17], [sflag:$0xC], $0x80, v50, vm0, $0xb8;
	[tilespmem:$0x1DF00] =	vst v63  }
0x43: {  	_ =	swait.ge [sflag:s5], $0x800  }
0x44: {  	[sflag:s5] =	ssyncset.done $0x0  }
0x45: {  	[sflag:s5] =	ssyncadd.s32 $0xFFFFF800  }
0x46: {  	v51 =	vld [tilespmem:$0x27A0];
	_ =	sdelay $0x6  }
0x47: {  	s11 =	simm.s32 $0x4  }
0x48: {  	[spmem:s2] =	stream.indirect_vreg.scatter.add.f32 [tilespmem:s19], [sflag:$0xD], $0x80, v51, vm0, $0xb8;
	[tilespmem:$0x1DF00] =	vst v63  }
0x49: {  	_ =	swait.ge [sflag:s11], $0x800  }
0x4a: {  	[sflag:s11] =	ssyncset.done $0x0  }
0x4b: {  	[sflag:s11] =	ssyncadd.s32 $0xFFFFF800  }
0x4c: {  	v52 =	vld [tilespmem:$0x27B0];
	_ =	sdelay $0x6  }
0x4d: {  	s18 =	simm.s32 $0x5  }
0x4e: {  	[spmem:s2] =	stream.indirect_vreg.scatter.add.f32 [tilespmem:s28], [sflag:$0xE], $0x80, v52, vm0, $0xb8;
	[tilespmem:$0x1DF00] =	vst v63  }
0x4f: {  	_ =	swait.ge [sflag:s18], $0x800  }
0x50: {  	[sflag:s18] =	ssyncset.done $0x0  }
0x51: {  	[sflag:s18] =	ssyncadd.s32 $0xFFFFF800  }
0x52: {  	v53 =	vld [tilespmem:$0x27C0];
	_ =	sdelay $0x7  }
0x53: {  	[spmem:s2] =	stream.indirect_vreg.scatter.add.f32 [tilespmem:s20], [sflag:$0xF], $0x80, v53, vm0, $0xb8;
	[tilespmem:$0x1DF00] =	vst v63  }
0x54: {  	v0 =	vld [tilespmem:$0x50];
	_ =	sdelay $0x7  }
0x55: {  	[tilespmem:s29], [sflag:$0x6] =	stream.indirect_vreg.gather [hbm4b:s1+s4], $0x80, v0, vm0, $0xb8;
	[tilespmem:$0x1DF00] =	vst v63  }
0x56: {  	v0 =	vld [tilespmem:$0x60];
	_ =	sdelay $0x7  }
0x57: {  	[tilespmem:s21], [sflag:$0x7] =	stream.indirect_vreg.gather [hbm4b:s1+s4], $0x80, v0, vm0, $0xb8;
	[tilespmem:$0x1DF00] =	vst v63  }
0x58: {  	v0 =	vld [tilespmem:$0x70];
	_ =	sdelay $0x7  }
0x59: {  	[tilespmem:s3], [sflag:$0x8] =	stream.indirect_vreg.gather [hbm4b:s1+s4], $0x80, v0, vm0, $0xb8;
	[tilespmem:$0x1DF00] =	vst v63  }
0x5a: {  	v0 =	vld [tilespmem:$0x80];
	_ =	sdelay $0x7  }
0x5b: {  	[tilespmem:s22], [sflag:$0x9] =	stream.indirect_vreg.gather [hbm4b:s1+s4], $0x80, v0, vm0, $0xb8;
	[tilespmem:$0x1DF00] =	vst v63  }
0x5c: {  	v0 =	vld [tilespmem:$0x90];
	_ =	sdelay $0x7  }
0x5d: {  	[tilespmem:s0], [sflag:$0xA] =	stream.indirect_vreg.gather [hbm4b:s1+s4], $0x80, v0, vm0, $0xb8;
	[tilespmem:$0x1DF00] =	vst v63  }
0x5e: {  	_ =	swait.ge [sflag:s23], $0x800  }
0x5f: {  	[sflag:s23] =	ssyncset.done $0x0  }
0x60: {  	[sflag:s23] =	ssyncadd.s32 $0xFFFFF800  }
0x61: {  	v54 =	vld [tilespmem:$0x27D0];
	_ =	sdelay $0x7  }
0x62: {  	[spmem:s2] =	stream.indirect_vreg.scatter.add.f32 [tilespmem:s29], [sflag:$0x10], $0x80, v54, vm0, $0xb8;
	[tilespmem:$0x1DF00] =	vst v63  }
0x63: {  	_ =	swait.ge [sflag:s15], $0x800  }
0x64: {  	[sflag:s15] =	ssyncset.done $0x0  }
0x65: {  	[sflag:s15] =	ssyncadd.s32 $0xFFFFF800  }
0x66: {  	v55 =	vld [tilespmem:$0x27E0];
	_ =	sdelay $0x7  }
0x67: {  	[spmem:s2] =	stream.indirect_vreg.scatter.add.f32 [tilespmem:s21], [sflag:$0x11], $0x80, v55, vm0, $0xb8;
	[tilespmem:$0x1DF00] =	vst v63  }
0x68: {  	_ =	swait.ge [sflag:s24], $0x800  }
0x69: {  	[sflag:s24] =	ssyncset.done $0x0  }
0x6a: {  	[sflag:s24] =	ssyncadd.s32 $0xFFFFF800  }
0x6b: {  	v56 =	vld [tilespmem:$0x27F0];
	_ =	sdelay $0x7  }
0x6c: {  	[spmem:s2] =	stream.indirect_vreg.scatter.add.f32 [tilespmem:s3], [sflag:$0x12], $0x80, v56, vm0, $0xb8;
	[tilespmem:$0x1DF00] =	vst v63  }
0x6d: {  	_ =	swait.ge [sflag:s7], $0x800  }
0x6e: {  	[sflag:s7] =	ssyncset.done $0x0  }
0x6f: {  	[sflag:s7] =	ssyncadd.s32 $0xFFFFF800  }
0x70: {  	v57 =	vld [tilespmem:$0x2800];
	_ =	sdelay $0x7  }
0x71: {  	[spmem:s2] =	stream.indirect_vreg.scatter.add.f32 [tilespmem:s22], [sflag:$0x13], $0x80, v57, vm0, $0xb8;
	[tilespmem:$0x1DF00] =	vst v63  }
0x72: {  	_ =	swait.ge [sflag:s6], $0x800  }
0x73: {  	[sflag:s6] =	ssyncset.done $0x0  }
0x74: {  	[sflag:s6] =	ssyncadd.s32 $0xFFFFF800  }
0x75: {  	v58 =	vld [tilespmem:$0x2810];
	_ =	sdelay $0x6  }
0x76: {  	s29 =	simm.s32 $0xB  }
0x77: {  	[spmem:s2] =	stream.indirect_vreg.scatter.add.f32 [tilespmem:s0], [sflag:$0x14], $0x80, v58, vm0, $0xb8;
	[tilespmem:$0x1DF00] =	vst v63  }
0x78: {  	_ =	swait.ge [sflag:s29], $0x800  }
0x79: {  	[sflag:s29] =	ssyncset.done $0x0  }
0x7a: {  	[sflag:s29] =	ssyncadd.s32 $0xFFFFF800  }
0x7b: {  	v59 =	vld [tilespmem:$0xA0];
	_ =	sdelay $0x7  }
0x7c: {  	[tilespmem:s30], [sflag:$0x1] =	stream.indirect_vreg.gather [hbm4b:s1+s4], $0x80, v59, vm0, $0xb8;
	[tilespmem:$0x1DF00] =	vst v63  }
0x7d: {  	_ =	swait.ge [sflag:s8], $0x800  }
0x7e: {  	[sflag:s8] =	ssyncset.done $0x0  }
0x7f: {  	[sflag:s8] =	ssyncadd.s32 $0xFFFFF800  }
0x80: {  	v60 =	vld [tilespmem:$0xB0];
	_ =	sdelay $0x7  }
0x81: {  	[tilespmem:s17], [sflag:$0x2] =	stream.indirect_vreg.gather [hbm4b:s1+s4], $0x80, v60, vm0, $0xb8;
	[tilespmem:$0x1DF00] =	vst v63  }
0x82: {  	_ =	swait.ge [sflag:s14], $0x800  }
0x83: {  	[sflag:s14] =	ssyncset.done $0x0  }
0x84: {  	[sflag:s14] =	ssyncadd.s32 $0xFFFFF800  }
0x85: {  	v61 =	vld [tilespmem:$0xC0];
	_ =	sdelay $0x7  }
0x86: {  	[tilespmem:s19], [sflag:$0x3] =	stream.indirect_vreg.gather [hbm4b:s1+s4], $0x80, v61, vm0, $0xb8;
	[tilespmem:$0x1DF00] =	vst v63  }
0x87: {  	_ =	swait.ge [sflag:s9], $0x800  }
0x88: {  	[sflag:s9] =	ssyncset.done $0x0  }
0x89: {  	[sflag:s9] =	ssyncadd.s32 $0xFFFFF800  }
0x8a: {  	v62 =	vld [tilespmem:$0xD0];
	_ =	sdelay $0x7  }
0x8b: {  	[tilespmem:s28], [sflag:$0x4] =	stream.indirect_vreg.gather [hbm4b:s1+s4], $0x80, v62, vm0, $0xb8;
	[tilespmem:$0x1DF00] =	vst v63  }
0x8c: {  	_ =	swait.ge [sflag:s10], $0x800  }
0x8d: {  	[sflag:s10] =	ssyncset.done $0x0  }
0x8e: {  	[sflag:s10] =	ssyncadd.s32 $0xFFFFF800  }
0x8f: {  	v63 =	vld [tilespmem:$0xE0];
	_ =	sdelay $0x3  }
0x90: {  	s11 =	simm.s32 $0x10;
	s18 =	simm.s32 $0x7700;
	s23 =	simm.s32 $0x6  }
0x91: {  	s15 =	simm.s32 $0x7;
	s21 =	simm.s32 $0x7F00;
	s24 =	simm.s32 $0x8  }
0x92: {  	s3 =	simm.s32 $0x8700;
	s7 =	simm.s32 $0x9;
	s22 =	simm.s32 $0x8F00  }
0x93: {  	s6 =	simm.s32 $0xA;
	s0 =	simm.s32 $0x9700;
	s17 =	simm.s32 $0x0  }
0x94: {  	[tilespmem:s20], [sflag:$0x5] =	stream.indirect_vreg.gather [hbm4b:s1+s4], $0x80, v63, vm0, $0xb8;
	[tilespmem:$0x1DF00] =	vst v63  }
.LBB2_2:
0x95: {  	s19 =	simm.s32 $0x1  }
0x96: {  	_ =	swait.ge [sflag:s19], $0x800  }
0x97: {  	[sflag:s19] =	ssyncset.done $0x0  }
0x98: {  	s28 =	sshra.s32 s17, $0x2;
	[sflag:s19] =	ssyncadd.s32 $0xFFFFF800  }
0x99: {  	v0 =	vld [tilespmem:s28+$0x2820];
	_ =	sdelay $0x6  }
0x9a: {  	s5 =	simm.s32 $0x4F00;
	s20 =	simm.s32 $0x2  }
0x9b: {  	[spmem:s2] =	stream.indirect_vreg.scatter.add.f32 [tilespmem:s5], [sflag:$0xB], $0x80, v0, vm0, $0xb8;
	[tilespmem:$0x1DF00] =	vst v63  }
0x9c: {  	_ =	swait.ge [sflag:s20], $0x800  }
0x9d: {  	[sflag:s20] =	ssyncset.done $0x0  }
0x9e: {  	[sflag:s20] =	ssyncadd.s32 $0xFFFFF800  }
0x9f: {  	v45 =	vld [tilespmem:s28+$0x2830];
	_ =	sdelay $0x6  }
0xa0: {  	s29 =	simm.s32 $0x5700;
	s20 =	simm.s32 $0x3  }
0xa1: {  	[spmem:s2] =	stream.indirect_vreg.scatter.add.f32 [tilespmem:s29], [sflag:$0xC], $0x80, v45, vm0, $0xb8;
	[tilespmem:$0x1DF00] =	vst v63  }
0xa2: {  	_ =	swait.ge [sflag:s20], $0x800  }
0xa3: {  	[sflag:s20] =	ssyncset.done $0x0  }
0xa4: {  	[sflag:s20] =	ssyncadd.s32 $0xFFFFF800  }
0xa5: {  	v46 =	vld [tilespmem:s28+$0x2840];
	_ =	sdelay $0x6  }
0xa6: {  	s30 =	simm.s32 $0x5F00;
	s20 =	simm.s32 $0x4  }
0xa7: {  	[spmem:s2] =	stream.indirect_vreg.scatter.add.f32 [tilespmem:s30], [sflag:$0xD], $0x80, v46, vm0, $0xb8;
	[tilespmem:$0x1DF00] =	vst v63  }
0xa8: {  	_ =	swait.ge [sflag:s20], $0x800  }
0xa9: {  	[sflag:s20] =	ssyncset.done $0x0  }
0xaa: {  	[sflag:s20] =	ssyncadd.s32 $0xFFFFF800  }
0xab: {  	v47 =	vld [tilespmem:s28+$0x2850];
	_ =	sdelay $0x6  }
0xac: {  	s19 =	simm.s32 $0x5;
	s20 =	simm.s32 $0x6700  }
0xad: {  	[spmem:s2] =	stream.indirect_vreg.scatter.add.f32 [tilespmem:s20], [sflag:$0xE], $0x80, v47, vm0, $0xb8;
	[tilespmem:$0x1DF00] =	vst v63  }
0xae: {  	_ =	swait.ge [sflag:s19], $0x800  }
0xaf: {  	[sflag:s19] =	ssyncset.done $0x0  }
0xb0: {  	[sflag:s19] =	ssyncadd.s32 $0xFFFFF800  }
0xb1: {  	v48 =	vld [tilespmem:s28+$0x2860];
	_ =	sdelay $0x7  }
0xb2: {  	[spmem:s2] =	stream.indirect_vreg.scatter.add.f32 [tilespmem:s31], [sflag:$0xF], $0x80, v48, vm0, $0xb8;
	[tilespmem:$0x1DF00] =	vst v63  }
0xb3: {  	_ =	swait.ge [sflag:s11], $0x800  }
0xb4: {  	[sflag:s11] =	ssyncset.done $0x0  }
0xb5: {  	[sflag:s11] =	ssyncadd.s32 $0xFFFFF800  }
0xb6: {  	v49 =	vld [tilespmem:s28+$0xF0];
	_ =	sdelay $0x7  }
0xb7: {  	[tilespmem:s18], [sflag:$0x6] =	stream.indirect_vreg.gather [hbm4b:s1+s4], $0x80, v49, vm0, $0xb8;
	[tilespmem:$0x1DF00] =	vst v63  }
0xb8: {  	_ =	swait.ge [sflag:s12], $0x800  }
0xb9: {  	[sflag:s12] =	ssyncset.done $0x0  }
0xba: {  	[sflag:s12] =	ssyncadd.s32 $0xFFFFF800  }
0xbb: {  	v50 =	vld [tilespmem:s28+$0x100];
	_ =	sdelay $0x7  }
0xbc: {  	[tilespmem:s21], [sflag:$0x7] =	stream.indirect_vreg.gather [hbm4b:s1+s4], $0x80, v50, vm0, $0xb8;
	[tilespmem:$0x1DF00] =	vst v63  }
0xbd: {  	_ =	swait.ge [sflag:s16], $0x800  }
0xbe: {  	[sflag:s16] =	ssyncset.done $0x0  }
0xbf: {  	[sflag:s16] =	ssyncadd.s32 $0xFFFFF800  }
0xc0: {  	v51 =	vld [tilespmem:s28+$0x110];
	_ =	sdelay $0x7  }
0xc1: {  	[tilespmem:s3], [sflag:$0x8] =	stream.indirect_vreg.gather [hbm4b:s1+s4], $0x80, v51, vm0, $0xb8;
	[tilespmem:$0x1DF00] =	vst v63  }
0xc2: {  	_ =	swait.ge [sflag:s13], $0x800  }
0xc3: {  	[sflag:s13] =	ssyncset.done $0x0  }
0xc4: {  	[sflag:s13] =	ssyncadd.s32 $0xFFFFF800  }
0xc5: {  	v52 =	vld [tilespmem:s28+$0x120];
	_ =	sdelay $0x7  }
0xc6: {  	[tilespmem:s22], [sflag:$0x9] =	stream.indirect_vreg.gather [hbm4b:s1+s4], $0x80, v52, vm0, $0xb8;
	[tilespmem:$0x1DF00] =	vst v63  }
0xc7: {  	_ =	swait.ge [sflag:s26], $0x800  }
0xc8: {  	[sflag:s26] =	ssyncset.done $0x0  }
0xc9: {  	[sflag:s26] =	ssyncadd.s32 $0xFFFFF800  }
0xca: {  	v53 =	vld [tilespmem:s28+$0x130];
	_ =	sdelay $0x7  }
0xcb: {  	[tilespmem:s0], [sflag:$0xA] =	stream.indirect_vreg.gather [hbm4b:s1+s4], $0x80, v53, vm0, $0xb8;
	[tilespmem:$0x1DF00] =	vst v63  }
0xcc: {  	_ =	swait.ge [sflag:s23], $0x800  }
0xcd: {  	[sflag:s23] =	ssyncset.done $0x0  }
0xce: {  	[sflag:s23] =	ssyncadd.s32 $0xFFFFF800  }
0xcf: {  	v54 =	vld [tilespmem:s28+$0x2870];
	_ =	sdelay $0x7  }
0xd0: {  	[spmem:s2] =	stream.indirect_vreg.scatter.add.f32 [tilespmem:s18], [sflag:$0x10], $0x80, v54, vm0, $0xb8;
	[tilespmem:$0x1DF00] =	vst v63  }
0xd1: {  	_ =	swait.ge [sflag:s15], $0x800  }
0xd2: {  	[sflag:s15] =	ssyncset.done $0x0  }
0xd3: {  	[sflag:s15] =	ssyncadd.s32 $0xFFFFF800  }
0xd4: {  	v55 =	vld [tilespmem:s28+$0x2880];
	_ =	sdelay $0x7  }
0xd5: {  	[spmem:s2] =	stream.indirect_vreg.scatter.add.f32 [tilespmem:s21], [sflag:$0x11], $0x80, v55, vm0, $0xb8;
	[tilespmem:$0x1DF00] =	vst v63  }
0xd6: {  	_ =	swait.ge [sflag:s24], $0x800  }
0xd7: {  	[sflag:s24] =	ssyncset.done $0x0  }
0xd8: {  	[sflag:s24] =	ssyncadd.s32 $0xFFFFF800  }
0xd9: {  	v56 =	vld [tilespmem:s28+$0x2890];
	_ =	sdelay $0x7  }
0xda: {  	[spmem:s2] =	stream.indirect_vreg.scatter.add.f32 [tilespmem:s3], [sflag:$0x12], $0x80, v56, vm0, $0xb8;
	[tilespmem:$0x1DF00] =	vst v63  }
0xdb: {  	_ =	swait.ge [sflag:s7], $0x800  }
0xdc: {  	[sflag:s7] =	ssyncset.done $0x0  }
0xdd: {  	[sflag:s7] =	ssyncadd.s32 $0xFFFFF800  }
0xde: {  	v57 =	vld [tilespmem:s28+$0x28A0];
	_ =	sdelay $0x7  }
0xdf: {  	[spmem:s2] =	stream.indirect_vreg.scatter.add.f32 [tilespmem:s22], [sflag:$0x13], $0x80, v57, vm0, $0xb8;
	[tilespmem:$0x1DF00] =	vst v63  }
0xe0: {  	_ =	swait.ge [sflag:s6], $0x800  }
0xe1: {  	[sflag:s6] =	ssyncset.done $0x0  }
0xe2: {  	[sflag:s6] =	ssyncadd.s32 $0xFFFFF800  }
0xe3: {  	v58 =	vld [tilespmem:s28+$0x28B0];
	_ =	sdelay $0x6  }
0xe4: {  	s19 =	simm.s32 $0xB  }
0xe5: {  	[spmem:s2] =	stream.indirect_vreg.scatter.add.f32 [tilespmem:s0], [sflag:$0x14], $0x80, v58, vm0, $0xb8;
	[tilespmem:$0x1DF00] =	vst v63  }
0xe6: {  	_ =	swait.ge [sflag:s19], $0x800  }
0xe7: {  	[sflag:s19] =	ssyncset.done $0x0  }
0xe8: {  	[sflag:s19] =	ssyncadd.s32 $0xFFFFF800  }
0xe9: {  	v59 =	vld [tilespmem:s28+$0x140];
	_ =	sdelay $0x7  }
0xea: {  	[tilespmem:s5], [sflag:$0x1] =	stream.indirect_vreg.gather [hbm4b:s1+s4], $0x80, v59, vm0, $0xb8;
	[tilespmem:$0x1DF00] =	vst v63  }
0xeb: {  	_ =	swait.ge [sflag:s8], $0x800  }
0xec: {  	[sflag:s8] =	ssyncset.done $0x0  }
0xed: {  	[sflag:s8] =	ssyncadd.s32 $0xFFFFF800  }
0xee: {  	v60 =	vld [tilespmem:s28+$0x150];
	_ =	sdelay $0x7  }
0xef: {  	[tilespmem:s29], [sflag:$0x2] =	stream.indirect_vreg.gather [hbm4b:s1+s4], $0x80, v60, vm0, $0xb8;
	[tilespmem:$0x1DF00] =	vst v63  }
0xf0: {  	_ =	swait.ge [sflag:s14], $0x800  }
0xf1: {  	[sflag:s14] =	ssyncset.done $0x0  }
0xf2: {  	[sflag:s14] =	ssyncadd.s32 $0xFFFFF800  }
0xf3: {  	v61 =	vld [tilespmem:s28+$0x160];
	_ =	sdelay $0x7  }
0xf4: {  	[tilespmem:s30], [sflag:$0x3] =	stream.indirect_vreg.gather [hbm4b:s1+s4], $0x80, v61, vm0, $0xb8;
	[tilespmem:$0x1DF00] =	vst v63  }
0xf5: {  	_ =	swait.ge [sflag:s9], $0x800  }
0xf6: {  	[sflag:s9] =	ssyncset.done $0x0  }
0xf7: {  	[sflag:s9] =	ssyncadd.s32 $0xFFFFF800  }
0xf8: {  	v62 =	vld [tilespmem:s28+$0x170];
	_ =	sdelay $0x7  }
0xf9: {  	[tilespmem:s20], [sflag:$0x4] =	stream.indirect_vreg.gather [hbm4b:s1+s4], $0x80, v62, vm0, $0xb8;
	[tilespmem:$0x1DF00] =	vst v63  }
0xfa: {  	_ =	swait.ge [sflag:s10], $0x800  }
0xfb: {  	[sflag:s10] =	ssyncset.done $0x0  }
0xfc: {  	[sflag:s10] =	ssyncadd.s32 $0xFFFFF800  }
0xfd: {  	v63 =	vld [tilespmem:s28+$0x180];
	_ =	sdelay $0x2  }
0xfe: {  	p0 =	sne.s32 s17, $0x9600  }
.Ltmp0:
0xff: {  	_ = 	snop;
	(pc) =	sbr.rel @p0 .LBB2_2-.Ltmp0, $4  }
0x100: {  	_ = 	snop  }
0x101: {  	s17 =	sadd.s32 $0x280, s17;
	s19 =	simm.s32 $0x5700  }
0x102: {  	s29 =	simm.s32 $0x5F00;
	s30 =	simm.s32 $0x6700;
	s20 =	simm.s32 $0x6F00  }
0x103: {  	[tilespmem:s31], [sflag:$0x5] =	stream.indirect_vreg.gather [hbm4b:s1+s4], $0x80, v63, vm0, $0xb8;
	[tilespmem:$0x1DF00] =	vst v63  }
0x104: {  	s17 =	simm.s32 $0x1  }
0x105: {  	_ =	swait.ge [sflag:s17], $0x800  }
0x106: {  	[sflag:s17] =	ssyncset.done $0x0  }
0x107: {  	[sflag:s17] =	ssyncadd.s32 $0xFFFFF800  }
0x108: {  	v0 =	vld [tilespmem:$0x4E40];
	_ =	sdelay $0x6  }
0x109: {  	s3 =	simm.s32 $0x2  }
0x10a: {  	[spmem:s2] =	stream.indirect_vreg.scatter.add.f32 [tilespmem:s25], [sflag:$0xB], $0x80, v0, vm0, $0xb8;
	[tilespmem:$0x1DF00] =	vst v63  }
0x10b: {  	_ =	swait.ge [sflag:s3], $0x800  }
0x10c: {  	[sflag:s3] =	ssyncset.done $0x0  }
0x10d: {  	[sflag:s3] =	ssyncadd.s32 $0xFFFFF800  }
0x10e: {  	v60 =	vld [tilespmem:$0x4E50];
	_ =	sdelay $0x6  }
0x10f: {  	s0 =	simm.s32 $0x3  }
0x110: {  	[spmem:s2] =	stream.indirect_vreg.scatter.add.f32 [tilespmem:s19], [sflag:$0xC], $0x80, v60, vm0, $0xb8;
	[tilespmem:$0x1DF00] =	vst v63  }
0x111: {  	_ =	swait.ge [sflag:s0], $0x800  }
0x112: {  	[sflag:s0] =	ssyncset.done $0x0  }
0x113: {  	[sflag:s0] =	ssyncadd.s32 $0xFFFFF800  }
0x114: {  	v61 =	vld [tilespmem:$0x4E60];
	_ =	sdelay $0x6  }
0x115: {  	s19 =	simm.s32 $0x4  }
0x116: {  	[spmem:s2] =	stream.indirect_vreg.scatter.add.f32 [tilespmem:s29], [sflag:$0xD], $0x80, v61, vm0, $0xb8;
	[tilespmem:$0x1DF00] =	vst v63  }
0x117: {  	_ =	swait.ge [sflag:s19], $0x800  }
0x118: {  	[sflag:s19] =	ssyncset.done $0x0  }
0x119: {  	[sflag:s19] =	ssyncadd.s32 $0xFFFFF800  }
0x11a: {  	v62 =	vld [tilespmem:$0x4E70];
	_ =	sdelay $0x6  }
0x11b: {  	s21 =	simm.s32 $0x5  }
0x11c: {  	[spmem:s2] =	stream.indirect_vreg.scatter.add.f32 [tilespmem:s30], [sflag:$0xE], $0x80, v62, vm0, $0xb8;
	[tilespmem:$0x1DF00] =	vst v63  }
0x11d: {  	_ =	swait.ge [sflag:s21], $0x800  }
0x11e: {  	[sflag:s21] =	ssyncset.done $0x0  }
0x11f: {  	[sflag:s21] =	ssyncadd.s32 $0xFFFFF800  }
0x120: {  	v63 =	vld [tilespmem:$0x4E80];
	_ =	sdelay $0x7  }
0x121: {  	[spmem:s2] =	stream.indirect_vreg.scatter.add.f32 [tilespmem:s20], [sflag:$0xF], $0x80, v63, vm0, $0xb8;
	[tilespmem:$0x1DF00] =	vst v63  }
0x122: {  	_ =	swait.ge [sflag:s11], $0x800  }
0x123: {  	[sflag:s11] =	ssyncset.done $0x0  }
0x124: {  	[sflag:s11] =	ssyncadd.s32 $0xFFFFF800  }
0x125: {  	_ =	swait.ge [sflag:s12], $0x800  }
0x126: {  	[sflag:s12] =	ssyncset.done $0x0  }
0x127: {  	[sflag:s12] =	ssyncadd.s32 $0xFFFFF800  }
0x128: {  	_ =	swait.ge [sflag:s16], $0x800  }
0x129: {  	[sflag:s16] =	ssyncset.done $0x0  }
0x12a: {  	[sflag:s16] =	ssyncadd.s32 $0xFFFFF800  }
0x12b: {  	_ =	swait.ge [sflag:s13], $0x800  }
0x12c: {  	[sflag:s13] =	ssyncset.done $0x0  }
0x12d: {  	[sflag:s13] =	ssyncadd.s32 $0xFFFFF800  }
0x12e: {  	_ =	swait.ge [sflag:s26], $0x800  }
0x12f: {  	[sflag:s26] =	ssyncset.done $0x0  }
0x130: {  	s22 =	simm.s32 $0xB;
	[sflag:s26] =	ssyncadd.s32 $0xFFFFF800  }
0x131: {  	_ =	swait.ge [sflag:s22], $0x800  }
0x132: {  	[sflag:s22] =	ssyncset.done $0x0  }
0x133: {  	[sflag:s22] =	ssyncadd.s32 $0xFFFFF800  }
0x134: {  	_ =	swait.ge [sflag:s8], $0x800  }
0x135: {  	[sflag:s8] =	ssyncset.done $0x0  }
0x136: {  	[sflag:s8] =	ssyncadd.s32 $0xFFFFF800  }
0x137: {  	_ =	swait.ge [sflag:s14], $0x800  }
0x138: {  	[sflag:s14] =	ssyncset.done $0x0  }
0x139: {  	[sflag:s14] =	ssyncadd.s32 $0xFFFFF800  }
0x13a: {  	_ =	swait.ge [sflag:s9], $0x800  }
0x13b: {  	[sflag:s9] =	ssyncset.done $0x0  }
0x13c: {  	[sflag:s9] =	ssyncadd.s32 $0xFFFFF800  }
0x13d: {  	_ =	swait.ge [sflag:s10], $0x800  }
0x13e: {  	[sflag:s10] =	ssyncset.done $0x0  }
0x13f: {  	[sflag:s10] =	ssyncadd.s32 $0xFFFFF800  }
0x140: {  	[bflag:$0x0] =	sbarrier.arrive $0xFFFF  }
0x141: {  	s11 =	rddreg [dreg:$0x5]  }
0x142: {  	s23 =	rddreg [dreg:$0x8]  }
0x143: {  	s24 =	simm.s32 $0x15;
	s5 =	rddreg [dreg:$0xa]  }
0x144: {  	[hbm:s23], [sflag:s11] =	dma.local [spmem:s5], $0x2800  }
0x145: {  	_ =	swait.ge [sflag:s24], $0x2800  }
0x146: {  	s18 =	rddreg [dreg:$0xb]  }
0x147: {  	s28 =	rddreg [dreg:$0x9];
	s18 =	sadd.s32 $0x1, s18  }
0x148: {  	p0 =	sne.s32 s18, s28  }
.Ltmp1:
0x149: {  	s15 =	simm.s32 $0x7;
	(pc) =	sbr.rel @p0 .LBB2_1-.Ltmp1, $4  }
0x14a: {  	s7 =	simm.s32 $0x9;
	s6 =	simm.s32 $0xA;
	s3 =	simm.s32 $0x8700  }
0x14b: {  	s0 =	simm.s32 $0x9700;
	s29 =	simm.s32 $0x7700;
	s30 =	simm.s32 $0x15  }
0x14c: {  	s21 =	simm.s32 $0x7F00;
	s22 =	simm.s32 $0x8F00;
	[sflag:s24] =	ssyncset.done $0x0  }
0x14d: {  	s23 =	simm.s32 $0x6;
	s24 =	simm.s32 $0x8;
	[sflag:s30] =	ssyncadd.s32 $0xFFFFD800  }
0x14e: {  	_ =	sfence.sel $0x180000  }
0x14f: {  	[bflag:$0x0] =	sbarrier.arrive $0xFFFF  }
0x150: {  	_ =	strace $0x9000004A  }
0x151: {  	s0 =	stileid.u32;
	[bflag:$0x2] =	sbarrier.arrive $0xFFFF  }
0x152: {  	p0 =	sne.s32 s0, $0x0;
	s0 =	rddreg [dreg:$0x3]  }
0x153: {  	s0 =	sadd.s32 @!p0 $0x100000, s0  }
0x154: {  	[sflag:s0] =	ssyncadd.tile.s32 @!p0 $0x1;
	_ =	shalt  }
.Lfunc_end2:
_tile_overlayer_lowered:
.L_overlay_start_2:
0x155: {  	(tag) =	ssettag $0x2  }
0x156: {  	s0 =	rddreg [dreg:$0x0];
	s2 =	stileid.u32  }
0x157: {  	s1 =	rddreg [dreg:$0x1];
	p0 =	sne.s32 s2, $0x0  }
0x158: {  	s3 =	rddreg [dreg:$0x2];
	[bflag:$0x3] =	sbarrier.arrive $0xFFFF;
	s2 =	simm.s32 @!p0 $0x1C15  }
0x159: {  	[timem:s3], [sflag:s2] =	dma.local @!p0 [hbm:s0], s1  }
0x15a: {  	s0 =	simm.s32 @!p0 $0x15  }
0x15b: {  	_ =	swait.ge @!p0 [sflag:s0], s1  }
0x15c: {  	s1 =	ssub.s32 @!p0 $0x0, s1;
	[sflag:s0] =	ssyncset.done @!p0 $0x0  }
0x15d: {  	[sflag:s0] =	ssyncadd.s32 @!p0 s1  }
0x15e: {  	[bflag:$0x3] =	sbarrier.arrive $0xFFFF  }
0x15f: {  	_ =	shalt  }

// kernel: kernel.15.cloned.1.call-start
scs
__scs_entry_jumppad:
0x0: {  	(pc) =	sbr.rel $0x88, $3  }
0x1: {  	(tag) =	ssettag $0x0;
	lr =	simm.s32 $0x1  }
0x2: {  	[smem:$0x3F9D] =	sst lr;
	_ =	strace $0xD0000000  }
0x3: {  	_ = 	snop  }
0x4: {  	_ = 	snop  }
0x5: {  	_ = 	snop  }
0x6: {  	_ = 	snop  }
0x7: {  	_ = 	snop  }
__scs_overlays_trampoline_lowered:
0x8: {  	[smem:$0x3FAC] =	sst s0  }
0x9: {  	[smem:$0x3FAD] =	sst s1  }
0xa: {  	[smem:$0x3FAE] =	sst s2  }
0xb: {  	[smem:$0x3FAF] =	sst s3  }
0xc: {  	[smem:$0x3FB0] =	sst s4  }
0xd: {  	[smem:$0x3FB1] =	sst s5  }
0xe: {  	[smem:$0x3FB2] =	sst s6  }
0xf: {  	[smem:$0x3FB3] =	sst s7  }
0x10: {  	[smem:$0x3FB4] =	sst s8  }
0x11: {  	[smem:$0x3FB5] =	sst s9;
	s0 =	simm.s32 @!p0 $0x0  }
0x12: {  	s1 =	sld [smem:$0x3F9B];
	s0 =	simm.s32 @p0 $0x1  }
0x13: {  	[smem:$0x3FB6] =	sst s0;
	s0 =	simm.s32 @!p1 $0x0  }
0x14: {  	s2 =	sld [smem:$0x3F9A];
	s0 =	simm.s32 @p1 $0x1  }
0x15: {  	[smem:$0x3FB7] =	sst s0;
	s0 =	simm.s32 @!p2 $0x0  }
0x16: {  	s3 =	sld [smem:$0x3FDB];
	s0 =	simm.s32 @p2 $0x1  }
0x17: {  	s4 =	simm.s32 $0x1BF5;
	[smem:$0x3FB9] =	sst s0  }
0x18: {  	s0 =	sld [smem:$0x3F9C];
	_ =	swait.ge [sflag:s4], $0x0  }
0x19: {  	s7 =	sld [smem:$0x3F9D]  }
0x1a: {  	s8 =	sadd.s32 $0xFFFFE003, lr  }
0x1b: {  	s9 =	sadd.s32 $0xFFFFFEF7, lr;
	s5 =	simm.s32 $0xFFFFFFFF;
	p2 =	slt.u32 s8, $0xFFFFF086  }
0x1c: {  	p1 =	slt.u32 s9, $0xF7A;
	s5 =	simm.s32 @!p2 $0x0  }
0x1d: {  	s5 =	simm.s32 @p1 $0x1;
	p0 =	seq.s32 s7, s2  }
0x1e: {  	s7 =	smul.u32 @!p0 $0xF7A, s2;
	p2 =	seq.s32 @!p0 s5, $0x0  }
0x1f: {  	s9 =	smul.u32 $0xF7A, s1;
	s8 =	simm.s32 @!p0 $0x1BF5;
	p2 =	por !p2, p0  }
0x20: {  	[sflag:s8] =	ssyncset.s32 @!p0 $0xFFFFF086;
	s6 =	sadd.s32 @!p0 s3, s7;
	s7 =	simm.s32 @!p0 $0x108  }
0x21: {  	s3 =	sadd.s32 s3, s9;
	s6 =	sadd.s32 @!p0 $0x88, s6;
	s7 =	simm.s32 @p2 $0x1082  }
0x22: {  	[simem:s7], [sflag:s8] =	dma.local @!p0 [hbm:s6], $0xF7A  }
0x23: {  	s9 =	sor.u32 $0xD0000000, s2;
	s6 =	simm.s32 $0x108;
	_ =	swait.ge @!p0 [sflag:s8], $0x0  }
0x24: {  	s3 =	sadd.s32 $0x88, s3;
	s6 =	simm.s32 @!p1 $0x1082;
	[sflag:s4] =	ssyncset.s32 $0xFFFFF086  }
0x25: {  	[simem:s6], [sflag:s4] =	dma.local [hbm:s3], $0xF7A  }
0x26: {  	[smem:$0x3F9D] =	sst s1;
	(tag) =	ssettag s2;
	_ =	strace s9  }
0x27: {  	s1 =	sld [smem:$0x3FAD]  }
0x28: {  	s2 =	sld [smem:$0x3FAE]  }
0x29: {  	s4 =	sld [smem:$0x3FB0]  }
0x2a: {  	p0 =	seq.s32 s5, $0x0;
	s5 =	sld [smem:$0x3FB1]  }
0x2b: {  	s6 =	sld [smem:$0x3FB2]  }
0x2c: {  	s7 =	sld [smem:$0x3FB3]  }
0x2d: {  	s3 =	simm.s32 $0x108;
	s8 =	sld [smem:$0x3FB4]  }
0x2e: {  	s3 =	simm.s32 @!p0 $0x1082;
	s9 =	sld [smem:$0x3FB5]  }
0x2f: {  	lr =	sadd.s32 s0, s3;
	s0 =	sld [smem:$0x3FAC]  }
0x30: {  	s3 =	sld [smem:$0x3FAF]  }
0x31: {  	[smem:$0x3FB8] =	sst s10  }
0x32: {  	s10 =	sld [smem:$0x3FB6];
	_ =	sdelay $0x3  }
0x33: {  	p0 =	seq.s32 s10, $0x1;
	s10 =	sld [smem:$0x3FB8];
	_ =	sdelay $0x3  }
0x34: {  	[smem:$0x3FB8] =	sst s10  }
0x35: {  	s10 =	sld [smem:$0x3FB7];
	_ =	sdelay $0x3  }
0x36: {  	p1 =	seq.s32 s10, $0x1;
	s10 =	sld [smem:$0x3FB8];
	_ =	sdelay $0x3  }
0x37: {  	[smem:$0x3FB8] =	sst s10  }
0x38: {  	s10 =	sld [smem:$0x3FB9]  }
0x39: {  	_ = 	snop;
	(pc) =	sbr.ind lr, $3  }
0x3a: {  	_ = 	snop  }
0x3b: {  	_ = 	snop  }
0x3c: {  	p2 =	seq.s32 s10, $0x1;
	s10 =	sld [smem:$0x3FB8]  }
0x3d: {  	_ =	shalt  }
0x3e: {  	_ =	shalt  }
0x3f: {  	_ =	shalt  }
0x40: {  	_ =	shalt  }
0x41: {  	_ =	shalt  }
0x42: {  	_ =	shalt  }
0x43: {  	_ =	shalt  }
0x44: {  	_ =	shalt  }
0x45: {  	_ =	shalt  }
0x46: {  	_ =	shalt  }
0x47: {  	_ =	shalt  }
0x48: {  	_ =	shalt  }
0x49: {  	_ =	shalt  }
0x4a: {  	_ =	shalt  }
0x4b: {  	_ =	shalt  }
0x4c: {  	_ =	shalt  }
0x4d: {  	_ =	shalt  }
0x4e: {  	_ =	shalt  }
0x4f: {  	_ =	shalt  }
0x50: {  	_ =	shalt  }
0x51: {  	_ =	shalt  }
0x52: {  	_ =	shalt  }
0x53: {  	_ =	shalt  }
0x54: {  	_ =	shalt  }
0x55: {  	_ =	shalt  }
0x56: {  	_ =	shalt  }
0x57: {  	_ =	shalt  }
0x58: {  	_ =	shalt  }
0x59: {  	_ =	shalt  }
0x5a: {  	_ =	shalt  }
0x5b: {  	_ =	shalt  }
0x5c: {  	_ =	shalt  }
0x5d: {  	_ =	shalt  }
0x5e: {  	_ =	shalt  }
0x5f: {  	_ =	shalt  }
0x60: {  	_ =	shalt  }
0x61: {  	_ =	shalt  }
0x62: {  	_ =	shalt  }
0x63: {  	_ =	shalt  }
0x64: {  	_ =	shalt  }
0x65: {  	_ =	shalt  }
0x66: {  	_ =	shalt  }
0x67: {  	_ =	shalt  }
0x68: {  	_ =	shalt  }
0x69: {  	_ =	shalt  }
0x6a: {  	_ =	shalt  }
0x6b: {  	_ =	shalt  }
0x6c: {  	_ =	shalt  }
0x6d: {  	_ =	shalt  }
0x6e: {  	_ =	shalt  }
0x6f: {  	_ =	shalt  }
0x70: {  	_ =	shalt  }
0x71: {  	_ =	shalt  }
0x72: {  	_ =	shalt  }
0x73: {  	_ =	shalt  }
0x74: {  	_ =	shalt  }
0x75: {  	_ =	shalt  }
0x76: {  	_ =	shalt  }
0x77: {  	_ =	shalt  }
0x78: {  	_ =	shalt  }
0x79: {  	_ =	shalt  }
0x7a: {  	_ =	shalt  }
0x7b: {  	_ =	shalt  }
0x7c: {  	_ =	shalt  }
0x7d: {  	_ =	shalt  }
0x7e: {  	_ =	shalt  }
0x7f: {  	_ =	shalt  }
0x80: {  	_ =	shalt  }
0x81: {  	_ =	shalt  }
0x82: {  	_ =	shalt  }
0x83: {  	_ =	shalt  }
0x84: {  	_ =	shalt  }
0x85: {  	_ =	shalt  }
0x86: {  	_ =	shalt  }
0x87: {  	_ =	shalt  }
.Lfunc_end0:
.L_simem_size_0:
called_computation.2_lowered:
.L_overlay_start_0:
0x88: {  	s2 =	sld [smem:$0x3FD9]  }
0x89: {  	s3 =	sld [smem:$0x3FFE];
	_ =	sdelay $0x1  }
0x8a: {  	s1 =	srdreg.scid  }
0x8b: {  	s0 =	sand.u32 $0x1, s1  }
0x8c: {  	s17 =	sshll.u32 s0, $0xA;
	s2 =	sadd.s32 s3, s2  }
0x8d: {  	s2 =	sadd.s32 s2, s17  }
0x8e: {  	[smem:$0x3FC4] =	sst s2  }
0x8f: {  	_ = 	snop  }
0x90: {  	s2 =	sld [smem:$0x3FD0];
	(tm) =	ssettm $0x1  }
0x91: {  	s18 =	sld [smem:$0x3FFB];
	_ =	sdelay $0x3  }
0x92: {  	_ =	strace s18  }
0x93: {  	s3 =	sld [smem:$0x3FFC];
	_ =	sdelay $0x3  }
0x94: {  	_ =	strace s3  }
0x95: {  	s3 =	sld [smem:$0x3FFD];
	_ =	sdelay $0x3  }
0x96: {  	_ =	strace s3  }
0x97: {  	_ =	strace $0x8FFFFFFF  }
0x98: {  	s19 =	sld [smem:$0x3FDB];
	_ =	sdelay $0x1  }
0x99: {  	s4 =	simm.s32 $_scs_section_size  }
0x9a: {  	s5 =	simm.s32 $_size__tile_overlayer_lowered;
	s6 =	simm.s32 $_tile_overlayer_lowered  }
0x9b: {  	s22 =	simm.s32 $0x1BFF;
	s21 =	sshll.u32 s6, $0x1;
	s3 =	sadd.s32 s4, s19  }
0x9c: {  	s7 =	simm.s32 $0x0;
	s20 =	sshll.u32 s5, $0x1;
	s5 =	sadd.s32 s21, s3  }
0x9d: {  	[timem:s7], [sflag:s22] =	dma.local [hbm:s5], s20  }
0x9e: {  	_ =	swait.ge [sflag:s22], s20  }
0x9f: {  	s4 =	ssub.s32 $0x0, s20;
	[sflag:s22] =	ssyncset.done $0x0  }
0xa0: {  	[sflag:s22] =	ssyncadd.s32 s4;
	_ =	sdelay $0x1  }
0xa1: {  	s23 =	simm.s32 $0x1B8B  }
0xa2: {  	_ =	swait.ge [sflag:s23], $0x1  }
0xa3: {  	[sflag:s23] =	ssyncset.done $0x0  }
0xa4: {  	s25 =	simm.s32 $0x1B8E;
	s24 =	sld [smem:$0x3FFE];
	[sflag:s23] =	ssyncadd.s32 $0xFFFFFFFF  }
0xa5: {  	s26 =	simm.s32 $execute0_lowered;
	[smem:$0x3FD2] =	sst s25  }
0xa6: {  	s5 =	sshll.u32 s26, $0x1;
	_ =	strace $0x8000004C;
	[dreg:$0x1] =	wrdreg $0xFFFFFFFF  }
0xa7: {  	s28 =	simm.s32 $_size_execute0_lowered;
	s3 =	sadd.s32 s3, s5;
	[dreg:$0x0] =	wrdreg $0x0  }
0xa8: {  	s5 =	sshll.u32 s28, $0x1;
	[dreg:$0x2] =	wrdreg s3  }
0xa9: {  	[dreg:$0x3] =	wrdreg s5  }
0xaa: {  	[dreg:$0x4] =	wrdreg $0xC0  }
0xab: {  	_ =	task [dreg:s7], $0x5FFFF  }
0xac: {  	[dreg:$0x1] =	wrdreg $0xFFFFFFFF  }
0xad: {  	[dreg:$0x0] =	wrdreg $0x60  }
0xae: {  	[dreg:$0x2] =	wrdreg s2  }
0xaf: {  	[dreg:$0x3] =	wrdreg s24  }
0xb0: {  	[dreg:$0x4] =	wrdreg $0x9F000  }
0xb1: {  	[dreg:$0x5] =	wrdreg $0x9  }
0xb2: {  	_ =	task.clear_ibuf [dreg:s7], $0x6FFFF;
	_ =	strace $0x9000004C  }
0xb3: {  	s29 =	simm.s32 $0x9;
	_ =	strace $0x8000004E  }
0xb4: {  	_ =	swait.ge [sflag:s29], $0x1  }
0xb5: {  	[sflag:s29] =	ssyncadd.s32 $0xFFFFFFFF  }
0xb6: {  	_ =	strace $0x9000004E  }
0xb7: {  	_ =	sfence  }
0xb8: {  	s30 =	sld [smem:$0x0];
	_ =	sdelay $0x2  }
0xb9: {  	s31 =	sshll.u32 s1, $0xD;
	s1 =	sshrl.u32 s1, $0x2  }
0xba: {  	s3 =	sand.u32 $0x4000, s31;
	s1 =	sadd.s32 s1, s30  }
0xbb: {  	s0 =	sor.u32 s3, s0;
	s1 =	sshll.u32 s1, $0x11  }
0xbc: {  	s0 =	sor.u32 s1, s0  }
0xbd: {  	s0 =	sadd.s32 $0x8F2B, s0  }
0xbe: {  	[sflag:s0] =	ssyncadd.remote.s32 $0x1  }
0xbf: {  	_ =	sfence.sel $0xFFFF  }
0xc0: {  	[dreg:$0x0] =	wrdreg $0xFFFFFFFF;
	(pc) =	sbr.abs _section_cstart, $3  }
0xc1: {  	[dreg:$0x1] =	wrdreg $0xFFFFFFFF  }
0xc2: {  	_ =	task.clear_ibuf [dreg:s7], $0x2FFFF;
	_ =	strace $0x9FFFFFFF  }
0xc3: {  	(tm) =	ssettm $0x7FFFFFFF  }
tec
execute0_lowered:
.L_overlay_start_1:
0x0: {  	(tag) =	ssettag $0x1  }
0x1: {  	s1 =	rddreg [dreg:$0x0]  }
0x2: {  	s0 =	rddreg [dreg:$0x1]  }
0x3: {  	s2 =	rddreg [dreg:$0x2]  }
0x4: {  	s3 =	srdreg.scid;
	s8 =	stileid.u32  }
0x5: {  	s29 =	simm.s32 $0x7700;
	s15 =	simm.s32 $0x7;
	s14 =	simm.s32 $0xD  }
0x6: {  	s10 =	simm.s32 $0xF;
	s18 =	simm.s32 $0x0;
	s12 =	simm.s32 $0x11  }
0x7: {  	s16 =	simm.s32 $0x12;
	s13 =	simm.s32 $0x13;
	s31 =	simm.s32 $0x6F00  }
0x8: {  	s3 =	sand.u32 $0x1, s3;
	s4 =	sshrl.u32 s8, $0x2;
	s22 =	smul.u32 $0x14000, s8  }
0x9: {  	s5 =	sshll.u32 s8, $0x8;
	s23 =	smul.u32 $0x50000, s8;
	s9 =	sadd.s32 $0xBA00, s0  }
0xa: {  	s26 =	sshll.u32 s8, $0x6;
	s8 =	simm.s32 $0xC;
	s6 =	smul.u32 $0x13C00, s4  }
0xb: {  	s21 =	sshll.u32 s3, $0x7;
	s5 =	sand.u32 $0x300, s5;
	s7 =	smul.u32 $0x140000, s3  }
0xc: {  	s4 =	simm.s32 $0x0;
	s3 =	ssub.s32 $0x2, s3;
	s11 =	sor.u32 $0x1C15, s26  }
0xd: {  	s26 =	simm.s32 $0x14;
	s5 =	sor.u32 s21, s5;
	[smem:$0x7FF] =	sst s4  }
0xe: {  	s24 =	sshrl.u32 s3, $0x1;
	s25 =	sshrl.u32 s23, $0x2;
	s21 =	simm.s32 $0x7F00  }
0xf: {  	s23 =	simm.s32 $0x6;
	s5 =	sor.u32 s6, s5;
	_ =	strace $0x8000004D  }
0x10: {  	s6 =	sadd.s32 s22, s7;
	[dreg:$0x4] =	wrdreg s9;
	s3 =	ssub.s32 s3, s24  }
0x11: {  	s22 =	simm.s32 $0x8F00;
	s24 =	simm.s32 $0x8;
	s7 =	simm.s32 $0x9  }
0x12: {  	s9 =	simm.s32 $0xE;
	[dreg:$0x5] =	wrdreg s11;
	s5 =	sshrl.u32 s5, $0x3  }
0x13: {  	s6 =	sshrl.u32 s6, $0x3;
	s30 =	smax.u32 s3, $0x1;
	s5 =	sadd.s32 s5, s0  }
0x14: {  	s3 =	simm.s32 $0x8700;
	[dreg:$0x9] =	wrdreg s30;
	s28 =	sadd.s32 $0xE200, s5  }
0x15: {  	s0 =	sadd.s32 s6, s0;
	s5 =	sadd.s32 $0x1C00, s5;
	[dreg:$0x6] =	wrdreg s28  }
0x16: {  	s6 =	sadd.s32 s25, s2;
	s0 =	sadd.s32 $0x18000, s0;
	[dreg:$0x7] =	wrdreg s5  }
0x17: {  	s25 =	simm.s32 $0x4F00;
	[dreg:$0x8] =	wrdreg s0;
	s5 =	sshrl.u32 s6, $0x3  }
0x18: {  	vm0 =	vmmov $0xffff;
	s0 =	simm.s32 $0x9700;
	s6 =	simm.s32 $0xA;
	[dreg:$0xa] =	wrdreg s5  }
.LBB2_1:
0x19: {  	[dreg:$0xb] =	wrdreg s18  }
0x1a: {  	s28 =	simm.s32 $0x15;
	s17 =	rddreg [dreg:$0x4]  }
0x1b: {  	[spmem:s5], [sflag:s11] =	dma.local [hbm:s17], $0x2800  }
0x1c: {  	_ =	swait.ge [sflag:s28], $0x2800  }
0x1d: {  	s18 =	simm.s32 $0x80;
	[sflag:s28] =	ssyncset.done $0x0  }
0x1e: {  	s19 =	simm.s32 $0x400;
	s11 =	rddreg [dreg:$0x6];
	[sflag:s28] =	ssyncadd.s32 $0xFFFFD800  }
0x1f: {  	[tilespmem:s4], [sflag:$0x15] =	stream.strided.gather [hbm4b:s11+s18], $0x2780, s19, s18, $0x38;
	[tilespmem:$0x1DF00] =	vst v63  }
0x20: {  	_ =	swait.ge [sflag:s28], $0x2780  }
0x21: {  	[sflag:s28] =	ssyncset.done $0x0  }
0x22: {  	s30 =	simm.s32 $0x2780;
	s20 =	rddreg [dreg:$0x7];
	[sflag:s28] =	ssyncadd.s32 $0xFFFFD880  }
0x23: {  	[tilespmem:s30], [sflag:$0x15] =	stream.strided.gather [hbm4b:s20+s18], $0x2780, s19, s18, $0x38;
	[tilespmem:$0x1DF00] =	vst v63  }
0x24: {  	_ =	swait.ge [sflag:s28], $0x2780  }
0x25: {  	[sflag:s28] =	ssyncset.done $0x0  }
0x26: {  	[sflag:s28] =	ssyncadd.s32 $0xFFFFD880  }
0x27: {  	[bflag:$0x0] =	sbarrier.arrive $0xFFFF  }
0x28: {  	v0 =	vld [tilespmem:$0x0];
	_ =	sdelay $0x6  }
0x29: {  	s30 =	simm.s32 $0x4F00  }
0x2a: {  	[tilespmem:s30], [sflag:$0x1] =	stream.indirect_vreg.gather [hbm4b:s1+s4], $0x80, v0, vm0, $0xb8;
	[tilespmem:$0x1DF00] =	vst v63  }
0x2b: {  	v0 =	vld [tilespmem:$0x10];
	_ =	sdelay $0x6  }
0x2c: {  	s17 =	simm.s32 $0x5700  }
0x2d: {  	[tilespmem:s17], [sflag:$0x2] =	stream.indirect_vreg.gather [hbm4b:s1+s4], $0x80, v0, vm0, $0xb8;
	[tilespmem:$0x1DF00] =	vst v63  }
0x2e: {  	v0 =	vld [tilespmem:$0x20];
	_ =	sdelay $0x6  }
0x2f: {  	s19 =	simm.s32 $0x5F00  }
0x30: {  	[tilespmem:s19], [sflag:$0x3] =	stream.indirect_vreg.gather [hbm4b:s1+s4], $0x80, v0, vm0, $0xb8;
	[tilespmem:$0x1DF00] =	vst v63  }
0x31: {  	v0 =	vld [tilespmem:$0x30];
	_ =	sdelay $0x6  }
0x32: {  	s28 =	simm.s32 $0x6700  }
0x33: {  	[tilespmem:s28], [sflag:$0x4] =	stream.indirect_vreg.gather [hbm4b:s1+s4], $0x80, v0, vm0, $0xb8;
	[tilespmem:$0x1DF00] =	vst v63  }
0x34: {  	v0 =	vld [tilespmem:$0x40];
	_ =	sdelay $0x6  }
0x35: {  	s5 =	simm.s32 $0x1;
	s20 =	simm.s32 $0x6F00  }
0x36: {  	[tilespmem:s20], [sflag:$0x5] =	stream.indirect_vreg.gather [hbm4b:s1+s4], $0x80, v0, vm0, $0xb8;
	[tilespmem:$0x1DF00] =	vst v63  }
0x37: {  	_ =	swait.ge [sflag:s5], $0x800  }
0x38: {  	[sflag:s5] =	ssyncset.done $0x0  }
0x39: {  	[sflag:s5] =	ssyncadd.s32 $0xFFFFF800  }
0x3a: {  	v49 =	vld [tilespmem:$0x2780];
	_ =	sdelay $0x6  }
0x3b: {  	s11 =	simm.s32 $0x2  }
0x3c: {  	[spmem:s2] =	stream.indirect_vreg.scatter.add.f32 [tilespmem:s30], [sflag:$0xB], $0x80, v49, vm0, $0xb8;
	[tilespmem:$0x1DF00] =	vst v63  }
0x3d: {  	_ =	swait.ge [sflag:s11], $0x800  }
0x3e: {  	[sflag:s11] =	ssyncset.done $0x0  }
0x3f: {  	[sflag:s11] =	ssyncadd.s32 $0xFFFFF800  }
0x40: {  	v50 =	vld [tilespmem:$0x2790];
	_ =	sdelay $0x6  }
0x41: {  	s5 =	simm.s32 $0x3  }
0x42: {  	[spmem:s2] =	stream.indirect_vreg.scatter.add.f32 [tilespmem:s17], [sflag:$0xC], $0x80, v50, vm0, $0xb8;
	[tilespmem:$0x1DF00] =	vst v63  }
0x43: {  	_ =	swait.ge [sflag:s5], $0x800  }
0x44: {  	[sflag:s5] =	ssyncset.done $0x0  }
0x45: {  	[sflag:s5] =	ssyncadd.s32 $0xFFFFF800  }
0x46: {  	v51 =	vld [tilespmem:$0x27A0];
	_ =	sdelay $0x6  }
0x47: {  	s11 =	simm.s32 $0x4  }
0x48: {  	[spmem:s2] =	stream.indirect_vreg.scatter.add.f32 [tilespmem:s19], [sflag:$0xD], $0x80, v51, vm0, $0xb8;
	[tilespmem:$0x1DF00] =	vst v63  }
0x49: {  	_ =	swait.ge [sflag:s11], $0x800  }
0x4a: {  	[sflag:s11] =	ssyncset.done $0x0  }
0x4b: {  	[sflag:s11] =	ssyncadd.s32 $0xFFFFF800  }
0x4c: {  	v52 =	vld [tilespmem:$0x27B0];
	_ =	sdelay $0x6  }
0x4d: {  	s18 =	simm.s32 $0x5  }
0x4e: {  	[spmem:s2] =	stream.indirect_vreg.scatter.add.f32 [tilespmem:s28], [sflag:$0xE], $0x80, v52, vm0, $0xb8;
	[tilespmem:$0x1DF00] =	vst v63  }
0x4f: {  	_ =	swait.ge [sflag:s18], $0x800  }
0x50: {  	[sflag:s18] =	ssyncset.done $0x0  }
0x51: {  	[sflag:s18] =	ssyncadd.s32 $0xFFFFF800  }
0x52: {  	v53 =	vld [tilespmem:$0x27C0];
	_ =	sdelay $0x7  }
0x53: {  	[spmem:s2] =	stream.indirect_vreg.scatter.add.f32 [tilespmem:s20], [sflag:$0xF], $0x80, v53, vm0, $0xb8;
	[tilespmem:$0x1DF00] =	vst v63  }
0x54: {  	v0 =	vld [tilespmem:$0x50];
	_ =	sdelay $0x7  }
0x55: {  	[tilespmem:s29], [sflag:$0x6] =	stream.indirect_vreg.gather [hbm4b:s1+s4], $0x80, v0, vm0, $0xb8;
	[tilespmem:$0x1DF00] =	vst v63  }
0x56: {  	v0 =	vld [tilespmem:$0x60];
	_ =	sdelay $0x7  }
0x57: {  	[tilespmem:s21], [sflag:$0x7] =	stream.indirect_vreg.gather [hbm4b:s1+s4], $0x80, v0, vm0, $0xb8;
	[tilespmem:$0x1DF00] =	vst v63  }
0x58: {  	v0 =	vld [tilespmem:$0x70];
	_ =	sdelay $0x7  }
0x59: {  	[tilespmem:s3], [sflag:$0x8] =	stream.indirect_vreg.gather [hbm4b:s1+s4], $0x80, v0, vm0, $0xb8;
	[tilespmem:$0x1DF00] =	vst v63  }
0x5a: {  	v0 =	vld [tilespmem:$0x80];
	_ =	sdelay $0x7  }
0x5b: {  	[tilespmem:s22], [sflag:$0x9] =	stream.indirect_vreg.gather [hbm4b:s1+s4], $0x80, v0, vm0, $0xb8;
	[tilespmem:$0x1DF00] =	vst v63  }
0x5c: {  	v0 =	vld [tilespmem:$0x90];
	_ =	sdelay $0x7  }
0x5d: {  	[tilespmem:s0], [sflag:$0xA] =	stream.indirect_vreg.gather [hbm4b:s1+s4], $0x80, v0, vm0, $0xb8;
	[tilespmem:$0x1DF00] =	vst v63  }
0x5e: {  	_ =	swait.ge [sflag:s23], $0x800  }
0x5f: {  	[sflag:s23] =	ssyncset.done $0x0  }
0x60: {  	[sflag:s23] =	ssyncadd.s32 $0xFFFFF800  }
0x61: {  	v54 =	vld [tilespmem:$0x27D0];
	_ =	sdelay $0x7  }
0x62: {  	[spmem:s2] =	stream.indirect_vreg.scatter.add.f32 [tilespmem:s29], [sflag:$0x10], $0x80, v54, vm0, $0xb8;
	[tilespmem:$0x1DF00] =	vst v63  }
0x63: {  	_ =	swait.ge [sflag:s15], $0x800  }
0x64: {  	[sflag:s15] =	ssyncset.done $0x0  }
0x65: {  	[sflag:s15] =	ssyncadd.s32 $0xFFFFF800  }
0x66: {  	v55 =	vld [tilespmem:$0x27E0];
	_ =	sdelay $0x7  }
0x67: {  	[spmem:s2] =	stream.indirect_vreg.scatter.add.f32 [tilespmem:s21], [sflag:$0x11], $0x80, v55, vm0, $0xb8;
	[tilespmem:$0x1DF00] =	vst v63  }
0x68: {  	_ =	swait.ge [sflag:s24], $0x800  }
0x69: {  	[sflag:s24] =	ssyncset.done $0x0  }
0x6a: {  	[sflag:s24] =	ssyncadd.s32 $0xFFFFF800  }
0x6b: {  	v56 =	vld [tilespmem:$0x27F0];
	_ =	sdelay $0x7  }
0x6c: {  	[spmem:s2] =	stream.indirect_vreg.scatter.add.f32 [tilespmem:s3], [sflag:$0x12], $0x80, v56, vm0, $0xb8;
	[tilespmem:$0x1DF00] =	vst v63  }
0x6d: {  	_ =	swait.ge [sflag:s7], $0x800  }
0x6e: {  	[sflag:s7] =	ssyncset.done $0x0  }
0x6f: {  	[sflag:s7] =	ssyncadd.s32 $0xFFFFF800  }
0x70: {  	v57 =	vld [tilespmem:$0x2800];
	_ =	sdelay $0x7  }
0x71: {  	[spmem:s2] =	stream.indirect_vreg.scatter.add.f32 [tilespmem:s22], [sflag:$0x13], $0x80, v57, vm0, $0xb8;
	[tilespmem:$0x1DF00] =	vst v63  }
0x72: {  	_ =	swait.ge [sflag:s6], $0x800  }
0x73: {  	[sflag:s6] =	ssyncset.done $0x0  }
0x74: {  	[sflag:s6] =	ssyncadd.s32 $0xFFFFF800  }
0x75: {  	v58 =	vld [tilespmem:$0x2810];
	_ =	sdelay $0x6  }
0x76: {  	s29 =	simm.s32 $0xB  }
0x77: {  	[spmem:s2] =	stream.indirect_vreg.scatter.add.f32 [tilespmem:s0], [sflag:$0x14], $0x80, v58, vm0, $0xb8;
	[tilespmem:$0x1DF00] =	vst v63  }
0x78: {  	_ =	swait.ge [sflag:s29], $0x800  }
0x79: {  	[sflag:s29] =	ssyncset.done $0x0  }
0x7a: {  	[sflag:s29] =	ssyncadd.s32 $0xFFFFF800  }
0x7b: {  	v59 =	vld [tilespmem:$0xA0];
	_ =	sdelay $0x7  }
0x7c: {  	[tilespmem:s30], [sflag:$0x1] =	stream.indirect_vreg.gather [hbm4b:s1+s4], $0x80, v59, vm0, $0xb8;
	[tilespmem:$0x1DF00] =	vst v63  }
0x7d: {  	_ =	swait.ge [sflag:s8], $0x800  }
0x7e: {  	[sflag:s8] =	ssyncset.done $0x0  }
0x7f: {  	[sflag:s8] =	ssyncadd.s32 $0xFFFFF800  }
0x80: {  	v60 =	vld [tilespmem:$0xB0];
	_ =	sdelay $0x7  }
0x81: {  	[tilespmem:s17], [sflag:$0x2] =	stream.indirect_vreg.gather [hbm4b:s1+s4], $0x80, v60, vm0, $0xb8;
	[tilespmem:$0x1DF00] =	vst v63  }
0x82: {  	_ =	swait.ge [sflag:s14], $0x800  }
0x83: {  	[sflag:s14] =	ssyncset.done $0x0  }
0x84: {  	[sflag:s14] =	ssyncadd.s32 $0xFFFFF800  }
0x85: {  	v61 =	vld [tilespmem:$0xC0];
	_ =	sdelay $0x7  }
0x86: {  	[tilespmem:s19], [sflag:$0x3] =	stream.indirect_vreg.gather [hbm4b:s1+s4], $0x80, v61, vm0, $0xb8;
	[tilespmem:$0x1DF00] =	vst v63  }
0x87: {  	_ =	swait.ge [sflag:s9], $0x800  }
0x88: {  	[sflag:s9] =	ssyncset.done $0x0  }
0x89: {  	[sflag:s9] =	ssyncadd.s32 $0xFFFFF800  }
0x8a: {  	v62 =	vld [tilespmem:$0xD0];
	_ =	sdelay $0x7  }
0x8b: {  	[tilespmem:s28], [sflag:$0x4] =	stream.indirect_vreg.gather [hbm4b:s1+s4], $0x80, v62, vm0, $0xb8;
	[tilespmem:$0x1DF00] =	vst v63  }
0x8c: {  	_ =	swait.ge [sflag:s10], $0x800  }
0x8d: {  	[sflag:s10] =	ssyncset.done $0x0  }
0x8e: {  	[sflag:s10] =	ssyncadd.s32 $0xFFFFF800  }
0x8f: {  	v63 =	vld [tilespmem:$0xE0];
	_ =	sdelay $0x3  }
0x90: {  	s11 =	simm.s32 $0x10;
	s18 =	simm.s32 $0x7700;
	s23 =	simm.s32 $0x6  }
0x91: {  	s15 =	simm.s32 $0x7;
	s21 =	simm.s32 $0x7F00;
	s24 =	simm.s32 $0x8  }
0x92: {  	s3 =	simm.s32 $0x8700;
	s7 =	simm.s32 $0x9;
	s22 =	simm.s32 $0x8F00  }
0x93: {  	s6 =	simm.s32 $0xA;
	s0 =	simm.s32 $0x9700;
	s17 =	simm.s32 $0x0  }
0x94: {  	[tilespmem:s20], [sflag:$0x5] =	stream.indirect_vreg.gather [hbm4b:s1+s4], $0x80, v63, vm0, $0xb8;
	[tilespmem:$0x1DF00] =	vst v63  }
.LBB2_2:
0x95: {  	s19 =	simm.s32 $0x1  }
0x96: {  	_ =	swait.ge [sflag:s19], $0x800  }
0x97: {  	[sflag:s19] =	ssyncset.done $0x0  }
0x98: {  	s28 =	sshra.s32 s17, $0x2;
	[sflag:s19] =	ssyncadd.s32 $0xFFFFF800  }
0x99: {  	v0 =	vld [tilespmem:s28+$0x2820];
	_ =	sdelay $0x6  }
0x9a: {  	s5 =	simm.s32 $0x4F00;
	s20 =	simm.s32 $0x2  }
0x9b: {  	[spmem:s2] =	stream.indirect_vreg.scatter.add.f32 [tilespmem:s5], [sflag:$0xB], $0x80, v0, vm0, $0xb8;
	[tilespmem:$0x1DF00] =	vst v63  }
0x9c: {  	_ =	swait.ge [sflag:s20], $0x800  }
0x9d: {  	[sflag:s20] =	ssyncset.done $0x0  }
0x9e: {  	[sflag:s20] =	ssyncadd.s32 $0xFFFFF800  }
0x9f: {  	v45 =	vld [tilespmem:s28+$0x2830];
	_ =	sdelay $0x6  }
0xa0: {  	s29 =	simm.s32 $0x5700;
	s20 =	simm.s32 $0x3  }
0xa1: {  	[spmem:s2] =	stream.indirect_vreg.scatter.add.f32 [tilespmem:s29], [sflag:$0xC], $0x80, v45, vm0, $0xb8;
	[tilespmem:$0x1DF00] =	vst v63  }
0xa2: {  	_ =	swait.ge [sflag:s20], $0x800  }
0xa3: {  	[sflag:s20] =	ssyncset.done $0x0  }
0xa4: {  	[sflag:s20] =	ssyncadd.s32 $0xFFFFF800  }
0xa5: {  	v46 =	vld [tilespmem:s28+$0x2840];
	_ =	sdelay $0x6  }
0xa6: {  	s30 =	simm.s32 $0x5F00;
	s20 =	simm.s32 $0x4  }
0xa7: {  	[spmem:s2] =	stream.indirect_vreg.scatter.add.f32 [tilespmem:s30], [sflag:$0xD], $0x80, v46, vm0, $0xb8;
	[tilespmem:$0x1DF00] =	vst v63  }
0xa8: {  	_ =	swait.ge [sflag:s20], $0x800  }
0xa9: {  	[sflag:s20] =	ssyncset.done $0x0  }
0xaa: {  	[sflag:s20] =	ssyncadd.s32 $0xFFFFF800  }
0xab: {  	v47 =	vld [tilespmem:s28+$0x2850];
	_ =	sdelay $0x6  }
0xac: {  	s19 =	simm.s32 $0x5;
	s20 =	simm.s32 $0x6700  }
0xad: {  	[spmem:s2] =	stream.indirect_vreg.scatter.add.f32 [tilespmem:s20], [sflag:$0xE], $0x80, v47, vm0, $0xb8;
	[tilespmem:$0x1DF00] =	vst v63  }
0xae: {  	_ =	swait.ge [sflag:s19], $0x800  }
0xaf: {  	[sflag:s19] =	ssyncset.done $0x0  }
0xb0: {  	[sflag:s19] =	ssyncadd.s32 $0xFFFFF800  }
0xb1: {  	v48 =	vld [tilespmem:s28+$0x2860];
	_ =	sdelay $0x7  }
0xb2: {  	[spmem:s2] =	stream.indirect_vreg.scatter.add.f32 [tilespmem:s31], [sflag:$0xF], $0x80, v48, vm0, $0xb8;
	[tilespmem:$0x1DF00] =	vst v63  }
0xb3: {  	_ =	swait.ge [sflag:s11], $0x800  }
0xb4: {  	[sflag:s11] =	ssyncset.done $0x0  }
0xb5: {  	[sflag:s11] =	ssyncadd.s32 $0xFFFFF800  }
0xb6: {  	v49 =	vld [tilespmem:s28+$0xF0];
	_ =	sdelay $0x7  }
0xb7: {  	[tilespmem:s18], [sflag:$0x6] =	stream.indirect_vreg.gather [hbm4b:s1+s4], $0x80, v49, vm0, $0xb8;
	[tilespmem:$0x1DF00] =	vst v63  }
0xb8: {  	_ =	swait.ge [sflag:s12], $0x800  }
0xb9: {  	[sflag:s12] =	ssyncset.done $0x0  }
0xba: {  	[sflag:s12] =	ssyncadd.s32 $0xFFFFF800  }
0xbb: {  	v50 =	vld [tilespmem:s28+$0x100];
	_ =	sdelay $0x7  }
0xbc: {  	[tilespmem:s21], [sflag:$0x7] =	stream.indirect_vreg.gather [hbm4b:s1+s4], $0x80, v50, vm0, $0xb8;
	[tilespmem:$0x1DF00] =	vst v63  }
0xbd: {  	_ =	swait.ge [sflag:s16], $0x800  }
0xbe: {  	[sflag:s16] =	ssyncset.done $0x0  }
0xbf: {  	[sflag:s16] =	ssyncadd.s32 $0xFFFFF800  }
0xc0: {  	v51 =	vld [tilespmem:s28+$0x110];
	_ =	sdelay $0x7  }
0xc1: {  	[tilespmem:s3], [sflag:$0x8] =	stream.indirect_vreg.gather [hbm4b:s1+s4], $0x80, v51, vm0, $0xb8;
	[tilespmem:$0x1DF00] =	vst v63  }
0xc2: {  	_ =	swait.ge [sflag:s13], $0x800  }
0xc3: {  	[sflag:s13] =	ssyncset.done $0x0  }
0xc4: {  	[sflag:s13] =	ssyncadd.s32 $0xFFFFF800  }
0xc5: {  	v52 =	vld [tilespmem:s28+$0x120];
	_ =	sdelay $0x7  }
0xc6: {  	[tilespmem:s22], [sflag:$0x9] =	stream.indirect_vreg.gather [hbm4b:s1+s4], $0x80, v52, vm0, $0xb8;
	[tilespmem:$0x1DF00] =	vst v63  }
0xc7: {  	_ =	swait.ge [sflag:s26], $0x800  }
0xc8: {  	[sflag:s26] =	ssyncset.done $0x0  }
0xc9: {  	[sflag:s26] =	ssyncadd.s32 $0xFFFFF800  }
0xca: {  	v53 =	vld [tilespmem:s28+$0x130];
	_ =	sdelay $0x7  }
0xcb: {  	[tilespmem:s0], [sflag:$0xA] =	stream.indirect_vreg.gather [hbm4b:s1+s4], $0x80, v53, vm0, $0xb8;
	[tilespmem:$0x1DF00] =	vst v63  }
0xcc: {  	_ =	swait.ge [sflag:s23], $0x800  }
0xcd: {  	[sflag:s23] =	ssyncset.done $0x0  }
0xce: {  	[sflag:s23] =	ssyncadd.s32 $0xFFFFF800  }
0xcf: {  	v54 =	vld [tilespmem:s28+$0x2870];
	_ =	sdelay $0x7  }
0xd0: {  	[spmem:s2] =	stream.indirect_vreg.scatter.add.f32 [tilespmem:s18], [sflag:$0x10], $0x80, v54, vm0, $0xb8;
	[tilespmem:$0x1DF00] =	vst v63  }
0xd1: {  	_ =	swait.ge [sflag:s15], $0x800  }
0xd2: {  	[sflag:s15] =	ssyncset.done $0x0  }
0xd3: {  	[sflag:s15] =	ssyncadd.s32 $0xFFFFF800  }
0xd4: {  	v55 =	vld [tilespmem:s28+$0x2880];
	_ =	sdelay $0x7  }
0xd5: {  	[spmem:s2] =	stream.indirect_vreg.scatter.add.f32 [tilespmem:s21], [sflag:$0x11], $0x80, v55, vm0, $0xb8;
	[tilespmem:$0x1DF00] =	vst v63  }
0xd6: {  	_ =	swait.ge [sflag:s24], $0x800  }
0xd7: {  	[sflag:s24] =	ssyncset.done $0x0  }
0xd8: {  	[sflag:s24] =	ssyncadd.s32 $0xFFFFF800  }
0xd9: {  	v56 =	vld [tilespmem:s28+$0x2890];
	_ =	sdelay $0x7  }
0xda: {  	[spmem:s2] =	stream.indirect_vreg.scatter.add.f32 [tilespmem:s3], [sflag:$0x12], $0x80, v56, vm0, $0xb8;
	[tilespmem:$0x1DF00] =	vst v63  }
0xdb: {  	_ =	swait.ge [sflag:s7], $0x800  }
0xdc: {  	[sflag:s7] =	ssyncset.done $0x0  }
0xdd: {  	[sflag:s7] =	ssyncadd.s32 $0xFFFFF800  }
0xde: {  	v57 =	vld [tilespmem:s28+$0x28A0];
	_ =	sdelay $0x7  }
0xdf: {  	[spmem:s2] =	stream.indirect_vreg.scatter.add.f32 [tilespmem:s22], [sflag:$0x13], $0x80, v57, vm0, $0xb8;
	[tilespmem:$0x1DF00] =	vst v63  }
0xe0: {  	_ =	swait.ge [sflag:s6], $0x800  }
0xe1: {  	[sflag:s6] =	ssyncset.done $0x0  }
0xe2: {  	[sflag:s6] =	ssyncadd.s32 $0xFFFFF800  }
0xe3: {  	v58 =	vld [tilespmem:s28+$0x28B0];
	_ =	sdelay $0x6  }
0xe4: {  	s19 =	simm.s32 $0xB  }
0xe5: {  	[spmem:s2] =	stream.indirect_vreg.scatter.add.f32 [tilespmem:s0], [sflag:$0x14], $0x80, v58, vm0, $0xb8;
	[tilespmem:$0x1DF00] =	vst v63  }
0xe6: {  	_ =	swait.ge [sflag:s19], $0x800  }
0xe7: {  	[sflag:s19] =	ssyncset.done $0x0  }
0xe8: {  	[sflag:s19] =	ssyncadd.s32 $0xFFFFF800  }
0xe9: {  	v59 =	vld [tilespmem:s28+$0x140];
	_ =	sdelay $0x7  }
0xea: {  	[tilespmem:s5], [sflag:$0x1] =	stream.indirect_vreg.gather [hbm4b:s1+s4], $0x80, v59, vm0, $0xb8;
	[tilespmem:$0x1DF00] =	vst v63  }
0xeb: {  	_ =	swait.ge [sflag:s8], $0x800  }
0xec: {  	[sflag:s8] =	ssyncset.done $0x0  }
0xed: {  	[sflag:s8] =	ssyncadd.s32 $0xFFFFF800  }
0xee: {  	v60 =	vld [tilespmem:s28+$0x150];
	_ =	sdelay $0x7  }
0xef: {  	[tilespmem:s29], [sflag:$0x2] =	stream.indirect_vreg.gather [hbm4b:s1+s4], $0x80, v60, vm0, $0xb8;
	[tilespmem:$0x1DF00] =	vst v63  }
0xf0: {  	_ =	swait.ge [sflag:s14], $0x800  }
0xf1: {  	[sflag:s14] =	ssyncset.done $0x0  }
0xf2: {  	[sflag:s14] =	ssyncadd.s32 $0xFFFFF800  }
0xf3: {  	v61 =	vld [tilespmem:s28+$0x160];
	_ =	sdelay $0x7  }
0xf4: {  	[tilespmem:s30], [sflag:$0x3] =	stream.indirect_vreg.gather [hbm4b:s1+s4], $0x80, v61, vm0, $0xb8;
	[tilespmem:$0x1DF00] =	vst v63  }
0xf5: {  	_ =	swait.ge [sflag:s9], $0x800  }
0xf6: {  	[sflag:s9] =	ssyncset.done $0x0  }
0xf7: {  	[sflag:s9] =	ssyncadd.s32 $0xFFFFF800  }
0xf8: {  	v62 =	vld [tilespmem:s28+$0x170];
	_ =	sdelay $0x7  }
0xf9: {  	[tilespmem:s20], [sflag:$0x4] =	stream.indirect_vreg.gather [hbm4b:s1+s4], $0x80, v62, vm0, $0xb8;
	[tilespmem:$0x1DF00] =	vst v63  }
0xfa: {  	_ =	swait.ge [sflag:s10], $0x800  }
0xfb: {  	[sflag:s10] =	ssyncset.done $0x0  }
0xfc: {  	[sflag:s10] =	ssyncadd.s32 $0xFFFFF800  }
0xfd: {  	v63 =	vld [tilespmem:s28+$0x180];
	_ =	sdelay $0x2  }
0xfe: {  	p0 =	sne.s32 s17, $0x9600  }
.Ltmp0:
0xff: {  	_ = 	snop;
	(pc) =	sbr.rel @p0 .LBB2_2-.Ltmp0, $4  }
0x100: {  	_ = 	snop  }
0x101: {  	s17 =	sadd.s32 $0x280, s17;
	s19 =	simm.s32 $0x5700  }
0x102: {  	s29 =	simm.s32 $0x5F00;
	s30 =	simm.s32 $0x6700;
	s20 =	simm.s32 $0x6F00  }
0x103: {  	[tilespmem:s31], [sflag:$0x5] =	stream.indirect_vreg.gather [hbm4b:s1+s4], $0x80, v63, vm0, $0xb8;
	[tilespmem:$0x1DF00] =	vst v63  }
0x104: {  	s17 =	simm.s32 $0x1  }
0x105: {  	_ =	swait.ge [sflag:s17], $0x800  }
0x106: {  	[sflag:s17] =	ssyncset.done $0x0  }
0x107: {  	[sflag:s17] =	ssyncadd.s32 $0xFFFFF800  }
0x108: {  	v0 =	vld [tilespmem:$0x4E40];
	_ =	sdelay $0x6  }
0x109: {  	s3 =	simm.s32 $0x2  }
0x10a: {  	[spmem:s2] =	stream.indirect_vreg.scatter.add.f32 [tilespmem:s25], [sflag:$0xB], $0x80, v0, vm0, $0xb8;
	[tilespmem:$0x1DF00] =	vst v63  }
0x10b: {  	_ =	swait.ge [sflag:s3], $0x800  }
0x10c: {  	[sflag:s3] =	ssyncset.done $0x0  }
0x10d: {  	[sflag:s3] =	ssyncadd.s32 $0xFFFFF800  }
0x10e: {  	v60 =	vld [tilespmem:$0x4E50];
	_ =	sdelay $0x6  }
0x10f: {  	s0 =	simm.s32 $0x3  }
0x110: {  	[spmem:s2] =	stream.indirect_vreg.scatter.add.f32 [tilespmem:s19], [sflag:$0xC], $0x80, v60, vm0, $0xb8;
	[tilespmem:$0x1DF00] =	vst v63  }
0x111: {  	_ =	swait.ge [sflag:s0], $0x800  }
0x112: {  	[sflag:s0] =	ssyncset.done $0x0  }
0x113: {  	[sflag:s0] =	ssyncadd.s32 $0xFFFFF800  }
0x114: {  	v61 =	vld [tilespmem:$0x4E60];
	_ =	sdelay $0x6  }
0x115: {  	s19 =	simm.s32 $0x4  }
0x116: {  	[spmem:s2] =	stream.indirect_vreg.scatter.add.f32 [tilespmem:s29], [sflag:$0xD], $0x80, v61, vm0, $0xb8;
	[tilespmem:$0x1DF00] =	vst v63  }
0x117: {  	_ =	swait.ge [sflag:s19], $0x800  }
0x118: {  	[sflag:s19] =	ssyncset.done $0x0  }
0x119: {  	[sflag:s19] =	ssyncadd.s32 $0xFFFFF800  }
0x11a: {  	v62 =	vld [tilespmem:$0x4E70];
	_ =	sdelay $0x6  }
0x11b: {  	s21 =	simm.s32 $0x5  }
0x11c: {  	[spmem:s2] =	stream.indirect_vreg.scatter.add.f32 [tilespmem:s30], [sflag:$0xE], $0x80, v62, vm0, $0xb8;
	[tilespmem:$0x1DF00] =	vst v63  }
0x11d: {  	_ =	swait.ge [sflag:s21], $0x800  }
0x11e: {  	[sflag:s21] =	ssyncset.done $0x0  }
0x11f: {  	[sflag:s21] =	ssyncadd.s32 $0xFFFFF800  }
0x120: {  	v63 =	vld [tilespmem:$0x4E80];
	_ =	sdelay $0x7  }
0x121: {  	[spmem:s2] =	stream.indirect_vreg.scatter.add.f32 [tilespmem:s20], [sflag:$0xF], $0x80, v63, vm0, $0xb8;
	[tilespmem:$0x1DF00] =	vst v63  }
0x122: {  	_ =	swait.ge [sflag:s11], $0x800  }
0x123: {  	[sflag:s11] =	ssyncset.done $0x0  }
0x124: {  	[sflag:s11] =	ssyncadd.s32 $0xFFFFF800  }
0x125: {  	_ =	swait.ge [sflag:s12], $0x800  }
0x126: {  	[sflag:s12] =	ssyncset.done $0x0  }
0x127: {  	[sflag:s12] =	ssyncadd.s32 $0xFFFFF800  }
0x128: {  	_ =	swait.ge [sflag:s16], $0x800  }
0x129: {  	[sflag:s16] =	ssyncset.done $0x0  }
0x12a: {  	[sflag:s16] =	ssyncadd.s32 $0xFFFFF800  }
0x12b: {  	_ =	swait.ge [sflag:s13], $0x800  }
0x12c: {  	[sflag:s13] =	ssyncset.done $0x0  }
0x12d: {  	[sflag:s13] =	ssyncadd.s32 $0xFFFFF800  }
0x12e: {  	_ =	swait.ge [sflag:s26], $0x800  }
0x12f: {  	[sflag:s26] =	ssyncset.done $0x0  }
0x130: {  	s22 =	simm.s32 $0xB;
	[sflag:s26] =	ssyncadd.s32 $0xFFFFF800  }
0x131: {  	_ =	swait.ge [sflag:s22], $0x800  }
0x132: {  	[sflag:s22] =	ssyncset.done $0x0  }
0x133: {  	[sflag:s22] =	ssyncadd.s32 $0xFFFFF800  }
0x134: {  	_ =	swait.ge [sflag:s8], $0x800  }
0x135: {  	[sflag:s8] =	ssyncset.done $0x0  }
0x136: {  	[sflag:s8] =	ssyncadd.s32 $0xFFFFF800  }
0x137: {  	_ =	swait.ge [sflag:s14], $0x800  }
0x138: {  	[sflag:s14] =	ssyncset.done $0x0  }
0x139: {  	[sflag:s14] =	ssyncadd.s32 $0xFFFFF800  }
0x13a: {  	_ =	swait.ge [sflag:s9], $0x800  }
0x13b: {  	[sflag:s9] =	ssyncset.done $0x0  }
0x13c: {  	[sflag:s9] =	ssyncadd.s32 $0xFFFFF800  }
0x13d: {  	_ =	swait.ge [sflag:s10], $0x800  }
0x13e: {  	[sflag:s10] =	ssyncset.done $0x0  }
0x13f: {  	[sflag:s10] =	ssyncadd.s32 $0xFFFFF800  }
0x140: {  	[bflag:$0x0] =	sbarrier.arrive $0xFFFF  }
0x141: {  	s11 =	rddreg [dreg:$0x5]  }
0x142: {  	s23 =	rddreg [dreg:$0x8]  }
0x143: {  	s24 =	simm.s32 $0x15;
	s5 =	rddreg [dreg:$0xa]  }
0x144: {  	[hbm:s23], [sflag:s11] =	dma.local [spmem:s5], $0x2800  }
0x145: {  	_ =	swait.ge [sflag:s24], $0x2800  }
0x146: {  	s18 =	rddreg [dreg:$0xb]  }
0x147: {  	s28 =	rddreg [dreg:$0x9];
	s18 =	sadd.s32 $0x1, s18  }
0x148: {  	p0 =	sne.s32 s18, s28  }
.Ltmp1:
0x149: {  	s15 =	simm.s32 $0x7;
	(pc) =	sbr.rel @p0 .LBB2_1-.Ltmp1, $4  }
0x14a: {  	s7 =	simm.s32 $0x9;
	s6 =	simm.s32 $0xA;
	s3 =	simm.s32 $0x8700  }
0x14b: {  	s0 =	simm.s32 $0x9700;
	s29 =	simm.s32 $0x7700;
	s30 =	simm.s32 $0x15  }
0x14c: {  	s21 =	simm.s32 $0x7F00;
	s22 =	simm.s32 $0x8F00;
	[sflag:s24] =	ssyncset.done $0x0  }
0x14d: {  	s23 =	simm.s32 $0x6;
	s24 =	simm.s32 $0x8;
	[sflag:s30] =	ssyncadd.s32 $0xFFFFD800  }
0x14e: {  	_ =	sfence.sel $0x180000  }
0x14f: {  	[bflag:$0x0] =	sbarrier.arrive $0xFFFF  }
0x150: {  	_ =	strace $0x9000004D  }
0x151: {  	s0 =	stileid.u32;
	[bflag:$0x2] =	sbarrier.arrive $0xFFFF  }
0x152: {  	p0 =	sne.s32 s0, $0x0;
	s0 =	rddreg [dreg:$0x3]  }
0x153: {  	s0 =	sadd.s32 @!p0 $0x100000, s0  }
0x154: {  	[sflag:s0] =	ssyncadd.tile.s32 @!p0 $0x1;
	_ =	shalt  }
.Lfunc_end2:
_tile_overlayer_lowered:
.L_overlay_start_2:
0x155: {  	(tag) =	ssettag $0x2  }
0x156: {  	s0 =	rddreg [dreg:$0x0];
	s2 =	stileid.u32  }
0x157: {  	s1 =	rddreg [dreg:$0x1];
	p0 =	sne.s32 s2, $0x0  }
0x158: {  	s3 =	rddreg [dreg:$0x2];
	[bflag:$0x3] =	sbarrier.arrive $0xFFFF;
	s2 =	simm.s32 @!p0 $0x1C15  }
0x159: {  	[timem:s3], [sflag:s2] =	dma.local @!p0 [hbm:s0], s1  }
0x15a: {  	s0 =	simm.s32 @!p0 $0x15  }
0x15b: {  	_ =	swait.ge @!p0 [sflag:s0], s1  }
0x15c: {  	s1 =	ssub.s32 @!p0 $0x0, s1;
	[sflag:s0] =	ssyncset.done @!p0 $0x0  }
0x15d: {  	[sflag:s0] =	ssyncadd.s32 @!p0 s1  }
0x15e: {  	[bflag:$0x3] =	sbarrier.arrive $0xFFFF  }
0x15f: {  	_ =	shalt  }

// kernel: kernel.9.cloned.1.call-start
scs
__scs_entry_jumppad:
0x0: {  	(pc) =	sbr.rel $0x88, $3  }
0x1: {  	(tag) =	ssettag $0x0;
	lr =	simm.s32 $0x1  }
0x2: {  	[smem:$0x3F9D] =	sst lr;
	_ =	strace $0xD0000000  }
0x3: {  	_ = 	snop  }
0x4: {  	_ = 	snop  }
0x5: {  	_ = 	snop  }
0x6: {  	_ = 	snop  }
0x7: {  	_ = 	snop  }
__scs_overlays_trampoline_lowered:
0x8: {  	[smem:$0x3FAC] =	sst s0  }
0x9: {  	[smem:$0x3FAD] =	sst s1  }
0xa: {  	[smem:$0x3FAE] =	sst s2  }
0xb: {  	[smem:$0x3FAF] =	sst s3  }
0xc: {  	[smem:$0x3FB0] =	sst s4  }
0xd: {  	[smem:$0x3FB1] =	sst s5  }
0xe: {  	[smem:$0x3FB2] =	sst s6  }
0xf: {  	[smem:$0x3FB3] =	sst s7  }
0x10: {  	[smem:$0x3FB4] =	sst s8  }
0x11: {  	[smem:$0x3FB5] =	sst s9;
	s0 =	simm.s32 @!p0 $0x0  }
0x12: {  	s1 =	sld [smem:$0x3F9B];
	s0 =	simm.s32 @p0 $0x1  }
0x13: {  	[smem:$0x3FB6] =	sst s0;
	s0 =	simm.s32 @!p1 $0x0  }
0x14: {  	s2 =	sld [smem:$0x3F9A];
	s0 =	simm.s32 @p1 $0x1  }
0x15: {  	[smem:$0x3FB7] =	sst s0;
	s0 =	simm.s32 @!p2 $0x0  }
0x16: {  	s3 =	sld [smem:$0x3FDB];
	s0 =	simm.s32 @p2 $0x1  }
0x17: {  	s4 =	simm.s32 $0x1BF5;
	[smem:$0x3FB9] =	sst s0  }
0x18: {  	s0 =	sld [smem:$0x3F9C];
	_ =	swait.ge [sflag:s4], $0x0  }
0x19: {  	s7 =	sld [smem:$0x3F9D]  }
0x1a: {  	s8 =	sadd.s32 $0xFFFFE003, lr  }
0x1b: {  	s9 =	sadd.s32 $0xFFFFFEF7, lr;
	s5 =	simm.s32 $0xFFFFFFFF;
	p2 =	slt.u32 s8, $0xFFFFF086  }
0x1c: {  	p1 =	slt.u32 s9, $0xF7A;
	s5 =	simm.s32 @!p2 $0x0  }
0x1d: {  	s5 =	simm.s32 @p1 $0x1;
	p0 =	seq.s32 s7, s2  }
0x1e: {  	s7 =	smul.u32 @!p0 $0xF7A, s2;
	p2 =	seq.s32 @!p0 s5, $0x0  }
0x1f: {  	s9 =	smul.u32 $0xF7A, s1;
	s8 =	simm.s32 @!p0 $0x1BF5;
	p2 =	por !p2, p0  }
0x20: {  	[sflag:s8] =	ssyncset.s32 @!p0 $0xFFFFF086;
	s6 =	sadd.s32 @!p0 s3, s7;
	s7 =	simm.s32 @!p0 $0x108  }
0x21: {  	s3 =	sadd.s32 s3, s9;
	s6 =	sadd.s32 @!p0 $0x88, s6;
	s7 =	simm.s32 @p2 $0x1082  }
0x22: {  	[simem:s7], [sflag:s8] =	dma.local @!p0 [hbm:s6], $0xF7A  }
0x23: {  	s9 =	sor.u32 $0xD0000000, s2;
	s6 =	simm.s32 $0x108;
	_ =	swait.ge @!p0 [sflag:s8], $0x0  }
0x24: {  	s3 =	sadd.s32 $0x88, s3;
	s6 =	simm.s32 @!p1 $0x1082;
	[sflag:s4] =	ssyncset.s32 $0xFFFFF086  }
0x25: {  	[simem:s6], [sflag:s4] =	dma.local [hbm:s3], $0xF7A  }
0x26: {  	[smem:$0x3F9D] =	sst s1;
	(tag) =	ssettag s2;
	_ =	strace s9  }
0x27: {  	s1 =	sld [smem:$0x3FAD]  }
0x28: {  	s2 =	sld [smem:$0x3FAE]  }
0x29: {  	s4 =	sld [smem:$0x3FB0]  }
0x2a: {  	p0 =	seq.s32 s5, $0x0;
	s5 =	sld [smem:$0x3FB1]  }
0x2b: {  	s6 =	sld [smem:$0x3FB2]  }
0x2c: {  	s7 =	sld [smem:$0x3FB3]  }
0x2d: {  	s3 =	simm.s32 $0x108;
	s8 =	sld [smem:$0x3FB4]  }
0x2e: {  	s3 =	simm.s32 @!p0 $0x1082;
	s9 =	sld [smem:$0x3FB5]  }
0x2f: {  	lr =	sadd.s32 s0, s3;
	s0 =	sld [smem:$0x3FAC]  }
0x30: {  	s3 =	sld [smem:$0x3FAF]  }
0x31: {  	[smem:$0x3FB8] =	sst s10  }
0x32: {  	s10 =	sld [smem:$0x3FB6];
	_ =	sdelay $0x3  }
0x33: {  	p0 =	seq.s32 s10, $0x1;
	s10 =	sld [smem:$0x3FB8];
	_ =	sdelay $0x3  }
0x34: {  	[smem:$0x3FB8] =	sst s10  }
0x35: {  	s10 =	sld [smem:$0x3FB7];
	_ =	sdelay $0x3  }
0x36: {  	p1 =	seq.s32 s10, $0x1;
	s10 =	sld [smem:$0x3FB8];
	_ =	sdelay $0x3  }
0x37: {  	[smem:$0x3FB8] =	sst s10  }
0x38: {  	s10 =	sld [smem:$0x3FB9]  }
0x39: {  	_ = 	snop;
	(pc) =	sbr.ind lr, $3  }
0x3a: {  	_ = 	snop  }
0x3b: {  	_ = 	snop  }
0x3c: {  	p2 =	seq.s32 s10, $0x1;
	s10 =	sld [smem:$0x3FB8]  }
0x3d: {  	_ =	shalt  }
0x3e: {  	_ =	shalt  }
0x3f: {  	_ =	shalt  }
0x40: {  	_ =	shalt  }
0x41: {  	_ =	shalt  }
0x42: {  	_ =	shalt  }
0x43: {  	_ =	shalt  }
0x44: {  	_ =	shalt  }
0x45: {  	_ =	shalt  }
0x46: {  	_ =	shalt  }
0x47: {  	_ =	shalt  }
0x48: {  	_ =	shalt  }
0x49: {  	_ =	shalt  }
0x4a: {  	_ =	shalt  }
0x4b: {  	_ =	shalt  }
0x4c: {  	_ =	shalt  }
0x4d: {  	_ =	shalt  }
0x4e: {  	_ =	shalt  }
0x4f: {  	_ =	shalt  }
0x50: {  	_ =	shalt  }
0x51: {  	_ =	shalt  }
0x52: {  	_ =	shalt  }
0x53: {  	_ =	shalt  }
0x54: {  	_ =	shalt  }
0x55: {  	_ =	shalt  }
0x56: {  	_ =	shalt  }
0x57: {  	_ =	shalt  }
0x58: {  	_ =	shalt  }
0x59: {  	_ =	shalt  }
0x5a: {  	_ =	shalt  }
0x5b: {  	_ =	shalt  }
0x5c: {  	_ =	shalt  }
0x5d: {  	_ =	shalt  }
0x5e: {  	_ =	shalt  }
0x5f: {  	_ =	shalt  }
0x60: {  	_ =	shalt  }
0x61: {  	_ =	shalt  }
0x62: {  	_ =	shalt  }
0x63: {  	_ =	shalt  }
0x64: {  	_ =	shalt  }
0x65: {  	_ =	shalt  }
0x66: {  	_ =	shalt  }
0x67: {  	_ =	shalt  }
0x68: {  	_ =	shalt  }
0x69: {  	_ =	shalt  }
0x6a: {  	_ =	shalt  }
0x6b: {  	_ =	shalt  }
0x6c: {  	_ =	shalt  }
0x6d: {  	_ =	shalt  }
0x6e: {  	_ =	shalt  }
0x6f: {  	_ =	shalt  }
0x70: {  	_ =	shalt  }
0x71: {  	_ =	shalt  }
0x72: {  	_ =	shalt  }
0x73: {  	_ =	shalt  }
0x74: {  	_ =	shalt  }
0x75: {  	_ =	shalt  }
0x76: {  	_ =	shalt  }
0x77: {  	_ =	shalt  }
0x78: {  	_ =	shalt  }
0x79: {  	_ =	shalt  }
0x7a: {  	_ =	shalt  }
0x7b: {  	_ =	shalt  }
0x7c: {  	_ =	shalt  }
0x7d: {  	_ =	shalt  }
0x7e: {  	_ =	shalt  }
0x7f: {  	_ =	shalt  }
0x80: {  	_ =	shalt  }
0x81: {  	_ =	shalt  }
0x82: {  	_ =	shalt  }
0x83: {  	_ =	shalt  }
0x84: {  	_ =	shalt  }
0x85: {  	_ =	shalt  }
0x86: {  	_ =	shalt  }
0x87: {  	_ =	shalt  }
.Lfunc_end0:
.L_simem_size_0:
called_computation_lowered:
.L_overlay_start_0:
0x88: {  	s2 =	sld [smem:$0x3FD9]  }
0x89: {  	s3 =	sld [smem:$0x3FFE];
	_ =	sdelay $0x1  }
0x8a: {  	s1 =	srdreg.scid  }
0x8b: {  	s0 =	sand.u32 $0x1, s1  }
0x8c: {  	s17 =	sshll.u32 s0, $0xA;
	s2 =	sadd.s32 s3, s2  }
0x8d: {  	s2 =	sadd.s32 s2, s17  }
0x8e: {  	[smem:$0x3FC4] =	sst s2  }
0x8f: {  	_ = 	snop  }
0x90: {  	s2 =	sld [smem:$0x3FD0];
	(tm) =	ssettm $0x1  }
0x91: {  	s18 =	sld [smem:$0x3FFB];
	_ =	sdelay $0x3  }
0x92: {  	_ =	strace s18  }
0x93: {  	s3 =	sld [smem:$0x3FFC];
	_ =	sdelay $0x3  }
0x94: {  	_ =	strace s3  }
0x95: {  	s3 =	sld [smem:$0x3FFD];
	_ =	sdelay $0x3  }
0x96: {  	_ =	strace s3  }
0x97: {  	_ =	strace $0x8FFFFFFF  }
0x98: {  	s19 =	sld [smem:$0x3FDB];
	_ =	sdelay $0x1  }
0x99: {  	s4 =	simm.s32 $_scs_section_size  }
0x9a: {  	s5 =	simm.s32 $_size__tile_overlayer_lowered;
	s6 =	simm.s32 $_tile_overlayer_lowered  }
0x9b: {  	s22 =	simm.s32 $0x1BFF;
	s21 =	sshll.u32 s6, $0x1;
	s3 =	sadd.s32 s4, s19  }
0x9c: {  	s7 =	simm.s32 $0x0;
	s20 =	sshll.u32 s5, $0x1;
	s5 =	sadd.s32 s21, s3  }
0x9d: {  	[timem:s7], [sflag:s22] =	dma.local [hbm:s5], s20  }
0x9e: {  	_ =	swait.ge [sflag:s22], s20  }
0x9f: {  	s4 =	ssub.s32 $0x0, s20;
	[sflag:s22] =	ssyncset.done $0x0  }
0xa0: {  	[sflag:s22] =	ssyncadd.s32 s4;
	_ =	sdelay $0x1  }
0xa1: {  	s23 =	simm.s32 $0x1B8B  }
0xa2: {  	_ =	swait.ge [sflag:s23], $0x1  }
0xa3: {  	[sflag:s23] =	ssyncset.done $0x0  }
0xa4: {  	s25 =	simm.s32 $0x1B8E;
	s24 =	sld [smem:$0x3FFE];
	[sflag:s23] =	ssyncadd.s32 $0xFFFFFFFF  }
0xa5: {  	s26 =	simm.s32 $execute0_lowered;
	[smem:$0x3FD2] =	sst s25  }
0xa6: {  	s5 =	sshll.u32 s26, $0x1;
	_ =	strace $0x80000046;
	[dreg:$0x1] =	wrdreg $0xFFFFFFFF  }
0xa7: {  	s28 =	simm.s32 $_size_execute0_lowered;
	s3 =	sadd.s32 s3, s5;
	[dreg:$0x0] =	wrdreg $0x0  }
0xa8: {  	s5 =	sshll.u32 s28, $0x1;
	[dreg:$0x2] =	wrdreg s3  }
0xa9: {  	[dreg:$0x3] =	wrdreg s5  }
0xaa: {  	[dreg:$0x4] =	wrdreg $0xC0  }
0xab: {  	_ =	task [dreg:s7], $0x5FFFF  }
0xac: {  	[dreg:$0x1] =	wrdreg $0xFFFFFFFF  }
0xad: {  	[dreg:$0x0] =	wrdreg $0x60  }
0xae: {  	[dreg:$0x2] =	wrdreg s24  }
0xaf: {  	[dreg:$0x3] =	wrdreg s2  }
0xb0: {  	[dreg:$0x4] =	wrdreg $0x9  }
0xb1: {  	_ =	task.clear_ibuf [dreg:s7], $0x5FFFF;
	_ =	strace $0x90000046  }
0xb2: {  	s29 =	simm.s32 $0x9;
	_ =	strace $0x80000048  }
0xb3: {  	_ =	swait.ge [sflag:s29], $0x1  }
0xb4: {  	[sflag:s29] =	ssyncadd.s32 $0xFFFFFFFF  }
0xb5: {  	_ =	strace $0x90000048  }
0xb6: {  	_ =	sfence  }
0xb7: {  	s30 =	sld [smem:$0x0];
	_ =	sdelay $0x2  }
0xb8: {  	s31 =	sshll.u32 s1, $0xD;
	s1 =	sshrl.u32 s1, $0x2  }
0xb9: {  	s3 =	sand.u32 $0x4000, s31;
	s1 =	sadd.s32 s1, s30  }
0xba: {  	s0 =	sor.u32 s3, s0;
	s1 =	sshll.u32 s1, $0x11  }
0xbb: {  	s0 =	sor.u32 s1, s0  }
0xbc: {  	s0 =	sadd.s32 $0x8F2B, s0  }
0xbd: {  	[sflag:s0] =	ssyncadd.remote.s32 $0x1  }
0xbe: {  	_ =	sfence.sel $0xFFFF  }
0xbf: {  	[dreg:$0x0] =	wrdreg $0xFFFFFFFF;
	(pc) =	sbr.abs _section_cstart, $3  }
0xc0: {  	[dreg:$0x1] =	wrdreg $0xFFFFFFFF  }
0xc1: {  	_ =	task.clear_ibuf [dreg:s7], $0x2FFFF;
	_ =	strace $0x9FFFFFFF  }
0xc2: {  	(tm) =	ssettm $0x7FFFFFFF  }
0xc3: {  	_ =	shalt  }
tec
execute0_lowered:
.L_overlay_start_1:
0x0: {  	(tag) =	ssettag $0x1  }
0x1: {  	s3 =	rddreg [dreg:$0x0]  }
0x2: {  	s5 =	rddreg [dreg:$0x1]  }
0x3: {  	s0 =	rddreg [dreg:$0x2];
	s2 =	srdreg.scid  }
0x4: {  	s1 =	stileid.u32;
	s9 =	simm.s32 $0x80;
	s10 =	simm.s32 $0x400  }
0x5: {  	s11 =	simm.s32 $0x0;
	s4 =	sand.u32 $0x1, s2;
	s28 =	sshrl.u32 s1, $0x2  }
0x6: {  	s6 =	sshll.u32 s1, $0x8;
	s2 =	simm.s32 $0x0;
	s30 =	smul.u32 $0x2800, s1  }
0x7: {  	s7 =	smul.u32 $0x13C00, s28;
	s8 =	sshll.u32 s4, $0x7;
	s6 =	sand.u32 $0x300, s6  }
0x8: {  	s29 =	smul.u32 $0x28000, s4;
	[smem:$0x7FF] =	sst s2;
	s6 =	sor.u32 s8, s6  }
0x9: {  	s4 =	ssub.s32 $0x2, s4;
	_ =	strace $0x80000047;
	s6 =	sor.u32 s7, s6  }
0xa: {  	s31 =	sshrl.u32 s4, $0x1;
	s7 =	sadd.s32 s30, s29;
	s6 =	sshrl.u32 s6, $0x3  }
0xb: {  	s8 =	ssub.s32 s4, s31;
	s7 =	sshrl.u32 s7, $0x3;
	s6 =	sadd.s32 s6, s3  }
0xc: {  	s3 =	sadd.s32 $0xBA00, s3;
	s5 =	sadd.s32 s5, s7;
	s7 =	simm.s32 $0x2780  }
0xd: {  	s4 =	sadd.s32 $0x1C00, s6;
	s6 =	smax.u32 s8, $0x1;
	s8 =	simm.s32 $0x1  }
.LBB2_1:
0xe: {  	[tilespmem:s7], [sflag:$0x1] =	stream.linear.gather [hbm4b:s3+s2], $0x2800, $0x38;
	[tilespmem:$0x4F80] =	vst v63  }
0xf: {  	_ =	swait.ge [sflag:s8], $0x2800  }
0x10: {  	[sflag:s8] =	ssyncset.done $0x0  }
0x11: {  	[sflag:s8] =	ssyncadd.s32 $0xFFFFD800  }
0x12: {  	[tilespmem:s2], [sflag:$0x1] =	stream.strided.gather [hbm4b:s4+s9], $0x2780, s10, s9, $0x38;
	[tilespmem:$0x4F80] =	vst v63  }
0x13: {  	_ =	swait.ge [sflag:s8], $0x2780  }
0x14: {  	[sflag:s8] =	ssyncset.done $0x0  }
0x15: {  	s13 =	simm.s32 $0x0;
	s12 =	simm.s32 $0x40;
	[sflag:s8] =	ssyncadd.s32 $0xFFFFD880  }
.LBB2_2:
0x16: {  	p0 =	sne.s32 s12, $0x9C00;
	v0 =	vld [tilespmem:s13+$0x0];
	_ =	sdelay $0x4  }
0x17: {  	(xrf1) =	vunique.msk.u32 $0xffff, v0;
	_ =	sdelay $0xd  }
0x18: {  	_, v1, vm0 =	vpop (xrf1);
	_ =	sdelay $0x1  }
.Ltmp0:
0x19: {  	(pc) =	sbr.rel @p0 .LBB2_2-.Ltmp0, $3  }
0x1a: {  	_ = 	snop  }
0x1b: {  	v1 =	vcvt.s32.f32 v1;
	_ =	sdelay $0x1  }
0x1c: {  	s13 =	sshra.s32 s12, $0x2;
	s12 =	sadd.s32 $0x40, s12;
	[tilespmem:v0+s7+$0x0] =	vst.idx.add.f32.msk vm0, v1  }
0x1d: {  	v0 =	vld [tilespmem:s13+$0x0];
	_ =	sdelay $0x4  }
0x1e: {  	(xrf1) =	vunique.msk.u32 $0xffff, v0;
	_ =	sdelay $0xd  }
0x1f: {  	_, v1, vm0 =	vpop (xrf1);
	_ =	sdelay $0x3  }
0x20: {  	s11 =	sadd.s32 $0x1, s11;
	v1 =	vcvt.s32.f32 v1  }
0x21: {  	p0 =	sne.s32 s11, s6  }
.Ltmp1:
0x22: {  	[tilespmem:v0+s7+$0x0] =	vst.idx.add.f32.msk vm0, v1;
	(pc) =	sbr.rel @p0 .LBB2_1-.Ltmp1, $4  }
0x23: {  	[hbm4b:s5+s2] =	stream.linear.scatter [tilespmem:s7], [sflag:$0x1], $0x2800, $0x38;
	[tilespmem:$0x4F80] =	vst v63  }
0x24: {  	_ =	swait.ge [sflag:s8], $0x2800  }
0x25: {  	[sflag:s8] =	ssyncset.done $0x0  }
0x26: {  	[sflag:s8] =	ssyncadd.s32 $0xFFFFD800  }
0x27: {  	_ =	sfence.sel $0x180000  }
0x28: {  	[bflag:$0x0] =	sbarrier.arrive $0xFFFF  }
0x29: {  	p0 =	sne.s32 s1, $0x0;
	_ =	strace $0x90000047  }
0x2a: {  	s0 =	sadd.s32 @!p0 $0x100000, s0;
	[bflag:$0x2] =	sbarrier.arrive $0xFFFF  }
0x2b: {  	[sflag:s0] =	ssyncadd.tile.s32 @!p0 $0x1;
	_ =	shalt  }
.Lfunc_end2:
_tile_overlayer_lowered:
.L_overlay_start_2:
0x2c: {  	(tag) =	ssettag $0x2  }
0x2d: {  	s0 =	rddreg [dreg:$0x0];
	s2 =	stileid.u32  }
0x2e: {  	s1 =	rddreg [dreg:$0x1];
	p0 =	sne.s32 s2, $0x0  }
0x2f: {  	s3 =	rddreg [dreg:$0x2];
	[bflag:$0x3] =	sbarrier.arrive $0xFFFF;
	s2 =	simm.s32 @!p0 $0x1C01  }
0x30: {  	[timem:s3], [sflag:s2] =	dma.local @!p0 [hbm:s0], s1  }
0x31: {  	s0 =	simm.s32 @!p0 $0x1  }
0x32: {  	_ =	swait.ge @!p0 [sflag:s0], s1  }
0x33: {  	s1 =	ssub.s32 @!p0 $0x0, s1;
	[sflag:s0] =	ssyncset.done @!p0 $0x0  }
0x34: {  	[sflag:s0] =	ssyncadd.s32 @!p0 s1  }
0x35: {  	[bflag:$0x3] =	sbarrier.arrive $0xFFFF  }
0x36: {  	_ =	shalt  }

</sc_bundles>
